<compile_context>
chip_gen: v7x
topology: tpu7x:2x2x1
jax: 0.10.2.dev20260603
libtpu: 0.0.44.dev20260713+nightly
codegen_flags: <defaults>
</compile_context>

<pallas_src>
import functools

import jax
import jax.numpy as jnp
from jax import lax
from jax.experimental import pallas as pl
from jax.experimental.pallas import tpu as pltpu
from jax.experimental.pallas import tpu_sc as plsc

N = 50000
D = 128
S = 6
EL = 10000
L = 4
NE = 14

NP = 50688
BN = 512
GRID = NP // BN

NCHUNK = 6
CH = NP // NCHUNK
NT = 16
CHT = CH // NT
T_TILE = 6784
NB = T_TILE // 128
E_TOT = 2 * S * N + 2 * EL


def _gemm_body(feat_ref, wctr_ref, wedge_ref, yctr_ref, yedge_ref):
    f = feat_ref[...]
    yctr_ref[...] = lax.dot_general(f, wctr_ref[...], (((1,), (1,)), ((), ())),
                                    preferred_element_type=jnp.float32)
    yedge_ref[...] = jnp.dot(f, wedge_ref[...], preferred_element_type=jnp.float32)


_gemm = pl.pallas_call(
    _gemm_body,
    grid=(GRID,),
    in_specs=[
        pl.BlockSpec((BN, D), lambda i: (i, 0)),
        pl.BlockSpec((D, D), lambda i: (0, 0)),
        pl.BlockSpec((D, NE * D), lambda i: (0, 0)),
    ],
    out_specs=[
        pl.BlockSpec((BN, D), lambda i: (i, 0)),
        pl.BlockSpec((BN, NE * D), lambda i: (i, 0)),
    ],
    out_shape=[
        jax.ShapeDtypeStruct((NP, D), jnp.float32),
        jax.ShapeDtypeStruct((NP, NE * D), jnp.float32),
    ],
)


def _sc_body(yctr, yflat, uloc, gvl, out, uidx, gvidx, rows, sem, acc):
    cid = lax.axis_index("c")
    sid = lax.axis_index("s")
    for cc in range(NCHUNK // 2):
        c = cid * (NCHUNK // 2) + cc
        r0 = c * CH + sid * CHT
        pltpu.sync_copy(yctr.at[pl.ds(r0, CHT)], acc.at[pl.ds(sid * CHT, CHT)])
        pltpu.sync_copy(uloc.at[c * NT + sid], uidx)
        pltpu.sync_copy(gvl.at[c * NT + sid], gvidx)
        plsc.subcore_barrier()

        def body(j, carry):
            pltpu.async_copy(yflat.at[gvidx.at[j]], rows, sem).wait()
            pltpu.sync_copy(rows, acc.at[uidx.at[j]], add=True)
            return carry

        lax.fori_loop(0, NB, body, 0)
        plsc.subcore_barrier()
        pltpu.sync_copy(acc.at[pl.ds(sid * CHT, CHT)], out.at[pl.ds(r0, CHT)])
        plsc.subcore_barrier()


_sc_scatter = pl.kernel(
    _sc_body,
    out_type=jax.ShapeDtypeStruct((NP, D), jnp.float32),
    mesh=plsc.VectorSubcoreMesh(core_axis_name="c", subcore_axis_name="s",
                                num_cores=2, num_subcores=NT),
    scratch_types=[
        pltpu.VMEM((NB, 128), jnp.int32),
        pltpu.VMEM((NB, 128), jnp.int32),
        pltpu.VMEM((128, D), jnp.float32),
        pltpu.SemaphoreType.DMA,
        pltpu.VMEM_SHARED((CH + 16, D), jnp.float32),
    ],
)


def _epi_body(scat_ref, res_ref, w2_ref, g1w_ref, g1b_ref, g2w_ref, g2b_ref, out_ref):
    x = scat_ref[...]
    mu = jnp.mean(x, axis=1, keepdims=True)
    var = jnp.mean((x - mu) * (x - mu), axis=1, keepdims=True)
    a = (x - mu) * lax.rsqrt(var + 1e-5) * g1w_ref[...] + g1b_ref[...]
    a = jnp.maximum(a, 0.0)
    y = lax.dot_general(a, w2_ref[...], (((1,), (1,)), ((), ())),
                        preferred_element_type=jnp.float32)
    mu2 = jnp.mean(y, axis=1, keepdims=True)
    var2 = jnp.mean((y - mu2) * (y - mu2), axis=1, keepdims=True)
    z = (y - mu2) * lax.rsqrt(var2 + 1e-5) * g2w_ref[...] + g2b_ref[...]
    out_ref[...] = jnp.maximum(z + res_ref[...], 0.0)


def _make_epilogue(rows, bn):
    return pl.pallas_call(
        _epi_body,
        grid=(rows // bn,),
        in_specs=[
            pl.BlockSpec((bn, D), lambda i: (i, 0)),
            pl.BlockSpec((bn, D), lambda i: (i, 0)),
            pl.BlockSpec((D, D), lambda i: (0, 0)),
            pl.BlockSpec((1, D), lambda i: (0, 0)),
            pl.BlockSpec((1, D), lambda i: (0, 0)),
            pl.BlockSpec((1, D), lambda i: (0, 0)),
            pl.BlockSpec((1, D), lambda i: (0, 0)),
        ],
        out_specs=pl.BlockSpec((bn, D), lambda i: (i, 0)),
        out_shape=jax.ShapeDtypeStruct((rows, D), jnp.float32),
    )


_epi_mid = _make_epilogue(NP, BN)
_epi_last = _make_epilogue(N, 400)


def _build_edge_schedule(pre_u, pre_v, suc_u, suc_v, left_u, left_v, right_u, right_v):
    u_all = jnp.concatenate([pre_u.reshape(-1), suc_u.reshape(-1), left_u, right_u])
    v_all = jnp.concatenate([pre_v.reshape(-1), suc_v.reshape(-1), left_v, right_v])
    t_all = jnp.concatenate([
        jnp.repeat(jnp.arange(S, dtype=jnp.int32), N),
        jnp.repeat(jnp.arange(S, 2 * S, dtype=jnp.int32), N),
        jnp.full((EL,), 12, jnp.int32),
        jnp.full((EL,), 13, jnp.int32),
    ])
    gv_all = v_all * NE + t_all
    chunk = u_all // CH
    chunk_s, u_s, gv_s = lax.sort((chunk, u_all, gv_all), num_keys=1)
    off = jnp.searchsorted(chunk_s, jnp.arange(NCHUNK, dtype=chunk_s.dtype))
    cnt = jnp.concatenate([off[1:], jnp.array([E_TOT], off.dtype)]) - off
    ct = (cnt + NT - 1) // NT
    c_ix = jnp.arange(NCHUNK, dtype=jnp.int32)[:, None, None]
    j_ix = jnp.arange(NT, dtype=jnp.int32)[None, :, None]
    k_ix = jnp.arange(T_TILE, dtype=jnp.int32)[None, None, :]
    local = j_ix * ct[:, None, None].astype(jnp.int32) + k_ix
    valid = (k_ix < ct[:, None, None]) & (local < cnt[:, None, None])
    g = jnp.clip(off[:, None, None].astype(jnp.int32) + local, 0, E_TOT - 1)
    u_loc = jnp.where(valid, u_s[g] - c_ix * CH, CH).astype(jnp.int32)
    gv_pad = jnp.where(valid, gv_s[g], 0).astype(jnp.int32)
    return (u_loc.reshape(NCHUNK * NT, NB, 128), gv_pad.reshape(NCHUNK * NT, NB, 128))


def kernel(feat, pre_u, pre_v, suc_u, suc_v, left_u, left_v, right_u, right_v,
           W_ctr, W_pre, W_suc, W_left, W_right, W_ctr2,
           gn1_w, gn1_b, gn2_w, gn2_b):
    u_loc, gv_pad = _build_edge_schedule(pre_u, pre_v, suc_u, suc_v,
                                         left_u, left_v, right_u, right_v)
    ws = jnp.concatenate([W_pre, W_suc, W_left[:, None], W_right[:, None]], axis=1)
    wedge = ws.transpose(0, 3, 1, 2).reshape(L, D, NE * D)

    featp = jnp.pad(feat, ((0, NP - N), (0, 0)))
    res = featp
    for i in range(L):
        yctr, yedge = _gemm(featp, W_ctr[i], wedge[i])
        scat = _sc_scatter(yctr, yedge.reshape(NP * NE, D), u_loc, gv_pad)
        epi = _epi_mid if i < L - 1 else _epi_last
        featp = epi(scat, res, W_ctr2[i],
                    gn1_w[i][None], gn1_b[i][None], gn2_w[i][None], gn2_b[i][None])
        res = featp
    return featp

# --- scband reference (transcript-rebuilt; emitter-appended) ---
"""Pipeline reference for scband-m2-m-4604204941663 (READ-ONLY COPY).

The authoritative reference and input builder live on the scoring server;
editing this copy changes nothing except your own understanding.
"""

import jax, jax.numpy as jnp
import numpy as np

N = 50000
D = 128
S = 6
EL = 10000
L = 4


def group_norm(x, w, b):
    # GroupNorm with num_groups=1 over channel dim for [N, C] input
    mu = jnp.mean(x, axis=1, keepdims=True)
    var = jnp.var(x, axis=1, keepdims=True)
    xn = (x - mu) / jnp.sqrt(var + 1e-5)
    return xn * w + b


def setup_inputs(seed: int = 0) -> dict:
    key = jax.random.key(seed)
    ks = jax.random.split(key, 24)
    inp = {}
    inp['feat'] = jax.random.normal(ks[0], (N, D), dtype=jnp.float32)
    inp['pre_u'] = jax.random.randint(ks[1], (S, N), 0, N)
    inp['pre_v'] = jax.random.randint(ks[2], (S, N), 0, N)
    inp['suc_u'] = jax.random.randint(ks[3], (S, N), 0, N)
    inp['suc_v'] = jax.random.randint(ks[4], (S, N), 0, N)
    inp['left_u'] = jax.random.randint(ks[5], (EL,), 0, N)
    inp['left_v'] = jax.random.randint(ks[6], (EL,), 0, N)
    inp['right_u'] = jax.random.randint(ks[7], (EL,), 0, N)
    inp['right_v'] = jax.random.randint(ks[8], (EL,), 0, N)
    sc = 0.02
    inp['W_ctr'] = jax.random.normal(ks[9], (L, D, D), dtype=jnp.float32) * sc
    inp['W_pre'] = jax.random.normal(ks[10], (L, S, D, D), dtype=jnp.float32) * sc
    inp['W_suc'] = jax.random.normal(ks[11], (L, S, D, D), dtype=jnp.float32) * sc
    inp['W_left'] = jax.random.normal(ks[12], (L, D, D), dtype=jnp.float32) * sc
    inp['W_right'] = jax.random.normal(ks[13], (L, D, D), dtype=jnp.float32) * sc
    inp['W_ctr2'] = jax.random.normal(ks[14], (L, D, D), dtype=jnp.float32) * sc
    inp['gn1_w'] = jnp.ones((L, D), dtype=jnp.float32)
    inp['gn1_b'] = jnp.zeros((L, D), dtype=jnp.float32)
    inp['gn2_w'] = jnp.ones((L, D), dtype=jnp.float32)
    inp['gn2_b'] = jnp.zeros((L, D), dtype=jnp.float32)
    return inp


def reference(feat, pre_u, pre_v, suc_u, suc_v, left_u, left_v, right_u, right_v,
              W_ctr, W_pre, W_suc, W_left, W_right, W_ctr2, gn1_w, gn1_b, gn2_w, gn2_b):
    res = feat
    for i in range(L):
        temp = feat @ W_ctr[i].T
        for s in range(S):
            temp = temp.at[pre_u[s]].add(feat[pre_v[s]] @ W_pre[i, s].T)
            temp = temp.at[suc_u[s]].add(feat[suc_v[s]] @ W_suc[i, s].T)
        temp = temp.at[left_u].add(feat[left_v] @ W_left[i].T)
        temp = temp.at[right_u].add(feat[right_v] @ W_right[i].T)
        feat = jax.nn.relu(group_norm(temp, gn1_w[i], gn1_b[i]))
        feat = group_norm(feat @ W_ctr2[i].T, gn2_w[i], gn2_b[i])
        feat = jax.nn.relu(feat + res)
        res = feat
    return feat

if __name__ == "__main__":
    import jax
    _d = setup_inputs()
    print(jax.jit(kernel)(*tuple(_d.values())))

</pallas_src>

<mosaic_0001>
#map = affine_map<(d0, d1) -> (0, 0)>
#map1 = affine_map<(d0, d1) -> (0, 0, 0)>
module attributes {stable_mosaic.version = 14 : i64} {
  func.func @_sc_body(%arg0: i32, %arg1: i32, %arg2: memref<50688x128xf32, #tpu.memory_space<hbm>>, %arg3: memref<709632x128xf32, #tpu.memory_space<hbm>>, %arg4: memref<96x53x128xi32, #tpu.memory_space<hbm>>, %arg5: memref<96x53x128xi32, #tpu.memory_space<hbm>>, %arg6: memref<50688x128xf32, #tpu.memory_space<hbm>>, %arg7: memref<53x128xi32, #tpu.memory_space<vmem>>, %arg8: memref<53x128xi32, #tpu.memory_space<vmem>>, %arg9: memref<128x128xf32, #tpu.memory_space<vmem>>, %arg10: memref<!tpu.dma_semaphore, #tpu.memory_space<semaphore_mem>>, %arg11: memref<8464x128xf32, #tpu.memory_space<vmem_shared>>) attributes {dimension_semantics = [#tpu.dimension_semantics<core_parallel>, #tpu.dimension_semantics<subcore_parallel>], iteration_bounds = array<i64: 2, 16>, scalar_prefetch = 0 : i64, scratch_operands = 5 : i64, tpu.core_type = #tpu.core_type<sc_vector_subcore>, window_params = [{transform_indices = #map}, {transform_indices = #map}, {transform_indices = #map1}, {transform_indices = #map1}, {transform_indices = #map}]} {
    %mul3A = arith.constant 3 : i32
    %mul3A_0 = arith.muli %arg0, %mul3A : i32
    %add3A = arith.constant 0 : i32
    %add3A_1 = arith.addi %mul3A_0, %add3A : i32
    %mul3A_2 = arith.constant 8448 : i32
    %mul3A_3 = arith.muli %add3A_1, %mul3A_2 : i32
    %mul3A_4 = arith.constant 528 : i32
    %mul3A_5 = arith.muli %arg1, %mul3A_4 : i32
    %add3A_6 = arith.addi %mul3A_3, %mul3A_5 : i32
    %mul3A_7 = arith.constant 528 : i32
    %mul3A_8 = arith.muli %arg1, %mul3A_7 : i32
    "tpu.region"() ({
      %run_scoped3A = tpu.sem_alloc : memref<!tpu.dma_semaphore, #tpu.memory_space<semaphore_mem>>
      %dma_start3A = arith.constant 0 : i32
      %dma_start3A_80 = tpu.memref_slice %arg11[%mul3A_8, %dma_start3A] : memref<8464x128xf32, #tpu.memory_space<vmem_shared>> -> memref<528x128xf32, #tpu.memory_space<vmem_shared>>
      %dma_start3A_81 = arith.constant 0 : i32
      %dma_start3A_82 = tpu.memref_slice %arg2[%add3A_6, %dma_start3A_81] : memref<50688x128xf32, #tpu.memory_space<hbm>> -> memref<528x128xf32, #tpu.memory_space<hbm>>
      tpu.enqueue_dma source(%dma_start3A_82 : memref<528x128xf32, #tpu.memory_space<hbm>>) target(%dma_start3A_80 : memref<528x128xf32, #tpu.memory_space<vmem_shared>>) target_semaphore(%run_scoped3A : memref<!tpu.dma_semaphore, #tpu.memory_space<semaphore_mem>>)
      %dma_wait3A = arith.constant 0 : i32
      %dma_wait3A_83 = tpu.memref_slice %arg11[%mul3A_8, %dma_wait3A] : memref<8464x128xf32, #tpu.memory_space<vmem_shared>> -> memref<528x128xf32, #tpu.memory_space<vmem_shared>>
      %dma_wait3A_84 = arith.constant 0 : i32
      %dma_wait3A_85 = tpu.memref_slice %arg2[%add3A_6, %dma_wait3A_84] : memref<50688x128xf32, #tpu.memory_space<hbm>> -> memref<528x128xf32, #tpu.memory_space<hbm>>
      tpu.wait_dma2 semaphore(%run_scoped3A : memref<!tpu.dma_semaphore, #tpu.memory_space<semaphore_mem>>) src(%dma_wait3A_85 : memref<528x128xf32, #tpu.memory_space<hbm>>) dst(%dma_wait3A_83 : memref<528x128xf32, #tpu.memory_space<vmem_shared>>)
      tpu.yield
    }) : () -> ()
    %mul3A_9 = arith.constant 16 : i32
    %mul3A_10 = arith.muli %add3A_1, %mul3A_9 : i32
    %add3A_11 = arith.addi %mul3A_10, %arg1 : i32
    "tpu.region"() ({
      %run_scoped3A = tpu.sem_alloc : memref<!tpu.dma_semaphore, #tpu.memory_space<semaphore_mem>>
      %dma_start3A = arith.constant 0 : i32
      %dma_start3A_80 = arith.constant 0 : i32
      %dma_start3A_81 = tpu.memref_slice %arg4[%add3A_11, %dma_start3A, %dma_start3A_80] : memref<96x53x128xi32, #tpu.memory_space<hbm>> -> memref<1x53x128xi32, #tpu.memory_space<hbm>>
      %dma_start3A_82 = tpu.memref_squeeze %dma_start3A_81 : memref<1x53x128xi32, #tpu.memory_space<hbm>> -> memref<53x128xi32, #tpu.memory_space<hbm>>
      %dma_start3A_83 = arith.constant 0 : i32
      %dma_start3A_84 = arith.constant 0 : i32
      %dma_start3A_85 = tpu.memref_slice %arg4[%add3A_11, %dma_start3A_83, %dma_start3A_84] : memref<96x53x128xi32, #tpu.memory_space<hbm>> -> memref<1x53x128xi32, #tpu.memory_space<hbm>>
      %dma_start3A_86 = tpu.memref_squeeze %dma_start3A_85 : memref<1x53x128xi32, #tpu.memory_space<hbm>> -> memref<53x128xi32, #tpu.memory_space<hbm>>
      tpu.enqueue_dma source(%dma_start3A_86 : memref<53x128xi32, #tpu.memory_space<hbm>>) target(%arg7 : memref<53x128xi32, #tpu.memory_space<vmem>>) target_semaphore(%run_scoped3A : memref<!tpu.dma_semaphore, #tpu.memory_space<semaphore_mem>>)
      %dma_wait3A = arith.constant 0 : i32
      %dma_wait3A_87 = arith.constant 0 : i32
      %dma_wait3A_88 = tpu.memref_slice %arg4[%add3A_11, %dma_wait3A, %dma_wait3A_87] : memref<96x53x128xi32, #tpu.memory_space<hbm>> -> memref<1x53x128xi32, #tpu.memory_space<hbm>>
      %dma_wait3A_89 = tpu.memref_squeeze %dma_wait3A_88 : memref<1x53x128xi32, #tpu.memory_space<hbm>> -> memref<53x128xi32, #tpu.memory_space<hbm>>
      %dma_wait3A_90 = arith.constant 0 : i32
      %dma_wait3A_91 = arith.constant 0 : i32
      %dma_wait3A_92 = tpu.memref_slice %arg4[%add3A_11, %dma_wait3A_90, %dma_wait3A_91] : memref<96x53x128xi32, #tpu.memory_space<hbm>> -> memref<1x53x128xi32, #tpu.memory_space<hbm>>
      %dma_wait3A_93 = tpu.memref_squeeze %dma_wait3A_92 : memref<1x53x128xi32, #tpu.memory_space<hbm>> -> memref<53x128xi32, #tpu.memory_space<hbm>>
      tpu.wait_dma2 semaphore(%run_scoped3A : memref<!tpu.dma_semaphore, #tpu.memory_space<semaphore_mem>>) src(%dma_wait3A_93 : memref<53x128xi32, #tpu.memory_space<hbm>>) dst(%arg7 : memref<53x128xi32, #tpu.memory_space<vmem>>)
      tpu.yield
    }) : () -> ()
    %mul3A_12 = arith.constant 16 : i32
    %mul3A_13 = arith.muli %add3A_1, %mul3A_12 : i32
    %add3A_14 = arith.addi %mul3A_13, %arg1 : i32
    "tpu.region"() ({
      %run_scoped3A = tpu.sem_alloc : memref<!tpu.dma_semaphore, #tpu.memory_space<semaphore_mem>>
      %dma_start3A = arith.constant 0 : i32
      %dma_start3A_80 = arith.constant 0 : i32
      %dma_start3A_81 = tpu.memref_slice %arg5[%add3A_14, %dma_start3A, %dma_start3A_80] : memref<96x53x128xi32, #tpu.memory_space<hbm>> -> memref<1x53x128xi32, #tpu.memory_space<hbm>>
      %dma_start3A_82 = tpu.memref_squeeze %dma_start3A_81 : memref<1x53x128xi32, #tpu.memory_space<hbm>> -> memref<53x128xi32, #tpu.memory_space<hbm>>
      %dma_start3A_83 = arith.constant 0 : i32
      %dma_start3A_84 = arith.constant 0 : i32
      %dma_start3A_85 = tpu.memref_slice %arg5[%add3A_14, %dma_start3A_83, %dma_start3A_84] : memref<96x53x128xi32, #tpu.memory_space<hbm>> -> memref<1x53x128xi32, #tpu.memory_space<hbm>>
      %dma_start3A_86 = tpu.memref_squeeze %dma_start3A_85 : memref<1x53x128xi32, #tpu.memory_space<hbm>> -> memref<53x128xi32, #tpu.memory_space<hbm>>
      tpu.enqueue_dma source(%dma_start3A_86 : memref<53x128xi32, #tpu.memory_space<hbm>>) target(%arg8 : memref<53x128xi32, #tpu.memory_space<vmem>>) target_semaphore(%run_scoped3A : memref<!tpu.dma_semaphore, #tpu.memory_space<semaphore_mem>>)
      %dma_wait3A = arith.constant 0 : i32
      %dma_wait3A_87 = arith.constant 0 : i32
      %dma_wait3A_88 = tpu.memref_slice %arg5[%add3A_14, %dma_wait3A, %dma_wait3A_87] : memref<96x53x128xi32, #tpu.memory_space<hbm>> -> memref<1x53x128xi32, #tpu.memory_space<hbm>>
      %dma_wait3A_89 = tpu.memref_squeeze %dma_wait3A_88 : memref<1x53x128xi32, #tpu.memory_space<hbm>> -> memref<53x128xi32, #tpu.memory_space<hbm>>
      %dma_wait3A_90 = arith.constant 0 : i32
      %dma_wait3A_91 = arith.constant 0 : i32
      %dma_wait3A_92 = tpu.memref_slice %arg5[%add3A_14, %dma_wait3A_90, %dma_wait3A_91] : memref<96x53x128xi32, #tpu.memory_space<hbm>> -> memref<1x53x128xi32, #tpu.memory_space<hbm>>
      %dma_wait3A_93 = tpu.memref_squeeze %dma_wait3A_92 : memref<1x53x128xi32, #tpu.memory_space<hbm>> -> memref<53x128xi32, #tpu.memory_space<hbm>>
      tpu.wait_dma2 semaphore(%run_scoped3A : memref<!tpu.dma_semaphore, #tpu.memory_space<semaphore_mem>>) src(%dma_wait3A_93 : memref<53x128xi32, #tpu.memory_space<hbm>>) dst(%arg8 : memref<53x128xi32, #tpu.memory_space<vmem>>)
      tpu.yield
    }) : () -> ()
    %barrier3A = arith.constant 0 : index
    tpu.barrier barrier_id(%barrier3A)
    %scan3A = arith.constant 0 : i32
    %scan3A_15 = arith.constant 0 : i32
    %scan3A_16 = arith.constant 53 : i32
    %scan3A_17 = arith.addi %scan3A_15, %scan3A_16 : i32
    %scan3A_18 = arith.constant 1 : i32
    scf.for %scan3A_80 = %scan3A_15 to %scan3A_17 step %scan3A_18  : i32 {
      %dma_start3A = arith.constant 0 : i32
      %dma_start3A_81 = tpu.memref_slice %arg8[%scan3A_80, %dma_start3A] : memref<53x128xi32, #tpu.memory_space<vmem>> -> memref<1x128xi32, #tpu.memory_space<vmem>>
      %dma_start3A_82 = tpu.memref_squeeze %dma_start3A_81 : memref<1x128xi32, #tpu.memory_space<vmem>> -> memref<128xi32, #tpu.memory_space<vmem>>
      %dma_start3A_83 = arith.constant 0 : i32
      %dma_start3A_84 = arith.constant 0 : i32
      %dma_start3A_85 = tpu.memref_slice %arg3[%dma_start3A_83, %dma_start3A_84] : memref<709632x128xf32, #tpu.memory_space<hbm>> -> memref<709632x128xf32, #tpu.memory_space<hbm>>
      tpu.enqueue_indirect_dma source(%dma_start3A_85 : memref<709632x128xf32, #tpu.memory_space<hbm>>) target(%arg9 : memref<128x128xf32, #tpu.memory_space<vmem>>) offsets(%dma_start3A_82 : memref<128xi32, #tpu.memory_space<vmem>>) semaphore(%arg10 : memref<!tpu.dma_semaphore, #tpu.memory_space<semaphore_mem>>)
      %dma_wait3A = arith.constant 0 : i32
      %dma_wait3A_86 = tpu.memref_slice %arg8[%scan3A_80, %dma_wait3A] : memref<53x128xi32, #tpu.memory_space<vmem>> -> memref<1x128xi32, #tpu.memory_space<vmem>>
      %dma_wait3A_87 = tpu.memref_squeeze %dma_wait3A_86 : memref<1x128xi32, #tpu.memory_space<vmem>> -> memref<128xi32, #tpu.memory_space<vmem>>
      %dma_wait3A_88 = arith.constant 0 : i32
      %dma_wait3A_89 = arith.constant 0 : i32
      %dma_wait3A_90 = tpu.memref_slice %arg3[%dma_wait3A_88, %dma_wait3A_89] : memref<709632x128xf32, #tpu.memory_space<hbm>> -> memref<709632x128xf32, #tpu.memory_space<hbm>>
      tpu.wait_indirect_dma semaphore(%arg10 : memref<!tpu.dma_semaphore, #tpu.memory_space<semaphore_mem>>) src(%dma_wait3A_90 : memref<709632x128xf32, #tpu.memory_space<hbm>>) dst(%arg9 : memref<128x128xf32, #tpu.memory_space<vmem>>)
      "tpu.region"() ({
        %run_scoped3A = tpu.sem_alloc : memref<!tpu.dma_semaphore, #tpu.memory_space<semaphore_mem>>
        %dma_start3A_91 = arith.constant 0 : i32
        %dma_start3A_92 = tpu.memref_slice %arg7[%scan3A_80, %dma_start3A_91] : memref<53x128xi32, #tpu.memory_space<vmem>> -> memref<1x128xi32, #tpu.memory_space<vmem>>
        %dma_start3A_93 = tpu.memref_squeeze %dma_start3A_92 : memref<1x128xi32, #tpu.memory_space<vmem>> -> memref<128xi32, #tpu.memory_space<vmem>>
        %dma_start3A_94 = arith.constant 0 : i32
        %dma_start3A_95 = arith.constant 0 : i32
        %dma_start3A_96 = tpu.memref_slice %arg11[%dma_start3A_94, %dma_start3A_95] : memref<8464x128xf32, #tpu.memory_space<vmem_shared>> -> memref<8464x128xf32, #tpu.memory_space<vmem_shared>>
        tpu.enqueue_indirect_dma source(%arg9 : memref<128x128xf32, #tpu.memory_space<vmem>>) target(%dma_start3A_96 : memref<8464x128xf32, #tpu.memory_space<vmem_shared>>) offsets(%dma_start3A_93 : memref<128xi32, #tpu.memory_space<vmem>>) semaphore(%run_scoped3A : memref<!tpu.dma_semaphore, #tpu.memory_space<semaphore_mem>>) {add = true}
        %dma_wait3A_97 = arith.constant 0 : i32
        %dma_wait3A_98 = tpu.memref_slice %arg7[%scan3A_80, %dma_wait3A_97] : memref<53x128xi32, #tpu.memory_space<vmem>> -> memref<1x128xi32, #tpu.memory_space<vmem>>
        %dma_wait3A_99 = tpu.memref_squeeze %dma_wait3A_98 : memref<1x128xi32, #tpu.memory_space<vmem>> -> memref<128xi32, #tpu.memory_space<vmem>>
        %dma_wait3A_100 = arith.constant 0 : i32
        %dma_wait3A_101 = arith.constant 0 : i32
        %dma_wait3A_102 = tpu.memref_slice %arg11[%dma_wait3A_100, %dma_wait3A_101] : memref<8464x128xf32, #tpu.memory_space<vmem_shared>> -> memref<8464x128xf32, #tpu.memory_space<vmem_shared>>
        tpu.wait_indirect_dma semaphore(%run_scoped3A : memref<!tpu.dma_semaphore, #tpu.memory_space<semaphore_mem>>) src(%arg9 : memref<128x128xf32, #tpu.memory_space<vmem>>) dst(%dma_wait3A_102 : memref<8464x128xf32, #tpu.memory_space<vmem_shared>>)
        tpu.yield
      }) : () -> ()
    }
    %scan3A_19 = arith.constant 53 : i32
    %barrier3A_20 = arith.constant 0 : index
    tpu.barrier barrier_id(%barrier3A_20)
    %mul3A_21 = arith.constant 528 : i32
    %mul3A_22 = arith.muli %arg1, %mul3A_21 : i32
    "tpu.region"() ({
      %run_scoped3A = tpu.sem_alloc : memref<!tpu.dma_semaphore, #tpu.memory_space<semaphore_mem>>
      %dma_start3A = arith.constant 0 : i32
      %dma_start3A_80 = tpu.memref_slice %arg6[%add3A_6, %dma_start3A] : memref<50688x128xf32, #tpu.memory_space<hbm>> -> memref<528x128xf32, #tpu.memory_space<hbm>>
      %dma_start3A_81 = arith.constant 0 : i32
      %dma_start3A_82 = tpu.memref_slice %arg11[%mul3A_22, %dma_start3A_81] : memref<8464x128xf32, #tpu.memory_space<vmem_shared>> -> memref<528x128xf32, #tpu.memory_space<vmem_shared>>
      tpu.enqueue_dma source(%dma_start3A_82 : memref<528x128xf32, #tpu.memory_space<vmem_shared>>) target(%dma_start3A_80 : memref<528x128xf32, #tpu.memory_space<hbm>>) target_semaphore(%run_scoped3A : memref<!tpu.dma_semaphore, #tpu.memory_space<semaphore_mem>>)
      %dma_wait3A = arith.constant 0 : i32
      %dma_wait3A_83 = tpu.memref_slice %arg6[%add3A_6, %dma_wait3A] : memref<50688x128xf32, #tpu.memory_space<hbm>> -> memref<528x128xf32, #tpu.memory_space<hbm>>
      %dma_wait3A_84 = arith.constant 0 : i32
      %dma_wait3A_85 = tpu.memref_slice %arg11[%mul3A_22, %dma_wait3A_84] : memref<8464x128xf32, #tpu.memory_space<vmem_shared>> -> memref<528x128xf32, #tpu.memory_space<vmem_shared>>
      tpu.wait_dma2 semaphore(%run_scoped3A : memref<!tpu.dma_semaphore, #tpu.memory_space<semaphore_mem>>) src(%dma_wait3A_85 : memref<528x128xf32, #tpu.memory_space<vmem_shared>>) dst(%dma_wait3A_83 : memref<528x128xf32, #tpu.memory_space<hbm>>)
      tpu.yield
    }) : () -> ()
    %barrier3A_23 = arith.constant 0 : index
    tpu.barrier barrier_id(%barrier3A_23)
    %mul3A_24 = arith.constant 3 : i32
    %mul3A_25 = arith.muli %arg0, %mul3A_24 : i32
    %add3A_26 = arith.constant 1 : i32
    %add3A_27 = arith.addi %mul3A_25, %add3A_26 : i32
    %mul3A_28 = arith.constant 8448 : i32
    %mul3A_29 = arith.muli %add3A_27, %mul3A_28 : i32
    %mul3A_30 = arith.constant 528 : i32
    %mul3A_31 = arith.muli %arg1, %mul3A_30 : i32
    %add3A_32 = arith.addi %mul3A_29, %mul3A_31 : i32
    %mul3A_33 = arith.constant 528 : i32
    %mul3A_34 = arith.muli %arg1, %mul3A_33 : i32
    "tpu.region"() ({
      %run_scoped3A = tpu.sem_alloc : memref<!tpu.dma_semaphore, #tpu.memory_space<semaphore_mem>>
      %dma_start3A = arith.constant 0 : i32
      %dma_start3A_80 = tpu.memref_slice %arg11[%mul3A_34, %dma_start3A] : memref<8464x128xf32, #tpu.memory_space<vmem_shared>> -> memref<528x128xf32, #tpu.memory_space<vmem_shared>>
      %dma_start3A_81 = arith.constant 0 : i32
      %dma_start3A_82 = tpu.memref_slice %arg2[%add3A_32, %dma_start3A_81] : memref<50688x128xf32, #tpu.memory_space<hbm>> -> memref<528x128xf32, #tpu.memory_space<hbm>>
      tpu.enqueue_dma source(%dma_start3A_82 : memref<528x128xf32, #tpu.memory_space<hbm>>) target(%dma_start3A_80 : memref<528x128xf32, #tpu.memory_space<vmem_shared>>) target_semaphore(%run_scoped3A : memref<!tpu.dma_semaphore, #tpu.memory_space<semaphore_mem>>)
      %dma_wait3A = arith.constant 0 : i32
      %dma_wait3A_83 = tpu.memref_slice %arg11[%mul3A_34, %dma_wait3A] : memref<8464x128xf32, #tpu.memory_space<vmem_shared>> -> memref<528x128xf32, #tpu.memory_space<vmem_shared>>
      %dma_wait3A_84 = arith.constant 0 : i32
      %dma_wait3A_85 = tpu.memref_slice %arg2[%add3A_32, %dma_wait3A_84] : memref<50688x128xf32, #tpu.memory_space<hbm>> -> memref<528x128xf32, #tpu.memory_space<hbm>>
      tpu.wait_dma2 semaphore(%run_scoped3A : memref<!tpu.dma_semaphore, #tpu.memory_space<semaphore_mem>>) src(%dma_wait3A_85 : memref<528x128xf32, #tpu.memory_space<hbm>>) dst(%dma_wait3A_83 : memref<528x128xf32, #tpu.memory_space<vmem_shared>>)
      tpu.yield
    }) : () -> ()
    %mul3A_35 = arith.constant 16 : i32
    %mul3A_36 = arith.muli %add3A_27, %mul3A_35 : i32
    %add3A_37 = arith.addi %mul3A_36, %arg1 : i32
    "tpu.region"() ({
      %run_scoped3A = tpu.sem_alloc : memref<!tpu.dma_semaphore, #tpu.memory_space<semaphore_mem>>
      %dma_start3A = arith.constant 0 : i32
      %dma_start3A_80 = arith.constant 0 : i32
      %dma_start3A_81 = tpu.memref_slice %arg4[%add3A_37, %dma_start3A, %dma_start3A_80] : memref<96x53x128xi32, #tpu.memory_space<hbm>> -> memref<1x53x128xi32, #tpu.memory_space<hbm>>
      %dma_start3A_82 = tpu.memref_squeeze %dma_start3A_81 : memref<1x53x128xi32, #tpu.memory_space<hbm>> -> memref<53x128xi32, #tpu.memory_space<hbm>>
      %dma_start3A_83 = arith.constant 0 : i32
      %dma_start3A_84 = arith.constant 0 : i32
      %dma_start3A_85 = tpu.memref_slice %arg4[%add3A_37, %dma_start3A_83, %dma_start3A_84] : memref<96x53x128xi32, #tpu.memory_space<hbm>> -> memref<1x53x128xi32, #tpu.memory_space<hbm>>
      %dma_start3A_86 = tpu.memref_squeeze %dma_start3A_85 : memref<1x53x128xi32, #tpu.memory_space<hbm>> -> memref<53x128xi32, #tpu.memory_space<hbm>>
      tpu.enqueue_dma source(%dma_start3A_86 : memref<53x128xi32, #tpu.memory_space<hbm>>) target(%arg7 : memref<53x128xi32, #tpu.memory_space<vmem>>) target_semaphore(%run_scoped3A : memref<!tpu.dma_semaphore, #tpu.memory_space<semaphore_mem>>)
      %dma_wait3A = arith.constant 0 : i32
      %dma_wait3A_87 = arith.constant 0 : i32
      %dma_wait3A_88 = tpu.memref_slice %arg4[%add3A_37, %dma_wait3A, %dma_wait3A_87] : memref<96x53x128xi32, #tpu.memory_space<hbm>> -> memref<1x53x128xi32, #tpu.memory_space<hbm>>
      %dma_wait3A_89 = tpu.memref_squeeze %dma_wait3A_88 : memref<1x53x128xi32, #tpu.memory_space<hbm>> -> memref<53x128xi32, #tpu.memory_space<hbm>>
      %dma_wait3A_90 = arith.constant 0 : i32
      %dma_wait3A_91 = arith.constant 0 : i32
      %dma_wait3A_92 = tpu.memref_slice %arg4[%add3A_37, %dma_wait3A_90, %dma_wait3A_91] : memref<96x53x128xi32, #tpu.memory_space<hbm>> -> memref<1x53x128xi32, #tpu.memory_space<hbm>>
      %dma_wait3A_93 = tpu.memref_squeeze %dma_wait3A_92 : memref<1x53x128xi32, #tpu.memory_space<hbm>> -> memref<53x128xi32, #tpu.memory_space<hbm>>
      tpu.wait_dma2 semaphore(%run_scoped3A : memref<!tpu.dma_semaphore, #tpu.memory_space<semaphore_mem>>) src(%dma_wait3A_93 : memref<53x128xi32, #tpu.memory_space<hbm>>) dst(%arg7 : memref<53x128xi32, #tpu.memory_space<vmem>>)
      tpu.yield
    }) : () -> ()
    %mul3A_38 = arith.constant 16 : i32
    %mul3A_39 = arith.muli %add3A_27, %mul3A_38 : i32
    %add3A_40 = arith.addi %mul3A_39, %arg1 : i32
    "tpu.region"() ({
      %run_scoped3A = tpu.sem_alloc : memref<!tpu.dma_semaphore, #tpu.memory_space<semaphore_mem>>
      %dma_start3A = arith.constant 0 : i32
      %dma_start3A_80 = arith.constant 0 : i32
      %dma_start3A_81 = tpu.memref_slice %arg5[%add3A_40, %dma_start3A, %dma_start3A_80] : memref<96x53x128xi32, #tpu.memory_space<hbm>> -> memref<1x53x128xi32, #tpu.memory_space<hbm>>
      %dma_start3A_82 = tpu.memref_squeeze %dma_start3A_81 : memref<1x53x128xi32, #tpu.memory_space<hbm>> -> memref<53x128xi32, #tpu.memory_space<hbm>>
      %dma_start3A_83 = arith.constant 0 : i32
      %dma_start3A_84 = arith.constant 0 : i32
      %dma_start3A_85 = tpu.memref_slice %arg5[%add3A_40, %dma_start3A_83, %dma_start3A_84] : memref<96x53x128xi32, #tpu.memory_space<hbm>> -> memref<1x53x128xi32, #tpu.memory_space<hbm>>
      %dma_start3A_86 = tpu.memref_squeeze %dma_start3A_85 : memref<1x53x128xi32, #tpu.memory_space<hbm>> -> memref<53x128xi32, #tpu.memory_space<hbm>>
      tpu.enqueue_dma source(%dma_start3A_86 : memref<53x128xi32, #tpu.memory_space<hbm>>) target(%arg8 : memref<53x128xi32, #tpu.memory_space<vmem>>) target_semaphore(%run_scoped3A : memref<!tpu.dma_semaphore, #tpu.memory_space<semaphore_mem>>)
      %dma_wait3A = arith.constant 0 : i32
      %dma_wait3A_87 = arith.constant 0 : i32
      %dma_wait3A_88 = tpu.memref_slice %arg5[%add3A_40, %dma_wait3A, %dma_wait3A_87] : memref<96x53x128xi32, #tpu.memory_space<hbm>> -> memref<1x53x128xi32, #tpu.memory_space<hbm>>
      %dma_wait3A_89 = tpu.memref_squeeze %dma_wait3A_88 : memref<1x53x128xi32, #tpu.memory_space<hbm>> -> memref<53x128xi32, #tpu.memory_space<hbm>>
      %dma_wait3A_90 = arith.constant 0 : i32
      %dma_wait3A_91 = arith.constant 0 : i32
      %dma_wait3A_92 = tpu.memref_slice %arg5[%add3A_40, %dma_wait3A_90, %dma_wait3A_91] : memref<96x53x128xi32, #tpu.memory_space<hbm>> -> memref<1x53x128xi32, #tpu.memory_space<hbm>>
      %dma_wait3A_93 = tpu.memref_squeeze %dma_wait3A_92 : memref<1x53x128xi32, #tpu.memory_space<hbm>> -> memref<53x128xi32, #tpu.memory_space<hbm>>
      tpu.wait_dma2 semaphore(%run_scoped3A : memref<!tpu.dma_semaphore, #tpu.memory_space<semaphore_mem>>) src(%dma_wait3A_93 : memref<53x128xi32, #tpu.memory_space<hbm>>) dst(%arg8 : memref<53x128xi32, #tpu.memory_space<vmem>>)
      tpu.yield
    }) : () -> ()
    %barrier3A_41 = arith.constant 0 : index
    tpu.barrier barrier_id(%barrier3A_41)
    %scan3A_42 = arith.constant 0 : i32
    %scan3A_43 = arith.constant 0 : i32
    %scan3A_44 = arith.constant 53 : i32
    %scan3A_45 = arith.addi %scan3A_43, %scan3A_44 : i32
    %scan3A_46 = arith.constant 1 : i32
    scf.for %scan3A_80 = %scan3A_43 to %scan3A_45 step %scan3A_46  : i32 {
      %dma_start3A = arith.constant 0 : i32
      %dma_start3A_81 = tpu.memref_slice %arg8[%scan3A_80, %dma_start3A] : memref<53x128xi32, #tpu.memory_space<vmem>> -> memref<1x128xi32, #tpu.memory_space<vmem>>
      %dma_start3A_82 = tpu.memref_squeeze %dma_start3A_81 : memref<1x128xi32, #tpu.memory_space<vmem>> -> memref<128xi32, #tpu.memory_space<vmem>>
      %dma_start3A_83 = arith.constant 0 : i32
      %dma_start3A_84 = arith.constant 0 : i32
      %dma_start3A_85 = tpu.memref_slice %arg3[%dma_start3A_83, %dma_start3A_84] : memref<709632x128xf32, #tpu.memory_space<hbm>> -> memref<709632x128xf32, #tpu.memory_space<hbm>>
      tpu.enqueue_indirect_dma source(%dma_start3A_85 : memref<709632x128xf32, #tpu.memory_space<hbm>>) target(%arg9 : memref<128x128xf32, #tpu.memory_space<vmem>>) offsets(%dma_start3A_82 : memref<128xi32, #tpu.memory_space<vmem>>) semaphore(%arg10 : memref<!tpu.dma_semaphore, #tpu.memory_space<semaphore_mem>>)
      %dma_wait3A = arith.constant 0 : i32
      %dma_wait3A_86 = tpu.memref_slice %arg8[%scan3A_80, %dma_wait3A] : memref<53x128xi32, #tpu.memory_space<vmem>> -> memref<1x128xi32, #tpu.memory_space<vmem>>
      %dma_wait3A_87 = tpu.memref_squeeze %dma_wait3A_86 : memref<1x128xi32, #tpu.memory_space<vmem>> -> memref<128xi32, #tpu.memory_space<vmem>>
      %dma_wait3A_88 = arith.constant 0 : i32
      %dma_wait3A_89 = arith.constant 0 : i32
      %dma_wait3A_90 = tpu.memref_slice %arg3[%dma_wait3A_88, %dma_wait3A_89] : memref<709632x128xf32, #tpu.memory_space<hbm>> -> memref<709632x128xf32, #tpu.memory_space<hbm>>
      tpu.wait_indirect_dma semaphore(%arg10 : memref<!tpu.dma_semaphore, #tpu.memory_space<semaphore_mem>>) src(%dma_wait3A_90 : memref<709632x128xf32, #tpu.memory_space<hbm>>) dst(%arg9 : memref<128x128xf32, #tpu.memory_space<vmem>>)
      "tpu.region"() ({
        %run_scoped3A = tpu.sem_alloc : memref<!tpu.dma_semaphore, #tpu.memory_space<semaphore_mem>>
        %dma_start3A_91 = arith.constant 0 : i32
        %dma_start3A_92 = tpu.memref_slice %arg7[%scan3A_80, %dma_start3A_91] : memref<53x128xi32, #tpu.memory_space<vmem>> -> memref<1x128xi32, #tpu.memory_space<vmem>>
        %dma_start3A_93 = tpu.memref_squeeze %dma_start3A_92 : memref<1x128xi32, #tpu.memory_space<vmem>> -> memref<128xi32, #tpu.memory_space<vmem>>
        %dma_start3A_94 = arith.constant 0 : i32
        %dma_start3A_95 = arith.constant 0 : i32
        %dma_start3A_96 = tpu.memref_slice %arg11[%dma_start3A_94, %dma_start3A_95] : memref<8464x128xf32, #tpu.memory_space<vmem_shared>> -> memref<8464x128xf32, #tpu.memory_space<vmem_shared>>
        tpu.enqueue_indirect_dma source(%arg9 : memref<128x128xf32, #tpu.memory_space<vmem>>) target(%dma_start3A_96 : memref<8464x128xf32, #tpu.memory_space<vmem_shared>>) offsets(%dma_start3A_93 : memref<128xi32, #tpu.memory_space<vmem>>) semaphore(%run_scoped3A : memref<!tpu.dma_semaphore, #tpu.memory_space<semaphore_mem>>) {add = true}
        %dma_wait3A_97 = arith.constant 0 : i32
        %dma_wait3A_98 = tpu.memref_slice %arg7[%scan3A_80, %dma_wait3A_97] : memref<53x128xi32, #tpu.memory_space<vmem>> -> memref<1x128xi32, #tpu.memory_space<vmem>>
        %dma_wait3A_99 = tpu.memref_squeeze %dma_wait3A_98 : memref<1x128xi32, #tpu.memory_space<vmem>> -> memref<128xi32, #tpu.memory_space<vmem>>
        %dma_wait3A_100 = arith.constant 0 : i32
        %dma_wait3A_101 = arith.constant 0 : i32
        %dma_wait3A_102 = tpu.memref_slice %arg11[%dma_wait3A_100, %dma_wait3A_101] : memref<8464x128xf32, #tpu.memory_space<vmem_shared>> -> memref<8464x128xf32, #tpu.memory_space<vmem_shared>>
        tpu.wait_indirect_dma semaphore(%run_scoped3A : memref<!tpu.dma_semaphore, #tpu.memory_space<semaphore_mem>>) src(%arg9 : memref<128x128xf32, #tpu.memory_space<vmem>>) dst(%dma_wait3A_102 : memref<8464x128xf32, #tpu.memory_space<vmem_shared>>)
        tpu.yield
      }) : () -> ()
    }
    %scan3A_47 = arith.constant 53 : i32
    %barrier3A_48 = arith.constant 0 : index
    tpu.barrier barrier_id(%barrier3A_48)
    %mul3A_49 = arith.constant 528 : i32
    %mul3A_50 = arith.muli %arg1, %mul3A_49 : i32
    "tpu.region"() ({
      %run_scoped3A = tpu.sem_alloc : memref<!tpu.dma_semaphore, #tpu.memory_space<semaphore_mem>>
      %dma_start3A = arith.constant 0 : i32
      %dma_start3A_80 = tpu.memref_slice %arg6[%add3A_32, %dma_start3A] : memref<50688x128xf32, #tpu.memory_space<hbm>> -> memref<528x128xf32, #tpu.memory_space<hbm>>
      %dma_start3A_81 = arith.constant 0 : i32
      %dma_start3A_82 = tpu.memref_slice %arg11[%mul3A_50, %dma_start3A_81] : memref<8464x128xf32, #tpu.memory_space<vmem_shared>> -> memref<528x128xf32, #tpu.memory_space<vmem_shared>>
      tpu.enqueue_dma source(%dma_start3A_82 : memref<528x128xf32, #tpu.memory_space<vmem_shared>>) target(%dma_start3A_80 : memref<528x128xf32, #tpu.memory_space<hbm>>) target_semaphore(%run_scoped3A : memref<!tpu.dma_semaphore, #tpu.memory_space<semaphore_mem>>)
      %dma_wait3A = arith.constant 0 : i32
      %dma_wait3A_83 = tpu.memref_slice %arg6[%add3A_32, %dma_wait3A] : memref<50688x128xf32, #tpu.memory_space<hbm>> -> memref<528x128xf32, #tpu.memory_space<hbm>>
      %dma_wait3A_84 = arith.constant 0 : i32
      %dma_wait3A_85 = tpu.memref_slice %arg11[%mul3A_50, %dma_wait3A_84] : memref<8464x128xf32, #tpu.memory_space<vmem_shared>> -> memref<528x128xf32, #tpu.memory_space<vmem_shared>>
      tpu.wait_dma2 semaphore(%run_scoped3A : memref<!tpu.dma_semaphore, #tpu.memory_space<semaphore_mem>>) src(%dma_wait3A_85 : memref<528x128xf32, #tpu.memory_space<vmem_shared>>) dst(%dma_wait3A_83 : memref<528x128xf32, #tpu.memory_space<hbm>>)
      tpu.yield
    }) : () -> ()
    %barrier3A_51 = arith.constant 0 : index
    tpu.barrier barrier_id(%barrier3A_51)
    %mul3A_52 = arith.constant 3 : i32
    %mul3A_53 = arith.muli %arg0, %mul3A_52 : i32
    %add3A_54 = arith.constant 2 : i32
    %add3A_55 = arith.addi %mul3A_53, %add3A_54 : i32
    %mul3A_56 = arith.constant 8448 : i32
    %mul3A_57 = arith.muli %add3A_55, %mul3A_56 : i32
    %mul3A_58 = arith.constant 528 : i32
    %mul3A_59 = arith.muli %arg1, %mul3A_58 : i32
    %add3A_60 = arith.addi %mul3A_57, %mul3A_59 : i32
    %mul3A_61 = arith.constant 528 : i32
    %mul3A_62 = arith.muli %arg1, %mul3A_61 : i32
    "tpu.region"() ({
      %run_scoped3A = tpu.sem_alloc : memref<!tpu.dma_semaphore, #tpu.memory_space<semaphore_mem>>
      %dma_start3A = arith.constant 0 : i32
      %dma_start3A_80 = tpu.memref_slice %arg11[%mul3A_62, %dma_start3A] : memref<8464x128xf32, #tpu.memory_space<vmem_shared>> -> memref<528x128xf32, #tpu.memory_space<vmem_shared>>
      %dma_start3A_81 = arith.constant 0 : i32
      %dma_start3A_82 = tpu.memref_slice %arg2[%add3A_60, %dma_start3A_81] : memref<50688x128xf32, #tpu.memory_space<hbm>> -> memref<528x128xf32, #tpu.memory_space<hbm>>
      tpu.enqueue_dma source(%dma_start3A_82 : memref<528x128xf32, #tpu.memory_space<hbm>>) target(%dma_start3A_80 : memref<528x128xf32, #tpu.memory_space<vmem_shared>>) target_semaphore(%run_scoped3A : memref<!tpu.dma_semaphore, #tpu.memory_space<semaphore_mem>>)
      %dma_wait3A = arith.constant 0 : i32
      %dma_wait3A_83 = tpu.memref_slice %arg11[%mul3A_62, %dma_wait3A] : memref<8464x128xf32, #tpu.memory_space<vmem_shared>> -> memref<528x128xf32, #tpu.memory_space<vmem_shared>>
      %dma_wait3A_84 = arith.constant 0 : i32
      %dma_wait3A_85 = tpu.memref_slice %arg2[%add3A_60, %dma_wait3A_84] : memref<50688x128xf32, #tpu.memory_space<hbm>> -> memref<528x128xf32, #tpu.memory_space<hbm>>
      tpu.wait_dma2 semaphore(%run_scoped3A : memref<!tpu.dma_semaphore, #tpu.memory_space<semaphore_mem>>) src(%dma_wait3A_85 : memref<528x128xf32, #tpu.memory_space<hbm>>) dst(%dma_wait3A_83 : memref<528x128xf32, #tpu.memory_space<vmem_shared>>)
      tpu.yield
    }) : () -> ()
    %mul3A_63 = arith.constant 16 : i32
    %mul3A_64 = arith.muli %add3A_55, %mul3A_63 : i32
    %add3A_65 = arith.addi %mul3A_64, %arg1 : i32
    "tpu.region"() ({
      %run_scoped3A = tpu.sem_alloc : memref<!tpu.dma_semaphore, #tpu.memory_space<semaphore_mem>>
      %dma_start3A = arith.constant 0 : i32
      %dma_start3A_80 = arith.constant 0 : i32
      %dma_start3A_81 = tpu.memref_slice %arg4[%add3A_65, %dma_start3A, %dma_start3A_80] : memref<96x53x128xi32, #tpu.memory_space<hbm>> -> memref<1x53x128xi32, #tpu.memory_space<hbm>>
      %dma_start3A_82 = tpu.memref_squeeze %dma_start3A_81 : memref<1x53x128xi32, #tpu.memory_space<hbm>> -> memref<53x128xi32, #tpu.memory_space<hbm>>
      %dma_start3A_83 = arith.constant 0 : i32
      %dma_start3A_84 = arith.constant 0 : i32
      %dma_start3A_85 = tpu.memref_slice %arg4[%add3A_65, %dma_start3A_83, %dma_start3A_84] : memref<96x53x128xi32, #tpu.memory_space<hbm>> -> memref<1x53x128xi32, #tpu.memory_space<hbm>>
      %dma_start3A_86 = tpu.memref_squeeze %dma_start3A_85 : memref<1x53x128xi32, #tpu.memory_space<hbm>> -> memref<53x128xi32, #tpu.memory_space<hbm>>
      tpu.enqueue_dma source(%dma_start3A_86 : memref<53x128xi32, #tpu.memory_space<hbm>>) target(%arg7 : memref<53x128xi32, #tpu.memory_space<vmem>>) target_semaphore(%run_scoped3A : memref<!tpu.dma_semaphore, #tpu.memory_space<semaphore_mem>>)
      %dma_wait3A = arith.constant 0 : i32
      %dma_wait3A_87 = arith.constant 0 : i32
      %dma_wait3A_88 = tpu.memref_slice %arg4[%add3A_65, %dma_wait3A, %dma_wait3A_87] : memref<96x53x128xi32, #tpu.memory_space<hbm>> -> memref<1x53x128xi32, #tpu.memory_space<hbm>>
      %dma_wait3A_89 = tpu.memref_squeeze %dma_wait3A_88 : memref<1x53x128xi32, #tpu.memory_space<hbm>> -> memref<53x128xi32, #tpu.memory_space<hbm>>
      %dma_wait3A_90 = arith.constant 0 : i32
      %dma_wait3A_91 = arith.constant 0 : i32
      %dma_wait3A_92 = tpu.memref_slice %arg4[%add3A_65, %dma_wait3A_90, %dma_wait3A_91] : memref<96x53x128xi32, #tpu.memory_space<hbm>> -> memref<1x53x128xi32, #tpu.memory_space<hbm>>
      %dma_wait3A_93 = tpu.memref_squeeze %dma_wait3A_92 : memref<1x53x128xi32, #tpu.memory_space<hbm>> -> memref<53x128xi32, #tpu.memory_space<hbm>>
      tpu.wait_dma2 semaphore(%run_scoped3A : memref<!tpu.dma_semaphore, #tpu.memory_space<semaphore_mem>>) src(%dma_wait3A_93 : memref<53x128xi32, #tpu.memory_space<hbm>>) dst(%arg7 : memref<53x128xi32, #tpu.memory_space<vmem>>)
      tpu.yield
    }) : () -> ()
    %mul3A_66 = arith.constant 16 : i32
    %mul3A_67 = arith.muli %add3A_55, %mul3A_66 : i32
    %add3A_68 = arith.addi %mul3A_67, %arg1 : i32
    "tpu.region"() ({
      %run_scoped3A = tpu.sem_alloc : memref<!tpu.dma_semaphore, #tpu.memory_space<semaphore_mem>>
      %dma_start3A = arith.constant 0 : i32
      %dma_start3A_80 = arith.constant 0 : i32
      %dma_start3A_81 = tpu.memref_slice %arg5[%add3A_68, %dma_start3A, %dma_start3A_80] : memref<96x53x128xi32, #tpu.memory_space<hbm>> -> memref<1x53x128xi32, #tpu.memory_space<hbm>>
      %dma_start3A_82 = tpu.memref_squeeze %dma_start3A_81 : memref<1x53x128xi32, #tpu.memory_space<hbm>> -> memref<53x128xi32, #tpu.memory_space<hbm>>
      %dma_start3A_83 = arith.constant 0 : i32
      %dma_start3A_84 = arith.constant 0 : i32
      %dma_start3A_85 = tpu.memref_slice %arg5[%add3A_68, %dma_start3A_83, %dma_start3A_84] : memref<96x53x128xi32, #tpu.memory_space<hbm>> -> memref<1x53x128xi32, #tpu.memory_space<hbm>>
      %dma_start3A_86 = tpu.memref_squeeze %dma_start3A_85 : memref<1x53x128xi32, #tpu.memory_space<hbm>> -> memref<53x128xi32, #tpu.memory_space<hbm>>
      tpu.enqueue_dma source(%dma_start3A_86 : memref<53x128xi32, #tpu.memory_space<hbm>>) target(%arg8 : memref<53x128xi32, #tpu.memory_space<vmem>>) target_semaphore(%run_scoped3A : memref<!tpu.dma_semaphore, #tpu.memory_space<semaphore_mem>>)
      %dma_wait3A = arith.constant 0 : i32
      %dma_wait3A_87 = arith.constant 0 : i32
      %dma_wait3A_88 = tpu.memref_slice %arg5[%add3A_68, %dma_wait3A, %dma_wait3A_87] : memref<96x53x128xi32, #tpu.memory_space<hbm>> -> memref<1x53x128xi32, #tpu.memory_space<hbm>>
      %dma_wait3A_89 = tpu.memref_squeeze %dma_wait3A_88 : memref<1x53x128xi32, #tpu.memory_space<hbm>> -> memref<53x128xi32, #tpu.memory_space<hbm>>
      %dma_wait3A_90 = arith.constant 0 : i32
      %dma_wait3A_91 = arith.constant 0 : i32
      %dma_wait3A_92 = tpu.memref_slice %arg5[%add3A_68, %dma_wait3A_90, %dma_wait3A_91] : memref<96x53x128xi32, #tpu.memory_space<hbm>> -> memref<1x53x128xi32, #tpu.memory_space<hbm>>
      %dma_wait3A_93 = tpu.memref_squeeze %dma_wait3A_92 : memref<1x53x128xi32, #tpu.memory_space<hbm>> -> memref<53x128xi32, #tpu.memory_space<hbm>>
      tpu.wait_dma2 semaphore(%run_scoped3A : memref<!tpu.dma_semaphore, #tpu.memory_space<semaphore_mem>>) src(%dma_wait3A_93 : memref<53x128xi32, #tpu.memory_space<hbm>>) dst(%arg8 : memref<53x128xi32, #tpu.memory_space<vmem>>)
      tpu.yield
    }) : () -> ()
    %barrier3A_69 = arith.constant 0 : index
    tpu.barrier barrier_id(%barrier3A_69)
    %scan3A_70 = arith.constant 0 : i32
    %scan3A_71 = arith.constant 0 : i32
    %scan3A_72 = arith.constant 53 : i32
    %scan3A_73 = arith.addi %scan3A_71, %scan3A_72 : i32
    %scan3A_74 = arith.constant 1 : i32
    scf.for %scan3A_80 = %scan3A_71 to %scan3A_73 step %scan3A_74  : i32 {
      %dma_start3A = arith.constant 0 : i32
      %dma_start3A_81 = tpu.memref_slice %arg8[%scan3A_80, %dma_start3A] : memref<53x128xi32, #tpu.memory_space<vmem>> -> memref<1x128xi32, #tpu.memory_space<vmem>>
      %dma_start3A_82 = tpu.memref_squeeze %dma_start3A_81 : memref<1x128xi32, #tpu.memory_space<vmem>> -> memref<128xi32, #tpu.memory_space<vmem>>
      %dma_start3A_83 = arith.constant 0 : i32
      %dma_start3A_84 = arith.constant 0 : i32
      %dma_start3A_85 = tpu.memref_slice %arg3[%dma_start3A_83, %dma_start3A_84] : memref<709632x128xf32, #tpu.memory_space<hbm>> -> memref<709632x128xf32, #tpu.memory_space<hbm>>
      tpu.enqueue_indirect_dma source(%dma_start3A_85 : memref<709632x128xf32, #tpu.memory_space<hbm>>) target(%arg9 : memref<128x128xf32, #tpu.memory_space<vmem>>) offsets(%dma_start3A_82 : memref<128xi32, #tpu.memory_space<vmem>>) semaphore(%arg10 : memref<!tpu.dma_semaphore, #tpu.memory_space<semaphore_mem>>)
      %dma_wait3A = arith.constant 0 : i32
      %dma_wait3A_86 = tpu.memref_slice %arg8[%scan3A_80, %dma_wait3A] : memref<53x128xi32, #tpu.memory_space<vmem>> -> memref<1x128xi32, #tpu.memory_space<vmem>>
      %dma_wait3A_87 = tpu.memref_squeeze %dma_wait3A_86 : memref<1x128xi32, #tpu.memory_space<vmem>> -> memref<128xi32, #tpu.memory_space<vmem>>
      %dma_wait3A_88 = arith.constant 0 : i32
      %dma_wait3A_89 = arith.constant 0 : i32
      %dma_wait3A_90 = tpu.memref_slice %arg3[%dma_wait3A_88, %dma_wait3A_89] : memref<709632x128xf32, #tpu.memory_space<hbm>> -> memref<709632x128xf32, #tpu.memory_space<hbm>>
      tpu.wait_indirect_dma semaphore(%arg10 : memref<!tpu.dma_semaphore, #tpu.memory_space<semaphore_mem>>) src(%dma_wait3A_90 : memref<709632x128xf32, #tpu.memory_space<hbm>>) dst(%arg9 : memref<128x128xf32, #tpu.memory_space<vmem>>)
      "tpu.region"() ({
        %run_scoped3A = tpu.sem_alloc : memref<!tpu.dma_semaphore, #tpu.memory_space<semaphore_mem>>
        %dma_start3A_91 = arith.constant 0 : i32
        %dma_start3A_92 = tpu.memref_slice %arg7[%scan3A_80, %dma_start3A_91] : memref<53x128xi32, #tpu.memory_space<vmem>> -> memref<1x128xi32, #tpu.memory_space<vmem>>
        %dma_start3A_93 = tpu.memref_squeeze %dma_start3A_92 : memref<1x128xi32, #tpu.memory_space<vmem>> -> memref<128xi32, #tpu.memory_space<vmem>>
        %dma_start3A_94 = arith.constant 0 : i32
        %dma_start3A_95 = arith.constant 0 : i32
        %dma_start3A_96 = tpu.memref_slice %arg11[%dma_start3A_94, %dma_start3A_95] : memref<8464x128xf32, #tpu.memory_space<vmem_shared>> -> memref<8464x128xf32, #tpu.memory_space<vmem_shared>>
        tpu.enqueue_indirect_dma source(%arg9 : memref<128x128xf32, #tpu.memory_space<vmem>>) target(%dma_start3A_96 : memref<8464x128xf32, #tpu.memory_space<vmem_shared>>) offsets(%dma_start3A_93 : memref<128xi32, #tpu.memory_space<vmem>>) semaphore(%run_scoped3A : memref<!tpu.dma_semaphore, #tpu.memory_space<semaphore_mem>>) {add = true}
        %dma_wait3A_97 = arith.constant 0 : i32
        %dma_wait3A_98 = tpu.memref_slice %arg7[%scan3A_80, %dma_wait3A_97] : memref<53x128xi32, #tpu.memory_space<vmem>> -> memref<1x128xi32, #tpu.memory_space<vmem>>
        %dma_wait3A_99 = tpu.memref_squeeze %dma_wait3A_98 : memref<1x128xi32, #tpu.memory_space<vmem>> -> memref<128xi32, #tpu.memory_space<vmem>>
        %dma_wait3A_100 = arith.constant 0 : i32
        %dma_wait3A_101 = arith.constant 0 : i32
        %dma_wait3A_102 = tpu.memref_slice %arg11[%dma_wait3A_100, %dma_wait3A_101] : memref<8464x128xf32, #tpu.memory_space<vmem_shared>> -> memref<8464x128xf32, #tpu.memory_space<vmem_shared>>
        tpu.wait_indirect_dma semaphore(%run_scoped3A : memref<!tpu.dma_semaphore, #tpu.memory_space<semaphore_mem>>) src(%arg9 : memref<128x128xf32, #tpu.memory_space<vmem>>) dst(%dma_wait3A_102 : memref<8464x128xf32, #tpu.memory_space<vmem_shared>>)
        tpu.yield
      }) : () -> ()
    }
    %scan3A_75 = arith.constant 53 : i32
    %barrier3A_76 = arith.constant 0 : index
    tpu.barrier barrier_id(%barrier3A_76)
    %mul3A_77 = arith.constant 528 : i32
    %mul3A_78 = arith.muli %arg1, %mul3A_77 : i32
    "tpu.region"() ({
      %run_scoped3A = tpu.sem_alloc : memref<!tpu.dma_semaphore, #tpu.memory_space<semaphore_mem>>
      %dma_start3A = arith.constant 0 : i32
      %dma_start3A_80 = tpu.memref_slice %arg6[%add3A_60, %dma_start3A] : memref<50688x128xf32, #tpu.memory_space<hbm>> -> memref<528x128xf32, #tpu.memory_space<hbm>>
      %dma_start3A_81 = arith.constant 0 : i32
      %dma_start3A_82 = tpu.memref_slice %arg11[%mul3A_78, %dma_start3A_81] : memref<8464x128xf32, #tpu.memory_space<vmem_shared>> -> memref<528x128xf32, #tpu.memory_space<vmem_shared>>
      tpu.enqueue_dma source(%dma_start3A_82 : memref<528x128xf32, #tpu.memory_space<vmem_shared>>) target(%dma_start3A_80 : memref<528x128xf32, #tpu.memory_space<hbm>>) target_semaphore(%run_scoped3A : memref<!tpu.dma_semaphore, #tpu.memory_space<semaphore_mem>>)
      %dma_wait3A = arith.constant 0 : i32
      %dma_wait3A_83 = tpu.memref_slice %arg6[%add3A_60, %dma_wait3A] : memref<50688x128xf32, #tpu.memory_space<hbm>> -> memref<528x128xf32, #tpu.memory_space<hbm>>
      %dma_wait3A_84 = arith.constant 0 : i32
      %dma_wait3A_85 = tpu.memref_slice %arg11[%mul3A_78, %dma_wait3A_84] : memref<8464x128xf32, #tpu.memory_space<vmem_shared>> -> memref<528x128xf32, #tpu.memory_space<vmem_shared>>
      tpu.wait_dma2 semaphore(%run_scoped3A : memref<!tpu.dma_semaphore, #tpu.memory_space<semaphore_mem>>) src(%dma_wait3A_85 : memref<528x128xf32, #tpu.memory_space<vmem_shared>>) dst(%dma_wait3A_83 : memref<528x128xf32, #tpu.memory_space<hbm>>)
      tpu.yield
    }) : () -> ()
    %barrier3A_79 = arith.constant 0 : index
    tpu.barrier barrier_id(%barrier3A_79)
    return
  }
}

#map = affine_map<(d0, d1) -> (0, 0)>
#map1 = affine_map<(d0, d1) -> (0, 0, 0)>
module attributes {stable_mosaic.version = 14 : i64} {
  func.func @_sc_body(%arg0: i32, %arg1: i32, %arg2: memref<50688x128xf32, #tpu.memory_space<hbm>>, %arg3: memref<709632x128xf32, #tpu.memory_space<hbm>>, %arg4: memref<96x53x128xi32, #tpu.memory_space<hbm>>, %arg5: memref<96x53x128xi32, #tpu.memory_space<hbm>>, %arg6: memref<50688x128xf32, #tpu.memory_space<hbm>>, %arg7: memref<53x128xi32, #tpu.memory_space<vmem>>, %arg8: memref<53x128xi32, #tpu.memory_space<vmem>>, %arg9: memref<128x128xf32, #tpu.memory_space<vmem>>, %arg10: memref<!tpu.dma_semaphore, #tpu.memory_space<semaphore_mem>>, %arg11: memref<8464x128xf32, #tpu.memory_space<vmem_shared>>) attributes {dimension_semantics = [#tpu.dimension_semantics<core_parallel>, #tpu.dimension_semantics<subcore_parallel>], iteration_bounds = array<i64: 2, 16>, scalar_prefetch = 0 : i64, scratch_operands = 5 : i64, tpu.core_type = #tpu.core_type<sc_vector_subcore>, window_params = [{transform_indices = #map}, {transform_indices = #map}, {transform_indices = #map1}, {transform_indices = #map1}, {transform_indices = #map}]} {
    %mul3A = arith.constant 3 : i32
    %mul3A_0 = arith.muli %arg0, %mul3A : i32
    %add3A = arith.constant 0 : i32
    %add3A_1 = arith.addi %mul3A_0, %add3A : i32
    %mul3A_2 = arith.constant 8448 : i32
    %mul3A_3 = arith.muli %add3A_1, %mul3A_2 : i32
    %mul3A_4 = arith.constant 528 : i32
    %mul3A_5 = arith.muli %arg1, %mul3A_4 : i32
    %add3A_6 = arith.addi %mul3A_3, %mul3A_5 : i32
    %mul3A_7 = arith.constant 528 : i32
    %mul3A_8 = arith.muli %arg1, %mul3A_7 : i32
    "tpu.region"() ({
      %run_scoped3A = tpu.sem_alloc : memref<!tpu.dma_semaphore, #tpu.memory_space<semaphore_mem>>
      %dma_start3A = arith.constant 0 : i32
      %dma_start3A_80 = tpu.memref_slice %arg11[%mul3A_8, %dma_start3A] : memref<8464x128xf32, #tpu.memory_space<vmem_shared>> -> memref<528x128xf32, #tpu.memory_space<vmem_shared>>
      %dma_start3A_81 = arith.constant 0 : i32
      %dma_start3A_82 = tpu.memref_slice %arg2[%add3A_6, %dma_start3A_81] : memref<50688x128xf32, #tpu.memory_space<hbm>> -> memref<528x128xf32, #tpu.memory_space<hbm>>
      tpu.enqueue_dma source(%dma_start3A_82 : memref<528x128xf32, #tpu.memory_space<hbm>>) target(%dma_start3A_80 : memref<528x128xf32, #tpu.memory_space<vmem_shared>>) target_semaphore(%run_scoped3A : memref<!tpu.dma_semaphore, #tpu.memory_space<semaphore_mem>>)
      %dma_wait3A = arith.constant 0 : i32
      %dma_wait3A_83 = tpu.memref_slice %arg11[%mul3A_8, %dma_wait3A] : memref<8464x128xf32, #tpu.memory_space<vmem_shared>> -> memref<528x128xf32, #tpu.memory_space<vmem_shared>>
      %dma_wait3A_84 = arith.constant 0 : i32
      %dma_wait3A_85 = tpu.memref_slice %arg2[%add3A_6, %dma_wait3A_84] : memref<50688x128xf32, #tpu.memory_space<hbm>> -> memref<528x128xf32, #tpu.memory_space<hbm>>
      tpu.wait_dma2 semaphore(%run_scoped3A : memref<!tpu.dma_semaphore, #tpu.memory_space<semaphore_mem>>) src(%dma_wait3A_85 : memref<528x128xf32, #tpu.memory_space<hbm>>) dst(%dma_wait3A_83 : memref<528x128xf32, #tpu.memory_space<vmem_shared>>)
      tpu.yield
    }) : () -> ()
    %mul3A_9 = arith.constant 16 : i32
    %mul3A_10 = arith.muli %add3A_1, %mul3A_9 : i32
    %add3A_11 = arith.addi %mul3A_10, %arg1 : i32
    "tpu.region"() ({
      %run_scoped3A = tpu.sem_alloc : memref<!tpu.dma_semaphore, #tpu.memory_space<semaphore_mem>>
      %dma_start3A = arith.constant 0 : i32
      %dma_start3A_80 = arith.constant 0 : i32
      %dma_start3A_81 = tpu.memref_slice %arg4[%add3A_11, %dma_start3A, %dma_start3A_80] : memref<96x53x128xi32, #tpu.memory_space<hbm>> -> memref<1x53x128xi32, #tpu.memory_space<hbm>>
      %dma_start3A_82 = tpu.memref_squeeze %dma_start3A_81 : memref<1x53x128xi32, #tpu.memory_space<hbm>> -> memref<53x128xi32, #tpu.memory_space<hbm>>
      %dma_start3A_83 = arith.constant 0 : i32
      %dma_start3A_84 = arith.constant 0 : i32
      %dma_start3A_85 = tpu.memref_slice %arg4[%add3A_11, %dma_start3A_83, %dma_start3A_84] : memref<96x53x128xi32, #tpu.memory_space<hbm>> -> memref<1x53x128xi32, #tpu.memory_space<hbm>>
      %dma_start3A_86 = tpu.memref_squeeze %dma_start3A_85 : memref<1x53x128xi32, #tpu.memory_space<hbm>> -> memref<53x128xi32, #tpu.memory_space<hbm>>
      tpu.enqueue_dma source(%dma_start3A_86 : memref<53x128xi32, #tpu.memory_space<hbm>>) target(%arg7 : memref<53x128xi32, #tpu.memory_space<vmem>>) target_semaphore(%run_scoped3A : memref<!tpu.dma_semaphore, #tpu.memory_space<semaphore_mem>>)
      %dma_wait3A = arith.constant 0 : i32
      %dma_wait3A_87 = arith.constant 0 : i32
      %dma_wait3A_88 = tpu.memref_slice %arg4[%add3A_11, %dma_wait3A, %dma_wait3A_87] : memref<96x53x128xi32, #tpu.memory_space<hbm>> -> memref<1x53x128xi32, #tpu.memory_space<hbm>>
      %dma_wait3A_89 = tpu.memref_squeeze %dma_wait3A_88 : memref<1x53x128xi32, #tpu.memory_space<hbm>> -> memref<53x128xi32, #tpu.memory_space<hbm>>
      %dma_wait3A_90 = arith.constant 0 : i32
      %dma_wait3A_91 = arith.constant 0 : i32
      %dma_wait3A_92 = tpu.memref_slice %arg4[%add3A_11, %dma_wait3A_90, %dma_wait3A_91] : memref<96x53x128xi32, #tpu.memory_space<hbm>> -> memref<1x53x128xi32, #tpu.memory_space<hbm>>
      %dma_wait3A_93 = tpu.memref_squeeze %dma_wait3A_92 : memref<1x53x128xi32, #tpu.memory_space<hbm>> -> memref<53x128xi32, #tpu.memory_space<hbm>>
      tpu.wait_dma2 semaphore(%run_scoped3A : memref<!tpu.dma_semaphore, #tpu.memory_space<semaphore_mem>>) src(%dma_wait3A_93 : memref<53x128xi32, #tpu.memory_space<hbm>>) dst(%arg7 : memref<53x128xi32, #tpu.memory_space<vmem>>)
      tpu.yield
    }) : () -> ()
    %mul3A_12 = arith.constant 16 : i32
    %mul3A_13 = arith.muli %add3A_1, %mul3A_12 : i32
    %add3A_14 = arith.addi %mul3A_13, %arg1 : i32
    "tpu.region"() ({
      %run_scoped3A = tpu.sem_alloc : memref<!tpu.dma_semaphore, #tpu.memory_space<semaphore_mem>>
      %dma_start3A = arith.constant 0 : i32
      %dma_start3A_80 = arith.constant 0 : i32
      %dma_start3A_81 = tpu.memref_slice %arg5[%add3A_14, %dma_start3A, %dma_start3A_80] : memref<96x53x128xi32, #tpu.memory_space<hbm>> -> memref<1x53x128xi32, #tpu.memory_space<hbm>>
      %dma_start3A_82 = tpu.memref_squeeze %dma_start3A_81 : memref<1x53x128xi32, #tpu.memory_space<hbm>> -> memref<53x128xi32, #tpu.memory_space<hbm>>
      %dma_start3A_83 = arith.constant 0 : i32
      %dma_start3A_84 = arith.constant 0 : i32
      %dma_start3A_85 = tpu.memref_slice %arg5[%add3A_14, %dma_start3A_83, %dma_start3A_84] : memref<96x53x128xi32, #tpu.memory_space<hbm>> -> memref<1x53x128xi32, #tpu.memory_space<hbm>>
      %dma_start3A_86 = tpu.memref_squeeze %dma_start3A_85 : memref<1x53x128xi32, #tpu.memory_space<hbm>> -> memref<53x128xi32, #tpu.memory_space<hbm>>
      tpu.enqueue_dma source(%dma_start3A_86 : memref<53x128xi32, #tpu.memory_space<hbm>>) target(%arg8 : memref<53x128xi32, #tpu.memory_space<vmem>>) target_semaphore(%run_scoped3A : memref<!tpu.dma_semaphore, #tpu.memory_space<semaphore_mem>>)
      %dma_wait3A = arith.constant 0 : i32
      %dma_wait3A_87 = arith.constant 0 : i32
      %dma_wait3A_88 = tpu.memref_slice %arg5[%add3A_14, %dma_wait3A, %dma_wait3A_87] : memref<96x53x128xi32, #tpu.memory_space<hbm>> -> memref<1x53x128xi32, #tpu.memory_space<hbm>>
      %dma_wait3A_89 = tpu.memref_squeeze %dma_wait3A_88 : memref<1x53x128xi32, #tpu.memory_space<hbm>> -> memref<53x128xi32, #tpu.memory_space<hbm>>
      %dma_wait3A_90 = arith.constant 0 : i32
      %dma_wait3A_91 = arith.constant 0 : i32
      %dma_wait3A_92 = tpu.memref_slice %arg5[%add3A_14, %dma_wait3A_90, %dma_wait3A_91] : memref<96x53x128xi32, #tpu.memory_space<hbm>> -> memref<1x53x128xi32, #tpu.memory_space<hbm>>
      %dma_wait3A_93 = tpu.memref_squeeze %dma_wait3A_92 : memref<1x53x128xi32, #tpu.memory_space<hbm>> -> memref<53x128xi32, #tpu.memory_space<hbm>>
      tpu.wait_dma2 semaphore(%run_scoped3A : memref<!tpu.dma_semaphore, #tpu.memory_space<semaphore_mem>>) src(%dma_wait3A_93 : memref<53x128xi32, #tpu.memory_space<hbm>>) dst(%arg8 : memref<53x128xi32, #tpu.memory_space<vmem>>)
      tpu.yield
    }) : () -> ()
    %barrier3A = arith.constant 0 : index
    tpu.barrier barrier_id(%barrier3A)
    %scan3A = arith.constant 0 : i32
    %scan3A_15 = arith.constant 0 : i32
    %scan3A_16 = arith.constant 53 : i32
    %scan3A_17 = arith.addi %scan3A_15, %scan3A_16 : i32
    %scan3A_18 = arith.constant 1 : i32
    scf.for %scan3A_80 = %scan3A_15 to %scan3A_17 step %scan3A_18  : i32 {
      %dma_start3A = arith.constant 0 : i32
      %dma_start3A_81 = tpu.memref_slice %arg8[%scan3A_80, %dma_start3A] : memref<53x128xi32, #tpu.memory_space<vmem>> -> memref<1x128xi32, #tpu.memory_space<vmem>>
      %dma_start3A_82 = tpu.memref_squeeze %dma_start3A_81 : memref<1x128xi32, #tpu.memory_space<vmem>> -> memref<128xi32, #tpu.memory_space<vmem>>
      %dma_start3A_83 = arith.constant 0 : i32
      %dma_start3A_84 = arith.constant 0 : i32
      %dma_start3A_85 = tpu.memref_slice %arg3[%dma_start3A_83, %dma_start3A_84] : memref<709632x128xf32, #tpu.memory_space<hbm>> -> memref<709632x128xf32, #tpu.memory_space<hbm>>
      tpu.enqueue_indirect_dma source(%dma_start3A_85 : memref<709632x128xf32, #tpu.memory_space<hbm>>) target(%arg9 : memref<128x128xf32, #tpu.memory_space<vmem>>) offsets(%dma_start3A_82 : memref<128xi32, #tpu.memory_space<vmem>>) semaphore(%arg10 : memref<!tpu.dma_semaphore, #tpu.memory_space<semaphore_mem>>)
      %dma_wait3A = arith.constant 0 : i32
      %dma_wait3A_86 = tpu.memref_slice %arg8[%scan3A_80, %dma_wait3A] : memref<53x128xi32, #tpu.memory_space<vmem>> -> memref<1x128xi32, #tpu.memory_space<vmem>>
      %dma_wait3A_87 = tpu.memref_squeeze %dma_wait3A_86 : memref<1x128xi32, #tpu.memory_space<vmem>> -> memref<128xi32, #tpu.memory_space<vmem>>
      %dma_wait3A_88 = arith.constant 0 : i32
      %dma_wait3A_89 = arith.constant 0 : i32
      %dma_wait3A_90 = tpu.memref_slice %arg3[%dma_wait3A_88, %dma_wait3A_89] : memref<709632x128xf32, #tpu.memory_space<hbm>> -> memref<709632x128xf32, #tpu.memory_space<hbm>>
      tpu.wait_indirect_dma semaphore(%arg10 : memref<!tpu.dma_semaphore, #tpu.memory_space<semaphore_mem>>) src(%dma_wait3A_90 : memref<709632x128xf32, #tpu.memory_space<hbm>>) dst(%arg9 : memref<128x128xf32, #tpu.memory_space<vmem>>)
      "tpu.region"() ({
        %run_scoped3A = tpu.sem_alloc : memref<!tpu.dma_semaphore, #tpu.memory_space<semaphore_mem>>
        %dma_start3A_91 = arith.constant 0 : i32
        %dma_start3A_92 = tpu.memref_slice %arg7[%scan3A_80, %dma_start3A_91] : memref<53x128xi32, #tpu.memory_space<vmem>> -> memref<1x128xi32, #tpu.memory_space<vmem>>
        %dma_start3A_93 = tpu.memref_squeeze %dma_start3A_92 : memref<1x128xi32, #tpu.memory_space<vmem>> -> memref<128xi32, #tpu.memory_space<vmem>>
        %dma_start3A_94 = arith.constant 0 : i32
        %dma_start3A_95 = arith.constant 0 : i32
        %dma_start3A_96 = tpu.memref_slice %arg11[%dma_start3A_94, %dma_start3A_95] : memref<8464x128xf32, #tpu.memory_space<vmem_shared>> -> memref<8464x128xf32, #tpu.memory_space<vmem_shared>>
        tpu.enqueue_indirect_dma source(%arg9 : memref<128x128xf32, #tpu.memory_space<vmem>>) target(%dma_start3A_96 : memref<8464x128xf32, #tpu.memory_space<vmem_shared>>) offsets(%dma_start3A_93 : memref<128xi32, #tpu.memory_space<vmem>>) semaphore(%run_scoped3A : memref<!tpu.dma_semaphore, #tpu.memory_space<semaphore_mem>>) {add = true}
        %dma_wait3A_97 = arith.constant 0 : i32
        %dma_wait3A_98 = tpu.memref_slice %arg7[%scan3A_80, %dma_wait3A_97] : memref<53x128xi32, #tpu.memory_space<vmem>> -> memref<1x128xi32, #tpu.memory_space<vmem>>
        %dma_wait3A_99 = tpu.memref_squeeze %dma_wait3A_98 : memref<1x128xi32, #tpu.memory_space<vmem>> -> memref<128xi32, #tpu.memory_space<vmem>>
        %dma_wait3A_100 = arith.constant 0 : i32
        %dma_wait3A_101 = arith.constant 0 : i32
        %dma_wait3A_102 = tpu.memref_slice %arg11[%dma_wait3A_100, %dma_wait3A_101] : memref<8464x128xf32, #tpu.memory_space<vmem_shared>> -> memref<8464x128xf32, #tpu.memory_space<vmem_shared>>
        tpu.wait_indirect_dma semaphore(%run_scoped3A : memref<!tpu.dma_semaphore, #tpu.memory_space<semaphore_mem>>) src(%arg9 : memref<128x128xf32, #tpu.memory_space<vmem>>) dst(%dma_wait3A_102 : memref<8464x128xf32, #tpu.memory_space<vmem_shared>>)
        tpu.yield
      }) : () -> ()
    }
    %scan3A_19 = arith.constant 53 : i32
    %barrier3A_20 = arith.constant 0 : index
    tpu.barrier barrier_id(%barrier3A_20)
    %mul3A_21 = arith.constant 528 : i32
    %mul3A_22 = arith.muli %arg1, %mul3A_21 : i32
    "tpu.region"() ({
      %run_scoped3A = tpu.sem_alloc : memref<!tpu.dma_semaphore, #tpu.memory_space<semaphore_mem>>
      %dma_start3A = arith.constant 0 : i32
      %dma_start3A_80 = tpu.memref_slice %arg6[%add3A_6, %dma_start3A] : memref<50688x128xf32, #tpu.memory_space<hbm>> -> memref<528x128xf32, #tpu.memory_space<hbm>>
      %dma_start3A_81 = arith.constant 0 : i32
      %dma_start3A_82 = tpu.memref_slice %arg11[%mul3A_22, %dma_start3A_81] : memref<8464x128xf32, #tpu.memory_space<vmem_shared>> -> memref<528x128xf32, #tpu.memory_space<vmem_shared>>
      tpu.enqueue_dma source(%dma_start3A_82 : memref<528x128xf32, #tpu.memory_space<vmem_shared>>) target(%dma_start3A_80 : memref<528x128xf32, #tpu.memory_space<hbm>>) target_semaphore(%run_scoped3A : memref<!tpu.dma_semaphore, #tpu.memory_space<semaphore_mem>>)
      %dma_wait3A = arith.constant 0 : i32
      %dma_wait3A_83 = tpu.memref_slice %arg6[%add3A_6, %dma_wait3A] : memref<50688x128xf32, #tpu.memory_space<hbm>> -> memref<528x128xf32, #tpu.memory_space<hbm>>
      %dma_wait3A_84 = arith.constant 0 : i32
      %dma_wait3A_85 = tpu.memref_slice %arg11[%mul3A_22, %dma_wait3A_84] : memref<8464x128xf32, #tpu.memory_space<vmem_shared>> -> memref<528x128xf32, #tpu.memory_space<vmem_shared>>
      tpu.wait_dma2 semaphore(%run_scoped3A : memref<!tpu.dma_semaphore, #tpu.memory_space<semaphore_mem>>) src(%dma_wait3A_85 : memref<528x128xf32, #tpu.memory_space<vmem_shared>>) dst(%dma_wait3A_83 : memref<528x128xf32, #tpu.memory_space<hbm>>)
      tpu.yield
    }) : () -> ()
    %barrier3A_23 = arith.constant 0 : index
    tpu.barrier barrier_id(%barrier3A_23)
    %mul3A_24 = arith.constant 3 : i32
    %mul3A_25 = arith.muli %arg0, %mul3A_24 : i32
    %add3A_26 = arith.constant 1 : i32
    %add3A_27 = arith.addi %mul3A_25, %add3A_26 : i32
    %mul3A_28 = arith.constant 8448 : i32
    %mul3A_29 = arith.muli %add3A_27, %mul3A_28 : i32
    %mul3A_30 = arith.constant 528 : i32
    %mul3A_31 = arith.muli %arg1, %mul3A_30 : i32
    %add3A_32 = arith.addi %mul3A_29, %mul3A_31 : i32
    %mul3A_33 = arith.constant 528 : i32
    %mul3A_34 = arith.muli %arg1, %mul3A_33 : i32
    "tpu.region"() ({
      %run_scoped3A = tpu.sem_alloc : memref<!tpu.dma_semaphore, #tpu.memory_space<semaphore_mem>>
      %dma_start3A = arith.constant 0 : i32
      %dma_start3A_80 = tpu.memref_slice %arg11[%mul3A_34, %dma_start3A] : memref<8464x128xf32, #tpu.memory_space<vmem_shared>> -> memref<528x128xf32, #tpu.memory_space<vmem_shared>>
      %dma_start3A_81 = arith.constant 0 : i32
      %dma_start3A_82 = tpu.memref_slice %arg2[%add3A_32, %dma_start3A_81] : memref<50688x128xf32, #tpu.memory_space<hbm>> -> memref<528x128xf32, #tpu.memory_space<hbm>>
      tpu.enqueue_dma source(%dma_start3A_82 : memref<528x128xf32, #tpu.memory_space<hbm>>) target(%dma_start3A_80 : memref<528x128xf32, #tpu.memory_space<vmem_shared>>) target_semaphore(%run_scoped3A : memref<!tpu.dma_semaphore, #tpu.memory_space<semaphore_mem>>)
      %dma_wait3A = arith.constant 0 : i32
      %dma_wait3A_83 = tpu.memref_slice %arg11[%mul3A_34, %dma_wait3A] : memref<8464x128xf32, #tpu.memory_space<vmem_shared>> -> memref<528x128xf32, #tpu.memory_space<vmem_shared>>
      %dma_wait3A_84 = arith.constant 0 : i32
      %dma_wait3A_85 = tpu.memref_slice %arg2[%add3A_32, %dma_wait3A_84] : memref<50688x128xf32, #tpu.memory_space<hbm>> -> memref<528x128xf32, #tpu.memory_space<hbm>>
      tpu.wait_dma2 semaphore(%run_scoped3A : memref<!tpu.dma_semaphore, #tpu.memory_space<semaphore_mem>>) src(%dma_wait3A_85 : memref<528x128xf32, #tpu.memory_space<hbm>>) dst(%dma_wait3A_83 : memref<528x128xf32, #tpu.memory_space<vmem_shared>>)
      tpu.yield
    }) : () -> ()
    %mul3A_35 = arith.constant 16 : i32
    %mul3A_36 = arith.muli %add3A_27, %mul3A_35 : i32
    %add3A_37 = arith.addi %mul3A_36, %arg1 : i32
    "tpu.region"() ({
      %run_scoped3A = tpu.sem_alloc : memref<!tpu.dma_semaphore, #tpu.memory_space<semaphore_mem>>
      %dma_start3A = arith.constant 0 : i32
      %dma_start3A_80 = arith.constant 0 : i32
      %dma_start3A_81 = tpu.memref_slice %arg4[%add3A_37, %dma_start3A, %dma_start3A_80] : memref<96x53x128xi32, #tpu.memory_space<hbm>> -> memref<1x53x128xi32, #tpu.memory_space<hbm>>
      %dma_start3A_82 = tpu.memref_squeeze %dma_start3A_81 : memref<1x53x128xi32, #tpu.memory_space<hbm>> -> memref<53x128xi32, #tpu.memory_space<hbm>>
      %dma_start3A_83 = arith.constant 0 : i32
      %dma_start3A_84 = arith.constant 0 : i32
      %dma_start3A_85 = tpu.memref_slice %arg4[%add3A_37, %dma_start3A_83, %dma_start3A_84] : memref<96x53x128xi32, #tpu.memory_space<hbm>> -> memref<1x53x128xi32, #tpu.memory_space<hbm>>
      %dma_start3A_86 = tpu.memref_squeeze %dma_start3A_85 : memref<1x53x128xi32, #tpu.memory_space<hbm>> -> memref<53x128xi32, #tpu.memory_space<hbm>>
      tpu.enqueue_dma source(%dma_start3A_86 : memref<53x128xi32, #tpu.memory_space<hbm>>) target(%arg7 : memref<53x128xi32, #tpu.memory_space<vmem>>) target_semaphore(%run_scoped3A : memref<!tpu.dma_semaphore, #tpu.memory_space<semaphore_mem>>)
      %dma_wait3A = arith.constant 0 : i32
      %dma_wait3A_87 = arith.constant 0 : i32
      %dma_wait3A_88 = tpu.memref_slice %arg4[%add3A_37, %dma_wait3A, %dma_wait3A_87] : memref<96x53x128xi32, #tpu.memory_space<hbm>> -> memref<1x53x128xi32, #tpu.memory_space<hbm>>
      %dma_wait3A_89 = tpu.memref_squeeze %dma_wait3A_88 : memref<1x53x128xi32, #tpu.memory_space<hbm>> -> memref<53x128xi32, #tpu.memory_space<hbm>>
      %dma_wait3A_90 = arith.constant 0 : i32
      %dma_wait3A_91 = arith.constant 0 : i32
      %dma_wait3A_92 = tpu.memref_slice %arg4[%add3A_37, %dma_wait3A_90, %dma_wait3A_91] : memref<96x53x128xi32, #tpu.memory_space<hbm>> -> memref<1x53x128xi32, #tpu.memory_space<hbm>>
      %dma_wait3A_93 = tpu.memref_squeeze %dma_wait3A_92 : memref<1x53x128xi32, #tpu.memory_space<hbm>> -> memref<53x128xi32, #tpu.memory_space<hbm>>
      tpu.wait_dma2 semaphore(%run_scoped3A : memref<!tpu.dma_semaphore, #tpu.memory_space<semaphore_mem>>) src(%dma_wait3A_93 : memref<53x128xi32, #tpu.memory_space<hbm>>) dst(%arg7 : memref<53x128xi32, #tpu.memory_space<vmem>>)
      tpu.yield
    }) : () -> ()
    %mul3A_38 = arith.constant 16 : i32
    %mul3A_39 = arith.muli %add3A_27, %mul3A_38 : i32
    %add3A_40 = arith.addi %mul3A_39, %arg1 : i32
    "tpu.region"() ({
      %run_scoped3A = tpu.sem_alloc : memref<!tpu.dma_semaphore, #tpu.memory_space<semaphore_mem>>
      %dma_start3A = arith.constant 0 : i32
      %dma_start3A_80 = arith.constant 0 : i32
      %dma_start3A_81 = tpu.memref_slice %arg5[%add3A_40, %dma_start3A, %dma_start3A_80] : memref<96x53x128xi32, #tpu.memory_space<hbm>> -> memref<1x53x128xi32, #tpu.memory_space<hbm>>
      %dma_start3A_82 = tpu.memref_squeeze %dma_start3A_81 : memref<1x53x128xi32, #tpu.memory_space<hbm>> -> memref<53x128xi32, #tpu.memory_space<hbm>>
      %dma_start3A_83 = arith.constant 0 : i32
      %dma_start3A_84 = arith.constant 0 : i32
      %dma_start3A_85 = tpu.memref_slice %arg5[%add3A_40, %dma_start3A_83, %dma_start3A_84] : memref<96x53x128xi32, #tpu.memory_space<hbm>> -> memref<1x53x128xi32, #tpu.memory_space<hbm>>
      %dma_start3A_86 = tpu.memref_squeeze %dma_start3A_85 : memref<1x53x128xi32, #tpu.memory_space<hbm>> -> memref<53x128xi32, #tpu.memory_space<hbm>>
      tpu.enqueue_dma source(%dma_start3A_86 : memref<53x128xi32, #tpu.memory_space<hbm>>) target(%arg8 : memref<53x128xi32, #tpu.memory_space<vmem>>) target_semaphore(%run_scoped3A : memref<!tpu.dma_semaphore, #tpu.memory_space<semaphore_mem>>)
      %dma_wait3A = arith.constant 0 : i32
      %dma_wait3A_87 = arith.constant 0 : i32
      %dma_wait3A_88 = tpu.memref_slice %arg5[%add3A_40, %dma_wait3A, %dma_wait3A_87] : memref<96x53x128xi32, #tpu.memory_space<hbm>> -> memref<1x53x128xi32, #tpu.memory_space<hbm>>
      %dma_wait3A_89 = tpu.memref_squeeze %dma_wait3A_88 : memref<1x53x128xi32, #tpu.memory_space<hbm>> -> memref<53x128xi32, #tpu.memory_space<hbm>>
      %dma_wait3A_90 = arith.constant 0 : i32
      %dma_wait3A_91 = arith.constant 0 : i32
      %dma_wait3A_92 = tpu.memref_slice %arg5[%add3A_40, %dma_wait3A_90, %dma_wait3A_91] : memref<96x53x128xi32, #tpu.memory_space<hbm>> -> memref<1x53x128xi32, #tpu.memory_space<hbm>>
      %dma_wait3A_93 = tpu.memref_squeeze %dma_wait3A_92 : memref<1x53x128xi32, #tpu.memory_space<hbm>> -> memref<53x128xi32, #tpu.memory_space<hbm>>
      tpu.wait_dma2 semaphore(%run_scoped3A : memref<!tpu.dma_semaphore, #tpu.memory_space<semaphore_mem>>) src(%dma_wait3A_93 : memref<53x128xi32, #tpu.memory_space<hbm>>) dst(%arg8 : memref<53x128xi32, #tpu.memory_space<vmem>>)
      tpu.yield
    }) : () -> ()
    %barrier3A_41 = arith.constant 0 : index
    tpu.barrier barrier_id(%barrier3A_41)
    %scan3A_42 = arith.constant 0 : i32
    %scan3A_43 = arith.constant 0 : i32
    %scan3A_44 = arith.constant 53 : i32
    %scan3A_45 = arith.addi %scan3A_43, %scan3A_44 : i32
    %scan3A_46 = arith.constant 1 : i32
    scf.for %scan3A_80 = %scan3A_43 to %scan3A_45 step %scan3A_46  : i32 {
      %dma_start3A = arith.constant 0 : i32
      %dma_start3A_81 = tpu.memref_slice %arg8[%scan3A_80, %dma_start3A] : memref<53x128xi32, #tpu.memory_space<vmem>> -> memref<1x128xi32, #tpu.memory_space<vmem>>
      %dma_start3A_82 = tpu.memref_squeeze %dma_start3A_81 : memref<1x128xi32, #tpu.memory_space<vmem>> -> memref<128xi32, #tpu.memory_space<vmem>>
      %dma_start3A_83 = arith.constant 0 : i32
      %dma_start3A_84 = arith.constant 0 : i32
      %dma_start3A_85 = tpu.memref_slice %arg3[%dma_start3A_83, %dma_start3A_84] : memref<709632x128xf32, #tpu.memory_space<hbm>> -> memref<709632x128xf32, #tpu.memory_space<hbm>>
      tpu.enqueue_indirect_dma source(%dma_start3A_85 : memref<709632x128xf32, #tpu.memory_space<hbm>>) target(%arg9 : memref<128x128xf32, #tpu.memory_space<vmem>>) offsets(%dma_start3A_82 : memref<128xi32, #tpu.memory_space<vmem>>) semaphore(%arg10 : memref<!tpu.dma_semaphore, #tpu.memory_space<semaphore_mem>>)
      %dma_wait3A = arith.constant 0 : i32
      %dma_wait3A_86 = tpu.memref_slice %arg8[%scan3A_80, %dma_wait3A] : memref<53x128xi32, #tpu.memory_space<vmem>> -> memref<1x128xi32, #tpu.memory_space<vmem>>
      %dma_wait3A_87 = tpu.memref_squeeze %dma_wait3A_86 : memref<1x128xi32, #tpu.memory_space<vmem>> -> memref<128xi32, #tpu.memory_space<vmem>>
      %dma_wait3A_88 = arith.constant 0 : i32
      %dma_wait3A_89 = arith.constant 0 : i32
      %dma_wait3A_90 = tpu.memref_slice %arg3[%dma_wait3A_88, %dma_wait3A_89] : memref<709632x128xf32, #tpu.memory_space<hbm>> -> memref<709632x128xf32, #tpu.memory_space<hbm>>
      tpu.wait_indirect_dma semaphore(%arg10 : memref<!tpu.dma_semaphore, #tpu.memory_space<semaphore_mem>>) src(%dma_wait3A_90 : memref<709632x128xf32, #tpu.memory_space<hbm>>) dst(%arg9 : memref<128x128xf32, #tpu.memory_space<vmem>>)
      "tpu.region"() ({
        %run_scoped3A = tpu.sem_alloc : memref<!tpu.dma_semaphore, #tpu.memory_space<semaphore_mem>>
        %dma_start3A_91 = arith.constant 0 : i32
        %dma_start3A_92 = tpu.memref_slice %arg7[%scan3A_80, %dma_start3A_91] : memref<53x128xi32, #tpu.memory_space<vmem>> -> memref<1x128xi32, #tpu.memory_space<vmem>>
        %dma_start3A_93 = tpu.memref_squeeze %dma_start3A_92 : memref<1x128xi32, #tpu.memory_space<vmem>> -> memref<128xi32, #tpu.memory_space<vmem>>
        %dma_start3A_94 = arith.constant 0 : i32
        %dma_start3A_95 = arith.constant 0 : i32
        %dma_start3A_96 = tpu.memref_slice %arg11[%dma_start3A_94, %dma_start3A_95] : memref<8464x128xf32, #tpu.memory_space<vmem_shared>> -> memref<8464x128xf32, #tpu.memory_space<vmem_shared>>
        tpu.enqueue_indirect_dma source(%arg9 : memref<128x128xf32, #tpu.memory_space<vmem>>) target(%dma_start3A_96 : memref<8464x128xf32, #tpu.memory_space<vmem_shared>>) offsets(%dma_start3A_93 : memref<128xi32, #tpu.memory_space<vmem>>) semaphore(%run_scoped3A : memref<!tpu.dma_semaphore, #tpu.memory_space<semaphore_mem>>) {add = true}
        %dma_wait3A_97 = arith.constant 0 : i32
        %dma_wait3A_98 = tpu.memref_slice %arg7[%scan3A_80, %dma_wait3A_97] : memref<53x128xi32, #tpu.memory_space<vmem>> -> memref<1x128xi32, #tpu.memory_space<vmem>>
        %dma_wait3A_99 = tpu.memref_squeeze %dma_wait3A_98 : memref<1x128xi32, #tpu.memory_space<vmem>> -> memref<128xi32, #tpu.memory_space<vmem>>
        %dma_wait3A_100 = arith.constant 0 : i32
        %dma_wait3A_101 = arith.constant 0 : i32
        %dma_wait3A_102 = tpu.memref_slice %arg11[%dma_wait3A_100, %dma_wait3A_101] : memref<8464x128xf32, #tpu.memory_space<vmem_shared>> -> memref<8464x128xf32, #tpu.memory_space<vmem_shared>>
        tpu.wait_indirect_dma semaphore(%run_scoped3A : memref<!tpu.dma_semaphore, #tpu.memory_space<semaphore_mem>>) src(%arg9 : memref<128x128xf32, #tpu.memory_space<vmem>>) dst(%dma_wait3A_102 : memref<8464x128xf32, #tpu.memory_space<vmem_shared>>)
        tpu.yield
      }) : () -> ()
    }
    %scan3A_47 = arith.constant 53 : i32
    %barrier3A_48 = arith.constant 0 : index
    tpu.barrier barrier_id(%barrier3A_48)
    %mul3A_49 = arith.constant 528 : i32
    %mul3A_50 = arith.muli %arg1, %mul3A_49 : i32
    "tpu.region"() ({
      %run_scoped3A = tpu.sem_alloc : memref<!tpu.dma_semaphore, #tpu.memory_space<semaphore_mem>>
      %dma_start3A = arith.constant 0 : i32
      %dma_start3A_80 = tpu.memref_slice %arg6[%add3A_32, %dma_start3A] : memref<50688x128xf32, #tpu.memory_space<hbm>> -> memref<528x128xf32, #tpu.memory_space<hbm>>
      %dma_start3A_81 = arith.constant 0 : i32
      %dma_start3A_82 = tpu.memref_slice %arg11[%mul3A_50, %dma_start3A_81] : memref<8464x128xf32, #tpu.memory_space<vmem_shared>> -> memref<528x128xf32, #tpu.memory_space<vmem_shared>>
      tpu.enqueue_dma source(%dma_start3A_82 : memref<528x128xf32, #tpu.memory_space<vmem_shared>>) target(%dma_start3A_80 : memref<528x128xf32, #tpu.memory_space<hbm>>) target_semaphore(%run_scoped3A : memref<!tpu.dma_semaphore, #tpu.memory_space<semaphore_mem>>)
      %dma_wait3A = arith.constant 0 : i32
      %dma_wait3A_83 = tpu.memref_slice %arg6[%add3A_32, %dma_wait3A] : memref<50688x128xf32, #tpu.memory_space<hbm>> -> memref<528x128xf32, #tpu.memory_space<hbm>>
      %dma_wait3A_84 = arith.constant 0 : i32
      %dma_wait3A_85 = tpu.memref_slice %arg11[%mul3A_50, %dma_wait3A_84] : memref<8464x128xf32, #tpu.memory_space<vmem_shared>> -> memref<528x128xf32, #tpu.memory_space<vmem_shared>>
      tpu.wait_dma2 semaphore(%run_scoped3A : memref<!tpu.dma_semaphore, #tpu.memory_space<semaphore_mem>>) src(%dma_wait3A_85 : memref<528x128xf32, #tpu.memory_space<vmem_shared>>) dst(%dma_wait3A_83 : memref<528x128xf32, #tpu.memory_space<hbm>>)
      tpu.yield
    }) : () -> ()
    %barrier3A_51 = arith.constant 0 : index
    tpu.barrier barrier_id(%barrier3A_51)
    %mul3A_52 = arith.constant 3 : i32
    %mul3A_53 = arith.muli %arg0, %mul3A_52 : i32
    %add3A_54 = arith.constant 2 : i32
    %add3A_55 = arith.addi %mul3A_53, %add3A_54 : i32
    %mul3A_56 = arith.constant 8448 : i32
    %mul3A_57 = arith.muli %add3A_55, %mul3A_56 : i32
    %mul3A_58 = arith.constant 528 : i32
    %mul3A_59 = arith.muli %arg1, %mul3A_58 : i32
    %add3A_60 = arith.addi %mul3A_57, %mul3A_59 : i32
    %mul3A_61 = arith.constant 528 : i32
    %mul3A_62 = arith.muli %arg1, %mul3A_61 : i32
    "tpu.region"() ({
      %run_scoped3A = tpu.sem_alloc : memref<!tpu.dma_semaphore, #tpu.memory_space<semaphore_mem>>
      %dma_start3A = arith.constant 0 : i32
      %dma_start3A_80 = tpu.memref_slice %arg11[%mul3A_62, %dma_start3A] : memref<8464x128xf32, #tpu.memory_space<vmem_shared>> -> memref<528x128xf32, #tpu.memory_space<vmem_shared>>
      %dma_start3A_81 = arith.constant 0 : i32
      %dma_start3A_82 = tpu.memref_slice %arg2[%add3A_60, %dma_start3A_81] : memref<50688x128xf32, #tpu.memory_space<hbm>> -> memref<528x128xf32, #tpu.memory_space<hbm>>
      tpu.enqueue_dma source(%dma_start3A_82 : memref<528x128xf32, #tpu.memory_space<hbm>>) target(%dma_start3A_80 : memref<528x128xf32, #tpu.memory_space<vmem_shared>>) target_semaphore(%run_scoped3A : memref<!tpu.dma_semaphore, #tpu.memory_space<semaphore_mem>>)
      %dma_wait3A = arith.constant 0 : i32
      %dma_wait3A_83 = tpu.memref_slice %arg11[%mul3A_62, %dma_wait3A] : memref<8464x128xf32, #tpu.memory_space<vmem_shared>> -> memref<528x128xf32, #tpu.memory_space<vmem_shared>>
      %dma_wait3A_84 = arith.constant 0 : i32
      %dma_wait3A_85 = tpu.memref_slice %arg2[%add3A_60, %dma_wait3A_84] : memref<50688x128xf32, #tpu.memory_space<hbm>> -> memref<528x128xf32, #tpu.memory_space<hbm>>
      tpu.wait_dma2 semaphore(%run_scoped3A : memref<!tpu.dma_semaphore, #tpu.memory_space<semaphore_mem>>) src(%dma_wait3A_85 : memref<528x128xf32, #tpu.memory_space<hbm>>) dst(%dma_wait3A_83 : memref<528x128xf32, #tpu.memory_space<vmem_shared>>)
      tpu.yield
    }) : () -> ()
    %mul3A_63 = arith.constant 16 : i32
    %mul3A_64 = arith.muli %add3A_55, %mul3A_63 : i32
    %add3A_65 = arith.addi %mul3A_64, %arg1 : i32
    "tpu.region"() ({
      %run_scoped3A = tpu.sem_alloc : memref<!tpu.dma_semaphore, #tpu.memory_space<semaphore_mem>>
      %dma_start3A = arith.constant 0 : i32
      %dma_start3A_80 = arith.constant 0 : i32
      %dma_start3A_81 = tpu.memref_slice %arg4[%add3A_65, %dma_start3A, %dma_start3A_80] : memref<96x53x128xi32, #tpu.memory_space<hbm>> -> memref<1x53x128xi32, #tpu.memory_space<hbm>>
      %dma_start3A_82 = tpu.memref_squeeze %dma_start3A_81 : memref<1x53x128xi32, #tpu.memory_space<hbm>> -> memref<53x128xi32, #tpu.memory_space<hbm>>
      %dma_start3A_83 = arith.constant 0 : i32
      %dma_start3A_84 = arith.constant 0 : i32
      %dma_start3A_85 = tpu.memref_slice %arg4[%add3A_65, %dma_start3A_83, %dma_start3A_84] : memref<96x53x128xi32, #tpu.memory_space<hbm>> -> memref<1x53x128xi32, #tpu.memory_space<hbm>>
      %dma_start3A_86 = tpu.memref_squeeze %dma_start3A_85 : memref<1x53x128xi32, #tpu.memory_space<hbm>> -> memref<53x128xi32, #tpu.memory_space<hbm>>
      tpu.enqueue_dma source(%dma_start3A_86 : memref<53x128xi32, #tpu.memory_space<hbm>>) target(%arg7 : memref<53x128xi32, #tpu.memory_space<vmem>>) target_semaphore(%run_scoped3A : memref<!tpu.dma_semaphore, #tpu.memory_space<semaphore_mem>>)
      %dma_wait3A = arith.constant 0 : i32
      %dma_wait3A_87 = arith.constant 0 : i32
      %dma_wait3A_88 = tpu.memref_slice %arg4[%add3A_65, %dma_wait3A, %dma_wait3A_87] : memref<96x53x128xi32, #tpu.memory_space<hbm>> -> memref<1x53x128xi32, #tpu.memory_space<hbm>>
      %dma_wait3A_89 = tpu.memref_squeeze %dma_wait3A_88 : memref<1x53x128xi32, #tpu.memory_space<hbm>> -> memref<53x128xi32, #tpu.memory_space<hbm>>
      %dma_wait3A_90 = arith.constant 0 : i32
      %dma_wait3A_91 = arith.constant 0 : i32
      %dma_wait3A_92 = tpu.memref_slice %arg4[%add3A_65, %dma_wait3A_90, %dma_wait3A_91] : memref<96x53x128xi32, #tpu.memory_space<hbm>> -> memref<1x53x128xi32, #tpu.memory_space<hbm>>
      %dma_wait3A_93 = tpu.memref_squeeze %dma_wait3A_92 : memref<1x53x128xi32, #tpu.memory_space<hbm>> -> memref<53x128xi32, #tpu.memory_space<hbm>>
      tpu.wait_dma2 semaphore(%run_scoped3A : memref<!tpu.dma_semaphore, #tpu.memory_space<semaphore_mem>>) src(%dma_wait3A_93 : memref<53x128xi32, #tpu.memory_space<hbm>>) dst(%arg7 : memref<53x128xi32, #tpu.memory_space<vmem>>)
      tpu.yield
    }) : () -> ()
    %mul3A_66 = arith.constant 16 : i32
    %mul3A_67 = arith.muli %add3A_55, %mul3A_66 : i32
    %add3A_68 = arith.addi %mul3A_67, %arg1 : i32
    "tpu.region"() ({
      %run_scoped3A = tpu.sem_alloc : memref<!tpu.dma_semaphore, #tpu.memory_space<semaphore_mem>>
      %dma_start3A = arith.constant 0 : i32
      %dma_start3A_80 = arith.constant 0 : i32
      %dma_start3A_81 = tpu.memref_slice %arg5[%add3A_68, %dma_start3A, %dma_start3A_80] : memref<96x53x128xi32, #tpu.memory_space<hbm>> -> memref<1x53x128xi32, #tpu.memory_space<hbm>>
      %dma_start3A_82 = tpu.memref_squeeze %dma_start3A_81 : memref<1x53x128xi32, #tpu.memory_space<hbm>> -> memref<53x128xi32, #tpu.memory_space<hbm>>
      %dma_start3A_83 = arith.constant 0 : i32
      %dma_start3A_84 = arith.constant 0 : i32
      %dma_start3A_85 = tpu.memref_slice %arg5[%add3A_68, %dma_start3A_83, %dma_start3A_84] : memref<96x53x128xi32, #tpu.memory_space<hbm>> -> memref<1x53x128xi32, #tpu.memory_space<hbm>>
      %dma_start3A_86 = tpu.memref_squeeze %dma_start3A_85 : memref<1x53x128xi32, #tpu.memory_space<hbm>> -> memref<53x128xi32, #tpu.memory_space<hbm>>
      tpu.enqueue_dma source(%dma_start3A_86 : memref<53x128xi32, #tpu.memory_space<hbm>>) target(%arg8 : memref<53x128xi32, #tpu.memory_space<vmem>>) target_semaphore(%run_scoped3A : memref<!tpu.dma_semaphore, #tpu.memory_space<semaphore_mem>>)
      %dma_wait3A = arith.constant 0 : i32
      %dma_wait3A_87 = arith.constant 0 : i32
      %dma_wait3A_88 = tpu.memref_slice %arg5[%add3A_68, %dma_wait3A, %dma_wait3A_87] : memref<96x53x128xi32, #tpu.memory_space<hbm>> -> memref<1x53x128xi32, #tpu.memory_space<hbm>>
      %dma_wait3A_89 = tpu.memref_squeeze %dma_wait3A_88 : memref<1x53x128xi32, #tpu.memory_space<hbm>> -> memref<53x128xi32, #tpu.memory_space<hbm>>
      %dma_wait3A_90 = arith.constant 0 : i32
      %dma_wait3A_91 = arith.constant 0 : i32
      %dma_wait3A_92 = tpu.memref_slice %arg5[%add3A_68, %dma_wait3A_90, %dma_wait3A_91] : memref<96x53x128xi32, #tpu.memory_space<hbm>> -> memref<1x53x128xi32, #tpu.memory_space<hbm>>
      %dma_wait3A_93 = tpu.memref_squeeze %dma_wait3A_92 : memref<1x53x128xi32, #tpu.memory_space<hbm>> -> memref<53x128xi32, #tpu.memory_space<hbm>>
      tpu.wait_dma2 semaphore(%run_scoped3A : memref<!tpu.dma_semaphore, #tpu.memory_space<semaphore_mem>>) src(%dma_wait3A_93 : memref<53x128xi32, #tpu.memory_space<hbm>>) dst(%arg8 : memref<53x128xi32, #tpu.memory_space<vmem>>)
      tpu.yield
    }) : () -> ()
    %barrier3A_69 = arith.constant 0 : index
    tpu.barrier barrier_id(%barrier3A_69)
    %scan3A_70 = arith.constant 0 : i32
    %scan3A_71 = arith.constant 0 : i32
    %scan3A_72 = arith.constant 53 : i32
    %scan3A_73 = arith.addi %scan3A_71, %scan3A_72 : i32
    %scan3A_74 = arith.constant 1 : i32
    scf.for %scan3A_80 = %scan3A_71 to %scan3A_73 step %scan3A_74  : i32 {
      %dma_start3A = arith.constant 0 : i32
      %dma_start3A_81 = tpu.memref_slice %arg8[%scan3A_80, %dma_start3A] : memref<53x128xi32, #tpu.memory_space<vmem>> -> memref<1x128xi32, #tpu.memory_space<vmem>>
      %dma_start3A_82 = tpu.memref_squeeze %dma_start3A_81 : memref<1x128xi32, #tpu.memory_space<vmem>> -> memref<128xi32, #tpu.memory_space<vmem>>
      %dma_start3A_83 = arith.constant 0 : i32
      %dma_start3A_84 = arith.constant 0 : i32
      %dma_start3A_85 = tpu.memref_slice %arg3[%dma_start3A_83, %dma_start3A_84] : memref<709632x128xf32, #tpu.memory_space<hbm>> -> memref<709632x128xf32, #tpu.memory_space<hbm>>
      tpu.enqueue_indirect_dma source(%dma_start3A_85 : memref<709632x128xf32, #tpu.memory_space<hbm>>) target(%arg9 : memref<128x128xf32, #tpu.memory_space<vmem>>) offsets(%dma_start3A_82 : memref<128xi32, #tpu.memory_space<vmem>>) semaphore(%arg10 : memref<!tpu.dma_semaphore, #tpu.memory_space<semaphore_mem>>)
      %dma_wait3A = arith.constant 0 : i32
      %dma_wait3A_86 = tpu.memref_slice %arg8[%scan3A_80, %dma_wait3A] : memref<53x128xi32, #tpu.memory_space<vmem>> -> memref<1x128xi32, #tpu.memory_space<vmem>>
      %dma_wait3A_87 = tpu.memref_squeeze %dma_wait3A_86 : memref<1x128xi32, #tpu.memory_space<vmem>> -> memref<128xi32, #tpu.memory_space<vmem>>
      %dma_wait3A_88 = arith.constant 0 : i32
      %dma_wait3A_89 = arith.constant 0 : i32
      %dma_wait3A_90 = tpu.memref_slice %arg3[%dma_wait3A_88, %dma_wait3A_89] : memref<709632x128xf32, #tpu.memory_space<hbm>> -> memref<709632x128xf32, #tpu.memory_space<hbm>>
      tpu.wait_indirect_dma semaphore(%arg10 : memref<!tpu.dma_semaphore, #tpu.memory_space<semaphore_mem>>) src(%dma_wait3A_90 : memref<709632x128xf32, #tpu.memory_space<hbm>>) dst(%arg9 : memref<128x128xf32, #tpu.memory_space<vmem>>)
      "tpu.region"() ({
        %run_scoped3A = tpu.sem_alloc : memref<!tpu.dma_semaphore, #tpu.memory_space<semaphore_mem>>
        %dma_start3A_91 = arith.constant 0 : i32
        %dma_start3A_92 = tpu.memref_slice %arg7[%scan3A_80, %dma_start3A_91] : memref<53x128xi32, #tpu.memory_space<vmem>> -> memref<1x128xi32, #tpu.memory_space<vmem>>
        %dma_start3A_93 = tpu.memref_squeeze %dma_start3A_92 : memref<1x128xi32, #tpu.memory_space<vmem>> -> memref<128xi32, #tpu.memory_space<vmem>>
        %dma_start3A_94 = arith.constant 0 : i32
        %dma_start3A_95 = arith.constant 0 : i32
        %dma_start3A_96 = tpu.memref_slice %arg11[%dma_start3A_94, %dma_start3A_95] : memref<8464x128xf32, #tpu.memory_space<vmem_shared>> -> memref<8464x128xf32, #tpu.memory_space<vmem_shared>>
        tpu.enqueue_indirect_dma source(%arg9 : memref<128x128xf32, #tpu.memory_space<vmem>>) target(%dma_start3A_96 : memref<8464x128xf32, #tpu.memory_space<vmem_shared>>) offsets(%dma_start3A_93 : memref<128xi32, #tpu.memory_space<vmem>>) semaphore(%run_scoped3A : memref<!tpu.dma_semaphore, #tpu.memory_space<semaphore_mem>>) {add = true}
        %dma_wait3A_97 = arith.constant 0 : i32
        %dma_wait3A_98 = tpu.memref_slice %arg7[%scan3A_80, %dma_wait3A_97] : memref<53x128xi32, #tpu.memory_space<vmem>> -> memref<1x128xi32, #tpu.memory_space<vmem>>
        %dma_wait3A_99 = tpu.memref_squeeze %dma_wait3A_98 : memref<1x128xi32, #tpu.memory_space<vmem>> -> memref<128xi32, #tpu.memory_space<vmem>>
        %dma_wait3A_100 = arith.constant 0 : i32
        %dma_wait3A_101 = arith.constant 0 : i32
        %dma_wait3A_102 = tpu.memref_slice %arg11[%dma_wait3A_100, %dma_wait3A_101] : memref<8464x128xf32, #tpu.memory_space<vmem_shared>> -> memref<8464x128xf32, #tpu.memory_space<vmem_shared>>
        tpu.wait_indirect_dma semaphore(%run_scoped3A : memref<!tpu.dma_semaphore, #tpu.memory_space<semaphore_mem>>) src(%arg9 : memref<128x128xf32, #tpu.memory_space<vmem>>) dst(%dma_wait3A_102 : memref<8464x128xf32, #tpu.memory_space<vmem_shared>>)
        tpu.yield
      }) : () -> ()
    }
    %scan3A_75 = arith.constant 53 : i32
    %barrier3A_76 = arith.constant 0 : index
    tpu.barrier barrier_id(%barrier3A_76)
    %mul3A_77 = arith.constant 528 : i32
    %mul3A_78 = arith.muli %arg1, %mul3A_77 : i32
    "tpu.region"() ({
      %run_scoped3A = tpu.sem_alloc : memref<!tpu.dma_semaphore, #tpu.memory_space<semaphore_mem>>
      %dma_start3A = arith.constant 0 : i32
      %dma_start3A_80 = tpu.memref_slice %arg6[%add3A_60, %dma_start3A] : memref<50688x128xf32, #tpu.memory_space<hbm>> -> memref<528x128xf32, #tpu.memory_space<hbm>>
      %dma_start3A_81 = arith.constant 0 : i32
      %dma_start3A_82 = tpu.memref_slice %arg11[%mul3A_78, %dma_start3A_81] : memref<8464x128xf32, #tpu.memory_space<vmem_shared>> -> memref<528x128xf32, #tpu.memory_space<vmem_shared>>
      tpu.enqueue_dma source(%dma_start3A_82 : memref<528x128xf32, #tpu.memory_space<vmem_shared>>) target(%dma_start3A_80 : memref<528x128xf32, #tpu.memory_space<hbm>>) target_semaphore(%run_scoped3A : memref<!tpu.dma_semaphore, #tpu.memory_space<semaphore_mem>>)
      %dma_wait3A = arith.constant 0 : i32
      %dma_wait3A_83 = tpu.memref_slice %arg6[%add3A_60, %dma_wait3A] : memref<50688x128xf32, #tpu.memory_space<hbm>> -> memref<528x128xf32, #tpu.memory_space<hbm>>
      %dma_wait3A_84 = arith.constant 0 : i32
      %dma_wait3A_85 = tpu.memref_slice %arg11[%mul3A_78, %dma_wait3A_84] : memref<8464x128xf32, #tpu.memory_space<vmem_shared>> -> memref<528x128xf32, #tpu.memory_space<vmem_shared>>
      tpu.wait_dma2 semaphore(%run_scoped3A : memref<!tpu.dma_semaphore, #tpu.memory_space<semaphore_mem>>) src(%dma_wait3A_85 : memref<528x128xf32, #tpu.memory_space<vmem_shared>>) dst(%dma_wait3A_83 : memref<528x128xf32, #tpu.memory_space<hbm>>)
      tpu.yield
    }) : () -> ()
    %barrier3A_79 = arith.constant 0 : index
    tpu.barrier barrier_id(%barrier3A_79)
    return
  }
}

#map = affine_map<(d0, d1) -> (0, 0)>
#map1 = affine_map<(d0, d1) -> (0, 0, 0)>
module attributes {stable_mosaic.version = 14 : i64} {
  func.func @_sc_body(%arg0: i32, %arg1: i32, %arg2: memref<50688x128xf32, #tpu.memory_space<hbm>>, %arg3: memref<709632x128xf32, #tpu.memory_space<hbm>>, %arg4: memref<96x53x128xi32, #tpu.memory_space<hbm>>, %arg5: memref<96x53x128xi32, #tpu.memory_space<hbm>>, %arg6: memref<50688x128xf32, #tpu.memory_space<hbm>>, %arg7: memref<53x128xi32, #tpu.memory_space<vmem>>, %arg8: memref<53x128xi32, #tpu.memory_space<vmem>>, %arg9: memref<128x128xf32, #tpu.memory_space<vmem>>, %arg10: memref<!tpu.dma_semaphore, #tpu.memory_space<semaphore_mem>>, %arg11: memref<8464x128xf32, #tpu.memory_space<vmem_shared>>) attributes {dimension_semantics = [#tpu.dimension_semantics<core_parallel>, #tpu.dimension_semantics<subcore_parallel>], iteration_bounds = array<i64: 2, 16>, scalar_prefetch = 0 : i64, scratch_operands = 5 : i64, tpu.core_type = #tpu.core_type<sc_vector_subcore>, window_params = [{transform_indices = #map}, {transform_indices = #map}, {transform_indices = #map1}, {transform_indices = #map1}, {transform_indices = #map}]} {
    %mul3A = arith.constant 3 : i32
    %mul3A_0 = arith.muli %arg0, %mul3A : i32
    %add3A = arith.constant 0 : i32
    %add3A_1 = arith.addi %mul3A_0, %add3A : i32
    %mul3A_2 = arith.constant 8448 : i32
    %mul3A_3 = arith.muli %add3A_1, %mul3A_2 : i32
    %mul3A_4 = arith.constant 528 : i32
    %mul3A_5 = arith.muli %arg1, %mul3A_4 : i32
    %add3A_6 = arith.addi %mul3A_3, %mul3A_5 : i32
    %mul3A_7 = arith.constant 528 : i32
    %mul3A_8 = arith.muli %arg1, %mul3A_7 : i32
    "tpu.region"() ({
      %run_scoped3A = tpu.sem_alloc : memref<!tpu.dma_semaphore, #tpu.memory_space<semaphore_mem>>
      %dma_start3A = arith.constant 0 : i32
      %dma_start3A_80 = tpu.memref_slice %arg11[%mul3A_8, %dma_start3A] : memref<8464x128xf32, #tpu.memory_space<vmem_shared>> -> memref<528x128xf32, #tpu.memory_space<vmem_shared>>
      %dma_start3A_81 = arith.constant 0 : i32
      %dma_start3A_82 = tpu.memref_slice %arg2[%add3A_6, %dma_start3A_81] : memref<50688x128xf32, #tpu.memory_space<hbm>> -> memref<528x128xf32, #tpu.memory_space<hbm>>
      tpu.enqueue_dma source(%dma_start3A_82 : memref<528x128xf32, #tpu.memory_space<hbm>>) target(%dma_start3A_80 : memref<528x128xf32, #tpu.memory_space<vmem_shared>>) target_semaphore(%run_scoped3A : memref<!tpu.dma_semaphore, #tpu.memory_space<semaphore_mem>>)
      %dma_wait3A = arith.constant 0 : i32
      %dma_wait3A_83 = tpu.memref_slice %arg11[%mul3A_8, %dma_wait3A] : memref<8464x128xf32, #tpu.memory_space<vmem_shared>> -> memref<528x128xf32, #tpu.memory_space<vmem_shared>>
      %dma_wait3A_84 = arith.constant 0 : i32
      %dma_wait3A_85 = tpu.memref_slice %arg2[%add3A_6, %dma_wait3A_84] : memref<50688x128xf32, #tpu.memory_space<hbm>> -> memref<528x128xf32, #tpu.memory_space<hbm>>
      tpu.wait_dma2 semaphore(%run_scoped3A : memref<!tpu.dma_semaphore, #tpu.memory_space<semaphore_mem>>) src(%dma_wait3A_85 : memref<528x128xf32, #tpu.memory_space<hbm>>) dst(%dma_wait3A_83 : memref<528x128xf32, #tpu.memory_space<vmem_shared>>)
      tpu.yield
    }) : () -> ()
    %mul3A_9 = arith.constant 16 : i32
    %mul3A_10 = arith.muli %add3A_1, %mul3A_9 : i32
    %add3A_11 = arith.addi %mul3A_10, %arg1 : i32
    "tpu.region"() ({
      %run_scoped3A = tpu.sem_alloc : memref<!tpu.dma_semaphore, #tpu.memory_space<semaphore_mem>>
      %dma_start3A = arith.constant 0 : i32
      %dma_start3A_80 = arith.constant 0 : i32
      %dma_start3A_81 = tpu.memref_slice %arg4[%add3A_11, %dma_start3A, %dma_start3A_80] : memref<96x53x128xi32, #tpu.memory_space<hbm>> -> memref<1x53x128xi32, #tpu.memory_space<hbm>>
      %dma_start3A_82 = tpu.memref_squeeze %dma_start3A_81 : memref<1x53x128xi32, #tpu.memory_space<hbm>> -> memref<53x128xi32, #tpu.memory_space<hbm>>
      %dma_start3A_83 = arith.constant 0 : i32
      %dma_start3A_84 = arith.constant 0 : i32
      %dma_start3A_85 = tpu.memref_slice %arg4[%add3A_11, %dma_start3A_83, %dma_start3A_84] : memref<96x53x128xi32, #tpu.memory_space<hbm>> -> memref<1x53x128xi32, #tpu.memory_space<hbm>>
      %dma_start3A_86 = tpu.memref_squeeze %dma_start3A_85 : memref<1x53x128xi32, #tpu.memory_space<hbm>> -> memref<53x128xi32, #tpu.memory_space<hbm>>
      tpu.enqueue_dma source(%dma_start3A_86 : memref<53x128xi32, #tpu.memory_space<hbm>>) target(%arg7 : memref<53x128xi32, #tpu.memory_space<vmem>>) target_semaphore(%run_scoped3A : memref<!tpu.dma_semaphore, #tpu.memory_space<semaphore_mem>>)
      %dma_wait3A = arith.constant 0 : i32
      %dma_wait3A_87 = arith.constant 0 : i32
      %dma_wait3A_88 = tpu.memref_slice %arg4[%add3A_11, %dma_wait3A, %dma_wait3A_87] : memref<96x53x128xi32, #tpu.memory_space<hbm>> -> memref<1x53x128xi32, #tpu.memory_space<hbm>>
      %dma_wait3A_89 = tpu.memref_squeeze %dma_wait3A_88 : memref<1x53x128xi32, #tpu.memory_space<hbm>> -> memref<53x128xi32, #tpu.memory_space<hbm>>
      %dma_wait3A_90 = arith.constant 0 : i32
      %dma_wait3A_91 = arith.constant 0 : i32
      %dma_wait3A_92 = tpu.memref_slice %arg4[%add3A_11, %dma_wait3A_90, %dma_wait3A_91] : memref<96x53x128xi32, #tpu.memory_space<hbm>> -> memref<1x53x128xi32, #tpu.memory_space<hbm>>
      %dma_wait3A_93 = tpu.memref_squeeze %dma_wait3A_92 : memref<1x53x128xi32, #tpu.memory_space<hbm>> -> memref<53x128xi32, #tpu.memory_space<hbm>>
      tpu.wait_dma2 semaphore(%run_scoped3A : memref<!tpu.dma_semaphore, #tpu.memory_space<semaphore_mem>>) src(%dma_wait3A_93 : memref<53x128xi32, #tpu.memory_space<hbm>>) dst(%arg7 : memref<53x128xi32, #tpu.memory_space<vmem>>)
      tpu.yield
    }) : () -> ()
    %mul3A_12 = arith.constant 16 : i32
    %mul3A_13 = arith.muli %add3A_1, %mul3A_12 : i32
    %add3A_14 = arith.addi %mul3A_13, %arg1 : i32
    "tpu.region"() ({
      %run_scoped3A = tpu.sem_alloc : memref<!tpu.dma_semaphore, #tpu.memory_space<semaphore_mem>>
      %dma_start3A = arith.constant 0 : i32
      %dma_start3A_80 = arith.constant 0 : i32
      %dma_start3A_81 = tpu.memref_slice %arg5[%add3A_14, %dma_start3A, %dma_start3A_80] : memref<96x53x128xi32, #tpu.memory_space<hbm>> -> memref<1x53x128xi32, #tpu.memory_space<hbm>>
      %dma_start3A_82 = tpu.memref_squeeze %dma_start3A_81 : memref<1x53x128xi32, #tpu.memory_space<hbm>> -> memref<53x128xi32, #tpu.memory_space<hbm>>
      %dma_start3A_83 = arith.constant 0 : i32
      %dma_start3A_84 = arith.constant 0 : i32
      %dma_start3A_85 = tpu.memref_slice %arg5[%add3A_14, %dma_start3A_83, %dma_start3A_84] : memref<96x53x128xi32, #tpu.memory_space<hbm>> -> memref<1x53x128xi32, #tpu.memory_space<hbm>>
      %dma_start3A_86 = tpu.memref_squeeze %dma_start3A_85 : memref<1x53x128xi32, #tpu.memory_space<hbm>> -> memref<53x128xi32, #tpu.memory_space<hbm>>
      tpu.enqueue_dma source(%dma_start3A_86 : memref<53x128xi32, #tpu.memory_space<hbm>>) target(%arg8 : memref<53x128xi32, #tpu.memory_space<vmem>>) target_semaphore(%run_scoped3A : memref<!tpu.dma_semaphore, #tpu.memory_space<semaphore_mem>>)
      %dma_wait3A = arith.constant 0 : i32
      %dma_wait3A_87 = arith.constant 0 : i32
      %dma_wait3A_88 = tpu.memref_slice %arg5[%add3A_14, %dma_wait3A, %dma_wait3A_87] : memref<96x53x128xi32, #tpu.memory_space<hbm>> -> memref<1x53x128xi32, #tpu.memory_space<hbm>>
      %dma_wait3A_89 = tpu.memref_squeeze %dma_wait3A_88 : memref<1x53x128xi32, #tpu.memory_space<hbm>> -> memref<53x128xi32, #tpu.memory_space<hbm>>
      %dma_wait3A_90 = arith.constant 0 : i32
      %dma_wait3A_91 = arith.constant 0 : i32
      %dma_wait3A_92 = tpu.memref_slice %arg5[%add3A_14, %dma_wait3A_90, %dma_wait3A_91] : memref<96x53x128xi32, #tpu.memory_space<hbm>> -> memref<1x53x128xi32, #tpu.memory_space<hbm>>
      %dma_wait3A_93 = tpu.memref_squeeze %dma_wait3A_92 : memref<1x53x128xi32, #tpu.memory_space<hbm>> -> memref<53x128xi32, #tpu.memory_space<hbm>>
      tpu.wait_dma2 semaphore(%run_scoped3A : memref<!tpu.dma_semaphore, #tpu.memory_space<semaphore_mem>>) src(%dma_wait3A_93 : memref<53x128xi32, #tpu.memory_space<hbm>>) dst(%arg8 : memref<53x128xi32, #tpu.memory_space<vmem>>)
      tpu.yield
    }) : () -> ()
    %barrier3A = arith.constant 0 : index
    tpu.barrier barrier_id(%barrier3A)
    %scan3A = arith.constant 0 : i32
    %scan3A_15 = arith.constant 0 : i32
    %scan3A_16 = arith.constant 53 : i32
    %scan3A_17 = arith.addi %scan3A_15, %scan3A_16 : i32
    %scan3A_18 = arith.constant 1 : i32
    scf.for %scan3A_80 = %scan3A_15 to %scan3A_17 step %scan3A_18  : i32 {
      %dma_start3A = arith.constant 0 : i32
      %dma_start3A_81 = tpu.memref_slice %arg8[%scan3A_80, %dma_start3A] : memref<53x128xi32, #tpu.memory_space<vmem>> -> memref<1x128xi32, #tpu.memory_space<vmem>>
      %dma_start3A_82 = tpu.memref_squeeze %dma_start3A_81 : memref<1x128xi32, #tpu.memory_space<vmem>> -> memref<128xi32, #tpu.memory_space<vmem>>
      %dma_start3A_83 = arith.constant 0 : i32
      %dma_start3A_84 = arith.constant 0 : i32
      %dma_start3A_85 = tpu.memref_slice %arg3[%dma_start3A_83, %dma_start3A_84] : memref<709632x128xf32, #tpu.memory_space<hbm>> -> memref<709632x128xf32, #tpu.memory_space<hbm>>
      tpu.enqueue_indirect_dma source(%dma_start3A_85 : memref<709632x128xf32, #tpu.memory_space<hbm>>) target(%arg9 : memref<128x128xf32, #tpu.memory_space<vmem>>) offsets(%dma_start3A_82 : memref<128xi32, #tpu.memory_space<vmem>>) semaphore(%arg10 : memref<!tpu.dma_semaphore, #tpu.memory_space<semaphore_mem>>)
      %dma_wait3A = arith.constant 0 : i32
      %dma_wait3A_86 = tpu.memref_slice %arg8[%scan3A_80, %dma_wait3A] : memref<53x128xi32, #tpu.memory_space<vmem>> -> memref<1x128xi32, #tpu.memory_space<vmem>>
      %dma_wait3A_87 = tpu.memref_squeeze %dma_wait3A_86 : memref<1x128xi32, #tpu.memory_space<vmem>> -> memref<128xi32, #tpu.memory_space<vmem>>
      %dma_wait3A_88 = arith.constant 0 : i32
      %dma_wait3A_89 = arith.constant 0 : i32
      %dma_wait3A_90 = tpu.memref_slice %arg3[%dma_wait3A_88, %dma_wait3A_89] : memref<709632x128xf32, #tpu.memory_space<hbm>> -> memref<709632x128xf32, #tpu.memory_space<hbm>>
      tpu.wait_indirect_dma semaphore(%arg10 : memref<!tpu.dma_semaphore, #tpu.memory_space<semaphore_mem>>) src(%dma_wait3A_90 : memref<709632x128xf32, #tpu.memory_space<hbm>>) dst(%arg9 : memref<128x128xf32, #tpu.memory_space<vmem>>)
      "tpu.region"() ({
        %run_scoped3A = tpu.sem_alloc : memref<!tpu.dma_semaphore, #tpu.memory_space<semaphore_mem>>
        %dma_start3A_91 = arith.constant 0 : i32
        %dma_start3A_92 = tpu.memref_slice %arg7[%scan3A_80, %dma_start3A_91] : memref<53x128xi32, #tpu.memory_space<vmem>> -> memref<1x128xi32, #tpu.memory_space<vmem>>
        %dma_start3A_93 = tpu.memref_squeeze %dma_start3A_92 : memref<1x128xi32, #tpu.memory_space<vmem>> -> memref<128xi32, #tpu.memory_space<vmem>>
        %dma_start3A_94 = arith.constant 0 : i32
        %dma_start3A_95 = arith.constant 0 : i32
        %dma_start3A_96 = tpu.memref_slice %arg11[%dma_start3A_94, %dma_start3A_95] : memref<8464x128xf32, #tpu.memory_space<vmem_shared>> -> memref<8464x128xf32, #tpu.memory_space<vmem_shared>>
        tpu.enqueue_indirect_dma source(%arg9 : memref<128x128xf32, #tpu.memory_space<vmem>>) target(%dma_start3A_96 : memref<8464x128xf32, #tpu.memory_space<vmem_shared>>) offsets(%dma_start3A_93 : memref<128xi32, #tpu.memory_space<vmem>>) semaphore(%run_scoped3A : memref<!tpu.dma_semaphore, #tpu.memory_space<semaphore_mem>>) {add = true}
        %dma_wait3A_97 = arith.constant 0 : i32
        %dma_wait3A_98 = tpu.memref_slice %arg7[%scan3A_80, %dma_wait3A_97] : memref<53x128xi32, #tpu.memory_space<vmem>> -> memref<1x128xi32, #tpu.memory_space<vmem>>
        %dma_wait3A_99 = tpu.memref_squeeze %dma_wait3A_98 : memref<1x128xi32, #tpu.memory_space<vmem>> -> memref<128xi32, #tpu.memory_space<vmem>>
        %dma_wait3A_100 = arith.constant 0 : i32
        %dma_wait3A_101 = arith.constant 0 : i32
        %dma_wait3A_102 = tpu.memref_slice %arg11[%dma_wait3A_100, %dma_wait3A_101] : memref<8464x128xf32, #tpu.memory_space<vmem_shared>> -> memref<8464x128xf32, #tpu.memory_space<vmem_shared>>
        tpu.wait_indirect_dma semaphore(%run_scoped3A : memref<!tpu.dma_semaphore, #tpu.memory_space<semaphore_mem>>) src(%arg9 : memref<128x128xf32, #tpu.memory_space<vmem>>) dst(%dma_wait3A_102 : memref<8464x128xf32, #tpu.memory_space<vmem_shared>>)
        tpu.yield
      }) : () -> ()
    }
    %scan3A_19 = arith.constant 53 : i32
    %barrier3A_20 = arith.constant 0 : index
    tpu.barrier barrier_id(%barrier3A_20)
    %mul3A_21 = arith.constant 528 : i32
    %mul3A_22 = arith.muli %arg1, %mul3A_21 : i32
    "tpu.region"() ({
      %run_scoped3A = tpu.sem_alloc : memref<!tpu.dma_semaphore, #tpu.memory_space<semaphore_mem>>
      %dma_start3A = arith.constant 0 : i32
      %dma_start3A_80 = tpu.memref_slice %arg6[%add3A_6, %dma_start3A] : memref<50688x128xf32, #tpu.memory_space<hbm>> -> memref<528x128xf32, #tpu.memory_space<hbm>>
      %dma_start3A_81 = arith.constant 0 : i32
      %dma_start3A_82 = tpu.memref_slice %arg11[%mul3A_22, %dma_start3A_81] : memref<8464x128xf32, #tpu.memory_space<vmem_shared>> -> memref<528x128xf32, #tpu.memory_space<vmem_shared>>
      tpu.enqueue_dma source(%dma_start3A_82 : memref<528x128xf32, #tpu.memory_space<vmem_shared>>) target(%dma_start3A_80 : memref<528x128xf32, #tpu.memory_space<hbm>>) target_semaphore(%run_scoped3A : memref<!tpu.dma_semaphore, #tpu.memory_space<semaphore_mem>>)
      %dma_wait3A = arith.constant 0 : i32
      %dma_wait3A_83 = tpu.memref_slice %arg6[%add3A_6, %dma_wait3A] : memref<50688x128xf32, #tpu.memory_space<hbm>> -> memref<528x128xf32, #tpu.memory_space<hbm>>
      %dma_wait3A_84 = arith.constant 0 : i32
      %dma_wait3A_85 = tpu.memref_slice %arg11[%mul3A_22, %dma_wait3A_84] : memref<8464x128xf32, #tpu.memory_space<vmem_shared>> -> memref<528x128xf32, #tpu.memory_space<vmem_shared>>
      tpu.wait_dma2 semaphore(%run_scoped3A : memref<!tpu.dma_semaphore, #tpu.memory_space<semaphore_mem>>) src(%dma_wait3A_85 : memref<528x128xf32, #tpu.memory_space<vmem_shared>>) dst(%dma_wait3A_83 : memref<528x128xf32, #tpu.memory_space<hbm>>)
      tpu.yield
    }) : () -> ()
    %barrier3A_23 = arith.constant 0 : index
    tpu.barrier barrier_id(%barrier3A_23)
    %mul3A_24 = arith.constant 3 : i32
    %mul3A_25 = arith.muli %arg0, %mul3A_24 : i32
    %add3A_26 = arith.constant 1 : i32
    %add3A_27 = arith.addi %mul3A_25, %add3A_26 : i32
    %mul3A_28 = arith.constant 8448 : i32
    %mul3A_29 = arith.muli %add3A_27, %mul3A_28 : i32
    %mul3A_30 = arith.constant 528 : i32
    %mul3A_31 = arith.muli %arg1, %mul3A_30 : i32
    %add3A_32 = arith.addi %mul3A_29, %mul3A_31 : i32
    %mul3A_33 = arith.constant 528 : i32
    %mul3A_34 = arith.muli %arg1, %mul3A_33 : i32
    "tpu.region"() ({
      %run_scoped3A = tpu.sem_alloc : memref<!tpu.dma_semaphore, #tpu.memory_space<semaphore_mem>>
      %dma_start3A = arith.constant 0 : i32
      %dma_start3A_80 = tpu.memref_slice %arg11[%mul3A_34, %dma_start3A] : memref<8464x128xf32, #tpu.memory_space<vmem_shared>> -> memref<528x128xf32, #tpu.memory_space<vmem_shared>>
      %dma_start3A_81 = arith.constant 0 : i32
      %dma_start3A_82 = tpu.memref_slice %arg2[%add3A_32, %dma_start3A_81] : memref<50688x128xf32, #tpu.memory_space<hbm>> -> memref<528x128xf32, #tpu.memory_space<hbm>>
      tpu.enqueue_dma source(%dma_start3A_82 : memref<528x128xf32, #tpu.memory_space<hbm>>) target(%dma_start3A_80 : memref<528x128xf32, #tpu.memory_space<vmem_shared>>) target_semaphore(%run_scoped3A : memref<!tpu.dma_semaphore, #tpu.memory_space<semaphore_mem>>)
      %dma_wait3A = arith.constant 0 : i32
      %dma_wait3A_83 = tpu.memref_slice %arg11[%mul3A_34, %dma_wait3A] : memref<8464x128xf32, #tpu.memory_space<vmem_shared>> -> memref<528x128xf32, #tpu.memory_space<vmem_shared>>
      %dma_wait3A_84 = arith.constant 0 : i32
      %dma_wait3A_85 = tpu.memref_slice %arg2[%add3A_32, %dma_wait3A_84] : memref<50688x128xf32, #tpu.memory_space<hbm>> -> memref<528x128xf32, #tpu.memory_space<hbm>>
      tpu.wait_dma2 semaphore(%run_scoped3A : memref<!tpu.dma_semaphore, #tpu.memory_space<semaphore_mem>>) src(%dma_wait3A_85 : memref<528x128xf32, #tpu.memory_space<hbm>>) dst(%dma_wait3A_83 : memref<528x128xf32, #tpu.memory_space<vmem_shared>>)
      tpu.yield
    }) : () -> ()
    %mul3A_35 = arith.constant 16 : i32
    %mul3A_36 = arith.muli %add3A_27, %mul3A_35 : i32
    %add3A_37 = arith.addi %mul3A_36, %arg1 : i32
    "tpu.region"() ({
      %run_scoped3A = tpu.sem_alloc : memref<!tpu.dma_semaphore, #tpu.memory_space<semaphore_mem>>
      %dma_start3A = arith.constant 0 : i32
      %dma_start3A_80 = arith.constant 0 : i32
      %dma_start3A_81 = tpu.memref_slice %arg4[%add3A_37, %dma_start3A, %dma_start3A_80] : memref<96x53x128xi32, #tpu.memory_space<hbm>> -> memref<1x53x128xi32, #tpu.memory_space<hbm>>
      %dma_start3A_82 = tpu.memref_squeeze %dma_start3A_81 : memref<1x53x128xi32, #tpu.memory_space<hbm>> -> memref<53x128xi32, #tpu.memory_space<hbm>>
      %dma_start3A_83 = arith.constant 0 : i32
      %dma_start3A_84 = arith.constant 0 : i32
      %dma_start3A_85 = tpu.memref_slice %arg4[%add3A_37, %dma_start3A_83, %dma_start3A_84] : memref<96x53x128xi32, #tpu.memory_space<hbm>> -> memref<1x53x128xi32, #tpu.memory_space<hbm>>
      %dma_start3A_86 = tpu.memref_squeeze %dma_start3A_85 : memref<1x53x128xi32, #tpu.memory_space<hbm>> -> memref<53x128xi32, #tpu.memory_space<hbm>>
      tpu.enqueue_dma source(%dma_start3A_86 : memref<53x128xi32, #tpu.memory_space<hbm>>) target(%arg7 : memref<53x128xi32, #tpu.memory_space<vmem>>) target_semaphore(%run_scoped3A : memref<!tpu.dma_semaphore, #tpu.memory_space<semaphore_mem>>)
      %dma_wait3A = arith.constant 0 : i32
      %dma_wait3A_87 = arith.constant 0 : i32
      %dma_wait3A_88 = tpu.memref_slice %arg4[%add3A_37, %dma_wait3A, %dma_wait3A_87] : memref<96x53x128xi32, #tpu.memory_space<hbm>> -> memref<1x53x128xi32, #tpu.memory_space<hbm>>
      %dma_wait3A_89 = tpu.memref_squeeze %dma_wait3A_88 : memref<1x53x128xi32, #tpu.memory_space<hbm>> -> memref<53x128xi32, #tpu.memory_space<hbm>>
      %dma_wait3A_90 = arith.constant 0 : i32
      %dma_wait3A_91 = arith.constant 0 : i32
      %dma_wait3A_92 = tpu.memref_slice %arg4[%add3A_37, %dma_wait3A_90, %dma_wait3A_91] : memref<96x53x128xi32, #tpu.memory_space<hbm>> -> memref<1x53x128xi32, #tpu.memory_space<hbm>>
      %dma_wait3A_93 = tpu.memref_squeeze %dma_wait3A_92 : memref<1x53x128xi32, #tpu.memory_space<hbm>> -> memref<53x128xi32, #tpu.memory_space<hbm>>
      tpu.wait_dma2 semaphore(%run_scoped3A : memref<!tpu.dma_semaphore, #tpu.memory_space<semaphore_mem>>) src(%dma_wait3A_93 : memref<53x128xi32, #tpu.memory_space<hbm>>) dst(%arg7 : memref<53x128xi32, #tpu.memory_space<vmem>>)
      tpu.yield
    }) : () -> ()
    %mul3A_38 = arith.constant 16 : i32
    %mul3A_39 = arith.muli %add3A_27, %mul3A_38 : i32
    %add3A_40 = arith.addi %mul3A_39, %arg1 : i32
    "tpu.region"() ({
      %run_scoped3A = tpu.sem_alloc : memref<!tpu.dma_semaphore, #tpu.memory_space<semaphore_mem>>
      %dma_start3A = arith.constant 0 : i32
      %dma_start3A_80 = arith.constant 0 : i32
      %dma_start3A_81 = tpu.memref_slice %arg5[%add3A_40, %dma_start3A, %dma_start3A_80] : memref<96x53x128xi32, #tpu.memory_space<hbm>> -> memref<1x53x128xi32, #tpu.memory_space<hbm>>
      %dma_start3A_82 = tpu.memref_squeeze %dma_start3A_81 : memref<1x53x128xi32, #tpu.memory_space<hbm>> -> memref<53x128xi32, #tpu.memory_space<hbm>>
      %dma_start3A_83 = arith.constant 0 : i32
      %dma_start3A_84 = arith.constant 0 : i32
      %dma_start3A_85 = tpu.memref_slice %arg5[%add3A_40, %dma_start3A_83, %dma_start3A_84] : memref<96x53x128xi32, #tpu.memory_space<hbm>> -> memref<1x53x128xi32, #tpu.memory_space<hbm>>
      %dma_start3A_86 = tpu.memref_squeeze %dma_start3A_85 : memref<1x53x128xi32, #tpu.memory_space<hbm>> -> memref<53x128xi32, #tpu.memory_space<hbm>>
      tpu.enqueue_dma source(%dma_start3A_86 : memref<53x128xi32, #tpu.memory_space<hbm>>) target(%arg8 : memref<53x128xi32, #tpu.memory_space<vmem>>) target_semaphore(%run_scoped3A : memref<!tpu.dma_semaphore, #tpu.memory_space<semaphore_mem>>)
      %dma_wait3A = arith.constant 0 : i32
      %dma_wait3A_87 = arith.constant 0 : i32
      %dma_wait3A_88 = tpu.memref_slice %arg5[%add3A_40, %dma_wait3A, %dma_wait3A_87] : memref<96x53x128xi32, #tpu.memory_space<hbm>> -> memref<1x53x128xi32, #tpu.memory_space<hbm>>
      %dma_wait3A_89 = tpu.memref_squeeze %dma_wait3A_88 : memref<1x53x128xi32, #tpu.memory_space<hbm>> -> memref<53x128xi32, #tpu.memory_space<hbm>>
      %dma_wait3A_90 = arith.constant 0 : i32
      %dma_wait3A_91 = arith.constant 0 : i32
      %dma_wait3A_92 = tpu.memref_slice %arg5[%add3A_40, %dma_wait3A_90, %dma_wait3A_91] : memref<96x53x128xi32, #tpu.memory_space<hbm>> -> memref<1x53x128xi32, #tpu.memory_space<hbm>>
      %dma_wait3A_93 = tpu.memref_squeeze %dma_wait3A_92 : memref<1x53x128xi32, #tpu.memory_space<hbm>> -> memref<53x128xi32, #tpu.memory_space<hbm>>
      tpu.wait_dma2 semaphore(%run_scoped3A : memref<!tpu.dma_semaphore, #tpu.memory_space<semaphore_mem>>) src(%dma_wait3A_93 : memref<53x128xi32, #tpu.memory_space<hbm>>) dst(%arg8 : memref<53x128xi32, #tpu.memory_space<vmem>>)
      tpu.yield
    }) : () -> ()
    %barrier3A_41 = arith.constant 0 : index
    tpu.barrier barrier_id(%barrier3A_41)
    %scan3A_42 = arith.constant 0 : i32
    %scan3A_43 = arith.constant 0 : i32
    %scan3A_44 = arith.constant 53 : i32
    %scan3A_45 = arith.addi %scan3A_43, %scan3A_44 : i32
    %scan3A_46 = arith.constant 1 : i32
    scf.for %scan3A_80 = %scan3A_43 to %scan3A_45 step %scan3A_46  : i32 {
      %dma_start3A = arith.constant 0 : i32
      %dma_start3A_81 = tpu.memref_slice %arg8[%scan3A_80, %dma_start3A] : memref<53x128xi32, #tpu.memory_space<vmem>> -> memref<1x128xi32, #tpu.memory_space<vmem>>
      %dma_start3A_82 = tpu.memref_squeeze %dma_start3A_81 : memref<1x128xi32, #tpu.memory_space<vmem>> -> memref<128xi32, #tpu.memory_space<vmem>>
      %dma_start3A_83 = arith.constant 0 : i32
      %dma_start3A_84 = arith.constant 0 : i32
      %dma_start3A_85 = tpu.memref_slice %arg3[%dma_start3A_83, %dma_start3A_84] : memref<709632x128xf32, #tpu.memory_space<hbm>> -> memref<709632x128xf32, #tpu.memory_space<hbm>>
      tpu.enqueue_indirect_dma source(%dma_start3A_85 : memref<709632x128xf32, #tpu.memory_space<hbm>>) target(%arg9 : memref<128x128xf32, #tpu.memory_space<vmem>>) offsets(%dma_start3A_82 : memref<128xi32, #tpu.memory_space<vmem>>) semaphore(%arg10 : memref<!tpu.dma_semaphore, #tpu.memory_space<semaphore_mem>>)
      %dma_wait3A = arith.constant 0 : i32
      %dma_wait3A_86 = tpu.memref_slice %arg8[%scan3A_80, %dma_wait3A] : memref<53x128xi32, #tpu.memory_space<vmem>> -> memref<1x128xi32, #tpu.memory_space<vmem>>
      %dma_wait3A_87 = tpu.memref_squeeze %dma_wait3A_86 : memref<1x128xi32, #tpu.memory_space<vmem>> -> memref<128xi32, #tpu.memory_space<vmem>>
      %dma_wait3A_88 = arith.constant 0 : i32
      %dma_wait3A_89 = arith.constant 0 : i32
      %dma_wait3A_90 = tpu.memref_slice %arg3[%dma_wait3A_88, %dma_wait3A_89] : memref<709632x128xf32, #tpu.memory_space<hbm>> -> memref<709632x128xf32, #tpu.memory_space<hbm>>
      tpu.wait_indirect_dma semaphore(%arg10 : memref<!tpu.dma_semaphore, #tpu.memory_space<semaphore_mem>>) src(%dma_wait3A_90 : memref<709632x128xf32, #tpu.memory_space<hbm>>) dst(%arg9 : memref<128x128xf32, #tpu.memory_space<vmem>>)
      "tpu.region"() ({
        %run_scoped3A = tpu.sem_alloc : memref<!tpu.dma_semaphore, #tpu.memory_space<semaphore_mem>>
        %dma_start3A_91 = arith.constant 0 : i32
        %dma_start3A_92 = tpu.memref_slice %arg7[%scan3A_80, %dma_start3A_91] : memref<53x128xi32, #tpu.memory_space<vmem>> -> memref<1x128xi32, #tpu.memory_space<vmem>>
        %dma_start3A_93 = tpu.memref_squeeze %dma_start3A_92 : memref<1x128xi32, #tpu.memory_space<vmem>> -> memref<128xi32, #tpu.memory_space<vmem>>
        %dma_start3A_94 = arith.constant 0 : i32
        %dma_start3A_95 = arith.constant 0 : i32
        %dma_start3A_96 = tpu.memref_slice %arg11[%dma_start3A_94, %dma_start3A_95] : memref<8464x128xf32, #tpu.memory_space<vmem_shared>> -> memref<8464x128xf32, #tpu.memory_space<vmem_shared>>
        tpu.enqueue_indirect_dma source(%arg9 : memref<128x128xf32, #tpu.memory_space<vmem>>) target(%dma_start3A_96 : memref<8464x128xf32, #tpu.memory_space<vmem_shared>>) offsets(%dma_start3A_93 : memref<128xi32, #tpu.memory_space<vmem>>) semaphore(%run_scoped3A : memref<!tpu.dma_semaphore, #tpu.memory_space<semaphore_mem>>) {add = true}
        %dma_wait3A_97 = arith.constant 0 : i32
        %dma_wait3A_98 = tpu.memref_slice %arg7[%scan3A_80, %dma_wait3A_97] : memref<53x128xi32, #tpu.memory_space<vmem>> -> memref<1x128xi32, #tpu.memory_space<vmem>>
        %dma_wait3A_99 = tpu.memref_squeeze %dma_wait3A_98 : memref<1x128xi32, #tpu.memory_space<vmem>> -> memref<128xi32, #tpu.memory_space<vmem>>
        %dma_wait3A_100 = arith.constant 0 : i32
        %dma_wait3A_101 = arith.constant 0 : i32
        %dma_wait3A_102 = tpu.memref_slice %arg11[%dma_wait3A_100, %dma_wait3A_101] : memref<8464x128xf32, #tpu.memory_space<vmem_shared>> -> memref<8464x128xf32, #tpu.memory_space<vmem_shared>>
        tpu.wait_indirect_dma semaphore(%run_scoped3A : memref<!tpu.dma_semaphore, #tpu.memory_space<semaphore_mem>>) src(%arg9 : memref<128x128xf32, #tpu.memory_space<vmem>>) dst(%dma_wait3A_102 : memref<8464x128xf32, #tpu.memory_space<vmem_shared>>)
        tpu.yield
      }) : () -> ()
    }
    %scan3A_47 = arith.constant 53 : i32
    %barrier3A_48 = arith.constant 0 : index
    tpu.barrier barrier_id(%barrier3A_48)
    %mul3A_49 = arith.constant 528 : i32
    %mul3A_50 = arith.muli %arg1, %mul3A_49 : i32
    "tpu.region"() ({
      %run_scoped3A = tpu.sem_alloc : memref<!tpu.dma_semaphore, #tpu.memory_space<semaphore_mem>>
      %dma_start3A = arith.constant 0 : i32
      %dma_start3A_80 = tpu.memref_slice %arg6[%add3A_32, %dma_start3A] : memref<50688x128xf32, #tpu.memory_space<hbm>> -> memref<528x128xf32, #tpu.memory_space<hbm>>
      %dma_start3A_81 = arith.constant 0 : i32
      %dma_start3A_82 = tpu.memref_slice %arg11[%mul3A_50, %dma_start3A_81] : memref<8464x128xf32, #tpu.memory_space<vmem_shared>> -> memref<528x128xf32, #tpu.memory_space<vmem_shared>>
      tpu.enqueue_dma source(%dma_start3A_82 : memref<528x128xf32, #tpu.memory_space<vmem_shared>>) target(%dma_start3A_80 : memref<528x128xf32, #tpu.memory_space<hbm>>) target_semaphore(%run_scoped3A : memref<!tpu.dma_semaphore, #tpu.memory_space<semaphore_mem>>)
      %dma_wait3A = arith.constant 0 : i32
      %dma_wait3A_83 = tpu.memref_slice %arg6[%add3A_32, %dma_wait3A] : memref<50688x128xf32, #tpu.memory_space<hbm>> -> memref<528x128xf32, #tpu.memory_space<hbm>>
      %dma_wait3A_84 = arith.constant 0 : i32
      %dma_wait3A_85 = tpu.memref_slice %arg11[%mul3A_50, %dma_wait3A_84] : memref<8464x128xf32, #tpu.memory_space<vmem_shared>> -> memref<528x128xf32, #tpu.memory_space<vmem_shared>>
      tpu.wait_dma2 semaphore(%run_scoped3A : memref<!tpu.dma_semaphore, #tpu.memory_space<semaphore_mem>>) src(%dma_wait3A_85 : memref<528x128xf32, #tpu.memory_space<vmem_shared>>) dst(%dma_wait3A_83 : memref<528x128xf32, #tpu.memory_space<hbm>>)
      tpu.yield
    }) : () -> ()
    %barrier3A_51 = arith.constant 0 : index
    tpu.barrier barrier_id(%barrier3A_51)
    %mul3A_52 = arith.constant 3 : i32
    %mul3A_53 = arith.muli %arg0, %mul3A_52 : i32
    %add3A_54 = arith.constant 2 : i32
    %add3A_55 = arith.addi %mul3A_53, %add3A_54 : i32
    %mul3A_56 = arith.constant 8448 : i32
    %mul3A_57 = arith.muli %add3A_55, %mul3A_56 : i32
    %mul3A_58 = arith.constant 528 : i32
    %mul3A_59 = arith.muli %arg1, %mul3A_58 : i32
    %add3A_60 = arith.addi %mul3A_57, %mul3A_59 : i32
    %mul3A_61 = arith.constant 528 : i32
    %mul3A_62 = arith.muli %arg1, %mul3A_61 : i32
    "tpu.region"() ({
      %run_scoped3A = tpu.sem_alloc : memref<!tpu.dma_semaphore, #tpu.memory_space<semaphore_mem>>
      %dma_start3A = arith.constant 0 : i32
      %dma_start3A_80 = tpu.memref_slice %arg11[%mul3A_62, %dma_start3A] : memref<8464x128xf32, #tpu.memory_space<vmem_shared>> -> memref<528x128xf32, #tpu.memory_space<vmem_shared>>
      %dma_start3A_81 = arith.constant 0 : i32
      %dma_start3A_82 = tpu.memref_slice %arg2[%add3A_60, %dma_start3A_81] : memref<50688x128xf32, #tpu.memory_space<hbm>> -> memref<528x128xf32, #tpu.memory_space<hbm>>
      tpu.enqueue_dma source(%dma_start3A_82 : memref<528x128xf32, #tpu.memory_space<hbm>>) target(%dma_start3A_80 : memref<528x128xf32, #tpu.memory_space<vmem_shared>>) target_semaphore(%run_scoped3A : memref<!tpu.dma_semaphore, #tpu.memory_space<semaphore_mem>>)
      %dma_wait3A = arith.constant 0 : i32
      %dma_wait3A_83 = tpu.memref_slice %arg11[%mul3A_62, %dma_wait3A] : memref<8464x128xf32, #tpu.memory_space<vmem_shared>> -> memref<528x128xf32, #tpu.memory_space<vmem_shared>>
      %dma_wait3A_84 = arith.constant 0 : i32
      %dma_wait3A_85 = tpu.memref_slice %arg2[%add3A_60, %dma_wait3A_84] : memref<50688x128xf32, #tpu.memory_space<hbm>> -> memref<528x128xf32, #tpu.memory_space<hbm>>
      tpu.wait_dma2 semaphore(%run_scoped3A : memref<!tpu.dma_semaphore, #tpu.memory_space<semaphore_mem>>) src(%dma_wait3A_85 : memref<528x128xf32, #tpu.memory_space<hbm>>) dst(%dma_wait3A_83 : memref<528x128xf32, #tpu.memory_space<vmem_shared>>)
      tpu.yield
    }) : () -> ()
    %mul3A_63 = arith.constant 16 : i32
    %mul3A_64 = arith.muli %add3A_55, %mul3A_63 : i32
    %add3A_65 = arith.addi %mul3A_64, %arg1 : i32
    "tpu.region"() ({
      %run_scoped3A = tpu.sem_alloc : memref<!tpu.dma_semaphore, #tpu.memory_space<semaphore_mem>>
      %dma_start3A = arith.constant 0 : i32
      %dma_start3A_80 = arith.constant 0 : i32
      %dma_start3A_81 = tpu.memref_slice %arg4[%add3A_65, %dma_start3A, %dma_start3A_80] : memref<96x53x128xi32, #tpu.memory_space<hbm>> -> memref<1x53x128xi32, #tpu.memory_space<hbm>>
      %dma_start3A_82 = tpu.memref_squeeze %dma_start3A_81 : memref<1x53x128xi32, #tpu.memory_space<hbm>> -> memref<53x128xi32, #tpu.memory_space<hbm>>
      %dma_start3A_83 = arith.constant 0 : i32
      %dma_start3A_84 = arith.constant 0 : i32
      %dma_start3A_85 = tpu.memref_slice %arg4[%add3A_65, %dma_start3A_83, %dma_start3A_84] : memref<96x53x128xi32, #tpu.memory_space<hbm>> -> memref<1x53x128xi32, #tpu.memory_space<hbm>>
      %dma_start3A_86 = tpu.memref_squeeze %dma_start3A_85 : memref<1x53x128xi32, #tpu.memory_space<hbm>> -> memref<53x128xi32, #tpu.memory_space<hbm>>
      tpu.enqueue_dma source(%dma_start3A_86 : memref<53x128xi32, #tpu.memory_space<hbm>>) target(%arg7 : memref<53x128xi32, #tpu.memory_space<vmem>>) target_semaphore(%run_scoped3A : memref<!tpu.dma_semaphore, #tpu.memory_space<semaphore_mem>>)
      %dma_wait3A = arith.constant 0 : i32
      %dma_wait3A_87 = arith.constant 0 : i32
      %dma_wait3A_88 = tpu.memref_slice %arg4[%add3A_65, %dma_wait3A, %dma_wait3A_87] : memref<96x53x128xi32, #tpu.memory_space<hbm>> -> memref<1x53x128xi32, #tpu.memory_space<hbm>>
      %dma_wait3A_89 = tpu.memref_squeeze %dma_wait3A_88 : memref<1x53x128xi32, #tpu.memory_space<hbm>> -> memref<53x128xi32, #tpu.memory_space<hbm>>
      %dma_wait3A_90 = arith.constant 0 : i32
      %dma_wait3A_91 = arith.constant 0 : i32
      %dma_wait3A_92 = tpu.memref_slice %arg4[%add3A_65, %dma_wait3A_90, %dma_wait3A_91] : memref<96x53x128xi32, #tpu.memory_space<hbm>> -> memref<1x53x128xi32, #tpu.memory_space<hbm>>
      %dma_wait3A_93 = tpu.memref_squeeze %dma_wait3A_92 : memref<1x53x128xi32, #tpu.memory_space<hbm>> -> memref<53x128xi32, #tpu.memory_space<hbm>>
      tpu.wait_dma2 semaphore(%run_scoped3A : memref<!tpu.dma_semaphore, #tpu.memory_space<semaphore_mem>>) src(%dma_wait3A_93 : memref<53x128xi32, #tpu.memory_space<hbm>>) dst(%arg7 : memref<53x128xi32, #tpu.memory_space<vmem>>)
      tpu.yield
    }) : () -> ()
    %mul3A_66 = arith.constant 16 : i32
    %mul3A_67 = arith.muli %add3A_55, %mul3A_66 : i32
    %add3A_68 = arith.addi %mul3A_67, %arg1 : i32
    "tpu.region"() ({
      %run_scoped3A = tpu.sem_alloc : memref<!tpu.dma_semaphore, #tpu.memory_space<semaphore_mem>>
      %dma_start3A = arith.constant 0 : i32
      %dma_start3A_80 = arith.constant 0 : i32
      %dma_start3A_81 = tpu.memref_slice %arg5[%add3A_68, %dma_start3A, %dma_start3A_80] : memref<96x53x128xi32, #tpu.memory_space<hbm>> -> memref<1x53x128xi32, #tpu.memory_space<hbm>>
      %dma_start3A_82 = tpu.memref_squeeze %dma_start3A_81 : memref<1x53x128xi32, #tpu.memory_space<hbm>> -> memref<53x128xi32, #tpu.memory_space<hbm>>
      %dma_start3A_83 = arith.constant 0 : i32
      %dma_start3A_84 = arith.constant 0 : i32
      %dma_start3A_85 = tpu.memref_slice %arg5[%add3A_68, %dma_start3A_83, %dma_start3A_84] : memref<96x53x128xi32, #tpu.memory_space<hbm>> -> memref<1x53x128xi32, #tpu.memory_space<hbm>>
      %dma_start3A_86 = tpu.memref_squeeze %dma_start3A_85 : memref<1x53x128xi32, #tpu.memory_space<hbm>> -> memref<53x128xi32, #tpu.memory_space<hbm>>
      tpu.enqueue_dma source(%dma_start3A_86 : memref<53x128xi32, #tpu.memory_space<hbm>>) target(%arg8 : memref<53x128xi32, #tpu.memory_space<vmem>>) target_semaphore(%run_scoped3A : memref<!tpu.dma_semaphore, #tpu.memory_space<semaphore_mem>>)
      %dma_wait3A = arith.constant 0 : i32
      %dma_wait3A_87 = arith.constant 0 : i32
      %dma_wait3A_88 = tpu.memref_slice %arg5[%add3A_68, %dma_wait3A, %dma_wait3A_87] : memref<96x53x128xi32, #tpu.memory_space<hbm>> -> memref<1x53x128xi32, #tpu.memory_space<hbm>>
      %dma_wait3A_89 = tpu.memref_squeeze %dma_wait3A_88 : memref<1x53x128xi32, #tpu.memory_space<hbm>> -> memref<53x128xi32, #tpu.memory_space<hbm>>
      %dma_wait3A_90 = arith.constant 0 : i32
      %dma_wait3A_91 = arith.constant 0 : i32
      %dma_wait3A_92 = tpu.memref_slice %arg5[%add3A_68, %dma_wait3A_90, %dma_wait3A_91] : memref<96x53x128xi32, #tpu.memory_space<hbm>> -> memref<1x53x128xi32, #tpu.memory_space<hbm>>
      %dma_wait3A_93 = tpu.memref_squeeze %dma_wait3A_92 : memref<1x53x128xi32, #tpu.memory_space<hbm>> -> memref<53x128xi32, #tpu.memory_space<hbm>>
      tpu.wait_dma2 semaphore(%run_scoped3A : memref<!tpu.dma_semaphore, #tpu.memory_space<semaphore_mem>>) src(%dma_wait3A_93 : memref<53x128xi32, #tpu.memory_space<hbm>>) dst(%arg8 : memref<53x128xi32, #tpu.memory_space<vmem>>)
      tpu.yield
    }) : () -> ()
    %barrier3A_69 = arith.constant 0 : index
    tpu.barrier barrier_id(%barrier3A_69)
    %scan3A_70 = arith.constant 0 : i32
    %scan3A_71 = arith.constant 0 : i32
    %scan3A_72 = arith.constant 53 : i32
    %scan3A_73 = arith.addi %scan3A_71, %scan3A_72 : i32
    %scan3A_74 = arith.constant 1 : i32
    scf.for %scan3A_80 = %scan3A_71 to %scan3A_73 step %scan3A_74  : i32 {
      %dma_start3A = arith.constant 0 : i32
      %dma_start3A_81 = tpu.memref_slice %arg8[%scan3A_80, %dma_start3A] : memref<53x128xi32, #tpu.memory_space<vmem>> -> memref<1x128xi32, #tpu.memory_space<vmem>>
      %dma_start3A_82 = tpu.memref_squeeze %dma_start3A_81 : memref<1x128xi32, #tpu.memory_space<vmem>> -> memref<128xi32, #tpu.memory_space<vmem>>
      %dma_start3A_83 = arith.constant 0 : i32
      %dma_start3A_84 = arith.constant 0 : i32
      %dma_start3A_85 = tpu.memref_slice %arg3[%dma_start3A_83, %dma_start3A_84] : memref<709632x128xf32, #tpu.memory_space<hbm>> -> memref<709632x128xf32, #tpu.memory_space<hbm>>
      tpu.enqueue_indirect_dma source(%dma_start3A_85 : memref<709632x128xf32, #tpu.memory_space<hbm>>) target(%arg9 : memref<128x128xf32, #tpu.memory_space<vmem>>) offsets(%dma_start3A_82 : memref<128xi32, #tpu.memory_space<vmem>>) semaphore(%arg10 : memref<!tpu.dma_semaphore, #tpu.memory_space<semaphore_mem>>)
      %dma_wait3A = arith.constant 0 : i32
      %dma_wait3A_86 = tpu.memref_slice %arg8[%scan3A_80, %dma_wait3A] : memref<53x128xi32, #tpu.memory_space<vmem>> -> memref<1x128xi32, #tpu.memory_space<vmem>>
      %dma_wait3A_87 = tpu.memref_squeeze %dma_wait3A_86 : memref<1x128xi32, #tpu.memory_space<vmem>> -> memref<128xi32, #tpu.memory_space<vmem>>
      %dma_wait3A_88 = arith.constant 0 : i32
      %dma_wait3A_89 = arith.constant 0 : i32
      %dma_wait3A_90 = tpu.memref_slice %arg3[%dma_wait3A_88, %dma_wait3A_89] : memref<709632x128xf32, #tpu.memory_space<hbm>> -> memref<709632x128xf32, #tpu.memory_space<hbm>>
      tpu.wait_indirect_dma semaphore(%arg10 : memref<!tpu.dma_semaphore, #tpu.memory_space<semaphore_mem>>) src(%dma_wait3A_90 : memref<709632x128xf32, #tpu.memory_space<hbm>>) dst(%arg9 : memref<128x128xf32, #tpu.memory_space<vmem>>)
      "tpu.region"() ({
        %run_scoped3A = tpu.sem_alloc : memref<!tpu.dma_semaphore, #tpu.memory_space<semaphore_mem>>
        %dma_start3A_91 = arith.constant 0 : i32
        %dma_start3A_92 = tpu.memref_slice %arg7[%scan3A_80, %dma_start3A_91] : memref<53x128xi32, #tpu.memory_space<vmem>> -> memref<1x128xi32, #tpu.memory_space<vmem>>
        %dma_start3A_93 = tpu.memref_squeeze %dma_start3A_92 : memref<1x128xi32, #tpu.memory_space<vmem>> -> memref<128xi32, #tpu.memory_space<vmem>>
        %dma_start3A_94 = arith.constant 0 : i32
        %dma_start3A_95 = arith.constant 0 : i32
        %dma_start3A_96 = tpu.memref_slice %arg11[%dma_start3A_94, %dma_start3A_95] : memref<8464x128xf32, #tpu.memory_space<vmem_shared>> -> memref<8464x128xf32, #tpu.memory_space<vmem_shared>>
        tpu.enqueue_indirect_dma source(%arg9 : memref<128x128xf32, #tpu.memory_space<vmem>>) target(%dma_start3A_96 : memref<8464x128xf32, #tpu.memory_space<vmem_shared>>) offsets(%dma_start3A_93 : memref<128xi32, #tpu.memory_space<vmem>>) semaphore(%run_scoped3A : memref<!tpu.dma_semaphore, #tpu.memory_space<semaphore_mem>>) {add = true}
        %dma_wait3A_97 = arith.constant 0 : i32
        %dma_wait3A_98 = tpu.memref_slice %arg7[%scan3A_80, %dma_wait3A_97] : memref<53x128xi32, #tpu.memory_space<vmem>> -> memref<1x128xi32, #tpu.memory_space<vmem>>
        %dma_wait3A_99 = tpu.memref_squeeze %dma_wait3A_98 : memref<1x128xi32, #tpu.memory_space<vmem>> -> memref<128xi32, #tpu.memory_space<vmem>>
        %dma_wait3A_100 = arith.constant 0 : i32
        %dma_wait3A_101 = arith.constant 0 : i32
        %dma_wait3A_102 = tpu.memref_slice %arg11[%dma_wait3A_100, %dma_wait3A_101] : memref<8464x128xf32, #tpu.memory_space<vmem_shared>> -> memref<8464x128xf32, #tpu.memory_space<vmem_shared>>
        tpu.wait_indirect_dma semaphore(%run_scoped3A : memref<!tpu.dma_semaphore, #tpu.memory_space<semaphore_mem>>) src(%arg9 : memref<128x128xf32, #tpu.memory_space<vmem>>) dst(%dma_wait3A_102 : memref<8464x128xf32, #tpu.memory_space<vmem_shared>>)
        tpu.yield
      }) : () -> ()
    }
    %scan3A_75 = arith.constant 53 : i32
    %barrier3A_76 = arith.constant 0 : index
    tpu.barrier barrier_id(%barrier3A_76)
    %mul3A_77 = arith.constant 528 : i32
    %mul3A_78 = arith.muli %arg1, %mul3A_77 : i32
    "tpu.region"() ({
      %run_scoped3A = tpu.sem_alloc : memref<!tpu.dma_semaphore, #tpu.memory_space<semaphore_mem>>
      %dma_start3A = arith.constant 0 : i32
      %dma_start3A_80 = tpu.memref_slice %arg6[%add3A_60, %dma_start3A] : memref<50688x128xf32, #tpu.memory_space<hbm>> -> memref<528x128xf32, #tpu.memory_space<hbm>>
      %dma_start3A_81 = arith.constant 0 : i32
      %dma_start3A_82 = tpu.memref_slice %arg11[%mul3A_78, %dma_start3A_81] : memref<8464x128xf32, #tpu.memory_space<vmem_shared>> -> memref<528x128xf32, #tpu.memory_space<vmem_shared>>
      tpu.enqueue_dma source(%dma_start3A_82 : memref<528x128xf32, #tpu.memory_space<vmem_shared>>) target(%dma_start3A_80 : memref<528x128xf32, #tpu.memory_space<hbm>>) target_semaphore(%run_scoped3A : memref<!tpu.dma_semaphore, #tpu.memory_space<semaphore_mem>>)
      %dma_wait3A = arith.constant 0 : i32
      %dma_wait3A_83 = tpu.memref_slice %arg6[%add3A_60, %dma_wait3A] : memref<50688x128xf32, #tpu.memory_space<hbm>> -> memref<528x128xf32, #tpu.memory_space<hbm>>
      %dma_wait3A_84 = arith.constant 0 : i32
      %dma_wait3A_85 = tpu.memref_slice %arg11[%mul3A_78, %dma_wait3A_84] : memref<8464x128xf32, #tpu.memory_space<vmem_shared>> -> memref<528x128xf32, #tpu.memory_space<vmem_shared>>
      tpu.wait_dma2 semaphore(%run_scoped3A : memref<!tpu.dma_semaphore, #tpu.memory_space<semaphore_mem>>) src(%dma_wait3A_85 : memref<528x128xf32, #tpu.memory_space<vmem_shared>>) dst(%dma_wait3A_83 : memref<528x128xf32, #tpu.memory_space<hbm>>)
      tpu.yield
    }) : () -> ()
    %barrier3A_79 = arith.constant 0 : index
    tpu.barrier barrier_id(%barrier3A_79)
    return
  }
}

#map = affine_map<(d0, d1) -> (0, 0)>
#map1 = affine_map<(d0, d1) -> (0, 0, 0)>
module attributes {stable_mosaic.version = 14 : i64} {
  func.func @_sc_body(%arg0: i32, %arg1: i32, %arg2: memref<50688x128xf32, #tpu.memory_space<hbm>>, %arg3: memref<709632x128xf32, #tpu.memory_space<hbm>>, %arg4: memref<96x53x128xi32, #tpu.memory_space<hbm>>, %arg5: memref<96x53x128xi32, #tpu.memory_space<hbm>>, %arg6: memref<50688x128xf32, #tpu.memory_space<hbm>>, %arg7: memref<53x128xi32, #tpu.memory_space<vmem>>, %arg8: memref<53x128xi32, #tpu.memory_space<vmem>>, %arg9: memref<128x128xf32, #tpu.memory_space<vmem>>, %arg10: memref<!tpu.dma_semaphore, #tpu.memory_space<semaphore_mem>>, %arg11: memref<8464x128xf32, #tpu.memory_space<vmem_shared>>) attributes {dimension_semantics = [#tpu.dimension_semantics<core_parallel>, #tpu.dimension_semantics<subcore_parallel>], iteration_bounds = array<i64: 2, 16>, scalar_prefetch = 0 : i64, scratch_operands = 5 : i64, tpu.core_type = #tpu.core_type<sc_vector_subcore>, window_params = [{transform_indices = #map}, {transform_indices = #map}, {transform_indices = #map1}, {transform_indices = #map1}, {transform_indices = #map}]} {
    %mul3A = arith.constant 3 : i32
    %mul3A_0 = arith.muli %arg0, %mul3A : i32
    %add3A = arith.constant 0 : i32
    %add3A_1 = arith.addi %mul3A_0, %add3A : i32
    %mul3A_2 = arith.constant 8448 : i32
    %mul3A_3 = arith.muli %add3A_1, %mul3A_2 : i32
    %mul3A_4 = arith.constant 528 : i32
    %mul3A_5 = arith.muli %arg1, %mul3A_4 : i32
    %add3A_6 = arith.addi %mul3A_3, %mul3A_5 : i32
    %mul3A_7 = arith.constant 528 : i32
    %mul3A_8 = arith.muli %arg1, %mul3A_7 : i32
    "tpu.region"() ({
      %run_scoped3A = tpu.sem_alloc : memref<!tpu.dma_semaphore, #tpu.memory_space<semaphore_mem>>
      %dma_start3A = arith.constant 0 : i32
      %dma_start3A_80 = tpu.memref_slice %arg11[%mul3A_8, %dma_start3A] : memref<8464x128xf32, #tpu.memory_space<vmem_shared>> -> memref<528x128xf32, #tpu.memory_space<vmem_shared>>
      %dma_start3A_81 = arith.constant 0 : i32
      %dma_start3A_82 = tpu.memref_slice %arg2[%add3A_6, %dma_start3A_81] : memref<50688x128xf32, #tpu.memory_space<hbm>> -> memref<528x128xf32, #tpu.memory_space<hbm>>
      tpu.enqueue_dma source(%dma_start3A_82 : memref<528x128xf32, #tpu.memory_space<hbm>>) target(%dma_start3A_80 : memref<528x128xf32, #tpu.memory_space<vmem_shared>>) target_semaphore(%run_scoped3A : memref<!tpu.dma_semaphore, #tpu.memory_space<semaphore_mem>>)
      %dma_wait3A = arith.constant 0 : i32
      %dma_wait3A_83 = tpu.memref_slice %arg11[%mul3A_8, %dma_wait3A] : memref<8464x128xf32, #tpu.memory_space<vmem_shared>> -> memref<528x128xf32, #tpu.memory_space<vmem_shared>>
      %dma_wait3A_84 = arith.constant 0 : i32
      %dma_wait3A_85 = tpu.memref_slice %arg2[%add3A_6, %dma_wait3A_84] : memref<50688x128xf32, #tpu.memory_space<hbm>> -> memref<528x128xf32, #tpu.memory_space<hbm>>
      tpu.wait_dma2 semaphore(%run_scoped3A : memref<!tpu.dma_semaphore, #tpu.memory_space<semaphore_mem>>) src(%dma_wait3A_85 : memref<528x128xf32, #tpu.memory_space<hbm>>) dst(%dma_wait3A_83 : memref<528x128xf32, #tpu.memory_space<vmem_shared>>)
      tpu.yield
    }) : () -> ()
    %mul3A_9 = arith.constant 16 : i32
    %mul3A_10 = arith.muli %add3A_1, %mul3A_9 : i32
    %add3A_11 = arith.addi %mul3A_10, %arg1 : i32
    "tpu.region"() ({
      %run_scoped3A = tpu.sem_alloc : memref<!tpu.dma_semaphore, #tpu.memory_space<semaphore_mem>>
      %dma_start3A = arith.constant 0 : i32
      %dma_start3A_80 = arith.constant 0 : i32
      %dma_start3A_81 = tpu.memref_slice %arg4[%add3A_11, %dma_start3A, %dma_start3A_80] : memref<96x53x128xi32, #tpu.memory_space<hbm>> -> memref<1x53x128xi32, #tpu.memory_space<hbm>>
      %dma_start3A_82 = tpu.memref_squeeze %dma_start3A_81 : memref<1x53x128xi32, #tpu.memory_space<hbm>> -> memref<53x128xi32, #tpu.memory_space<hbm>>
      %dma_start3A_83 = arith.constant 0 : i32
      %dma_start3A_84 = arith.constant 0 : i32
      %dma_start3A_85 = tpu.memref_slice %arg4[%add3A_11, %dma_start3A_83, %dma_start3A_84] : memref<96x53x128xi32, #tpu.memory_space<hbm>> -> memref<1x53x128xi32, #tpu.memory_space<hbm>>
      %dma_start3A_86 = tpu.memref_squeeze %dma_start3A_85 : memref<1x53x128xi32, #tpu.memory_space<hbm>> -> memref<53x128xi32, #tpu.memory_space<hbm>>
      tpu.enqueue_dma source(%dma_start3A_86 : memref<53x128xi32, #tpu.memory_space<hbm>>) target(%arg7 : memref<53x128xi32, #tpu.memory_space<vmem>>) target_semaphore(%run_scoped3A : memref<!tpu.dma_semaphore, #tpu.memory_space<semaphore_mem>>)
      %dma_wait3A = arith.constant 0 : i32
      %dma_wait3A_87 = arith.constant 0 : i32
      %dma_wait3A_88 = tpu.memref_slice %arg4[%add3A_11, %dma_wait3A, %dma_wait3A_87] : memref<96x53x128xi32, #tpu.memory_space<hbm>> -> memref<1x53x128xi32, #tpu.memory_space<hbm>>
      %dma_wait3A_89 = tpu.memref_squeeze %dma_wait3A_88 : memref<1x53x128xi32, #tpu.memory_space<hbm>> -> memref<53x128xi32, #tpu.memory_space<hbm>>
      %dma_wait3A_90 = arith.constant 0 : i32
      %dma_wait3A_91 = arith.constant 0 : i32
      %dma_wait3A_92 = tpu.memref_slice %arg4[%add3A_11, %dma_wait3A_90, %dma_wait3A_91] : memref<96x53x128xi32, #tpu.memory_space<hbm>> -> memref<1x53x128xi32, #tpu.memory_space<hbm>>
      %dma_wait3A_93 = tpu.memref_squeeze %dma_wait3A_92 : memref<1x53x128xi32, #tpu.memory_space<hbm>> -> memref<53x128xi32, #tpu.memory_space<hbm>>
      tpu.wait_dma2 semaphore(%run_scoped3A : memref<!tpu.dma_semaphore, #tpu.memory_space<semaphore_mem>>) src(%dma_wait3A_93 : memref<53x128xi32, #tpu.memory_space<hbm>>) dst(%arg7 : memref<53x128xi32, #tpu.memory_space<vmem>>)
      tpu.yield
    }) : () -> ()
    %mul3A_12 = arith.constant 16 : i32
    %mul3A_13 = arith.muli %add3A_1, %mul3A_12 : i32
    %add3A_14 = arith.addi %mul3A_13, %arg1 : i32
    "tpu.region"() ({
      %run_scoped3A = tpu.sem_alloc : memref<!tpu.dma_semaphore, #tpu.memory_space<semaphore_mem>>
      %dma_start3A = arith.constant 0 : i32
      %dma_start3A_80 = arith.constant 0 : i32
      %dma_start3A_81 = tpu.memref_slice %arg5[%add3A_14, %dma_start3A, %dma_start3A_80] : memref<96x53x128xi32, #tpu.memory_space<hbm>> -> memref<1x53x128xi32, #tpu.memory_space<hbm>>
      %dma_start3A_82 = tpu.memref_squeeze %dma_start3A_81 : memref<1x53x128xi32, #tpu.memory_space<hbm>> -> memref<53x128xi32, #tpu.memory_space<hbm>>
      %dma_start3A_83 = arith.constant 0 : i32
      %dma_start3A_84 = arith.constant 0 : i32
      %dma_start3A_85 = tpu.memref_slice %arg5[%add3A_14, %dma_start3A_83, %dma_start3A_84] : memref<96x53x128xi32, #tpu.memory_space<hbm>> -> memref<1x53x128xi32, #tpu.memory_space<hbm>>
      %dma_start3A_86 = tpu.memref_squeeze %dma_start3A_85 : memref<1x53x128xi32, #tpu.memory_space<hbm>> -> memref<53x128xi32, #tpu.memory_space<hbm>>
      tpu.enqueue_dma source(%dma_start3A_86 : memref<53x128xi32, #tpu.memory_space<hbm>>) target(%arg8 : memref<53x128xi32, #tpu.memory_space<vmem>>) target_semaphore(%run_scoped3A : memref<!tpu.dma_semaphore, #tpu.memory_space<semaphore_mem>>)
      %dma_wait3A = arith.constant 0 : i32
      %dma_wait3A_87 = arith.constant 0 : i32
      %dma_wait3A_88 = tpu.memref_slice %arg5[%add3A_14, %dma_wait3A, %dma_wait3A_87] : memref<96x53x128xi32, #tpu.memory_space<hbm>> -> memref<1x53x128xi32, #tpu.memory_space<hbm>>
      %dma_wait3A_89 = tpu.memref_squeeze %dma_wait3A_88 : memref<1x53x128xi32, #tpu.memory_space<hbm>> -> memref<53x128xi32, #tpu.memory_space<hbm>>
      %dma_wait3A_90 = arith.constant 0 : i32
      %dma_wait3A_91 = arith.constant 0 : i32
      %dma_wait3A_92 = tpu.memref_slice %arg5[%add3A_14, %dma_wait3A_90, %dma_wait3A_91] : memref<96x53x128xi32, #tpu.memory_space<hbm>> -> memref<1x53x128xi32, #tpu.memory_space<hbm>>
      %dma_wait3A_93 = tpu.memref_squeeze %dma_wait3A_92 : memref<1x53x128xi32, #tpu.memory_space<hbm>> -> memref<53x128xi32, #tpu.memory_space<hbm>>
      tpu.wait_dma2 semaphore(%run_scoped3A : memref<!tpu.dma_semaphore, #tpu.memory_space<semaphore_mem>>) src(%dma_wait3A_93 : memref<53x128xi32, #tpu.memory_space<hbm>>) dst(%arg8 : memref<53x128xi32, #tpu.memory_space<vmem>>)
      tpu.yield
    }) : () -> ()
    %barrier3A = arith.constant 0 : index
    tpu.barrier barrier_id(%barrier3A)
    %scan3A = arith.constant 0 : i32
    %scan3A_15 = arith.constant 0 : i32
    %scan3A_16 = arith.constant 53 : i32
    %scan3A_17 = arith.addi %scan3A_15, %scan3A_16 : i32
    %scan3A_18 = arith.constant 1 : i32
    scf.for %scan3A_80 = %scan3A_15 to %scan3A_17 step %scan3A_18  : i32 {
      %dma_start3A = arith.constant 0 : i32
      %dma_start3A_81 = tpu.memref_slice %arg8[%scan3A_80, %dma_start3A] : memref<53x128xi32, #tpu.memory_space<vmem>> -> memref<1x128xi32, #tpu.memory_space<vmem>>
      %dma_start3A_82 = tpu.memref_squeeze %dma_start3A_81 : memref<1x128xi32, #tpu.memory_space<vmem>> -> memref<128xi32, #tpu.memory_space<vmem>>
      %dma_start3A_83 = arith.constant 0 : i32
      %dma_start3A_84 = arith.constant 0 : i32
      %dma_start3A_85 = tpu.memref_slice %arg3[%dma_start3A_83, %dma_start3A_84] : memref<709632x128xf32, #tpu.memory_space<hbm>> -> memref<709632x128xf32, #tpu.memory_space<hbm>>
      tpu.enqueue_indirect_dma source(%dma_start3A_85 : memref<709632x128xf32, #tpu.memory_space<hbm>>) target(%arg9 : memref<128x128xf32, #tpu.memory_space<vmem>>) offsets(%dma_start3A_82 : memref<128xi32, #tpu.memory_space<vmem>>) semaphore(%arg10 : memref<!tpu.dma_semaphore, #tpu.memory_space<semaphore_mem>>)
      %dma_wait3A = arith.constant 0 : i32
      %dma_wait3A_86 = tpu.memref_slice %arg8[%scan3A_80, %dma_wait3A] : memref<53x128xi32, #tpu.memory_space<vmem>> -> memref<1x128xi32, #tpu.memory_space<vmem>>
      %dma_wait3A_87 = tpu.memref_squeeze %dma_wait3A_86 : memref<1x128xi32, #tpu.memory_space<vmem>> -> memref<128xi32, #tpu.memory_space<vmem>>
      %dma_wait3A_88 = arith.constant 0 : i32
      %dma_wait3A_89 = arith.constant 0 : i32
      %dma_wait3A_90 = tpu.memref_slice %arg3[%dma_wait3A_88, %dma_wait3A_89] : memref<709632x128xf32, #tpu.memory_space<hbm>> -> memref<709632x128xf32, #tpu.memory_space<hbm>>
      tpu.wait_indirect_dma semaphore(%arg10 : memref<!tpu.dma_semaphore, #tpu.memory_space<semaphore_mem>>) src(%dma_wait3A_90 : memref<709632x128xf32, #tpu.memory_space<hbm>>) dst(%arg9 : memref<128x128xf32, #tpu.memory_space<vmem>>)
      "tpu.region"() ({
        %run_scoped3A = tpu.sem_alloc : memref<!tpu.dma_semaphore, #tpu.memory_space<semaphore_mem>>
        %dma_start3A_91 = arith.constant 0 : i32
        %dma_start3A_92 = tpu.memref_slice %arg7[%scan3A_80, %dma_start3A_91] : memref<53x128xi32, #tpu.memory_space<vmem>> -> memref<1x128xi32, #tpu.memory_space<vmem>>
        %dma_start3A_93 = tpu.memref_squeeze %dma_start3A_92 : memref<1x128xi32, #tpu.memory_space<vmem>> -> memref<128xi32, #tpu.memory_space<vmem>>
        %dma_start3A_94 = arith.constant 0 : i32
        %dma_start3A_95 = arith.constant 0 : i32
        %dma_start3A_96 = tpu.memref_slice %arg11[%dma_start3A_94, %dma_start3A_95] : memref<8464x128xf32, #tpu.memory_space<vmem_shared>> -> memref<8464x128xf32, #tpu.memory_space<vmem_shared>>
        tpu.enqueue_indirect_dma source(%arg9 : memref<128x128xf32, #tpu.memory_space<vmem>>) target(%dma_start3A_96 : memref<8464x128xf32, #tpu.memory_space<vmem_shared>>) offsets(%dma_start3A_93 : memref<128xi32, #tpu.memory_space<vmem>>) semaphore(%run_scoped3A : memref<!tpu.dma_semaphore, #tpu.memory_space<semaphore_mem>>) {add = true}
        %dma_wait3A_97 = arith.constant 0 : i32
        %dma_wait3A_98 = tpu.memref_slice %arg7[%scan3A_80, %dma_wait3A_97] : memref<53x128xi32, #tpu.memory_space<vmem>> -> memref<1x128xi32, #tpu.memory_space<vmem>>
        %dma_wait3A_99 = tpu.memref_squeeze %dma_wait3A_98 : memref<1x128xi32, #tpu.memory_space<vmem>> -> memref<128xi32, #tpu.memory_space<vmem>>
        %dma_wait3A_100 = arith.constant 0 : i32
        %dma_wait3A_101 = arith.constant 0 : i32
        %dma_wait3A_102 = tpu.memref_slice %arg11[%dma_wait3A_100, %dma_wait3A_101] : memref<8464x128xf32, #tpu.memory_space<vmem_shared>> -> memref<8464x128xf32, #tpu.memory_space<vmem_shared>>
        tpu.wait_indirect_dma semaphore(%run_scoped3A : memref<!tpu.dma_semaphore, #tpu.memory_space<semaphore_mem>>) src(%arg9 : memref<128x128xf32, #tpu.memory_space<vmem>>) dst(%dma_wait3A_102 : memref<8464x128xf32, #tpu.memory_space<vmem_shared>>)
        tpu.yield
      }) : () -> ()
    }
    %scan3A_19 = arith.constant 53 : i32
    %barrier3A_20 = arith.constant 0 : index
    tpu.barrier barrier_id(%barrier3A_20)
    %mul3A_21 = arith.constant 528 : i32
    %mul3A_22 = arith.muli %arg1, %mul3A_21 : i32
    "tpu.region"() ({
      %run_scoped3A = tpu.sem_alloc : memref<!tpu.dma_semaphore, #tpu.memory_space<semaphore_mem>>
      %dma_start3A = arith.constant 0 : i32
      %dma_start3A_80 = tpu.memref_slice %arg6[%add3A_6, %dma_start3A] : memref<50688x128xf32, #tpu.memory_space<hbm>> -> memref<528x128xf32, #tpu.memory_space<hbm>>
      %dma_start3A_81 = arith.constant 0 : i32
      %dma_start3A_82 = tpu.memref_slice %arg11[%mul3A_22, %dma_start3A_81] : memref<8464x128xf32, #tpu.memory_space<vmem_shared>> -> memref<528x128xf32, #tpu.memory_space<vmem_shared>>
      tpu.enqueue_dma source(%dma_start3A_82 : memref<528x128xf32, #tpu.memory_space<vmem_shared>>) target(%dma_start3A_80 : memref<528x128xf32, #tpu.memory_space<hbm>>) target_semaphore(%run_scoped3A : memref<!tpu.dma_semaphore, #tpu.memory_space<semaphore_mem>>)
      %dma_wait3A = arith.constant 0 : i32
      %dma_wait3A_83 = tpu.memref_slice %arg6[%add3A_6, %dma_wait3A] : memref<50688x128xf32, #tpu.memory_space<hbm>> -> memref<528x128xf32, #tpu.memory_space<hbm>>
      %dma_wait3A_84 = arith.constant 0 : i32
      %dma_wait3A_85 = tpu.memref_slice %arg11[%mul3A_22, %dma_wait3A_84] : memref<8464x128xf32, #tpu.memory_space<vmem_shared>> -> memref<528x128xf32, #tpu.memory_space<vmem_shared>>
      tpu.wait_dma2 semaphore(%run_scoped3A : memref<!tpu.dma_semaphore, #tpu.memory_space<semaphore_mem>>) src(%dma_wait3A_85 : memref<528x128xf32, #tpu.memory_space<vmem_shared>>) dst(%dma_wait3A_83 : memref<528x128xf32, #tpu.memory_space<hbm>>)
      tpu.yield
    }) : () -> ()
    %barrier3A_23 = arith.constant 0 : index
    tpu.barrier barrier_id(%barrier3A_23)
    %mul3A_24 = arith.constant 3 : i32
    %mul3A_25 = arith.muli %arg0, %mul3A_24 : i32
    %add3A_26 = arith.constant 1 : i32
    %add3A_27 = arith.addi %mul3A_25, %add3A_26 : i32
    %mul3A_28 = arith.constant 8448 : i32
    %mul3A_29 = arith.muli %add3A_27, %mul3A_28 : i32
    %mul3A_30 = arith.constant 528 : i32
    %mul3A_31 = arith.muli %arg1, %mul3A_30 : i32
    %add3A_32 = arith.addi %mul3A_29, %mul3A_31 : i32
    %mul3A_33 = arith.constant 528 : i32
    %mul3A_34 = arith.muli %arg1, %mul3A_33 : i32
    "tpu.region"() ({
      %run_scoped3A = tpu.sem_alloc : memref<!tpu.dma_semaphore, #tpu.memory_space<semaphore_mem>>
      %dma_start3A = arith.constant 0 : i32
      %dma_start3A_80 = tpu.memref_slice %arg11[%mul3A_34, %dma_start3A] : memref<8464x128xf32, #tpu.memory_space<vmem_shared>> -> memref<528x128xf32, #tpu.memory_space<vmem_shared>>
      %dma_start3A_81 = arith.constant 0 : i32
      %dma_start3A_82 = tpu.memref_slice %arg2[%add3A_32, %dma_start3A_81] : memref<50688x128xf32, #tpu.memory_space<hbm>> -> memref<528x128xf32, #tpu.memory_space<hbm>>
      tpu.enqueue_dma source(%dma_start3A_82 : memref<528x128xf32, #tpu.memory_space<hbm>>) target(%dma_start3A_80 : memref<528x128xf32, #tpu.memory_space<vmem_shared>>) target_semaphore(%run_scoped3A : memref<!tpu.dma_semaphore, #tpu.memory_space<semaphore_mem>>)
      %dma_wait3A = arith.constant 0 : i32
      %dma_wait3A_83 = tpu.memref_slice %arg11[%mul3A_34, %dma_wait3A] : memref<8464x128xf32, #tpu.memory_space<vmem_shared>> -> memref<528x128xf32, #tpu.memory_space<vmem_shared>>
      %dma_wait3A_84 = arith.constant 0 : i32
      %dma_wait3A_85 = tpu.memref_slice %arg2[%add3A_32, %dma_wait3A_84] : memref<50688x128xf32, #tpu.memory_space<hbm>> -> memref<528x128xf32, #tpu.memory_space<hbm>>
      tpu.wait_dma2 semaphore(%run_scoped3A : memref<!tpu.dma_semaphore, #tpu.memory_space<semaphore_mem>>) src(%dma_wait3A_85 : memref<528x128xf32, #tpu.memory_space<hbm>>) dst(%dma_wait3A_83 : memref<528x128xf32, #tpu.memory_space<vmem_shared>>)
      tpu.yield
    }) : () -> ()
    %mul3A_35 = arith.constant 16 : i32
    %mul3A_36 = arith.muli %add3A_27, %mul3A_35 : i32
    %add3A_37 = arith.addi %mul3A_36, %arg1 : i32
    "tpu.region"() ({
      %run_scoped3A = tpu.sem_alloc : memref<!tpu.dma_semaphore, #tpu.memory_space<semaphore_mem>>
      %dma_start3A = arith.constant 0 : i32
      %dma_start3A_80 = arith.constant 0 : i32
      %dma_start3A_81 = tpu.memref_slice %arg4[%add3A_37, %dma_start3A, %dma_start3A_80] : memref<96x53x128xi32, #tpu.memory_space<hbm>> -> memref<1x53x128xi32, #tpu.memory_space<hbm>>
      %dma_start3A_82 = tpu.memref_squeeze %dma_start3A_81 : memref<1x53x128xi32, #tpu.memory_space<hbm>> -> memref<53x128xi32, #tpu.memory_space<hbm>>
      %dma_start3A_83 = arith.constant 0 : i32
      %dma_start3A_84 = arith.constant 0 : i32
      %dma_start3A_85 = tpu.memref_slice %arg4[%add3A_37, %dma_start3A_83, %dma_start3A_84] : memref<96x53x128xi32, #tpu.memory_space<hbm>> -> memref<1x53x128xi32, #tpu.memory_space<hbm>>
      %dma_start3A_86 = tpu.memref_squeeze %dma_start3A_85 : memref<1x53x128xi32, #tpu.memory_space<hbm>> -> memref<53x128xi32, #tpu.memory_space<hbm>>
      tpu.enqueue_dma source(%dma_start3A_86 : memref<53x128xi32, #tpu.memory_space<hbm>>) target(%arg7 : memref<53x128xi32, #tpu.memory_space<vmem>>) target_semaphore(%run_scoped3A : memref<!tpu.dma_semaphore, #tpu.memory_space<semaphore_mem>>)
      %dma_wait3A = arith.constant 0 : i32
      %dma_wait3A_87 = arith.constant 0 : i32
      %dma_wait3A_88 = tpu.memref_slice %arg4[%add3A_37, %dma_wait3A, %dma_wait3A_87] : memref<96x53x128xi32, #tpu.memory_space<hbm>> -> memref<1x53x128xi32, #tpu.memory_space<hbm>>
      %dma_wait3A_89 = tpu.memref_squeeze %dma_wait3A_88 : memref<1x53x128xi32, #tpu.memory_space<hbm>> -> memref<53x128xi32, #tpu.memory_space<hbm>>
      %dma_wait3A_90 = arith.constant 0 : i32
      %dma_wait3A_91 = arith.constant 0 : i32
      %dma_wait3A_92 = tpu.memref_slice %arg4[%add3A_37, %dma_wait3A_90, %dma_wait3A_91] : memref<96x53x128xi32, #tpu.memory_space<hbm>> -> memref<1x53x128xi32, #tpu.memory_space<hbm>>
      %dma_wait3A_93 = tpu.memref_squeeze %dma_wait3A_92 : memref<1x53x128xi32, #tpu.memory_space<hbm>> -> memref<53x128xi32, #tpu.memory_space<hbm>>
      tpu.wait_dma2 semaphore(%run_scoped3A : memref<!tpu.dma_semaphore, #tpu.memory_space<semaphore_mem>>) src(%dma_wait3A_93 : memref<53x128xi32, #tpu.memory_space<hbm>>) dst(%arg7 : memref<53x128xi32, #tpu.memory_space<vmem>>)
      tpu.yield
    }) : () -> ()
    %mul3A_38 = arith.constant 16 : i32
    %mul3A_39 = arith.muli %add3A_27, %mul3A_38 : i32
    %add3A_40 = arith.addi %mul3A_39, %arg1 : i32
    "tpu.region"() ({
      %run_scoped3A = tpu.sem_alloc : memref<!tpu.dma_semaphore, #tpu.memory_space<semaphore_mem>>
      %dma_start3A = arith.constant 0 : i32
      %dma_start3A_80 = arith.constant 0 : i32
      %dma_start3A_81 = tpu.memref_slice %arg5[%add3A_40, %dma_start3A, %dma_start3A_80] : memref<96x53x128xi32, #tpu.memory_space<hbm>> -> memref<1x53x128xi32, #tpu.memory_space<hbm>>
      %dma_start3A_82 = tpu.memref_squeeze %dma_start3A_81 : memref<1x53x128xi32, #tpu.memory_space<hbm>> -> memref<53x128xi32, #tpu.memory_space<hbm>>
      %dma_start3A_83 = arith.constant 0 : i32
      %dma_start3A_84 = arith.constant 0 : i32
      %dma_start3A_85 = tpu.memref_slice %arg5[%add3A_40, %dma_start3A_83, %dma_start3A_84] : memref<96x53x128xi32, #tpu.memory_space<hbm>> -> memref<1x53x128xi32, #tpu.memory_space<hbm>>
      %dma_start3A_86 = tpu.memref_squeeze %dma_start3A_85 : memref<1x53x128xi32, #tpu.memory_space<hbm>> -> memref<53x128xi32, #tpu.memory_space<hbm>>
      tpu.enqueue_dma source(%dma_start3A_86 : memref<53x128xi32, #tpu.memory_space<hbm>>) target(%arg8 : memref<53x128xi32, #tpu.memory_space<vmem>>) target_semaphore(%run_scoped3A : memref<!tpu.dma_semaphore, #tpu.memory_space<semaphore_mem>>)
      %dma_wait3A = arith.constant 0 : i32
      %dma_wait3A_87 = arith.constant 0 : i32
      %dma_wait3A_88 = tpu.memref_slice %arg5[%add3A_40, %dma_wait3A, %dma_wait3A_87] : memref<96x53x128xi32, #tpu.memory_space<hbm>> -> memref<1x53x128xi32, #tpu.memory_space<hbm>>
      %dma_wait3A_89 = tpu.memref_squeeze %dma_wait3A_88 : memref<1x53x128xi32, #tpu.memory_space<hbm>> -> memref<53x128xi32, #tpu.memory_space<hbm>>
      %dma_wait3A_90 = arith.constant 0 : i32
      %dma_wait3A_91 = arith.constant 0 : i32
      %dma_wait3A_92 = tpu.memref_slice %arg5[%add3A_40, %dma_wait3A_90, %dma_wait3A_91] : memref<96x53x128xi32, #tpu.memory_space<hbm>> -> memref<1x53x128xi32, #tpu.memory_space<hbm>>
      %dma_wait3A_93 = tpu.memref_squeeze %dma_wait3A_92 : memref<1x53x128xi32, #tpu.memory_space<hbm>> -> memref<53x128xi32, #tpu.memory_space<hbm>>
      tpu.wait_dma2 semaphore(%run_scoped3A : memref<!tpu.dma_semaphore, #tpu.memory_space<semaphore_mem>>) src(%dma_wait3A_93 : memref<53x128xi32, #tpu.memory_space<hbm>>) dst(%arg8 : memref<53x128xi32, #tpu.memory_space<vmem>>)
      tpu.yield
    }) : () -> ()
    %barrier3A_41 = arith.constant 0 : index
    tpu.barrier barrier_id(%barrier3A_41)
    %scan3A_42 = arith.constant 0 : i32
    %scan3A_43 = arith.constant 0 : i32
    %scan3A_44 = arith.constant 53 : i32
    %scan3A_45 = arith.addi %scan3A_43, %scan3A_44 : i32
    %scan3A_46 = arith.constant 1 : i32
    scf.for %scan3A_80 = %scan3A_43 to %scan3A_45 step %scan3A_46  : i32 {
      %dma_start3A = arith.constant 0 : i32
      %dma_start3A_81 = tpu.memref_slice %arg8[%scan3A_80, %dma_start3A] : memref<53x128xi32, #tpu.memory_space<vmem>> -> memref<1x128xi32, #tpu.memory_space<vmem>>
      %dma_start3A_82 = tpu.memref_squeeze %dma_start3A_81 : memref<1x128xi32, #tpu.memory_space<vmem>> -> memref<128xi32, #tpu.memory_space<vmem>>
      %dma_start3A_83 = arith.constant 0 : i32
      %dma_start3A_84 = arith.constant 0 : i32
      %dma_start3A_85 = tpu.memref_slice %arg3[%dma_start3A_83, %dma_start3A_84] : memref<709632x128xf32, #tpu.memory_space<hbm>> -> memref<709632x128xf32, #tpu.memory_space<hbm>>
      tpu.enqueue_indirect_dma source(%dma_start3A_85 : memref<709632x128xf32, #tpu.memory_space<hbm>>) target(%arg9 : memref<128x128xf32, #tpu.memory_space<vmem>>) offsets(%dma_start3A_82 : memref<128xi32, #tpu.memory_space<vmem>>) semaphore(%arg10 : memref<!tpu.dma_semaphore, #tpu.memory_space<semaphore_mem>>)
      %dma_wait3A = arith.constant 0 : i32
      %dma_wait3A_86 = tpu.memref_slice %arg8[%scan3A_80, %dma_wait3A] : memref<53x128xi32, #tpu.memory_space<vmem>> -> memref<1x128xi32, #tpu.memory_space<vmem>>
      %dma_wait3A_87 = tpu.memref_squeeze %dma_wait3A_86 : memref<1x128xi32, #tpu.memory_space<vmem>> -> memref<128xi32, #tpu.memory_space<vmem>>
      %dma_wait3A_88 = arith.constant 0 : i32
      %dma_wait3A_89 = arith.constant 0 : i32
      %dma_wait3A_90 = tpu.memref_slice %arg3[%dma_wait3A_88, %dma_wait3A_89] : memref<709632x128xf32, #tpu.memory_space<hbm>> -> memref<709632x128xf32, #tpu.memory_space<hbm>>
      tpu.wait_indirect_dma semaphore(%arg10 : memref<!tpu.dma_semaphore, #tpu.memory_space<semaphore_mem>>) src(%dma_wait3A_90 : memref<709632x128xf32, #tpu.memory_space<hbm>>) dst(%arg9 : memref<128x128xf32, #tpu.memory_space<vmem>>)
      "tpu.region"() ({
        %run_scoped3A = tpu.sem_alloc : memref<!tpu.dma_semaphore, #tpu.memory_space<semaphore_mem>>
        %dma_start3A_91 = arith.constant 0 : i32
        %dma_start3A_92 = tpu.memref_slice %arg7[%scan3A_80, %dma_start3A_91] : memref<53x128xi32, #tpu.memory_space<vmem>> -> memref<1x128xi32, #tpu.memory_space<vmem>>
        %dma_start3A_93 = tpu.memref_squeeze %dma_start3A_92 : memref<1x128xi32, #tpu.memory_space<vmem>> -> memref<128xi32, #tpu.memory_space<vmem>>
        %dma_start3A_94 = arith.constant 0 : i32
        %dma_start3A_95 = arith.constant 0 : i32
        %dma_start3A_96 = tpu.memref_slice %arg11[%dma_start3A_94, %dma_start3A_95] : memref<8464x128xf32, #tpu.memory_space<vmem_shared>> -> memref<8464x128xf32, #tpu.memory_space<vmem_shared>>
        tpu.enqueue_indirect_dma source(%arg9 : memref<128x128xf32, #tpu.memory_space<vmem>>) target(%dma_start3A_96 : memref<8464x128xf32, #tpu.memory_space<vmem_shared>>) offsets(%dma_start3A_93 : memref<128xi32, #tpu.memory_space<vmem>>) semaphore(%run_scoped3A : memref<!tpu.dma_semaphore, #tpu.memory_space<semaphore_mem>>) {add = true}
        %dma_wait3A_97 = arith.constant 0 : i32
        %dma_wait3A_98 = tpu.memref_slice %arg7[%scan3A_80, %dma_wait3A_97] : memref<53x128xi32, #tpu.memory_space<vmem>> -> memref<1x128xi32, #tpu.memory_space<vmem>>
        %dma_wait3A_99 = tpu.memref_squeeze %dma_wait3A_98 : memref<1x128xi32, #tpu.memory_space<vmem>> -> memref<128xi32, #tpu.memory_space<vmem>>
        %dma_wait3A_100 = arith.constant 0 : i32
        %dma_wait3A_101 = arith.constant 0 : i32
        %dma_wait3A_102 = tpu.memref_slice %arg11[%dma_wait3A_100, %dma_wait3A_101] : memref<8464x128xf32, #tpu.memory_space<vmem_shared>> -> memref<8464x128xf32, #tpu.memory_space<vmem_shared>>
        tpu.wait_indirect_dma semaphore(%run_scoped3A : memref<!tpu.dma_semaphore, #tpu.memory_space<semaphore_mem>>) src(%arg9 : memref<128x128xf32, #tpu.memory_space<vmem>>) dst(%dma_wait3A_102 : memref<8464x128xf32, #tpu.memory_space<vmem_shared>>)
        tpu.yield
      }) : () -> ()
    }
    %scan3A_47 = arith.constant 53 : i32
    %barrier3A_48 = arith.constant 0 : index
    tpu.barrier barrier_id(%barrier3A_48)
    %mul3A_49 = arith.constant 528 : i32
    %mul3A_50 = arith.muli %arg1, %mul3A_49 : i32
    "tpu.region"() ({
      %run_scoped3A = tpu.sem_alloc : memref<!tpu.dma_semaphore, #tpu.memory_space<semaphore_mem>>
      %dma_start3A = arith.constant 0 : i32
      %dma_start3A_80 = tpu.memref_slice %arg6[%add3A_32, %dma_start3A] : memref<50688x128xf32, #tpu.memory_space<hbm>> -> memref<528x128xf32, #tpu.memory_space<hbm>>
      %dma_start3A_81 = arith.constant 0 : i32
      %dma_start3A_82 = tpu.memref_slice %arg11[%mul3A_50, %dma_start3A_81] : memref<8464x128xf32, #tpu.memory_space<vmem_shared>> -> memref<528x128xf32, #tpu.memory_space<vmem_shared>>
      tpu.enqueue_dma source(%dma_start3A_82 : memref<528x128xf32, #tpu.memory_space<vmem_shared>>) target(%dma_start3A_80 : memref<528x128xf32, #tpu.memory_space<hbm>>) target_semaphore(%run_scoped3A : memref<!tpu.dma_semaphore, #tpu.memory_space<semaphore_mem>>)
      %dma_wait3A = arith.constant 0 : i32
      %dma_wait3A_83 = tpu.memref_slice %arg6[%add3A_32, %dma_wait3A] : memref<50688x128xf32, #tpu.memory_space<hbm>> -> memref<528x128xf32, #tpu.memory_space<hbm>>
      %dma_wait3A_84 = arith.constant 0 : i32
      %dma_wait3A_85 = tpu.memref_slice %arg11[%mul3A_50, %dma_wait3A_84] : memref<8464x128xf32, #tpu.memory_space<vmem_shared>> -> memref<528x128xf32, #tpu.memory_space<vmem_shared>>
      tpu.wait_dma2 semaphore(%run_scoped3A : memref<!tpu.dma_semaphore, #tpu.memory_space<semaphore_mem>>) src(%dma_wait3A_85 : memref<528x128xf32, #tpu.memory_space<vmem_shared>>) dst(%dma_wait3A_83 : memref<528x128xf32, #tpu.memory_space<hbm>>)
      tpu.yield
    }) : () -> ()
    %barrier3A_51 = arith.constant 0 : index
    tpu.barrier barrier_id(%barrier3A_51)
    %mul3A_52 = arith.constant 3 : i32
    %mul3A_53 = arith.muli %arg0, %mul3A_52 : i32
    %add3A_54 = arith.constant 2 : i32
    %add3A_55 = arith.addi %mul3A_53, %add3A_54 : i32
    %mul3A_56 = arith.constant 8448 : i32
    %mul3A_57 = arith.muli %add3A_55, %mul3A_56 : i32
    %mul3A_58 = arith.constant 528 : i32
    %mul3A_59 = arith.muli %arg1, %mul3A_58 : i32
    %add3A_60 = arith.addi %mul3A_57, %mul3A_59 : i32
    %mul3A_61 = arith.constant 528 : i32
    %mul3A_62 = arith.muli %arg1, %mul3A_61 : i32
    "tpu.region"() ({
      %run_scoped3A = tpu.sem_alloc : memref<!tpu.dma_semaphore, #tpu.memory_space<semaphore_mem>>
      %dma_start3A = arith.constant 0 : i32
      %dma_start3A_80 = tpu.memref_slice %arg11[%mul3A_62, %dma_start3A] : memref<8464x128xf32, #tpu.memory_space<vmem_shared>> -> memref<528x128xf32, #tpu.memory_space<vmem_shared>>
      %dma_start3A_81 = arith.constant 0 : i32
      %dma_start3A_82 = tpu.memref_slice %arg2[%add3A_60, %dma_start3A_81] : memref<50688x128xf32, #tpu.memory_space<hbm>> -> memref<528x128xf32, #tpu.memory_space<hbm>>
      tpu.enqueue_dma source(%dma_start3A_82 : memref<528x128xf32, #tpu.memory_space<hbm>>) target(%dma_start3A_80 : memref<528x128xf32, #tpu.memory_space<vmem_shared>>) target_semaphore(%run_scoped3A : memref<!tpu.dma_semaphore, #tpu.memory_space<semaphore_mem>>)
      %dma_wait3A = arith.constant 0 : i32
      %dma_wait3A_83 = tpu.memref_slice %arg11[%mul3A_62, %dma_wait3A] : memref<8464x128xf32, #tpu.memory_space<vmem_shared>> -> memref<528x128xf32, #tpu.memory_space<vmem_shared>>
      %dma_wait3A_84 = arith.constant 0 : i32
      %dma_wait3A_85 = tpu.memref_slice %arg2[%add3A_60, %dma_wait3A_84] : memref<50688x128xf32, #tpu.memory_space<hbm>> -> memref<528x128xf32, #tpu.memory_space<hbm>>
      tpu.wait_dma2 semaphore(%run_scoped3A : memref<!tpu.dma_semaphore, #tpu.memory_space<semaphore_mem>>) src(%dma_wait3A_85 : memref<528x128xf32, #tpu.memory_space<hbm>>) dst(%dma_wait3A_83 : memref<528x128xf32, #tpu.memory_space<vmem_shared>>)
      tpu.yield
    }) : () -> ()
    %mul3A_63 = arith.constant 16 : i32
    %mul3A_64 = arith.muli %add3A_55, %mul3A_63 : i32
    %add3A_65 = arith.addi %mul3A_64, %arg1 : i32
    "tpu.region"() ({
      %run_scoped3A = tpu.sem_alloc : memref<!tpu.dma_semaphore, #tpu.memory_space<semaphore_mem>>
      %dma_start3A = arith.constant 0 : i32
      %dma_start3A_80 = arith.constant 0 : i32
      %dma_start3A_81 = tpu.memref_slice %arg4[%add3A_65, %dma_start3A, %dma_start3A_80] : memref<96x53x128xi32, #tpu.memory_space<hbm>> -> memref<1x53x128xi32, #tpu.memory_space<hbm>>
      %dma_start3A_82 = tpu.memref_squeeze %dma_start3A_81 : memref<1x53x128xi32, #tpu.memory_space<hbm>> -> memref<53x128xi32, #tpu.memory_space<hbm>>
      %dma_start3A_83 = arith.constant 0 : i32
      %dma_start3A_84 = arith.constant 0 : i32
      %dma_start3A_85 = tpu.memref_slice %arg4[%add3A_65, %dma_start3A_83, %dma_start3A_84] : memref<96x53x128xi32, #tpu.memory_space<hbm>> -> memref<1x53x128xi32, #tpu.memory_space<hbm>>
      %dma_start3A_86 = tpu.memref_squeeze %dma_start3A_85 : memref<1x53x128xi32, #tpu.memory_space<hbm>> -> memref<53x128xi32, #tpu.memory_space<hbm>>
      tpu.enqueue_dma source(%dma_start3A_86 : memref<53x128xi32, #tpu.memory_space<hbm>>) target(%arg7 : memref<53x128xi32, #tpu.memory_space<vmem>>) target_semaphore(%run_scoped3A : memref<!tpu.dma_semaphore, #tpu.memory_space<semaphore_mem>>)
      %dma_wait3A = arith.constant 0 : i32
      %dma_wait3A_87 = arith.constant 0 : i32
      %dma_wait3A_88 = tpu.memref_slice %arg4[%add3A_65, %dma_wait3A, %dma_wait3A_87] : memref<96x53x128xi32, #tpu.memory_space<hbm>> -> memref<1x53x128xi32, #tpu.memory_space<hbm>>
      %dma_wait3A_89 = tpu.memref_squeeze %dma_wait3A_88 : memref<1x53x128xi32, #tpu.memory_space<hbm>> -> memref<53x128xi32, #tpu.memory_space<hbm>>
      %dma_wait3A_90 = arith.constant 0 : i32
      %dma_wait3A_91 = arith.constant 0 : i32
      %dma_wait3A_92 = tpu.memref_slice %arg4[%add3A_65, %dma_wait3A_90, %dma_wait3A_91] : memref<96x53x128xi32, #tpu.memory_space<hbm>> -> memref<1x53x128xi32, #tpu.memory_space<hbm>>
      %dma_wait3A_93 = tpu.memref_squeeze %dma_wait3A_92 : memref<1x53x128xi32, #tpu.memory_space<hbm>> -> memref<53x128xi32, #tpu.memory_space<hbm>>
      tpu.wait_dma2 semaphore(%run_scoped3A : memref<!tpu.dma_semaphore, #tpu.memory_space<semaphore_mem>>) src(%dma_wait3A_93 : memref<53x128xi32, #tpu.memory_space<hbm>>) dst(%arg7 : memref<53x128xi32, #tpu.memory_space<vmem>>)
      tpu.yield
    }) : () -> ()
    %mul3A_66 = arith.constant 16 : i32
    %mul3A_67 = arith.muli %add3A_55, %mul3A_66 : i32
    %add3A_68 = arith.addi %mul3A_67, %arg1 : i32
    "tpu.region"() ({
      %run_scoped3A = tpu.sem_alloc : memref<!tpu.dma_semaphore, #tpu.memory_space<semaphore_mem>>
      %dma_start3A = arith.constant 0 : i32
      %dma_start3A_80 = arith.constant 0 : i32
      %dma_start3A_81 = tpu.memref_slice %arg5[%add3A_68, %dma_start3A, %dma_start3A_80] : memref<96x53x128xi32, #tpu.memory_space<hbm>> -> memref<1x53x128xi32, #tpu.memory_space<hbm>>
      %dma_start3A_82 = tpu.memref_squeeze %dma_start3A_81 : memref<1x53x128xi32, #tpu.memory_space<hbm>> -> memref<53x128xi32, #tpu.memory_space<hbm>>
      %dma_start3A_83 = arith.constant 0 : i32
      %dma_start3A_84 = arith.constant 0 : i32
      %dma_start3A_85 = tpu.memref_slice %arg5[%add3A_68, %dma_start3A_83, %dma_start3A_84] : memref<96x53x128xi32, #tpu.memory_space<hbm>> -> memref<1x53x128xi32, #tpu.memory_space<hbm>>
      %dma_start3A_86 = tpu.memref_squeeze %dma_start3A_85 : memref<1x53x128xi32, #tpu.memory_space<hbm>> -> memref<53x128xi32, #tpu.memory_space<hbm>>
      tpu.enqueue_dma source(%dma_start3A_86 : memref<53x128xi32, #tpu.memory_space<hbm>>) target(%arg8 : memref<53x128xi32, #tpu.memory_space<vmem>>) target_semaphore(%run_scoped3A : memref<!tpu.dma_semaphore, #tpu.memory_space<semaphore_mem>>)
      %dma_wait3A = arith.constant 0 : i32
      %dma_wait3A_87 = arith.constant 0 : i32
      %dma_wait3A_88 = tpu.memref_slice %arg5[%add3A_68, %dma_wait3A, %dma_wait3A_87] : memref<96x53x128xi32, #tpu.memory_space<hbm>> -> memref<1x53x128xi32, #tpu.memory_space<hbm>>
      %dma_wait3A_89 = tpu.memref_squeeze %dma_wait3A_88 : memref<1x53x128xi32, #tpu.memory_space<hbm>> -> memref<53x128xi32, #tpu.memory_space<hbm>>
      %dma_wait3A_90 = arith.constant 0 : i32
      %dma_wait3A_91 = arith.constant 0 : i32
      %dma_wait3A_92 = tpu.memref_slice %arg5[%add3A_68, %dma_wait3A_90, %dma_wait3A_91] : memref<96x53x128xi32, #tpu.memory_space<hbm>> -> memref<1x53x128xi32, #tpu.memory_space<hbm>>
      %dma_wait3A_93 = tpu.memref_squeeze %dma_wait3A_92 : memref<1x53x128xi32, #tpu.memory_space<hbm>> -> memref<53x128xi32, #tpu.memory_space<hbm>>
      tpu.wait_dma2 semaphore(%run_scoped3A : memref<!tpu.dma_semaphore, #tpu.memory_space<semaphore_mem>>) src(%dma_wait3A_93 : memref<53x128xi32, #tpu.memory_space<hbm>>) dst(%arg8 : memref<53x128xi32, #tpu.memory_space<vmem>>)
      tpu.yield
    }) : () -> ()
    %barrier3A_69 = arith.constant 0 : index
    tpu.barrier barrier_id(%barrier3A_69)
    %scan3A_70 = arith.constant 0 : i32
    %scan3A_71 = arith.constant 0 : i32
    %scan3A_72 = arith.constant 53 : i32
    %scan3A_73 = arith.addi %scan3A_71, %scan3A_72 : i32
    %scan3A_74 = arith.constant 1 : i32
    scf.for %scan3A_80 = %scan3A_71 to %scan3A_73 step %scan3A_74  : i32 {
      %dma_start3A = arith.constant 0 : i32
      %dma_start3A_81 = tpu.memref_slice %arg8[%scan3A_80, %dma_start3A] : memref<53x128xi32, #tpu.memory_space<vmem>> -> memref<1x128xi32, #tpu.memory_space<vmem>>
      %dma_start3A_82 = tpu.memref_squeeze %dma_start3A_81 : memref<1x128xi32, #tpu.memory_space<vmem>> -> memref<128xi32, #tpu.memory_space<vmem>>
      %dma_start3A_83 = arith.constant 0 : i32
      %dma_start3A_84 = arith.constant 0 : i32
      %dma_start3A_85 = tpu.memref_slice %arg3[%dma_start3A_83, %dma_start3A_84] : memref<709632x128xf32, #tpu.memory_space<hbm>> -> memref<709632x128xf32, #tpu.memory_space<hbm>>
      tpu.enqueue_indirect_dma source(%dma_start3A_85 : memref<709632x128xf32, #tpu.memory_space<hbm>>) target(%arg9 : memref<128x128xf32, #tpu.memory_space<vmem>>) offsets(%dma_start3A_82 : memref<128xi32, #tpu.memory_space<vmem>>) semaphore(%arg10 : memref<!tpu.dma_semaphore, #tpu.memory_space<semaphore_mem>>)
      %dma_wait3A = arith.constant 0 : i32
      %dma_wait3A_86 = tpu.memref_slice %arg8[%scan3A_80, %dma_wait3A] : memref<53x128xi32, #tpu.memory_space<vmem>> -> memref<1x128xi32, #tpu.memory_space<vmem>>
      %dma_wait3A_87 = tpu.memref_squeeze %dma_wait3A_86 : memref<1x128xi32, #tpu.memory_space<vmem>> -> memref<128xi32, #tpu.memory_space<vmem>>
      %dma_wait3A_88 = arith.constant 0 : i32
      %dma_wait3A_89 = arith.constant 0 : i32
      %dma_wait3A_90 = tpu.memref_slice %arg3[%dma_wait3A_88, %dma_wait3A_89] : memref<709632x128xf32, #tpu.memory_space<hbm>> -> memref<709632x128xf32, #tpu.memory_space<hbm>>
      tpu.wait_indirect_dma semaphore(%arg10 : memref<!tpu.dma_semaphore, #tpu.memory_space<semaphore_mem>>) src(%dma_wait3A_90 : memref<709632x128xf32, #tpu.memory_space<hbm>>) dst(%arg9 : memref<128x128xf32, #tpu.memory_space<vmem>>)
      "tpu.region"() ({
        %run_scoped3A = tpu.sem_alloc : memref<!tpu.dma_semaphore, #tpu.memory_space<semaphore_mem>>
        %dma_start3A_91 = arith.constant 0 : i32
        %dma_start3A_92 = tpu.memref_slice %arg7[%scan3A_80, %dma_start3A_91] : memref<53x128xi32, #tpu.memory_space<vmem>> -> memref<1x128xi32, #tpu.memory_space<vmem>>
        %dma_start3A_93 = tpu.memref_squeeze %dma_start3A_92 : memref<1x128xi32, #tpu.memory_space<vmem>> -> memref<128xi32, #tpu.memory_space<vmem>>
        %dma_start3A_94 = arith.constant 0 : i32
        %dma_start3A_95 = arith.constant 0 : i32
        %dma_start3A_96 = tpu.memref_slice %arg11[%dma_start3A_94, %dma_start3A_95] : memref<8464x128xf32, #tpu.memory_space<vmem_shared>> -> memref<8464x128xf32, #tpu.memory_space<vmem_shared>>
        tpu.enqueue_indirect_dma source(%arg9 : memref<128x128xf32, #tpu.memory_space<vmem>>) target(%dma_start3A_96 : memref<8464x128xf32, #tpu.memory_space<vmem_shared>>) offsets(%dma_start3A_93 : memref<128xi32, #tpu.memory_space<vmem>>) semaphore(%run_scoped3A : memref<!tpu.dma_semaphore, #tpu.memory_space<semaphore_mem>>) {add = true}
        %dma_wait3A_97 = arith.constant 0 : i32
        %dma_wait3A_98 = tpu.memref_slice %arg7[%scan3A_80, %dma_wait3A_97] : memref<53x128xi32, #tpu.memory_space<vmem>> -> memref<1x128xi32, #tpu.memory_space<vmem>>
        %dma_wait3A_99 = tpu.memref_squeeze %dma_wait3A_98 : memref<1x128xi32, #tpu.memory_space<vmem>> -> memref<128xi32, #tpu.memory_space<vmem>>
        %dma_wait3A_100 = arith.constant 0 : i32
        %dma_wait3A_101 = arith.constant 0 : i32
        %dma_wait3A_102 = tpu.memref_slice %arg11[%dma_wait3A_100, %dma_wait3A_101] : memref<8464x128xf32, #tpu.memory_space<vmem_shared>> -> memref<8464x128xf32, #tpu.memory_space<vmem_shared>>
        tpu.wait_indirect_dma semaphore(%run_scoped3A : memref<!tpu.dma_semaphore, #tpu.memory_space<semaphore_mem>>) src(%arg9 : memref<128x128xf32, #tpu.memory_space<vmem>>) dst(%dma_wait3A_102 : memref<8464x128xf32, #tpu.memory_space<vmem_shared>>)
        tpu.yield
      }) : () -> ()
    }
    %scan3A_75 = arith.constant 53 : i32
    %barrier3A_76 = arith.constant 0 : index
    tpu.barrier barrier_id(%barrier3A_76)
    %mul3A_77 = arith.constant 528 : i32
    %mul3A_78 = arith.muli %arg1, %mul3A_77 : i32
    "tpu.region"() ({
      %run_scoped3A = tpu.sem_alloc : memref<!tpu.dma_semaphore, #tpu.memory_space<semaphore_mem>>
      %dma_start3A = arith.constant 0 : i32
      %dma_start3A_80 = tpu.memref_slice %arg6[%add3A_60, %dma_start3A] : memref<50688x128xf32, #tpu.memory_space<hbm>> -> memref<528x128xf32, #tpu.memory_space<hbm>>
      %dma_start3A_81 = arith.constant 0 : i32
      %dma_start3A_82 = tpu.memref_slice %arg11[%mul3A_78, %dma_start3A_81] : memref<8464x128xf32, #tpu.memory_space<vmem_shared>> -> memref<528x128xf32, #tpu.memory_space<vmem_shared>>
      tpu.enqueue_dma source(%dma_start3A_82 : memref<528x128xf32, #tpu.memory_space<vmem_shared>>) target(%dma_start3A_80 : memref<528x128xf32, #tpu.memory_space<hbm>>) target_semaphore(%run_scoped3A : memref<!tpu.dma_semaphore, #tpu.memory_space<semaphore_mem>>)
      %dma_wait3A = arith.constant 0 : i32
      %dma_wait3A_83 = tpu.memref_slice %arg6[%add3A_60, %dma_wait3A] : memref<50688x128xf32, #tpu.memory_space<hbm>> -> memref<528x128xf32, #tpu.memory_space<hbm>>
      %dma_wait3A_84 = arith.constant 0 : i32
      %dma_wait3A_85 = tpu.memref_slice %arg11[%mul3A_78, %dma_wait3A_84] : memref<8464x128xf32, #tpu.memory_space<vmem_shared>> -> memref<528x128xf32, #tpu.memory_space<vmem_shared>>
      tpu.wait_dma2 semaphore(%run_scoped3A : memref<!tpu.dma_semaphore, #tpu.memory_space<semaphore_mem>>) src(%dma_wait3A_85 : memref<528x128xf32, #tpu.memory_space<vmem_shared>>) dst(%dma_wait3A_83 : memref<528x128xf32, #tpu.memory_space<hbm>>)
      tpu.yield
    }) : () -> ()
    %barrier3A_79 = arith.constant 0 : index
    tpu.barrier barrier_id(%barrier3A_79)
    return
  }
}

module attributes {stable_mosaic.version = 14 : i64} {
  func.func @_gemm_body(%arg0: i32, %arg1: memref<512x128xf32, #tpu.memory_space<vmem>>, %arg2: memref<128x128xf32, #tpu.memory_space<vmem>>, %arg3: memref<128x1792xf32, #tpu.memory_space<vmem>>, %arg4: memref<512x128xf32, #tpu.memory_space<vmem>>, %arg5: memref<512x1792xf32, #tpu.memory_space<vmem>>) attributes {dimension_semantics = [#tpu.dimension_semantics<arbitrary>], iteration_bounds = array<i64: 99>, scalar_prefetch = 0 : i64, scratch_operands = 0 : i64, tpu.core_type = #tpu.core_type<tc>, window_params = [{transform_indices = @transform_0, window_bounds = array<i64: 512, 128>}, {pipeline_mode = #tpu.pipeline_mode<synchronous>, transform_indices = @transform_1, window_bounds = array<i64: 128, 128>}, {pipeline_mode = #tpu.pipeline_mode<synchronous>, transform_indices = @transform_2, window_bounds = array<i64: 128, 1792>}, {transform_indices = @transform_3, window_bounds = array<i64: 512, 128>}, {transform_indices = @transform_4, window_bounds = array<i64: 512, 1792>}]} {
    %get3A = arith.constant 0 : index
    %get3A_0 = arith.constant 0 : index
    %get3A_1 = vector.load %arg1[%get3A, %get3A_0] : memref<512x128xf32, #tpu.memory_space<vmem>>, vector<512x128xf32>
    %get3A_2 = arith.constant 0 : index
    %get3A_3 = arith.constant 0 : index
    %get3A_4 = vector.load %arg2[%get3A_2, %get3A_3] : memref<128x128xf32, #tpu.memory_space<vmem>>, vector<128x128xf32>
    %dot_general3A = arith.constant dense<0.000000e+00> : vector<512x128xf32>
    %dot_general3A_5 = tpu.matmul %get3A_1, %get3A_4, %dot_general3A {dimension_numbers = #tpu.dot_dimension_numbers<[1], [1], [0], [0], [0, 0, 1, 0], [], []>, transpose_lhs_hint = false} : vector<512x128xf32>, vector<128x128xf32>, vector<512x128xf32> -> vector<512x128xf32>
    %swap3A = arith.constant 0 : index
    %swap3A_6 = arith.constant 0 : index
    %swap3A_7 = vector.load %arg4[%swap3A, %swap3A_6] : memref<512x128xf32, #tpu.memory_space<vmem>>, vector<512x128xf32>
    tpu.vector_store %arg4[%swap3A, %swap3A_6], %dot_general3A_5 {strides = array<i32>} : memref<512x128xf32, #tpu.memory_space<vmem>>, vector<512x128xf32>,
    %get3A_8 = arith.constant 0 : index
    %get3A_9 = arith.constant 0 : index
    %get3A_10 = vector.load %arg3[%get3A_8, %get3A_9] : memref<128x1792xf32, #tpu.memory_space<vmem>>, vector<128x1792xf32>
    %dot_general3A_11 = arith.constant dense<0.000000e+00> : vector<512x1792xf32>
    %dot_general3A_12 = tpu.matmul %get3A_1, %get3A_10, %dot_general3A_11 {dimension_numbers = #tpu.dot_dimension_numbers<[1], [0], [0], [1], [0, 0, 1, 1], [], []>, transpose_lhs_hint = false} : vector<512x128xf32>, vector<128x1792xf32>, vector<512x1792xf32> -> vector<512x1792xf32>
    %swap3A_13 = arith.constant 0 : index
    %swap3A_14 = arith.constant 0 : index
    %swap3A_15 = vector.load %arg5[%swap3A_13, %swap3A_14] : memref<512x1792xf32, #tpu.memory_space<vmem>>, vector<512x1792xf32>
    tpu.vector_store %arg5[%swap3A_13, %swap3A_14], %dot_general3A_12 {strides = array<i32>} : memref<512x1792xf32, #tpu.memory_space<vmem>>, vector<512x1792xf32>,
    return
  }
  func.func @transform_0(%arg0: i32) -> (i32, i32) {
    %c0_i32 = arith.constant 0 : i32
    %c0_i32_0 = arith.constant 0 : i32
    return %arg0, %c0_i32 : i32, i32
  }
  func.func @transform_1(%arg0: i32) -> (i32, i32) {
    %c0_i32 = arith.constant 0 : i32
    %c0_i32_0 = arith.constant 0 : i32
    %c0_i32_1 = arith.constant 0 : i32
    return %c0_i32, %c0_i32_0 : i32, i32
  }
  func.func @transform_2(%arg0: i32) -> (i32, i32) {
    %c0_i32 = arith.constant 0 : i32
    %c0_i32_0 = arith.constant 0 : i32
    %c0_i32_1 = arith.constant 0 : i32
    return %c0_i32, %c0_i32_0 : i32, i32
  }
  func.func @transform_3(%arg0: i32) -> (i32, i32) {
    %c0_i32 = arith.constant 0 : i32
    %c0_i32_0 = arith.constant 0 : i32
    return %arg0, %c0_i32 : i32, i32
  }
  func.func @transform_4(%arg0: i32) -> (i32, i32) {
    %c0_i32 = arith.constant 0 : i32
    %c0_i32_0 = arith.constant 0 : i32
    return %arg0, %c0_i32 : i32, i32
  }
}

module attributes {stable_mosaic.version = 14 : i64} {
  func.func @_epi_body(%arg0: i32, %arg1: memref<512x128xf32, #tpu.memory_space<vmem>>, %arg2: memref<512x128xf32, #tpu.memory_space<vmem>>, %arg3: memref<128x128xf32, #tpu.memory_space<vmem>>, %arg4: memref<1x128xf32, #tpu.memory_space<vmem>>, %arg5: memref<1x128xf32, #tpu.memory_space<vmem>>, %arg6: memref<1x128xf32, #tpu.memory_space<vmem>>, %arg7: memref<1x128xf32, #tpu.memory_space<vmem>>, %arg8: memref<512x128xf32, #tpu.memory_space<vmem>>) attributes {dimension_semantics = [#tpu.dimension_semantics<arbitrary>], iteration_bounds = array<i64: 99>, scalar_prefetch = 0 : i64, scratch_operands = 0 : i64, tpu.core_type = #tpu.core_type<tc>, window_params = [{transform_indices = @transform_0, window_bounds = array<i64: 512, 128>}, {transform_indices = @transform_1, window_bounds = array<i64: 512, 128>}, {pipeline_mode = #tpu.pipeline_mode<synchronous>, transform_indices = @transform_2, window_bounds = array<i64: 128, 128>}, {pipeline_mode = #tpu.pipeline_mode<synchronous>, transform_indices = @transform_3, window_bounds = array<i64: 1, 128>}, {pipeline_mode = #tpu.pipeline_mode<synchronous>, transform_indices = @transform_4, window_bounds = array<i64: 1, 128>}, {pipeline_mode = #tpu.pipeline_mode<synchronous>, transform_indices = @transform_5, window_bounds = array<i64: 1, 128>}, {pipeline_mode = #tpu.pipeline_mode<synchronous>, transform_indices = @transform_6, window_bounds = array<i64: 1, 128>}, {transform_indices = @transform_7, window_bounds = array<i64: 512, 128>}]} {
    %get3A = arith.constant 0 : index
    %get3A_0 = arith.constant 0 : index
    %get3A_1 = vector.load %arg1[%get3A, %get3A_0] : memref<512x128xf32, #tpu.memory_space<vmem>>, vector<512x128xf32>
    %reduce_sum3A = arith.constant dense<0.000000e+00> : vector<512xf32>
    %reduce_sum3A_2 = vector.multi_reduction <add>, %get3A_1, %reduce_sum3A [1] : vector<512x128xf32> to vector<512xf32>
    %broadcast_in_dim3A = vector.shape_cast %reduce_sum3A_2 : vector<512xf32> to vector<512x1xf32>
    %div3A = arith.constant 1.280000e+02 : f32
    %div3A_3 = vector.broadcast %div3A : f32 to vector<512x1xf32>
    %div3A_4 = arith.divf %broadcast_in_dim3A, %div3A_3 : vector<512x1xf32>
    %sub3A = vector.broadcast %div3A_4 : vector<512x1xf32> to vector<512x128xf32>
    %sub3A_5 = arith.subf %get3A_1, %sub3A : vector<512x128xf32>
    %sub3A_6 = vector.broadcast %div3A_4 : vector<512x1xf32> to vector<512x128xf32>
    %sub3A_7 = arith.subf %get3A_1, %sub3A_6 : vector<512x128xf32>
    %mul3A = arith.mulf %sub3A_5, %sub3A_7 : vector<512x128xf32>
    %reduce_sum3A_8 = arith.constant dense<0.000000e+00> : vector<512xf32>
    %reduce_sum3A_9 = vector.multi_reduction <add>, %mul3A, %reduce_sum3A_8 [1] : vector<512x128xf32> to vector<512xf32>
    %broadcast_in_dim3A_10 = vector.shape_cast %reduce_sum3A_9 : vector<512xf32> to vector<512x1xf32>
    %div3A_11 = arith.constant 1.280000e+02 : f32
    %div3A_12 = vector.broadcast %div3A_11 : f32 to vector<512x1xf32>
    %div3A_13 = arith.divf %broadcast_in_dim3A_10, %div3A_12 : vector<512x1xf32>
    %sub3A_14 = vector.broadcast %div3A_4 : vector<512x1xf32> to vector<512x128xf32>
    %sub3A_15 = arith.subf %get3A_1, %sub3A_14 : vector<512x128xf32>
    %add3A = arith.constant 9.99999974E-6 : f32
    %add3A_16 = vector.broadcast %add3A : f32 to vector<512x1xf32>
    %add3A_17 = arith.addf %div3A_13, %add3A_16 : vector<512x1xf32>
    %rsqrt3A = math.rsqrt %add3A_17 : vector<512x1xf32>
    %mul3A_18 = vector.broadcast %rsqrt3A : vector<512x1xf32> to vector<512x128xf32>
    %mul3A_19 = arith.mulf %sub3A_15, %mul3A_18 : vector<512x128xf32>
    %get3A_20 = arith.constant 0 : index
    %get3A_21 = arith.constant 0 : index
    %get3A_22 = vector.load %arg4[%get3A_20, %get3A_21] : memref<1x128xf32, #tpu.memory_space<vmem>>, vector<1x128xf32>
    %mul3A_23 = vector.broadcast %get3A_22 : vector<1x128xf32> to vector<512x128xf32>
    %mul3A_24 = arith.mulf %mul3A_19, %mul3A_23 : vector<512x128xf32>
    %get3A_25 = arith.constant 0 : index
    %get3A_26 = arith.constant 0 : index
    %get3A_27 = vector.load %arg5[%get3A_25, %get3A_26] : memref<1x128xf32, #tpu.memory_space<vmem>>, vector<1x128xf32>
    %add3A_28 = vector.broadcast %get3A_27 : vector<1x128xf32> to vector<512x128xf32>
    %add3A_29 = arith.addf %mul3A_24, %add3A_28 : vector<512x128xf32>
    %max3A = arith.constant 0.000000e+00 : f32
    %max3A_30 = vector.broadcast %max3A : f32 to vector<512x128xf32>
    %max3A_31 = arith.maximumf %add3A_29, %max3A_30 : vector<512x128xf32>
    %get3A_32 = arith.constant 0 : index
    %get3A_33 = arith.constant 0 : index
    %get3A_34 = vector.load %arg3[%get3A_32, %get3A_33] : memref<128x128xf32, #tpu.memory_space<vmem>>, vector<128x128xf32>
    %dot_general3A = arith.constant dense<0.000000e+00> : vector<512x128xf32>
    %dot_general3A_35 = tpu.matmul %max3A_31, %get3A_34, %dot_general3A {dimension_numbers = #tpu.dot_dimension_numbers<[1], [1], [0], [0], [0, 0, 1, 0], [], []>, transpose_lhs_hint = false} : vector<512x128xf32>, vector<128x128xf32>, vector<512x128xf32> -> vector<512x128xf32>
    %reduce_sum3A_36 = arith.constant dense<0.000000e+00> : vector<512xf32>
    %reduce_sum3A_37 = vector.multi_reduction <add>, %dot_general3A_35, %reduce_sum3A_36 [1] : vector<512x128xf32> to vector<512xf32>
    %broadcast_in_dim3A_38 = vector.shape_cast %reduce_sum3A_37 : vector<512xf32> to vector<512x1xf32>
    %div3A_39 = arith.constant 1.280000e+02 : f32
    %div3A_40 = vector.broadcast %div3A_39 : f32 to vector<512x1xf32>
    %div3A_41 = arith.divf %broadcast_in_dim3A_38, %div3A_40 : vector<512x1xf32>
    %sub3A_42 = vector.broadcast %div3A_41 : vector<512x1xf32> to vector<512x128xf32>
    %sub3A_43 = arith.subf %dot_general3A_35, %sub3A_42 : vector<512x128xf32>
    %sub3A_44 = vector.broadcast %div3A_41 : vector<512x1xf32> to vector<512x128xf32>
    %sub3A_45 = arith.subf %dot_general3A_35, %sub3A_44 : vector<512x128xf32>
    %mul3A_46 = arith.mulf %sub3A_43, %sub3A_45 : vector<512x128xf32>
    %reduce_sum3A_47 = arith.constant dense<0.000000e+00> : vector<512xf32>
    %reduce_sum3A_48 = vector.multi_reduction <add>, %mul3A_46, %reduce_sum3A_47 [1] : vector<512x128xf32> to vector<512xf32>
    %broadcast_in_dim3A_49 = vector.shape_cast %reduce_sum3A_48 : vector<512xf32> to vector<512x1xf32>
    %div3A_50 = arith.constant 1.280000e+02 : f32
    %div3A_51 = vector.broadcast %div3A_50 : f32 to vector<512x1xf32>
    %div3A_52 = arith.divf %broadcast_in_dim3A_49, %div3A_51 : vector<512x1xf32>
    %sub3A_53 = vector.broadcast %div3A_41 : vector<512x1xf32> to vector<512x128xf32>
    %sub3A_54 = arith.subf %dot_general3A_35, %sub3A_53 : vector<512x128xf32>
    %add3A_55 = arith.constant 9.99999974E-6 : f32
    %add3A_56 = vector.broadcast %add3A_55 : f32 to vector<512x1xf32>
    %add3A_57 = arith.addf %div3A_52, %add3A_56 : vector<512x1xf32>
    %rsqrt3A_58 = math.rsqrt %add3A_57 : vector<512x1xf32>
    %mul3A_59 = vector.broadcast %rsqrt3A_58 : vector<512x1xf32> to vector<512x128xf32>
    %mul3A_60 = arith.mulf %sub3A_54, %mul3A_59 : vector<512x128xf32>
    %get3A_61 = arith.constant 0 : index
    %get3A_62 = arith.constant 0 : index
    %get3A_63 = vector.load %arg6[%get3A_61, %get3A_62] : memref<1x128xf32, #tpu.memory_space<vmem>>, vector<1x128xf32>
    %mul3A_64 = vector.broadcast %get3A_63 : vector<1x128xf32> to vector<512x128xf32>
    %mul3A_65 = arith.mulf %mul3A_60, %mul3A_64 : vector<512x128xf32>
    %get3A_66 = arith.constant 0 : index
    %get3A_67 = arith.constant 0 : index
    %get3A_68 = vector.load %arg7[%get3A_66, %get3A_67] : memref<1x128xf32, #tpu.memory_space<vmem>>, vector<1x128xf32>
    %add3A_69 = vector.broadcast %get3A_68 : vector<1x128xf32> to vector<512x128xf32>
    %add3A_70 = arith.addf %mul3A_65, %add3A_69 : vector<512x128xf32>
    %get3A_71 = arith.constant 0 : index
    %get3A_72 = arith.constant 0 : index
    %get3A_73 = vector.load %arg2[%get3A_71, %get3A_72] : memref<512x128xf32, #tpu.memory_space<vmem>>, vector<512x128xf32>
    %add3A_74 = arith.addf %add3A_70, %get3A_73 : vector<512x128xf32>
    %max3A_75 = arith.constant 0.000000e+00 : f32
    %max3A_76 = vector.broadcast %max3A_75 : f32 to vector<512x128xf32>
    %max3A_77 = arith.maximumf %add3A_74, %max3A_76 : vector<512x128xf32>
    %swap3A = arith.constant 0 : index
    %swap3A_78 = arith.constant 0 : index
    %swap3A_79 = vector.load %arg8[%swap3A, %swap3A_78] : memref<512x128xf32, #tpu.memory_space<vmem>>, vector<512x128xf32>
    tpu.vector_store %arg8[%swap3A, %swap3A_78], %max3A_77 {strides = array<i32>} : memref<512x128xf32, #tpu.memory_space<vmem>>, vector<512x128xf32>,
    return
  }
  func.func @transform_0(%arg0: i32) -> (i32, i32) {
    %c0_i32 = arith.constant 0 : i32
    %c0_i32_0 = arith.constant 0 : i32
    return %arg0, %c0_i32 : i32, i32
  }
  func.func @transform_1(%arg0: i32) -> (i32, i32) {
    %c0_i32 = arith.constant 0 : i32
    %c0_i32_0 = arith.constant 0 : i32
    return %arg0, %c0_i32 : i32, i32
  }
  func.func @transform_2(%arg0: i32) -> (i32, i32) {
    %c0_i32 = arith.constant 0 : i32
    %c0_i32_0 = arith.constant 0 : i32
    %c0_i32_1 = arith.constant 0 : i32
    return %c0_i32, %c0_i32_0 : i32, i32
  }
  func.func @transform_3(%arg0: i32) -> (i32, i32) {
    %c0_i32 = arith.constant 0 : i32
    %c0_i32_0 = arith.constant 0 : i32
    %c0_i32_1 = arith.constant 0 : i32
    return %c0_i32, %c0_i32_0 : i32, i32
  }
  func.func @transform_4(%arg0: i32) -> (i32, i32) {
    %c0_i32 = arith.constant 0 : i32
    %c0_i32_0 = arith.constant 0 : i32
    %c0_i32_1 = arith.constant 0 : i32
    return %c0_i32, %c0_i32_0 : i32, i32
  }
  func.func @transform_5(%arg0: i32) -> (i32, i32) {
    %c0_i32 = arith.constant 0 : i32
    %c0_i32_0 = arith.constant 0 : i32
    %c0_i32_1 = arith.constant 0 : i32
    return %c0_i32, %c0_i32_0 : i32, i32
  }
  func.func @transform_6(%arg0: i32) -> (i32, i32) {
    %c0_i32 = arith.constant 0 : i32
    %c0_i32_0 = arith.constant 0 : i32
    %c0_i32_1 = arith.constant 0 : i32
    return %c0_i32, %c0_i32_0 : i32, i32
  }
  func.func @transform_7(%arg0: i32) -> (i32, i32) {
    %c0_i32 = arith.constant 0 : i32
    %c0_i32_0 = arith.constant 0 : i32
    return %arg0, %c0_i32 : i32, i32
  }
}

module attributes {stable_mosaic.version = 14 : i64} {
  func.func @_epi_body(%arg0: i32, %arg1: memref<400x128xf32, #tpu.memory_space<vmem>>, %arg2: memref<400x128xf32, #tpu.memory_space<vmem>>, %arg3: memref<128x128xf32, #tpu.memory_space<vmem>>, %arg4: memref<1x128xf32, #tpu.memory_space<vmem>>, %arg5: memref<1x128xf32, #tpu.memory_space<vmem>>, %arg6: memref<1x128xf32, #tpu.memory_space<vmem>>, %arg7: memref<1x128xf32, #tpu.memory_space<vmem>>, %arg8: memref<400x128xf32, #tpu.memory_space<vmem>>) attributes {dimension_semantics = [#tpu.dimension_semantics<arbitrary>], iteration_bounds = array<i64: 125>, scalar_prefetch = 0 : i64, scratch_operands = 0 : i64, tpu.core_type = #tpu.core_type<tc>, window_params = [{transform_indices = @transform_0, window_bounds = array<i64: 400, 128>}, {transform_indices = @transform_1, window_bounds = array<i64: 400, 128>}, {pipeline_mode = #tpu.pipeline_mode<synchronous>, transform_indices = @transform_2, window_bounds = array<i64: 128, 128>}, {pipeline_mode = #tpu.pipeline_mode<synchronous>, transform_indices = @transform_3, window_bounds = array<i64: 1, 128>}, {pipeline_mode = #tpu.pipeline_mode<synchronous>, transform_indices = @transform_4, window_bounds = array<i64: 1, 128>}, {pipeline_mode = #tpu.pipeline_mode<synchronous>, transform_indices = @transform_5, window_bounds = array<i64: 1, 128>}, {pipeline_mode = #tpu.pipeline_mode<synchronous>, transform_indices = @transform_6, window_bounds = array<i64: 1, 128>}, {transform_indices = @transform_7, window_bounds = array<i64: 400, 128>}]} {
    %get3A = arith.constant 0 : index
    %get3A_0 = arith.constant 0 : index
    %get3A_1 = vector.load %arg1[%get3A, %get3A_0] : memref<400x128xf32, #tpu.memory_space<vmem>>, vector<400x128xf32>
    %reduce_sum3A = arith.constant dense<0.000000e+00> : vector<400xf32>
    %reduce_sum3A_2 = vector.multi_reduction <add>, %get3A_1, %reduce_sum3A [1] : vector<400x128xf32> to vector<400xf32>
    %broadcast_in_dim3A = vector.shape_cast %reduce_sum3A_2 : vector<400xf32> to vector<400x1xf32>
    %div3A = arith.constant 1.280000e+02 : f32
    %div3A_3 = vector.broadcast %div3A : f32 to vector<400x1xf32>
    %div3A_4 = arith.divf %broadcast_in_dim3A, %div3A_3 : vector<400x1xf32>
    %sub3A = vector.broadcast %div3A_4 : vector<400x1xf32> to vector<400x128xf32>
    %sub3A_5 = arith.subf %get3A_1, %sub3A : vector<400x128xf32>
    %sub3A_6 = vector.broadcast %div3A_4 : vector<400x1xf32> to vector<400x128xf32>
    %sub3A_7 = arith.subf %get3A_1, %sub3A_6 : vector<400x128xf32>
    %mul3A = arith.mulf %sub3A_5, %sub3A_7 : vector<400x128xf32>
    %reduce_sum3A_8 = arith.constant dense<0.000000e+00> : vector<400xf32>
    %reduce_sum3A_9 = vector.multi_reduction <add>, %mul3A, %reduce_sum3A_8 [1] : vector<400x128xf32> to vector<400xf32>
    %broadcast_in_dim3A_10 = vector.shape_cast %reduce_sum3A_9 : vector<400xf32> to vector<400x1xf32>
    %div3A_11 = arith.constant 1.280000e+02 : f32
    %div3A_12 = vector.broadcast %div3A_11 : f32 to vector<400x1xf32>
    %div3A_13 = arith.divf %broadcast_in_dim3A_10, %div3A_12 : vector<400x1xf32>
    %sub3A_14 = vector.broadcast %div3A_4 : vector<400x1xf32> to vector<400x128xf32>
    %sub3A_15 = arith.subf %get3A_1, %sub3A_14 : vector<400x128xf32>
    %add3A = arith.constant 9.99999974E-6 : f32
    %add3A_16 = vector.broadcast %add3A : f32 to vector<400x1xf32>
    %add3A_17 = arith.addf %div3A_13, %add3A_16 : vector<400x1xf32>
    %rsqrt3A = math.rsqrt %add3A_17 : vector<400x1xf32>
    %mul3A_18 = vector.broadcast %rsqrt3A : vector<400x1xf32> to vector<400x128xf32>
    %mul3A_19 = arith.mulf %sub3A_15, %mul3A_18 : vector<400x128xf32>
    %get3A_20 = arith.constant 0 : index
    %get3A_21 = arith.constant 0 : index
    %get3A_22 = vector.load %arg4[%get3A_20, %get3A_21] : memref<1x128xf32, #tpu.memory_space<vmem>>, vector<1x128xf32>
    %mul3A_23 = vector.broadcast %get3A_22 : vector<1x128xf32> to vector<400x128xf32>
    %mul3A_24 = arith.mulf %mul3A_19, %mul3A_23 : vector<400x128xf32>
    %get3A_25 = arith.constant 0 : index
    %get3A_26 = arith.constant 0 : index
    %get3A_27 = vector.load %arg5[%get3A_25, %get3A_26] : memref<1x128xf32, #tpu.memory_space<vmem>>, vector<1x128xf32>
    %add3A_28 = vector.broadcast %get3A_27 : vector<1x128xf32> to vector<400x128xf32>
    %add3A_29 = arith.addf %mul3A_24, %add3A_28 : vector<400x128xf32>
    %max3A = arith.constant 0.000000e+00 : f32
    %max3A_30 = vector.broadcast %max3A : f32 to vector<400x128xf32>
    %max3A_31 = arith.maximumf %add3A_29, %max3A_30 : vector<400x128xf32>
    %get3A_32 = arith.constant 0 : index
    %get3A_33 = arith.constant 0 : index
    %get3A_34 = vector.load %arg3[%get3A_32, %get3A_33] : memref<128x128xf32, #tpu.memory_space<vmem>>, vector<128x128xf32>
    %dot_general3A = arith.constant dense<0.000000e+00> : vector<400x128xf32>
    %dot_general3A_35 = tpu.matmul %max3A_31, %get3A_34, %dot_general3A {dimension_numbers = #tpu.dot_dimension_numbers<[1], [1], [0], [0], [0, 0, 1, 0], [], []>, transpose_lhs_hint = false} : vector<400x128xf32>, vector<128x128xf32>, vector<400x128xf32> -> vector<400x128xf32>
    %reduce_sum3A_36 = arith.constant dense<0.000000e+00> : vector<400xf32>
    %reduce_sum3A_37 = vector.multi_reduction <add>, %dot_general3A_35, %reduce_sum3A_36 [1] : vector<400x128xf32> to vector<400xf32>
    %broadcast_in_dim3A_38 = vector.shape_cast %reduce_sum3A_37 : vector<400xf32> to vector<400x1xf32>
    %div3A_39 = arith.constant 1.280000e+02 : f32
    %div3A_40 = vector.broadcast %div3A_39 : f32 to vector<400x1xf32>
    %div3A_41 = arith.divf %broadcast_in_dim3A_38, %div3A_40 : vector<400x1xf32>
    %sub3A_42 = vector.broadcast %div3A_41 : vector<400x1xf32> to vector<400x128xf32>
    %sub3A_43 = arith.subf %dot_general3A_35, %sub3A_42 : vector<400x128xf32>
    %sub3A_44 = vector.broadcast %div3A_41 : vector<400x1xf32> to vector<400x128xf32>
    %sub3A_45 = arith.subf %dot_general3A_35, %sub3A_44 : vector<400x128xf32>
    %mul3A_46 = arith.mulf %sub3A_43, %sub3A_45 : vector<400x128xf32>
    %reduce_sum3A_47 = arith.constant dense<0.000000e+00> : vector<400xf32>
    %reduce_sum3A_48 = vector.multi_reduction <add>, %mul3A_46, %reduce_sum3A_47 [1] : vector<400x128xf32> to vector<400xf32>
    %broadcast_in_dim3A_49 = vector.shape_cast %reduce_sum3A_48 : vector<400xf32> to vector<400x1xf32>
    %div3A_50 = arith.constant 1.280000e+02 : f32
    %div3A_51 = vector.broadcast %div3A_50 : f32 to vector<400x1xf32>
    %div3A_52 = arith.divf %broadcast_in_dim3A_49, %div3A_51 : vector<400x1xf32>
    %sub3A_53 = vector.broadcast %div3A_41 : vector<400x1xf32> to vector<400x128xf32>
    %sub3A_54 = arith.subf %dot_general3A_35, %sub3A_53 : vector<400x128xf32>
    %add3A_55 = arith.constant 9.99999974E-6 : f32
    %add3A_56 = vector.broadcast %add3A_55 : f32 to vector<400x1xf32>
    %add3A_57 = arith.addf %div3A_52, %add3A_56 : vector<400x1xf32>
    %rsqrt3A_58 = math.rsqrt %add3A_57 : vector<400x1xf32>
    %mul3A_59 = vector.broadcast %rsqrt3A_58 : vector<400x1xf32> to vector<400x128xf32>
    %mul3A_60 = arith.mulf %sub3A_54, %mul3A_59 : vector<400x128xf32>
    %get3A_61 = arith.constant 0 : index
    %get3A_62 = arith.constant 0 : index
    %get3A_63 = vector.load %arg6[%get3A_61, %get3A_62] : memref<1x128xf32, #tpu.memory_space<vmem>>, vector<1x128xf32>
    %mul3A_64 = vector.broadcast %get3A_63 : vector<1x128xf32> to vector<400x128xf32>
    %mul3A_65 = arith.mulf %mul3A_60, %mul3A_64 : vector<400x128xf32>
    %get3A_66 = arith.constant 0 : index
    %get3A_67 = arith.constant 0 : index
    %get3A_68 = vector.load %arg7[%get3A_66, %get3A_67] : memref<1x128xf32, #tpu.memory_space<vmem>>, vector<1x128xf32>
    %add3A_69 = vector.broadcast %get3A_68 : vector<1x128xf32> to vector<400x128xf32>
    %add3A_70 = arith.addf %mul3A_65, %add3A_69 : vector<400x128xf32>
    %get3A_71 = arith.constant 0 : index
    %get3A_72 = arith.constant 0 : index
    %get3A_73 = vector.load %arg2[%get3A_71, %get3A_72] : memref<400x128xf32, #tpu.memory_space<vmem>>, vector<400x128xf32>
    %add3A_74 = arith.addf %add3A_70, %get3A_73 : vector<400x128xf32>
    %max3A_75 = arith.constant 0.000000e+00 : f32
    %max3A_76 = vector.broadcast %max3A_75 : f32 to vector<400x128xf32>
    %max3A_77 = arith.maximumf %add3A_74, %max3A_76 : vector<400x128xf32>
    %swap3A = arith.constant 0 : index
    %swap3A_78 = arith.constant 0 : index
    %swap3A_79 = vector.load %arg8[%swap3A, %swap3A_78] : memref<400x128xf32, #tpu.memory_space<vmem>>, vector<400x128xf32>
    tpu.vector_store %arg8[%swap3A, %swap3A_78], %max3A_77 {strides = array<i32>} : memref<400x128xf32, #tpu.memory_space<vmem>>, vector<400x128xf32>,
    return
  }
  func.func @transform_0(%arg0: i32) -> (i32, i32) {
    %c0_i32 = arith.constant 0 : i32
    %c0_i32_0 = arith.constant 0 : i32
    return %arg0, %c0_i32 : i32, i32
  }
  func.func @transform_1(%arg0: i32) -> (i32, i32) {
    %c0_i32 = arith.constant 0 : i32
    %c0_i32_0 = arith.constant 0 : i32
    return %arg0, %c0_i32 : i32, i32
  }
  func.func @transform_2(%arg0: i32) -> (i32, i32) {
    %c0_i32 = arith.constant 0 : i32
    %c0_i32_0 = arith.constant 0 : i32
    %c0_i32_1 = arith.constant 0 : i32
    return %c0_i32, %c0_i32_0 : i32, i32
  }
  func.func @transform_3(%arg0: i32) -> (i32, i32) {
    %c0_i32 = arith.constant 0 : i32
    %c0_i32_0 = arith.constant 0 : i32
    %c0_i32_1 = arith.constant 0 : i32
    return %c0_i32, %c0_i32_0 : i32, i32
  }
  func.func @transform_4(%arg0: i32) -> (i32, i32) {
    %c0_i32 = arith.constant 0 : i32
    %c0_i32_0 = arith.constant 0 : i32
    %c0_i32_1 = arith.constant 0 : i32
    return %c0_i32, %c0_i32_0 : i32, i32
  }
  func.func @transform_5(%arg0: i32) -> (i32, i32) {
    %c0_i32 = arith.constant 0 : i32
    %c0_i32_0 = arith.constant 0 : i32
    %c0_i32_1 = arith.constant 0 : i32
    return %c0_i32, %c0_i32_0 : i32, i32
  }
  func.func @transform_6(%arg0: i32) -> (i32, i32) {
    %c0_i32 = arith.constant 0 : i32
    %c0_i32_0 = arith.constant 0 : i32
    %c0_i32_1 = arith.constant 0 : i32
    return %c0_i32, %c0_i32_0 : i32, i32
  }
  func.func @transform_7(%arg0: i32) -> (i32, i32) {
    %c0_i32 = arith.constant 0 : i32
    %c0_i32_0 = arith.constant 0 : i32
    return %arg0, %c0_i32 : i32, i32
  }
}

</mosaic_0001>

<sc_bundles>
// kernel: gather_offload_async_start.1
scs
__scs_entry_jumppad:
0x0: {  	(pc) =	sbr.rel $0x88, $3  }
0x1: {  	(tag) =	ssettag $0x0;
	lr =	simm.s32 $0x1  }
0x2: {  	[smem:$0x3F8E] =	sst lr;
	_ =	strace $0xD0000000  }
0x3: {  	_ = 	snop  }
0x4: {  	_ = 	snop  }
0x5: {  	_ = 	snop  }
0x6: {  	_ = 	snop  }
0x7: {  	_ = 	snop  }
__scs_overlays_trampoline_lowered:
0x8: {  	[smem:$0x3F9D] =	sst s0  }
0x9: {  	[smem:$0x3F9E] =	sst s1  }
0xa: {  	[smem:$0x3F9F] =	sst s2  }
0xb: {  	[smem:$0x3FA0] =	sst s3  }
0xc: {  	[smem:$0x3FA1] =	sst s4  }
0xd: {  	[smem:$0x3FA2] =	sst s5  }
0xe: {  	[smem:$0x3FA3] =	sst s6  }
0xf: {  	[smem:$0x3FA4] =	sst s7  }
0x10: {  	[smem:$0x3FA5] =	sst s8  }
0x11: {  	[smem:$0x3FA6] =	sst s9;
	s0 =	simm.s32 @!p0 $0x0  }
0x12: {  	s1 =	sld [smem:$0x3F8C];
	s0 =	simm.s32 @p0 $0x1  }
0x13: {  	[smem:$0x3FA7] =	sst s0;
	s0 =	simm.s32 @!p1 $0x0  }
0x14: {  	s2 =	sld [smem:$0x3F8B];
	s0 =	simm.s32 @p1 $0x1  }
0x15: {  	[smem:$0x3FA8] =	sst s0;
	s0 =	simm.s32 @!p2 $0x0  }
0x16: {  	s3 =	sld [smem:$0x3FDB];
	s0 =	simm.s32 @p2 $0x1  }
0x17: {  	s4 =	simm.s32 $0x1BF5;
	[smem:$0x3FAA] =	sst s0  }
0x18: {  	s0 =	sld [smem:$0x3F8D];
	_ =	swait.ge [sflag:s4], $0x0  }
0x19: {  	s7 =	sld [smem:$0x3F8E]  }
0x1a: {  	s8 =	sadd.s32 $0xFFFFE003, lr  }
0x1b: {  	s9 =	sadd.s32 $0xFFFFFEF7, lr;
	s5 =	simm.s32 $0xFFFFFFFF;
	p2 =	slt.u32 s8, $0xFFFFF086  }
0x1c: {  	p1 =	slt.u32 s9, $0xF7A;
	s5 =	simm.s32 @!p2 $0x0  }
0x1d: {  	s5 =	simm.s32 @p1 $0x1;
	p0 =	seq.s32 s7, s2  }
0x1e: {  	s7 =	smul.u32 @!p0 $0xF7A, s2;
	p2 =	seq.s32 @!p0 s5, $0x0  }
0x1f: {  	s9 =	smul.u32 $0xF7A, s1;
	s8 =	simm.s32 @!p0 $0x1BF5;
	p2 =	por !p2, p0  }
0x20: {  	[sflag:s8] =	ssyncset.s32 @!p0 $0xFFFFF086;
	s6 =	sadd.s32 @!p0 s3, s7;
	s7 =	simm.s32 @!p0 $0x108  }
0x21: {  	s3 =	sadd.s32 s3, s9;
	s6 =	sadd.s32 @!p0 $0x88, s6;
	s7 =	simm.s32 @p2 $0x1082  }
0x22: {  	[simem:s7], [sflag:s8] =	dma.local @!p0 [hbm:s6], $0xF7A  }
0x23: {  	s9 =	sor.u32 $0xD0000000, s2;
	s6 =	simm.s32 $0x108;
	_ =	swait.ge @!p0 [sflag:s8], $0x0  }
0x24: {  	s3 =	sadd.s32 $0x88, s3;
	s6 =	simm.s32 @!p1 $0x1082;
	[sflag:s4] =	ssyncset.s32 $0xFFFFF086  }
0x25: {  	[simem:s6], [sflag:s4] =	dma.local [hbm:s3], $0xF7A  }
0x26: {  	[smem:$0x3F8E] =	sst s1;
	(tag) =	ssettag s2;
	_ =	strace s9  }
0x27: {  	s1 =	sld [smem:$0x3F9E]  }
0x28: {  	s2 =	sld [smem:$0x3F9F]  }
0x29: {  	s4 =	sld [smem:$0x3FA1]  }
0x2a: {  	p0 =	seq.s32 s5, $0x0;
	s5 =	sld [smem:$0x3FA2]  }
0x2b: {  	s6 =	sld [smem:$0x3FA3]  }
0x2c: {  	s7 =	sld [smem:$0x3FA4]  }
0x2d: {  	s3 =	simm.s32 $0x108;
	s8 =	sld [smem:$0x3FA5]  }
0x2e: {  	s3 =	simm.s32 @!p0 $0x1082;
	s9 =	sld [smem:$0x3FA6]  }
0x2f: {  	lr =	sadd.s32 s0, s3;
	s0 =	sld [smem:$0x3F9D]  }
0x30: {  	s3 =	sld [smem:$0x3FA0]  }
0x31: {  	[smem:$0x3FA9] =	sst s10  }
0x32: {  	s10 =	sld [smem:$0x3FA7];
	_ =	sdelay $0x3  }
0x33: {  	p0 =	seq.s32 s10, $0x1;
	s10 =	sld [smem:$0x3FA9];
	_ =	sdelay $0x3  }
0x34: {  	[smem:$0x3FA9] =	sst s10  }
0x35: {  	s10 =	sld [smem:$0x3FA8];
	_ =	sdelay $0x3  }
0x36: {  	p1 =	seq.s32 s10, $0x1;
	s10 =	sld [smem:$0x3FA9];
	_ =	sdelay $0x3  }
0x37: {  	[smem:$0x3FA9] =	sst s10  }
0x38: {  	s10 =	sld [smem:$0x3FAA]  }
0x39: {  	_ = 	snop;
	(pc) =	sbr.ind lr, $3  }
0x3a: {  	_ = 	snop  }
0x3b: {  	_ = 	snop  }
0x3c: {  	p2 =	seq.s32 s10, $0x1;
	s10 =	sld [smem:$0x3FA9]  }
0x3d: {  	_ =	shalt  }
0x3e: {  	_ =	shalt  }
0x3f: {  	_ =	shalt  }
0x40: {  	_ =	shalt  }
0x41: {  	_ =	shalt  }
0x42: {  	_ =	shalt  }
0x43: {  	_ =	shalt  }
0x44: {  	_ =	shalt  }
0x45: {  	_ =	shalt  }
0x46: {  	_ =	shalt  }
0x47: {  	_ =	shalt  }
0x48: {  	_ =	shalt  }
0x49: {  	_ =	shalt  }
0x4a: {  	_ =	shalt  }
0x4b: {  	_ =	shalt  }
0x4c: {  	_ =	shalt  }
0x4d: {  	_ =	shalt  }
0x4e: {  	_ =	shalt  }
0x4f: {  	_ =	shalt  }
0x50: {  	_ =	shalt  }
0x51: {  	_ =	shalt  }
0x52: {  	_ =	shalt  }
0x53: {  	_ =	shalt  }
0x54: {  	_ =	shalt  }
0x55: {  	_ =	shalt  }
0x56: {  	_ =	shalt  }
0x57: {  	_ =	shalt  }
0x58: {  	_ =	shalt  }
0x59: {  	_ =	shalt  }
0x5a: {  	_ =	shalt  }
0x5b: {  	_ =	shalt  }
0x5c: {  	_ =	shalt  }
0x5d: {  	_ =	shalt  }
0x5e: {  	_ =	shalt  }
0x5f: {  	_ =	shalt  }
0x60: {  	_ =	shalt  }
0x61: {  	_ =	shalt  }
0x62: {  	_ =	shalt  }
0x63: {  	_ =	shalt  }
0x64: {  	_ =	shalt  }
0x65: {  	_ =	shalt  }
0x66: {  	_ =	shalt  }
0x67: {  	_ =	shalt  }
0x68: {  	_ =	shalt  }
0x69: {  	_ =	shalt  }
0x6a: {  	_ =	shalt  }
0x6b: {  	_ =	shalt  }
0x6c: {  	_ =	shalt  }
0x6d: {  	_ =	shalt  }
0x6e: {  	_ =	shalt  }
0x6f: {  	_ =	shalt  }
0x70: {  	_ =	shalt  }
0x71: {  	_ =	shalt  }
0x72: {  	_ =	shalt  }
0x73: {  	_ =	shalt  }
0x74: {  	_ =	shalt  }
0x75: {  	_ =	shalt  }
0x76: {  	_ =	shalt  }
0x77: {  	_ =	shalt  }
0x78: {  	_ =	shalt  }
0x79: {  	_ =	shalt  }
0x7a: {  	_ =	shalt  }
0x7b: {  	_ =	shalt  }
0x7c: {  	_ =	shalt  }
0x7d: {  	_ =	shalt  }
0x7e: {  	_ =	shalt  }
0x7f: {  	_ =	shalt  }
0x80: {  	_ =	shalt  }
0x81: {  	_ =	shalt  }
0x82: {  	_ =	shalt  }
0x83: {  	_ =	shalt  }
0x84: {  	_ =	shalt  }
0x85: {  	_ =	shalt  }
0x86: {  	_ =	shalt  }
0x87: {  	_ =	shalt  }
.Lfunc_end0:
.L_simem_size_0:
called_computation.1_lowered:
.L_overlay_start_0:
0x88: {  	s2 =	sld [smem:$0x3FD9]  }
0x89: {  	s3 =	sld [smem:$0x3FFE];
	_ =	sdelay $0x1  }
0x8a: {  	s1 =	srdreg.scid  }
0x8b: {  	s0 =	sand.u32 $0x1, s1  }
0x8c: {  	s16 =	sshll.u32 s0, $0xA;
	s2 =	sadd.s32 s3, s2  }
0x8d: {  	s2 =	sadd.s32 s2, s16  }
0x8e: {  	[smem:$0x3FB5] =	sst s2  }
0x8f: {  	_ = 	snop  }
0x90: {  	(tm) =	ssettm $0x1  }
0x91: {  	s17 =	sld [smem:$0x3FFB];
	_ =	sdelay $0x3  }
0x92: {  	_ =	strace s17  }
0x93: {  	s2 =	sld [smem:$0x3FFC];
	_ =	sdelay $0x3  }
0x94: {  	_ =	strace s2  }
0x95: {  	s2 =	sld [smem:$0x3FFD];
	_ =	sdelay $0x3  }
0x96: {  	_ =	strace s2  }
0x97: {  	_ =	strace $0x8FFFFFFF  }
0x98: {  	s18 =	sld [smem:$0x3FDB];
	_ =	sdelay $0x1  }
0x99: {  	s19 =	simm.s32 $_scs_section_size  }
0x9a: {  	s4 =	simm.s32 $_size__tile_overlayer_lowered;
	s5 =	simm.s32 $_tile_overlayer_lowered  }
0x9b: {  	s22 =	simm.s32 $0x1BFF;
	s21 =	sshll.u32 s5, $0x1;
	s2 =	sadd.s32 s19, s18  }
0x9c: {  	s6 =	simm.s32 $0x0;
	s20 =	sshll.u32 s4, $0x1;
	s4 =	sadd.s32 s21, s2  }
0x9d: {  	[timem:s6], [sflag:s22] =	dma.local [hbm:s4], s20  }
0x9e: {  	_ =	swait.ge [sflag:s22], s20  }
0x9f: {  	s3 =	ssub.s32 $0x0, s20;
	[sflag:s22] =	ssyncset.done $0x0  }
0xa0: {  	[sflag:s22] =	ssyncadd.s32 s3;
	_ =	sdelay $0x1  }
0xa1: {  	s23 =	simm.s32 $0x1B8B  }
0xa2: {  	_ =	swait.ge [sflag:s23], $0x1  }
0xa3: {  	[sflag:s23] =	ssyncset.done $0x0  }
0xa4: {  	s25 =	simm.s32 $0x1B8E;
	s24 =	sld [smem:$0x3FFE];
	[sflag:s23] =	ssyncadd.s32 $0xFFFFFFFF  }
0xa5: {  	s26 =	simm.s32 $execute0_lowered;
	[smem:$0x3FD2] =	sst s25  }
0xa6: {  	s4 =	sshll.u32 s26, $0x1;
	_ =	strace $0x80000046;
	[dreg:$0x1] =	wrdreg $0xFFFFFFFF  }
0xa7: {  	s28 =	simm.s32 $_size_execute0_lowered;
	s2 =	sadd.s32 s2, s4;
	[dreg:$0x0] =	wrdreg $0x0  }
0xa8: {  	s4 =	sshll.u32 s28, $0x1;
	[dreg:$0x2] =	wrdreg s2  }
0xa9: {  	[dreg:$0x3] =	wrdreg s4  }
0xaa: {  	[dreg:$0x4] =	wrdreg $0xC0  }
0xab: {  	_ =	task [dreg:s6], $0x5FFFF  }
0xac: {  	[dreg:$0x1] =	wrdreg $0xFFFFFFFF  }
0xad: {  	[dreg:$0x0] =	wrdreg $0x60  }
0xae: {  	[dreg:$0x2] =	wrdreg s24  }
0xaf: {  	[dreg:$0x3] =	wrdreg $0xA  }
0xb0: {  	_ =	task.clear_ibuf [dreg:s6], $0x4FFFF;
	_ =	strace $0x90000046  }
0xb1: {  	s29 =	simm.s32 $0xA;
	_ =	strace $0x80000048  }
0xb2: {  	_ =	swait.ge [sflag:s29], $0x1  }
0xb3: {  	[sflag:s29] =	ssyncadd.s32 $0xFFFFFFFF  }
0xb4: {  	_ =	strace $0x90000048  }
0xb5: {  	_ =	sfence  }
0xb6: {  	s30 =	sld [smem:$0x0];
	_ =	sdelay $0x2  }
0xb7: {  	s31 =	sshll.u32 s1, $0xD;
	s1 =	sshrl.u32 s1, $0x2  }
0xb8: {  	s3 =	sand.u32 $0x4000, s31;
	s1 =	sadd.s32 s1, s30  }
0xb9: {  	s0 =	sor.u32 s3, s0;
	s1 =	sshll.u32 s1, $0x11  }
0xba: {  	s0 =	sor.u32 s1, s0  }
0xbb: {  	s0 =	sadd.s32 $0x8F2B, s0  }
0xbc: {  	[sflag:s0] =	ssyncadd.remote.s32 $0x1  }
0xbd: {  	_ =	sfence.sel $0xFFFF  }
0xbe: {  	[dreg:$0x0] =	wrdreg $0xFFFFFFFF;
	(pc) =	sbr.abs _section_cstart, $3  }
0xbf: {  	[dreg:$0x1] =	wrdreg $0xFFFFFFFF  }
0xc0: {  	_ =	task.clear_ibuf [dreg:s6], $0x2FFFF;
	_ =	strace $0x9FFFFFFF  }
0xc1: {  	(tm) =	ssettm $0x7FFFFFFF  }
tec
execute0_lowered:
.L_overlay_start_1:
0x0: {  	(tag) =	ssettag $0x1  }
0x1: {  	s8 =	rddreg [dreg:$0x0]  }
0x2: {  	s0 =	rddreg [dreg:$0x1];
	_ =	strace $0x80000047;
	s1 =	stileid.u32  }
0x3: {  	s3 =	srdreg.scid;
	s4 =	simm.s32 $0x1;
	s7 =	simm.s32 $0x1  }
0x4: {  	s9 =	simm.s32 $0x1;
	s10 =	simm.s32 $0x3;
	s13 =	simm.s32 $0x0  }
0x5: {  	s12 =	simm.s32 $0x0;
	s5 =	sand.u32 $0x1, s3;
	s6 =	sshll.u32 s1, $0x1  }
0x6: {  	s2 =	sadd.s32 $0x9800, s8;
	s3 =	sadd.s32 $0x30400, s8;
	s5 =	sor.u32 s6, s5  }
.Ltmp0:
0x7: {  	[sflag:s4] =	ssyncpa.u1 $0x0;
	p0 =	slt.u32 s5, $0x11;
	(pc) =	sbr.rel .LBB2_1-.Ltmp0, $4  }
0x8: {  	s6 =	simm.s32 $0x2;
	s7 =	simm.s32 @!p0 $0x0;
	p0 =	sne.s32 s5, $0x10  }
0x9: {  	[sflag:s6] =	ssyncpa.u1 $0x0;
	s5 =	smul.u32 $0x3500, s5;
	s9 =	simm.s32 @!p0 $0x0  }
0xa: {  	s8 =	sadd.s32 $0x111200, s8;
	[sflag:s10] =	ssyncpa.u1 $0x0;
	s7 =	sadd.s32 s9, s7  }
0xb: {  	vm0 =	vmmov $0xffff;
	s10 =	simm.s32 $0x0;
	s11 =	smov.u32 s5;
	s9 =	sadd.s32 $0x1, s7  }
.LBB2_4:
0xc: {  	v2 =	vnsel vm1, $0x0, v2  }
0xd: {  	vm1 =	vgt.s32 v0, $0x0;
	v2 =	vmin.u32 v2, $0x975DF  }
0xe: {  	v0 =	vnsel vm1, $0x0, v0  }
0xf: {  	v0 =	vmin.u32 v0, $0x975DF  }
0x10: {  	[tilespmem:s18], [sflag:$0x1] =	stream.indirect_vreg.gather [hbm4b:s2+s10], $0x1, v1, vm0, $0x4038;
	[tilespmem:$0xD400] =	vst v63  }
0x11: {  	(ifvalue) =	ssetifvalue $0x7FFFFFFF  }
0x12: {  	[tilespmem:s15], [sflag:$0x1] =	stream.indirect_vreg.gather [hbm4b:s2+s10], $0x1, v2, vm0, $0x4038;
	[tilespmem:$0xD400] =	vst v63  }
0x13: {  	s29 =	sadd.s32 $0x10, s15;
	(ifvalue) =	ssetifvalue $0x7FFFFFFF  }
0x14: {  	[tilespmem:s29], [sflag:$0x1] =	stream.indirect_vreg.gather [hbm4b:s2+s10], $0x1, v0, vm0, $0x4038;
	[tilespmem:$0xD400] =	vst v63  }
0x15: {  	_ =	swait.ge [sflag:s4], $0x3500  }
0x16: {  	s30 =	sshrl.u32 s13, $0x3;
	[sflag:s4] =	ssyncset.done $0x0  }
0x17: {  	s31 =	sand.u32 $0x7, s13;
	s15 =	sadd.s32 s8, s30;
	[sflag:s4] =	ssyncadd.s32 $0xFFFFCB00  }
0x18: {  	[hbm4b:s15+s31] =	stream.linear.scatter [tilespmem:s14], [sflag:$0x3], $0x3500, $0x38;
	[tilespmem:$0xD400] =	vst v63  }
.LBB2_5:
0x19: {  	s15 =	sadd.s32 $0x6A000, s11  }
0x1a: {  	p1 =	sgt.s32 s15, $0x9EFFF  }
0x1b: {  	s15 =	smov.u32 @p1 s5;
	p1 =	sne.s32 s12, s9  }
.Ltmp1:
0x1c: {  	p0 =	slt.u32 s12, $0x2;
	(pc) =	sbr.rel @!p1 .LBB2_6-.Ltmp1, $4  }
0x1d: {  	s14 =	simm.s32 @!p0 $0x3  }
0x1e: {  	_ =	swait.ge @!p0 [sflag:s14], $0x3500  }
0x1f: {  	s16 =	sadd.s32 $0x1, s12;
	s13 =	smov.u32 s11;
	[sflag:s14] =	ssyncset.done @!p0 $0x0  }
0x20: {  	s12 =	smov.u32 s16;
	s11 =	smov.u32 s15;
	[sflag:s14] =	ssyncadd.s32 @!p0 $0xFFFFCB00  }
.LBB2_1:
0x21: {  	p0 =	sge.u32 s12, s7  }
0x22: {  	s14 =	sxor.u32 @!p0 $0x1, s12  }
0x23: {  	s14 =	smul.u32 @!p0 $0xD400, s14  }
0x24: {  	s31 =	sadd.s32 $0xFFFFFFFF, s12;
	s15 =	sshrl.u32 @!p0 s11, $0x3  }
0x25: {  	s16 =	sand.u32 @!p0 $0x7, s11;
	s15 =	sadd.s32 @!p0 s3, s15;
	s14 =	sshra.s32 @!p0 s14, $0x2  }
0x26: {  	[tilespmem:s14], [sflag:$0x2] =	stream.linear.gather @!p0 [hbm4b:s15+s16], $0x3500, $0x38;
	[tilespmem:$0xD400] =	vst v63  }
0x27: {  	p0 =	sge.u32 s31, s7  }
.Ltmp2:
0x28: {  	_ = 	snop;
	(pc) =	sbr.rel @p0 .LBB2_5-.Ltmp2, $1  }
0x29: {  	_ =	sdelay $0x3  }
0x2a: {  	s14 =	sand.u32 $0x1, s12  }
0x2b: {  	_ =	swait.ge [sflag:s6], $0x3500;
	p0 =	seq.s32 s14, $0x1;
	s14 =	simm.s32 $0x3500  }
0x2c: {  	[sflag:s6] =	ssyncset.done $0x0;
	s14 =	simm.s32 @!p0 $0x0  }
0x2d: {  	[sflag:s6] =	ssyncadd.s32 $0xFFFFCB00;
	(ifvalue) =	ssetifvalue $0x7FFFFFFF;
	v0 =	vld.msk [tilespmem:s14+$0x0 ss:$0x1], $0xffff;
	_ =	sdelay $0x4  }
0x2e: {  	s15 =	sadd.s32 $0x10, s14;
	vm1 =	vgt.s32 v0, $0x0  }
0x2f: {  	v2 =	vld.msk [tilespmem:s15+$0x0 ss:$0x1], $0xffff;
	v1 =	vnsel vm1, $0x0, v0  }
0x30: {  	v1 =	vmin.u32 v1, $0x975DF;
	_ =	sdelay $0x2  }
0x31: {  	s17 =	simm.s32 $0x20;
	s14 =	sadd.s32 $0x6A00, s14;
	s16 =	sadd.s32 $0x10, s15  }
0x32: {  	s15 =	sadd.s32 $0x10, s14;
	s18 =	smov.u32 s14;
	v0 =	vld.msk [tilespmem:s16+$0x0 ss:$0x1], $0xffff;
	vm1 =	vgt.s32 v2, $0x0;
	(ifvalue) =	ssetifvalue $0x7FFFFFFF  }
.LBB2_3:
0x33: {  	[tilespmem:s18], [sflag:$0x1] =	stream.indirect_vreg.gather [hbm4b:s2+s10], $0x1, v1, vm0, $0x4038;
	[tilespmem:$0xD400] =	vst v63  }
0x34: {  	s17 =	sadd.s32 $0x10, s17  }
0x35: {  	v2 =	vnsel vm1, $0x0, v2;
	p0 =	slt.u32 s17, $0x34F0  }
.Ltmp3:
0x36: {  	s18 =	smov.u32 s15;
	v1 =	vmin.u32 v2, $0x975DF;
	(pc) =	sbr.rel @p0 .LBB2_3-.Ltmp3, $3  }
0x37: {  	_ =	sdelay $0x1  }
0x38: {  	s16 =	sadd.s32 $0x10, s16  }
0x39: {  	vm1 =	vgt.s32 v0, $0x0;
	s15 =	sadd.s32 $0x10, s15;
	v2 =	vmov v0;
	(ifvalue) =	ssetifvalue $0x7FFFFFFF;
	v0 =	vld.msk [tilespmem:s16+$0x0 ss:$0x1], $0xffff  }
.Ltmp4:
0x3a: {  	_ = 	snop;
	(pc) =	sbr.rel .LBB2_4-.Ltmp4, $1  }
0x3b: {  	_ =	sdelay $0x3  }
.LBB2_6:
0x3c: {  	_ =	sfence.sel $0x180000  }
0x3d: {  	s2 =	simm.s32 $0x2;
	[bflag:$0x0] =	sbarrier.arrive $0xFFFF  }
0x3e: {  	s30 =	simm.s32 $0x3;
	[sflag:s2] =	ssyncpa.u1 $0x1  }
0x3f: {  	s31 =	simm.s32 $0x1;
	[sflag:s30] =	ssyncpa.u1 $0x1  }
0x40: {  	[sflag:s31] =	ssyncpa.u1 $0x1  }
0x41: {  	p0 =	sne.s32 s1, $0x0;
	_ =	strace $0x90000047  }
0x42: {  	s0 =	sadd.s32 @!p0 $0x100000, s0;
	[bflag:$0x2] =	sbarrier.arrive $0xFFFF  }
0x43: {  	[sflag:s0] =	ssyncadd.tile.s32 @!p0 $0x1;
	_ =	shalt  }
.Lfunc_end2:
_tile_overlayer_lowered:
.L_overlay_start_2:
0x44: {  	(tag) =	ssettag $0x2  }
0x45: {  	s0 =	rddreg [dreg:$0x0];
	s2 =	stileid.u32  }
0x46: {  	s1 =	rddreg [dreg:$0x1];
	p0 =	sne.s32 s2, $0x0  }
0x47: {  	s3 =	rddreg [dreg:$0x2];
	[bflag:$0x3] =	sbarrier.arrive $0xFFFF;
	s2 =	simm.s32 @!p0 $0x1C01  }
0x48: {  	[timem:s3], [sflag:s2] =	dma.local @!p0 [hbm:s0], s1  }
0x49: {  	s0 =	simm.s32 @!p0 $0x1  }
0x4a: {  	_ =	swait.ge @!p0 [sflag:s0], s1  }
0x4b: {  	s1 =	ssub.s32 @!p0 $0x0, s1;
	[sflag:s0] =	ssyncset.done @!p0 $0x0  }
0x4c: {  	[sflag:s0] =	ssyncadd.s32 @!p0 s1  }
0x4d: {  	[bflag:$0x3] =	sbarrier.arrive $0xFFFF  }
0x4e: {  	_ =	shalt  }

// kernel: gather_offload_async_start
scs
__scs_entry_jumppad:
0x0: {  	(pc) =	sbr.rel $0x88, $3  }
0x1: {  	(tag) =	ssettag $0x0;
	lr =	simm.s32 $0x1  }
0x2: {  	[smem:$0x3F8E] =	sst lr;
	_ =	strace $0xD0000000  }
0x3: {  	_ = 	snop  }
0x4: {  	_ = 	snop  }
0x5: {  	_ = 	snop  }
0x6: {  	_ = 	snop  }
0x7: {  	_ = 	snop  }
__scs_overlays_trampoline_lowered:
0x8: {  	[smem:$0x3F9D] =	sst s0  }
0x9: {  	[smem:$0x3F9E] =	sst s1  }
0xa: {  	[smem:$0x3F9F] =	sst s2  }
0xb: {  	[smem:$0x3FA0] =	sst s3  }
0xc: {  	[smem:$0x3FA1] =	sst s4  }
0xd: {  	[smem:$0x3FA2] =	sst s5  }
0xe: {  	[smem:$0x3FA3] =	sst s6  }
0xf: {  	[smem:$0x3FA4] =	sst s7  }
0x10: {  	[smem:$0x3FA5] =	sst s8  }
0x11: {  	[smem:$0x3FA6] =	sst s9;
	s0 =	simm.s32 @!p0 $0x0  }
0x12: {  	s1 =	sld [smem:$0x3F8C];
	s0 =	simm.s32 @p0 $0x1  }
0x13: {  	[smem:$0x3FA7] =	sst s0;
	s0 =	simm.s32 @!p1 $0x0  }
0x14: {  	s2 =	sld [smem:$0x3F8B];
	s0 =	simm.s32 @p1 $0x1  }
0x15: {  	[smem:$0x3FA8] =	sst s0;
	s0 =	simm.s32 @!p2 $0x0  }
0x16: {  	s3 =	sld [smem:$0x3FDB];
	s0 =	simm.s32 @p2 $0x1  }
0x17: {  	s4 =	simm.s32 $0x1BF5;
	[smem:$0x3FAA] =	sst s0  }
0x18: {  	s0 =	sld [smem:$0x3F8D];
	_ =	swait.ge [sflag:s4], $0x0  }
0x19: {  	s7 =	sld [smem:$0x3F8E]  }
0x1a: {  	s8 =	sadd.s32 $0xFFFFE003, lr  }
0x1b: {  	s9 =	sadd.s32 $0xFFFFFEF7, lr;
	s5 =	simm.s32 $0xFFFFFFFF;
	p2 =	slt.u32 s8, $0xFFFFF086  }
0x1c: {  	p1 =	slt.u32 s9, $0xF7A;
	s5 =	simm.s32 @!p2 $0x0  }
0x1d: {  	s5 =	simm.s32 @p1 $0x1;
	p0 =	seq.s32 s7, s2  }
0x1e: {  	s7 =	smul.u32 @!p0 $0xF7A, s2;
	p2 =	seq.s32 @!p0 s5, $0x0  }
0x1f: {  	s9 =	smul.u32 $0xF7A, s1;
	s8 =	simm.s32 @!p0 $0x1BF5;
	p2 =	por !p2, p0  }
0x20: {  	[sflag:s8] =	ssyncset.s32 @!p0 $0xFFFFF086;
	s6 =	sadd.s32 @!p0 s3, s7;
	s7 =	simm.s32 @!p0 $0x108  }
0x21: {  	s3 =	sadd.s32 s3, s9;
	s6 =	sadd.s32 @!p0 $0x88, s6;
	s7 =	simm.s32 @p2 $0x1082  }
0x22: {  	[simem:s7], [sflag:s8] =	dma.local @!p0 [hbm:s6], $0xF7A  }
0x23: {  	s9 =	sor.u32 $0xD0000000, s2;
	s6 =	simm.s32 $0x108;
	_ =	swait.ge @!p0 [sflag:s8], $0x0  }
0x24: {  	s3 =	sadd.s32 $0x88, s3;
	s6 =	simm.s32 @!p1 $0x1082;
	[sflag:s4] =	ssyncset.s32 $0xFFFFF086  }
0x25: {  	[simem:s6], [sflag:s4] =	dma.local [hbm:s3], $0xF7A  }
0x26: {  	[smem:$0x3F8E] =	sst s1;
	(tag) =	ssettag s2;
	_ =	strace s9  }
0x27: {  	s1 =	sld [smem:$0x3F9E]  }
0x28: {  	s2 =	sld [smem:$0x3F9F]  }
0x29: {  	s4 =	sld [smem:$0x3FA1]  }
0x2a: {  	p0 =	seq.s32 s5, $0x0;
	s5 =	sld [smem:$0x3FA2]  }
0x2b: {  	s6 =	sld [smem:$0x3FA3]  }
0x2c: {  	s7 =	sld [smem:$0x3FA4]  }
0x2d: {  	s3 =	simm.s32 $0x108;
	s8 =	sld [smem:$0x3FA5]  }
0x2e: {  	s3 =	simm.s32 @!p0 $0x1082;
	s9 =	sld [smem:$0x3FA6]  }
0x2f: {  	lr =	sadd.s32 s0, s3;
	s0 =	sld [smem:$0x3F9D]  }
0x30: {  	s3 =	sld [smem:$0x3FA0]  }
0x31: {  	[smem:$0x3FA9] =	sst s10  }
0x32: {  	s10 =	sld [smem:$0x3FA7];
	_ =	sdelay $0x3  }
0x33: {  	p0 =	seq.s32 s10, $0x1;
	s10 =	sld [smem:$0x3FA9];
	_ =	sdelay $0x3  }
0x34: {  	[smem:$0x3FA9] =	sst s10  }
0x35: {  	s10 =	sld [smem:$0x3FA8];
	_ =	sdelay $0x3  }
0x36: {  	p1 =	seq.s32 s10, $0x1;
	s10 =	sld [smem:$0x3FA9];
	_ =	sdelay $0x3  }
0x37: {  	[smem:$0x3FA9] =	sst s10  }
0x38: {  	s10 =	sld [smem:$0x3FAA]  }
0x39: {  	_ = 	snop;
	(pc) =	sbr.ind lr, $3  }
0x3a: {  	_ = 	snop  }
0x3b: {  	_ = 	snop  }
0x3c: {  	p2 =	seq.s32 s10, $0x1;
	s10 =	sld [smem:$0x3FA9]  }
0x3d: {  	_ =	shalt  }
0x3e: {  	_ =	shalt  }
0x3f: {  	_ =	shalt  }
0x40: {  	_ =	shalt  }
0x41: {  	_ =	shalt  }
0x42: {  	_ =	shalt  }
0x43: {  	_ =	shalt  }
0x44: {  	_ =	shalt  }
0x45: {  	_ =	shalt  }
0x46: {  	_ =	shalt  }
0x47: {  	_ =	shalt  }
0x48: {  	_ =	shalt  }
0x49: {  	_ =	shalt  }
0x4a: {  	_ =	shalt  }
0x4b: {  	_ =	shalt  }
0x4c: {  	_ =	shalt  }
0x4d: {  	_ =	shalt  }
0x4e: {  	_ =	shalt  }
0x4f: {  	_ =	shalt  }
0x50: {  	_ =	shalt  }
0x51: {  	_ =	shalt  }
0x52: {  	_ =	shalt  }
0x53: {  	_ =	shalt  }
0x54: {  	_ =	shalt  }
0x55: {  	_ =	shalt  }
0x56: {  	_ =	shalt  }
0x57: {  	_ =	shalt  }
0x58: {  	_ =	shalt  }
0x59: {  	_ =	shalt  }
0x5a: {  	_ =	shalt  }
0x5b: {  	_ =	shalt  }
0x5c: {  	_ =	shalt  }
0x5d: {  	_ =	shalt  }
0x5e: {  	_ =	shalt  }
0x5f: {  	_ =	shalt  }
0x60: {  	_ =	shalt  }
0x61: {  	_ =	shalt  }
0x62: {  	_ =	shalt  }
0x63: {  	_ =	shalt  }
0x64: {  	_ =	shalt  }
0x65: {  	_ =	shalt  }
0x66: {  	_ =	shalt  }
0x67: {  	_ =	shalt  }
0x68: {  	_ =	shalt  }
0x69: {  	_ =	shalt  }
0x6a: {  	_ =	shalt  }
0x6b: {  	_ =	shalt  }
0x6c: {  	_ =	shalt  }
0x6d: {  	_ =	shalt  }
0x6e: {  	_ =	shalt  }
0x6f: {  	_ =	shalt  }
0x70: {  	_ =	shalt  }
0x71: {  	_ =	shalt  }
0x72: {  	_ =	shalt  }
0x73: {  	_ =	shalt  }
0x74: {  	_ =	shalt  }
0x75: {  	_ =	shalt  }
0x76: {  	_ =	shalt  }
0x77: {  	_ =	shalt  }
0x78: {  	_ =	shalt  }
0x79: {  	_ =	shalt  }
0x7a: {  	_ =	shalt  }
0x7b: {  	_ =	shalt  }
0x7c: {  	_ =	shalt  }
0x7d: {  	_ =	shalt  }
0x7e: {  	_ =	shalt  }
0x7f: {  	_ =	shalt  }
0x80: {  	_ =	shalt  }
0x81: {  	_ =	shalt  }
0x82: {  	_ =	shalt  }
0x83: {  	_ =	shalt  }
0x84: {  	_ =	shalt  }
0x85: {  	_ =	shalt  }
0x86: {  	_ =	shalt  }
0x87: {  	_ =	shalt  }
.Lfunc_end0:
.L_simem_size_0:
called_computation_lowered:
.L_overlay_start_0:
0x88: {  	s2 =	sld [smem:$0x3FD9]  }
0x89: {  	s3 =	sld [smem:$0x3FFE];
	_ =	sdelay $0x1  }
0x8a: {  	s1 =	srdreg.scid  }
0x8b: {  	s0 =	sand.u32 $0x1, s1  }
0x8c: {  	s17 =	sshll.u32 s0, $0xA;
	s2 =	sadd.s32 s3, s2  }
0x8d: {  	s2 =	sadd.s32 s2, s17  }
0x8e: {  	[smem:$0x3FB5] =	sst s2  }
0x8f: {  	_ = 	snop  }
0x90: {  	(tm) =	ssettm $0x1  }
0x91: {  	s18 =	sld [smem:$0x3FFB];
	_ =	sdelay $0x3  }
0x92: {  	_ =	strace s18  }
0x93: {  	s2 =	sld [smem:$0x3FFC];
	_ =	sdelay $0x3  }
0x94: {  	_ =	strace s2  }
0x95: {  	s2 =	sld [smem:$0x3FFD];
	_ =	sdelay $0x3  }
0x96: {  	_ =	strace s2  }
0x97: {  	_ =	strace $0x8FFFFFFF  }
0x98: {  	s19 =	sld [smem:$0x3FDB];
	_ =	sdelay $0x1  }
0x99: {  	s20 =	simm.s32 $_scs_section_size  }
0x9a: {  	s4 =	simm.s32 $_size__tile_overlayer_lowered;
	s5 =	simm.s32 $_tile_overlayer_lowered  }
0x9b: {  	s6 =	simm.s32 $0x1BFF;
	s21 =	sshll.u32 s5, $0x1;
	s3 =	sadd.s32 s20, s19  }
0x9c: {  	s22 =	simm.s32 $0x0;
	s4 =	sshll.u32 s4, $0x1;
	s5 =	sadd.s32 s21, s3  }
0x9d: {  	[timem:s22], [sflag:s6] =	dma.local [hbm:s5], s4  }
0x9e: {  	_ =	swait.ge [sflag:s6], s4  }
0x9f: {  	s4 =	ssub.s32 $0x0, s4;
	[sflag:s6] =	ssyncset.done $0x0  }
0xa0: {  	[sflag:s6] =	ssyncadd.s32 s4;
	_ =	sdelay $0x1  }
0xa1: {  	s23 =	simm.s32 $0x1B8B  }
0xa2: {  	_ =	swait.ge [sflag:s23], $0x1  }
0xa3: {  	[sflag:s23] =	ssyncset.done $0x0  }
0xa4: {  	[sflag:s23] =	ssyncadd.s32 $0xFFFFFFFF  }
0xa5: {  	s4 =	sld [smem:$0x0]  }
0xa6: {  	s5 =	sand.u32 $0xFFFFFFFE, s1  }
0xa7: {  	p0 =	sne.s32 s1, s5  }
0xa8: {  	s5 =	sshll.u32 @p0 s5, $0xE  }
0xa9: {  	s5 =	sadd.s32 @p0 $0x11B8D, s5;
	s6 =	sshll.u32 @p0 s4, $0x11  }
0xaa: {  	s5 =	sor.u32 @p0 s6, s5  }
0xab: {  	[sflag:s5] =	ssyncadd.remote.s32 @p0 $0x1;
	_ =	sdelay $0x1  }
0xac: {  	s5 =	simm.s32 @p0 $0x1B8D  }
0xad: {  	_ =	swait.eq @p0 [sflag:s5], $0x1  }
0xae: {  	[sflag:s5] =	ssyncadd.s32 @p0 $0xFFFFFFFF  }
0xaf: {  	s6 =	sshll.u32 @!p0 s1, $0xE  }
0xb0: {  	s6 =	sor.u32 @!p0 $0x4000, s6;
	s5 =	simm.s32 @!p0 $0x1B8D  }
0xb1: {  	s4 =	sshll.u32 @!p0 s4, $0x11;
	s6 =	sadd.s32 @!p0 $0x11B8D, s6;
	_ =	swait.eq @!p0 [sflag:s5], $0x1  }
0xb2: {  	s4 =	sor.u32 @!p0 s4, s6;
	[sflag:s5] =	ssyncadd.s32 @!p0 $0xFFFFFFFF  }
0xb3: {  	s25 =	simm.s32 $0x1B8E;
	s24 =	sld [smem:$0x3FFE];
	[sflag:s4] =	ssyncadd.remote.s32 @!p0 $0x1  }
0xb4: {  	s26 =	simm.s32 $execute0_lowered;
	[smem:$0x3FD2] =	sst s25  }
0xb5: {  	s5 =	sshll.u32 s26, $0x1;
	_ =	strace $0x80000049;
	[dreg:$0x1] =	wrdreg $0xFFFFFFFF  }
0xb6: {  	s28 =	simm.s32 $_size_execute0_lowered;
	s3 =	sadd.s32 s3, s5;
	[dreg:$0x0] =	wrdreg $0x0  }
0xb7: {  	s5 =	sshll.u32 s28, $0x1;
	[dreg:$0x2] =	wrdreg s3  }
0xb8: {  	[dreg:$0x3] =	wrdreg s5  }
0xb9: {  	[dreg:$0x4] =	wrdreg $0xC0  }
0xba: {  	_ =	task [dreg:s22], $0x5FFFF  }
0xbb: {  	[dreg:$0x1] =	wrdreg $0xFFFFFFFF  }
0xbc: {  	[dreg:$0x0] =	wrdreg $0x60  }
0xbd: {  	[dreg:$0x2] =	wrdreg s24  }
0xbe: {  	[dreg:$0x3] =	wrdreg $0x9  }
0xbf: {  	_ =	task.clear_ibuf [dreg:s22], $0x4FFFF;
	_ =	strace $0x90000049  }
0xc0: {  	s29 =	simm.s32 $0x9;
	_ =	strace $0x8000004B  }
0xc1: {  	_ =	swait.ge [sflag:s29], $0x1  }
0xc2: {  	[sflag:s29] =	ssyncadd.s32 $0xFFFFFFFF  }
0xc3: {  	_ =	strace $0x9000004B  }
0xc4: {  	_ =	sfence  }
0xc5: {  	s30 =	sld [smem:$0x0];
	_ =	sdelay $0x2  }
0xc6: {  	s31 =	sshll.u32 s1, $0xD;
	s1 =	sshrl.u32 s1, $0x2  }
0xc7: {  	s4 =	sand.u32 $0x4000, s31;
	s1 =	sadd.s32 s1, s30  }
0xc8: {  	s0 =	sor.u32 s4, s0;
	s1 =	sshll.u32 s1, $0x11  }
0xc9: {  	s0 =	sor.u32 s1, s0  }
0xca: {  	s0 =	sadd.s32 $0x8F2B, s0  }
0xcb: {  	[sflag:s0] =	ssyncadd.remote.s32 $0x1  }
0xcc: {  	_ =	sfence.sel $0xFFFF  }
0xcd: {  	[dreg:$0x0] =	wrdreg $0xFFFFFFFF;
	(pc) =	sbr.abs _section_cstart, $3  }
0xce: {  	[dreg:$0x1] =	wrdreg $0xFFFFFFFF  }
0xcf: {  	_ =	task.clear_ibuf [dreg:s22], $0x2FFFF;
	_ =	strace $0x9FFFFFFF  }
0xd0: {  	(tm) =	ssettm $0x7FFFFFFF  }
0xd1: {  	_ =	shalt  }
tec
execute0_lowered:
.L_overlay_start_1:
0x0: {  	(tag) =	ssettag $0x1  }
0x1: {  	s8 =	rddreg [dreg:$0x0]  }
0x2: {  	s0 =	rddreg [dreg:$0x1];
	_ =	strace $0x8000004A;
	s1 =	stileid.u32  }
0x3: {  	s3 =	srdreg.scid;
	s4 =	simm.s32 $0x1;
	s7 =	simm.s32 $0x1  }
0x4: {  	s9 =	simm.s32 $0x1;
	s10 =	simm.s32 $0x3;
	s13 =	simm.s32 $0x0  }
0x5: {  	s12 =	simm.s32 $0x0;
	s5 =	sand.u32 $0x1, s3;
	s6 =	sshll.u32 s1, $0x1  }
0x6: {  	s2 =	sadd.s32 $0x1C800, s8;
	s3 =	sadd.s32 $0x30400, s8;
	s5 =	sor.u32 s6, s5  }
.Ltmp0:
0x7: {  	[sflag:s4] =	ssyncpa.u1 $0x0;
	p0 =	slt.u32 s5, $0x11;
	(pc) =	sbr.rel .LBB2_1-.Ltmp0, $4  }
0x8: {  	s6 =	simm.s32 $0x2;
	s7 =	simm.s32 @!p0 $0x0;
	p0 =	sne.s32 s5, $0x10  }
0x9: {  	[sflag:s6] =	ssyncpa.u1 $0x0;
	s5 =	smul.u32 $0x3500, s5;
	s9 =	simm.s32 @!p0 $0x0  }
0xa: {  	s8 =	sadd.s32 $0x125000, s8;
	[sflag:s10] =	ssyncpa.u1 $0x0;
	s7 =	sadd.s32 s9, s7  }
0xb: {  	vm0 =	vmmov $0xffff;
	s10 =	simm.s32 $0x0;
	s11 =	smov.u32 s5;
	s9 =	sadd.s32 $0x1, s7  }
.LBB2_4:
0xc: {  	v2 =	vnsel vm1, $0x0, v2  }
0xd: {  	vm1 =	vgt.s32 v0, $0x0;
	v2 =	vmin.u32 v2, $0x975DF  }
0xe: {  	v0 =	vnsel vm1, $0x0, v0  }
0xf: {  	v0 =	vmin.u32 v0, $0x975DF  }
0x10: {  	[tilespmem:s18], [sflag:$0x1] =	stream.indirect_vreg.gather [hbm4b:s2+s10], $0x1, v1, vm0, $0x4038;
	[tilespmem:$0xD400] =	vst v63  }
0x11: {  	(ifvalue) =	ssetifvalue $0x7FFFFFFF  }
0x12: {  	[tilespmem:s15], [sflag:$0x1] =	stream.indirect_vreg.gather [hbm4b:s2+s10], $0x1, v2, vm0, $0x4038;
	[tilespmem:$0xD400] =	vst v63  }
0x13: {  	s29 =	sadd.s32 $0x10, s15;
	(ifvalue) =	ssetifvalue $0x7FFFFFFF  }
0x14: {  	[tilespmem:s29], [sflag:$0x1] =	stream.indirect_vreg.gather [hbm4b:s2+s10], $0x1, v0, vm0, $0x4038;
	[tilespmem:$0xD400] =	vst v63  }
0x15: {  	_ =	swait.ge [sflag:s4], $0x3500  }
0x16: {  	s30 =	sshrl.u32 s13, $0x3;
	[sflag:s4] =	ssyncset.done $0x0  }
0x17: {  	s31 =	sand.u32 $0x7, s13;
	s15 =	sadd.s32 s8, s30;
	[sflag:s4] =	ssyncadd.s32 $0xFFFFCB00  }
0x18: {  	[hbm4b:s15+s31] =	stream.linear.scatter [tilespmem:s14], [sflag:$0x3], $0x3500, $0x38;
	[tilespmem:$0xD400] =	vst v63  }
.LBB2_5:
0x19: {  	s15 =	sadd.s32 $0x6A000, s11  }
0x1a: {  	p1 =	sgt.s32 s15, $0x9EFFF  }
0x1b: {  	s15 =	smov.u32 @p1 s5;
	p1 =	sne.s32 s12, s9  }
.Ltmp1:
0x1c: {  	p0 =	slt.u32 s12, $0x2;
	(pc) =	sbr.rel @!p1 .LBB2_6-.Ltmp1, $4  }
0x1d: {  	s14 =	simm.s32 @!p0 $0x3  }
0x1e: {  	_ =	swait.ge @!p0 [sflag:s14], $0x3500  }
0x1f: {  	s16 =	sadd.s32 $0x1, s12;
	s13 =	smov.u32 s11;
	[sflag:s14] =	ssyncset.done @!p0 $0x0  }
0x20: {  	s12 =	smov.u32 s16;
	s11 =	smov.u32 s15;
	[sflag:s14] =	ssyncadd.s32 @!p0 $0xFFFFCB00  }
.LBB2_1:
0x21: {  	p0 =	sge.u32 s12, s7  }
0x22: {  	s14 =	sxor.u32 @!p0 $0x1, s12  }
0x23: {  	s14 =	smul.u32 @!p0 $0xD400, s14  }
0x24: {  	s31 =	sadd.s32 $0xFFFFFFFF, s12;
	s15 =	sshrl.u32 @!p0 s11, $0x3  }
0x25: {  	s16 =	sand.u32 @!p0 $0x7, s11;
	s15 =	sadd.s32 @!p0 s3, s15;
	s14 =	sshra.s32 @!p0 s14, $0x2  }
0x26: {  	[tilespmem:s14], [sflag:$0x2] =	stream.linear.gather @!p0 [hbm4b:s15+s16], $0x3500, $0x38;
	[tilespmem:$0xD400] =	vst v63  }
0x27: {  	p0 =	sge.u32 s31, s7  }
.Ltmp2:
0x28: {  	_ = 	snop;
	(pc) =	sbr.rel @p0 .LBB2_5-.Ltmp2, $1  }
0x29: {  	_ =	sdelay $0x3  }
0x2a: {  	s14 =	sand.u32 $0x1, s12  }
0x2b: {  	_ =	swait.ge [sflag:s6], $0x3500;
	p0 =	seq.s32 s14, $0x1;
	s14 =	simm.s32 $0x3500  }
0x2c: {  	[sflag:s6] =	ssyncset.done $0x0;
	s14 =	simm.s32 @!p0 $0x0  }
0x2d: {  	[sflag:s6] =	ssyncadd.s32 $0xFFFFCB00;
	(ifvalue) =	ssetifvalue $0x7FFFFFFF;
	v0 =	vld.msk [tilespmem:s14+$0x0 ss:$0x1], $0xffff;
	_ =	sdelay $0x4  }
0x2e: {  	s15 =	sadd.s32 $0x10, s14;
	vm1 =	vgt.s32 v0, $0x0  }
0x2f: {  	v2 =	vld.msk [tilespmem:s15+$0x0 ss:$0x1], $0xffff;
	v1 =	vnsel vm1, $0x0, v0  }
0x30: {  	v1 =	vmin.u32 v1, $0x975DF;
	_ =	sdelay $0x2  }
0x31: {  	s17 =	simm.s32 $0x20;
	s14 =	sadd.s32 $0x6A00, s14;
	s16 =	sadd.s32 $0x10, s15  }
0x32: {  	s15 =	sadd.s32 $0x10, s14;
	s18 =	smov.u32 s14;
	v0 =	vld.msk [tilespmem:s16+$0x0 ss:$0x1], $0xffff;
	vm1 =	vgt.s32 v2, $0x0;
	(ifvalue) =	ssetifvalue $0x7FFFFFFF  }
.LBB2_3:
0x33: {  	[tilespmem:s18], [sflag:$0x1] =	stream.indirect_vreg.gather [hbm4b:s2+s10], $0x1, v1, vm0, $0x4038;
	[tilespmem:$0xD400] =	vst v63  }
0x34: {  	s17 =	sadd.s32 $0x10, s17  }
0x35: {  	v2 =	vnsel vm1, $0x0, v2;
	p0 =	slt.u32 s17, $0x34F0  }
.Ltmp3:
0x36: {  	s18 =	smov.u32 s15;
	v1 =	vmin.u32 v2, $0x975DF;
	(pc) =	sbr.rel @p0 .LBB2_3-.Ltmp3, $3  }
0x37: {  	_ =	sdelay $0x1  }
0x38: {  	s16 =	sadd.s32 $0x10, s16  }
0x39: {  	vm1 =	vgt.s32 v0, $0x0;
	s15 =	sadd.s32 $0x10, s15;
	v2 =	vmov v0;
	(ifvalue) =	ssetifvalue $0x7FFFFFFF;
	v0 =	vld.msk [tilespmem:s16+$0x0 ss:$0x1], $0xffff  }
.Ltmp4:
0x3a: {  	_ = 	snop;
	(pc) =	sbr.rel .LBB2_4-.Ltmp4, $1  }
0x3b: {  	_ =	sdelay $0x3  }
.LBB2_6:
0x3c: {  	_ =	sfence.sel $0x180000  }
0x3d: {  	s2 =	simm.s32 $0x2;
	[bflag:$0x0] =	sbarrier.arrive $0xFFFF  }
0x3e: {  	s30 =	simm.s32 $0x3;
	[sflag:s2] =	ssyncpa.u1 $0x1  }
0x3f: {  	s31 =	simm.s32 $0x1;
	[sflag:s30] =	ssyncpa.u1 $0x1  }
0x40: {  	[sflag:s31] =	ssyncpa.u1 $0x1  }
0x41: {  	p0 =	sne.s32 s1, $0x0;
	_ =	strace $0x9000004A  }
0x42: {  	s0 =	sadd.s32 @!p0 $0x100000, s0;
	[bflag:$0x2] =	sbarrier.arrive $0xFFFF  }
0x43: {  	[sflag:s0] =	ssyncadd.tile.s32 @!p0 $0x1;
	_ =	shalt  }
.Lfunc_end2:
_tile_overlayer_lowered:
.L_overlay_start_2:
0x44: {  	(tag) =	ssettag $0x2  }
0x45: {  	s0 =	rddreg [dreg:$0x0];
	s2 =	stileid.u32  }
0x46: {  	s1 =	rddreg [dreg:$0x1];
	p0 =	sne.s32 s2, $0x0  }
0x47: {  	s3 =	rddreg [dreg:$0x2];
	[bflag:$0x3] =	sbarrier.arrive $0xFFFF;
	s2 =	simm.s32 @!p0 $0x1C01  }
0x48: {  	[timem:s3], [sflag:s2] =	dma.local @!p0 [hbm:s0], s1  }
0x49: {  	s0 =	simm.s32 @!p0 $0x1  }
0x4a: {  	_ =	swait.ge @!p0 [sflag:s0], s1  }
0x4b: {  	s1 =	ssub.s32 @!p0 $0x0, s1;
	[sflag:s0] =	ssyncset.done @!p0 $0x0  }
0x4c: {  	[sflag:s0] =	ssyncadd.s32 @!p0 s1  }
0x4d: {  	[bflag:$0x3] =	sbarrier.arrive $0xFFFF  }
0x4e: {  	_ =	shalt  }

// kernel: kernel.14.cloned.1.call-start
scs
__scs_entry_jumppad:
0x0: {  	(pc) =	sbr.rel $0x88, $3  }
0x1: {  	(tag) =	ssettag $0x0;
	lr =	simm.s32 $0x1  }
0x2: {  	[smem:$0x3F8E] =	sst lr;
	_ =	strace $0xD0000000  }
0x3: {  	_ = 	snop  }
0x4: {  	_ = 	snop  }
0x5: {  	_ = 	snop  }
0x6: {  	_ = 	snop  }
0x7: {  	_ = 	snop  }
__scs_overlays_trampoline_lowered:
0x8: {  	[smem:$0x3F9D] =	sst s0  }
0x9: {  	[smem:$0x3F9E] =	sst s1  }
0xa: {  	[smem:$0x3F9F] =	sst s2  }
0xb: {  	[smem:$0x3FA0] =	sst s3  }
0xc: {  	[smem:$0x3FA1] =	sst s4  }
0xd: {  	[smem:$0x3FA2] =	sst s5  }
0xe: {  	[smem:$0x3FA3] =	sst s6  }
0xf: {  	[smem:$0x3FA4] =	sst s7  }
0x10: {  	[smem:$0x3FA5] =	sst s8  }
0x11: {  	[smem:$0x3FA6] =	sst s9;
	s0 =	simm.s32 @!p0 $0x0  }
0x12: {  	s1 =	sld [smem:$0x3F8C];
	s0 =	simm.s32 @p0 $0x1  }
0x13: {  	[smem:$0x3FA7] =	sst s0;
	s0 =	simm.s32 @!p1 $0x0  }
0x14: {  	s2 =	sld [smem:$0x3F8B];
	s0 =	simm.s32 @p1 $0x1  }
0x15: {  	[smem:$0x3FA8] =	sst s0;
	s0 =	simm.s32 @!p2 $0x0  }
0x16: {  	s3 =	sld [smem:$0x3FDB];
	s0 =	simm.s32 @p2 $0x1  }
0x17: {  	s4 =	simm.s32 $0x1BF5;
	[smem:$0x3FAA] =	sst s0  }
0x18: {  	s0 =	sld [smem:$0x3F8D];
	_ =	swait.ge [sflag:s4], $0x0  }
0x19: {  	s7 =	sld [smem:$0x3F8E]  }
0x1a: {  	s8 =	sadd.s32 $0xFFFFE003, lr  }
0x1b: {  	s9 =	sadd.s32 $0xFFFFFEF7, lr;
	s5 =	simm.s32 $0xFFFFFFFF;
	p2 =	slt.u32 s8, $0xFFFFF086  }
0x1c: {  	p1 =	slt.u32 s9, $0xF7A;
	s5 =	simm.s32 @!p2 $0x0  }
0x1d: {  	s5 =	simm.s32 @p1 $0x1;
	p0 =	seq.s32 s7, s2  }
0x1e: {  	s7 =	smul.u32 @!p0 $0xF7A, s2;
	p2 =	seq.s32 @!p0 s5, $0x0  }
0x1f: {  	s9 =	smul.u32 $0xF7A, s1;
	s8 =	simm.s32 @!p0 $0x1BF5;
	p2 =	por !p2, p0  }
0x20: {  	[sflag:s8] =	ssyncset.s32 @!p0 $0xFFFFF086;
	s6 =	sadd.s32 @!p0 s3, s7;
	s7 =	simm.s32 @!p0 $0x108  }
0x21: {  	s3 =	sadd.s32 s3, s9;
	s6 =	sadd.s32 @!p0 $0x88, s6;
	s7 =	simm.s32 @p2 $0x1082  }
0x22: {  	[simem:s7], [sflag:s8] =	dma.local @!p0 [hbm:s6], $0xF7A  }
0x23: {  	s9 =	sor.u32 $0xD0000000, s2;
	s6 =	simm.s32 $0x108;
	_ =	swait.ge @!p0 [sflag:s8], $0x0  }
0x24: {  	s3 =	sadd.s32 $0x88, s3;
	s6 =	simm.s32 @!p1 $0x1082;
	[sflag:s4] =	ssyncset.s32 $0xFFFFF086  }
0x25: {  	[simem:s6], [sflag:s4] =	dma.local [hbm:s3], $0xF7A  }
0x26: {  	[smem:$0x3F8E] =	sst s1;
	(tag) =	ssettag s2;
	_ =	strace s9  }
0x27: {  	s1 =	sld [smem:$0x3F9E]  }
0x28: {  	s2 =	sld [smem:$0x3F9F]  }
0x29: {  	s4 =	sld [smem:$0x3FA1]  }
0x2a: {  	p0 =	seq.s32 s5, $0x0;
	s5 =	sld [smem:$0x3FA2]  }
0x2b: {  	s6 =	sld [smem:$0x3FA3]  }
0x2c: {  	s7 =	sld [smem:$0x3FA4]  }
0x2d: {  	s3 =	simm.s32 $0x108;
	s8 =	sld [smem:$0x3FA5]  }
0x2e: {  	s3 =	simm.s32 @!p0 $0x1082;
	s9 =	sld [smem:$0x3FA6]  }
0x2f: {  	lr =	sadd.s32 s0, s3;
	s0 =	sld [smem:$0x3F9D]  }
0x30: {  	s3 =	sld [smem:$0x3FA0]  }
0x31: {  	[smem:$0x3FA9] =	sst s10  }
0x32: {  	s10 =	sld [smem:$0x3FA7];
	_ =	sdelay $0x3  }
0x33: {  	p0 =	seq.s32 s10, $0x1;
	s10 =	sld [smem:$0x3FA9];
	_ =	sdelay $0x3  }
0x34: {  	[smem:$0x3FA9] =	sst s10  }
0x35: {  	s10 =	sld [smem:$0x3FA8];
	_ =	sdelay $0x3  }
0x36: {  	p1 =	seq.s32 s10, $0x1;
	s10 =	sld [smem:$0x3FA9];
	_ =	sdelay $0x3  }
0x37: {  	[smem:$0x3FA9] =	sst s10  }
0x38: {  	s10 =	sld [smem:$0x3FAA]  }
0x39: {  	_ = 	snop;
	(pc) =	sbr.ind lr, $3  }
0x3a: {  	_ = 	snop  }
0x3b: {  	_ = 	snop  }
0x3c: {  	p2 =	seq.s32 s10, $0x1;
	s10 =	sld [smem:$0x3FA9]  }
0x3d: {  	_ =	shalt  }
0x3e: {  	_ =	shalt  }
0x3f: {  	_ =	shalt  }
0x40: {  	_ =	shalt  }
0x41: {  	_ =	shalt  }
0x42: {  	_ =	shalt  }
0x43: {  	_ =	shalt  }
0x44: {  	_ =	shalt  }
0x45: {  	_ =	shalt  }
0x46: {  	_ =	shalt  }
0x47: {  	_ =	shalt  }
0x48: {  	_ =	shalt  }
0x49: {  	_ =	shalt  }
0x4a: {  	_ =	shalt  }
0x4b: {  	_ =	shalt  }
0x4c: {  	_ =	shalt  }
0x4d: {  	_ =	shalt  }
0x4e: {  	_ =	shalt  }
0x4f: {  	_ =	shalt  }
0x50: {  	_ =	shalt  }
0x51: {  	_ =	shalt  }
0x52: {  	_ =	shalt  }
0x53: {  	_ =	shalt  }
0x54: {  	_ =	shalt  }
0x55: {  	_ =	shalt  }
0x56: {  	_ =	shalt  }
0x57: {  	_ =	shalt  }
0x58: {  	_ =	shalt  }
0x59: {  	_ =	shalt  }
0x5a: {  	_ =	shalt  }
0x5b: {  	_ =	shalt  }
0x5c: {  	_ =	shalt  }
0x5d: {  	_ =	shalt  }
0x5e: {  	_ =	shalt  }
0x5f: {  	_ =	shalt  }
0x60: {  	_ =	shalt  }
0x61: {  	_ =	shalt  }
0x62: {  	_ =	shalt  }
0x63: {  	_ =	shalt  }
0x64: {  	_ =	shalt  }
0x65: {  	_ =	shalt  }
0x66: {  	_ =	shalt  }
0x67: {  	_ =	shalt  }
0x68: {  	_ =	shalt  }
0x69: {  	_ =	shalt  }
0x6a: {  	_ =	shalt  }
0x6b: {  	_ =	shalt  }
0x6c: {  	_ =	shalt  }
0x6d: {  	_ =	shalt  }
0x6e: {  	_ =	shalt  }
0x6f: {  	_ =	shalt  }
0x70: {  	_ =	shalt  }
0x71: {  	_ =	shalt  }
0x72: {  	_ =	shalt  }
0x73: {  	_ =	shalt  }
0x74: {  	_ =	shalt  }
0x75: {  	_ =	shalt  }
0x76: {  	_ =	shalt  }
0x77: {  	_ =	shalt  }
0x78: {  	_ =	shalt  }
0x79: {  	_ =	shalt  }
0x7a: {  	_ =	shalt  }
0x7b: {  	_ =	shalt  }
0x7c: {  	_ =	shalt  }
0x7d: {  	_ =	shalt  }
0x7e: {  	_ =	shalt  }
0x7f: {  	_ =	shalt  }
0x80: {  	_ =	shalt  }
0x81: {  	_ =	shalt  }
0x82: {  	_ =	shalt  }
0x83: {  	_ =	shalt  }
0x84: {  	_ =	shalt  }
0x85: {  	_ =	shalt  }
0x86: {  	_ =	shalt  }
0x87: {  	_ =	shalt  }
.Lfunc_end0:
.L_simem_size_0:
called_computation.2_lowered:
.L_overlay_start_0:
0x88: {  	s2 =	sld [smem:$0x3FD9]  }
0x89: {  	s3 =	sld [smem:$0x3FFE];
	_ =	sdelay $0x1  }
0x8a: {  	s1 =	srdreg.scid  }
0x8b: {  	s0 =	sand.u32 $0x1, s1  }
0x8c: {  	s16 =	sshll.u32 s0, $0xA;
	s2 =	sadd.s32 s3, s2  }
0x8d: {  	s2 =	sadd.s32 s2, s16  }
0x8e: {  	[smem:$0x3FB5] =	sst s2  }
0x8f: {  	_ = 	snop  }
0x90: {  	(tm) =	ssettm $0x1  }
0x91: {  	s17 =	sld [smem:$0x3FFB];
	_ =	sdelay $0x3  }
0x92: {  	_ =	strace s17  }
0x93: {  	s2 =	sld [smem:$0x3FFC];
	_ =	sdelay $0x3  }
0x94: {  	_ =	strace s2  }
0x95: {  	s2 =	sld [smem:$0x3FFD];
	_ =	sdelay $0x3  }
0x96: {  	_ =	strace s2  }
0x97: {  	_ =	strace $0x8FFFFFFF  }
0x98: {  	s18 =	sld [smem:$0x3FDB];
	_ =	sdelay $0x1  }
0x99: {  	s19 =	simm.s32 $_scs_section_size  }
0x9a: {  	s4 =	simm.s32 $_size__tile_overlayer_lowered;
	s5 =	simm.s32 $_tile_overlayer_lowered  }
0x9b: {  	s22 =	simm.s32 $0x1BFF;
	s21 =	sshll.u32 s5, $0x1;
	s2 =	sadd.s32 s19, s18  }
0x9c: {  	s6 =	simm.s32 $0x0;
	s20 =	sshll.u32 s4, $0x1;
	s4 =	sadd.s32 s21, s2  }
0x9d: {  	[timem:s6], [sflag:s22] =	dma.local [hbm:s4], s20  }
0x9e: {  	_ =	swait.ge [sflag:s22], s20  }
0x9f: {  	s3 =	ssub.s32 $0x0, s20;
	[sflag:s22] =	ssyncset.done $0x0  }
0xa0: {  	[sflag:s22] =	ssyncadd.s32 s3;
	_ =	sdelay $0x1  }
0xa1: {  	s23 =	simm.s32 $0x1B8B  }
0xa2: {  	_ =	swait.ge [sflag:s23], $0x1  }
0xa3: {  	[sflag:s23] =	ssyncset.done $0x0  }
0xa4: {  	s25 =	simm.s32 $0x1B8E;
	s24 =	sld [smem:$0x3FFE];
	[sflag:s23] =	ssyncadd.s32 $0xFFFFFFFF  }
0xa5: {  	s26 =	simm.s32 $execute0_lowered;
	[smem:$0x3FD2] =	sst s25  }
0xa6: {  	s4 =	sshll.u32 s26, $0x1;
	_ =	strace $0x8000004C;
	[dreg:$0x1] =	wrdreg $0xFFFFFFFF  }
0xa7: {  	s28 =	simm.s32 $_size_execute0_lowered;
	s2 =	sadd.s32 s2, s4;
	[dreg:$0x0] =	wrdreg $0x0  }
0xa8: {  	s4 =	sshll.u32 s28, $0x1;
	[dreg:$0x2] =	wrdreg s2  }
0xa9: {  	[dreg:$0x3] =	wrdreg s4  }
0xaa: {  	[dreg:$0x4] =	wrdreg $0xC0  }
0xab: {  	_ =	task [dreg:s6], $0x5FFFF  }
0xac: {  	[dreg:$0x1] =	wrdreg $0xFFFFFFFF  }
0xad: {  	[dreg:$0x0] =	wrdreg $0x60  }
0xae: {  	[dreg:$0x2] =	wrdreg s24  }
0xaf: {  	[dreg:$0x3] =	wrdreg $0x78000  }
0xb0: {  	[dreg:$0x4] =	wrdreg $0x9  }
0xb1: {  	_ =	task.clear_ibuf [dreg:s6], $0x5FFFF;
	_ =	strace $0x9000004C  }
0xb2: {  	s29 =	simm.s32 $0x9;
	_ =	strace $0x8000004E  }
0xb3: {  	_ =	swait.ge [sflag:s29], $0x1  }
0xb4: {  	[sflag:s29] =	ssyncadd.s32 $0xFFFFFFFF  }
0xb5: {  	_ =	strace $0x9000004E  }
0xb6: {  	_ =	sfence  }
0xb7: {  	s30 =	sld [smem:$0x0];
	_ =	sdelay $0x2  }
0xb8: {  	s31 =	sshll.u32 s1, $0xD;
	s1 =	sshrl.u32 s1, $0x2  }
0xb9: {  	s3 =	sand.u32 $0x4000, s31;
	s1 =	sadd.s32 s1, s30  }
0xba: {  	s0 =	sor.u32 s3, s0;
	s1 =	sshll.u32 s1, $0x11  }
0xbb: {  	s0 =	sor.u32 s1, s0  }
0xbc: {  	s0 =	sadd.s32 $0x8F2B, s0  }
0xbd: {  	[sflag:s0] =	ssyncadd.remote.s32 $0x1  }
0xbe: {  	_ =	sfence.sel $0xFFFF  }
0xbf: {  	[dreg:$0x0] =	wrdreg $0xFFFFFFFF;
	(pc) =	sbr.abs _section_cstart, $3  }
0xc0: {  	[dreg:$0x1] =	wrdreg $0xFFFFFFFF  }
0xc1: {  	_ =	task.clear_ibuf [dreg:s6], $0x2FFFF;
	_ =	strace $0x9FFFFFFF  }
0xc2: {  	(tm) =	ssettm $0x7FFFFFFF  }
0xc3: {  	_ =	shalt  }
tec
execute0_lowered:
.L_overlay_start_1:
0x0: {  	(tag) =	ssettag $0x1  }
0x1: {  	s5 =	rddreg [dreg:$0x0]  }
0x2: {  	s1 =	rddreg [dreg:$0x1];
	s2 =	simm.s32 $0x0  }
0x3: {  	s6 =	srdreg.scid;
	s23 =	simm.s32 $0x3800;
	[smem:$0x7FF] =	sst s2  }
0x4: {  	s3 =	stileid.u32;
	s15 =	sadd.s32 $0xBDFE00, s5;
	s4 =	sadd.s32 $0xCA5E00, s5  }
0x5: {  	s16 =	sadd.s32 $0x1E600, s5;
	s6 =	sand.u32 $0x1, s6;
	s9 =	smul.u32 $0x210, s3  }
0x6: {  	s17 =	sadd.s32 $0x9600, s5;
	s18 =	sadd.s32 $0x10BE00, s5;
	s10 =	smul.u32 $0x42000, s3  }
0x7: {  	s30 =	sshll.u32 s3, $0x6;
	s7 =	ssub.s32 $0x2, s6;
	s8 =	smul.u32 $0x6300, s6  }
0x8: {  	_ =	strace $0x8000004D;
	s26 =	smul.u32 $0x30, s6;
	s24 =	sshrl.u32 s7, $0x1  }
0x9: {  	s29 =	smul.u32 $0x3, s6;
	s28 =	sshrl.u32 s10, $0x2;
	s19 =	ssub.s32 s7, s24  }
0xa: {  	s25 =	sadd.s32 s9, s8;
	s5 =	sadd.s32 s28, s1;
	s7 =	sor.u32 s3, s26  }
0xb: {  	s12 =	sadd.s32 $0x1, s29;
	s10 =	sshll.u32 s29, $0x4;
	s24 =	simm.s32 $0x1  }
0xc: {  	s14 =	sshll.u32 s25, $0x4;
	s11 =	smul.u32 $0x380, s7;
	s7 =	sor.u32 $0x1C02, s30  }
0xd: {  	s13 =	smul.u32 $0x2100, s12;
	s12 =	sshll.u32 s12, $0x4;
	s10 =	sor.u32 s3, s10  }
0xe: {  	s19 =	smax.u32 s19, $0x1;
	s25 =	simm.s32 $0x0;
	s6 =	sadd.s32 s15, s14  }
0xf: {  	s12 =	sor.u32 s3, s12;
	s22 =	smul.u32 $0x380, s10;
	s10 =	sadd.s32 s18, s14  }
0x10: {  	s31 =	sadd.s32 $0x42000, s14;
	s13 =	sadd.s32 s9, s13;
	s20 =	smul.u32 $0x380, s12  }
0x11: {  	s8 =	sadd.s32 s16, s11;
	s9 =	sadd.s32 s17, s11;
	s21 =	sshll.u32 s13, $0x4  }
0x12: {  	s22 =	sadd.s32 $0x7000, s22;
	s11 =	sadd.s32 s15, s21;
	s12 =	sadd.s32 s16, s20  }
0x13: {  	s13 =	sadd.s32 s17, s20;
	s14 =	sadd.s32 s18, s21;
	s15 =	sadd.s32 s15, s31  }
0x14: {  	s16 =	sadd.s32 s16, s22;
	s17 =	sadd.s32 s17, s22;
	s18 =	sadd.s32 s18, s31  }
0x15: {  	s20 =	simm.s32 $0x2;
	s21 =	simm.s32 $0x1C00;
	s22 =	simm.s32 $0x80  }
.LBB2_1:
0x16: {  	s26 =	sshrl.u32 s5, $0x3  }
0x17: {  	[spmem:s26], [sflag:s7] =	dma.local [hbm:s6], $0x2100  }
0x18: {  	_ =	swait.ge [sflag:s20], $0x2100  }
0x19: {  	[sflag:s20] =	ssyncset.done $0x0  }
0x1a: {  	[sflag:s20] =	ssyncadd.s32 $0xFFFFDF00  }
0x1b: {  	[tilespmem:s2], [sflag:$0x2] =	stream.linear.gather [hbm4b:s8+s2], $0x1A80, $0x38;
	[tilespmem:$0x18080] =	vst v63  }
0x1c: {  	_ =	swait.ge [sflag:s20], $0x1A80  }
0x1d: {  	[sflag:s20] =	ssyncset.done $0x0  }
0x1e: {  	[sflag:s20] =	ssyncadd.s32 $0xFFFFE580  }
0x1f: {  	[tilespmem:s21], [sflag:$0x2] =	stream.linear.gather [hbm4b:s9+s2], $0x1A80, $0x38;
	[tilespmem:$0x18080] =	vst v63  }
0x20: {  	_ =	swait.ge [sflag:s20], $0x1A80  }
0x21: {  	[sflag:s20] =	ssyncset.done $0x0  }
0x22: {  	[sflag:s20] =	ssyncadd.s32 $0xFFFFE580  }
0x23: {  	s28 =	simm.s32 $0x1C00;
	[bflag:$0x0] =	sbarrier.arrive $0xFFFF  }
0x24: {  	[tilespmem:s23], [sflag:$0x1] =	stream.indirect.gather [hbm4b:s4+s22], $0x80, s28, s22, $0xb8;
	[tilespmem:$0x18080] =	vst v63  }
0x25: {  	_ =	swait.ge [sflag:s24], $0x4000  }
0x26: {  	[sflag:s24] =	ssyncset.done $0x0  }
0x27: {  	s28 =	simm.s32 $0x0;
	[sflag:s24] =	ssyncadd.s32 $0xFFFFC000  }
0x28: {  	[spmem:s1] =	stream.indirect.scatter.add.f32 [tilespmem:s23], [sflag:$0x2], $0x80, s28, s22, $0xb8;
	[tilespmem:$0x18080] =	vst v63  }
0x29: {  	_ =	swait.ge [sflag:s20], $0x4000  }
0x2a: {  	s29 =	simm.s32 $0x400;
	s28 =	simm.s32 $0x80;
	[sflag:s20] =	ssyncset.done $0x0  }
.LBB2_2:
0x2b: {  	s30 =	sadd.s32 $0x1C00, s28  }
0x2c: {  	[sflag:s20] =	ssyncadd.s32 $0xFFFFC000;
	s31 =	smov.u32 s29;
	s0 =	sadd.s32 $0x200, s29  }
0x2d: {  	[tilespmem:s23], [sflag:$0x1] =	stream.indirect.gather [hbm4b:s4+s22], $0x80, s30, s22, $0xb8;
	[tilespmem:$0x18080] =	vst v63  }
0x2e: {  	p0 =	sne.s32 s29, $0x6800;
	_ =	swait.ge [sflag:s24], $0x4000  }
.Ltmp0:
0x2f: {  	[sflag:s24] =	ssyncset.done $0x0;
	(pc) =	sbr.rel @p0 .LBB2_2-.Ltmp0, $4  }
0x30: {  	[sflag:s24] =	ssyncadd.s32 $0xFFFFC000  }
0x31: {  	[spmem:s1] =	stream.indirect.scatter.add.f32 [tilespmem:s23], [sflag:$0x2], $0x80, s28, s22, $0xb8;
	[tilespmem:$0x18080] =	vst v63  }
0x32: {  	_ =	swait.ge [sflag:s20], $0x4000  }
0x33: {  	s29 =	smov.u32 s0;
	s28 =	sshra.s32 s31, $0x2;
	[sflag:s20] =	ssyncset.done $0x0  }
0x34: {  	s0 =	sadd.s32 $0x1C00, s28;
	[sflag:s20] =	ssyncadd.s32 $0xFFFFC000  }
0x35: {  	[tilespmem:s23], [sflag:$0x1] =	stream.indirect.gather [hbm4b:s4+s22], $0x80, s0, s22, $0xb8;
	[tilespmem:$0x18080] =	vst v63  }
0x36: {  	_ =	swait.ge [sflag:s24], $0x4000  }
0x37: {  	[sflag:s24] =	ssyncset.done $0x0  }
0x38: {  	[sflag:s24] =	ssyncadd.s32 $0xFFFFC000  }
0x39: {  	[spmem:s1] =	stream.indirect.scatter.add.f32 [tilespmem:s23], [sflag:$0x2], $0x80, s28, s22, $0xb8;
	[tilespmem:$0x18080] =	vst v63  }
0x3a: {  	_ =	swait.ge [sflag:s20], $0x4000  }
0x3b: {  	[sflag:s20] =	ssyncset.done $0x0  }
0x3c: {  	[sflag:s20] =	ssyncadd.s32 $0xFFFFC000  }
0x3d: {  	[bflag:$0x0] =	sbarrier.arrive $0xFFFF  }
0x3e: {  	[hbm:s10], [sflag:s7] =	dma.local [spmem:s26], $0x2100  }
0x3f: {  	_ =	swait.ge [sflag:s20], $0x2100  }
0x40: {  	[sflag:s20] =	ssyncset.done $0x0  }
0x41: {  	[sflag:s20] =	ssyncadd.s32 $0xFFFFDF00  }
0x42: {  	[bflag:$0x0] =	sbarrier.arrive $0xFFFF  }
0x43: {  	[spmem:s26], [sflag:s7] =	dma.local [hbm:s11], $0x2100  }
0x44: {  	_ =	swait.ge [sflag:s20], $0x2100  }
0x45: {  	[sflag:s20] =	ssyncset.done $0x0  }
0x46: {  	s31 =	simm.s32 $0x0;
	[sflag:s20] =	ssyncadd.s32 $0xFFFFDF00  }
0x47: {  	[tilespmem:s31], [sflag:$0x2] =	stream.linear.gather [hbm4b:s12+s31], $0x1A80, $0x38;
	[tilespmem:$0x18080] =	vst v63  }
0x48: {  	_ =	swait.ge [sflag:s20], $0x1A80  }
0x49: {  	[sflag:s20] =	ssyncset.done $0x0  }
0x4a: {  	[sflag:s20] =	ssyncadd.s32 $0xFFFFE580  }
0x4b: {  	[tilespmem:s21], [sflag:$0x2] =	stream.linear.gather [hbm4b:s13+s31], $0x1A80, $0x38;
	[tilespmem:$0x18080] =	vst v63  }
0x4c: {  	_ =	swait.ge [sflag:s20], $0x1A80  }
0x4d: {  	[sflag:s20] =	ssyncset.done $0x0  }
0x4e: {  	[sflag:s20] =	ssyncadd.s32 $0xFFFFE580  }
0x4f: {  	s30 =	simm.s32 $0x1C00;
	[bflag:$0x0] =	sbarrier.arrive $0xFFFF  }
0x50: {  	[tilespmem:s23], [sflag:$0x1] =	stream.indirect.gather [hbm4b:s4+s22], $0x80, s30, s22, $0xb8;
	[tilespmem:$0x18080] =	vst v63  }
0x51: {  	_ =	swait.ge [sflag:s24], $0x4000  }
0x52: {  	[sflag:s24] =	ssyncset.done $0x0  }
0x53: {  	s31 =	simm.s32 $0x0;
	[sflag:s24] =	ssyncadd.s32 $0xFFFFC000  }
0x54: {  	[spmem:s1] =	stream.indirect.scatter.add.f32 [tilespmem:s23], [sflag:$0x2], $0x80, s31, s22, $0xb8;
	[tilespmem:$0x18080] =	vst v63  }
0x55: {  	_ =	swait.ge [sflag:s20], $0x4000  }
0x56: {  	s29 =	simm.s32 $0x400;
	s28 =	simm.s32 $0x80;
	[sflag:s20] =	ssyncset.done $0x0  }
.LBB2_4:
0x57: {  	s0 =	sadd.s32 $0x1C00, s28  }
0x58: {  	[sflag:s20] =	ssyncadd.s32 $0xFFFFC000;
	s30 =	smov.u32 s29;
	s31 =	sadd.s32 $0x200, s29  }
0x59: {  	[tilespmem:s23], [sflag:$0x1] =	stream.indirect.gather [hbm4b:s4+s22], $0x80, s0, s22, $0xb8;
	[tilespmem:$0x18080] =	vst v63  }
0x5a: {  	p0 =	sne.s32 s29, $0x6800;
	_ =	swait.ge [sflag:s24], $0x4000  }
.Ltmp1:
0x5b: {  	[sflag:s24] =	ssyncset.done $0x0;
	(pc) =	sbr.rel @p0 .LBB2_4-.Ltmp1, $4  }
0x5c: {  	[sflag:s24] =	ssyncadd.s32 $0xFFFFC000  }
0x5d: {  	[spmem:s1] =	stream.indirect.scatter.add.f32 [tilespmem:s23], [sflag:$0x2], $0x80, s28, s22, $0xb8;
	[tilespmem:$0x18080] =	vst v63  }
0x5e: {  	_ =	swait.ge [sflag:s20], $0x4000  }
0x5f: {  	s29 =	smov.u32 s31;
	s28 =	sshra.s32 s30, $0x2;
	[sflag:s20] =	ssyncset.done $0x0  }
0x60: {  	s0 =	sadd.s32 $0x1C00, s28;
	[sflag:s20] =	ssyncadd.s32 $0xFFFFC000  }
0x61: {  	[tilespmem:s23], [sflag:$0x1] =	stream.indirect.gather [hbm4b:s4+s22], $0x80, s0, s22, $0xb8;
	[tilespmem:$0x18080] =	vst v63  }
0x62: {  	_ =	swait.ge [sflag:s24], $0x4000  }
0x63: {  	[sflag:s24] =	ssyncset.done $0x0  }
0x64: {  	[sflag:s24] =	ssyncadd.s32 $0xFFFFC000  }
0x65: {  	[spmem:s1] =	stream.indirect.scatter.add.f32 [tilespmem:s23], [sflag:$0x2], $0x80, s28, s22, $0xb8;
	[tilespmem:$0x18080] =	vst v63  }
0x66: {  	_ =	swait.ge [sflag:s20], $0x4000  }
0x67: {  	[sflag:s20] =	ssyncset.done $0x0  }
0x68: {  	[sflag:s20] =	ssyncadd.s32 $0xFFFFC000  }
0x69: {  	[bflag:$0x0] =	sbarrier.arrive $0xFFFF  }
0x6a: {  	[hbm:s14], [sflag:s7] =	dma.local [spmem:s26], $0x2100  }
0x6b: {  	_ =	swait.ge [sflag:s20], $0x2100  }
0x6c: {  	[sflag:s20] =	ssyncset.done $0x0  }
0x6d: {  	[sflag:s20] =	ssyncadd.s32 $0xFFFFDF00  }
0x6e: {  	[bflag:$0x0] =	sbarrier.arrive $0xFFFF  }
0x6f: {  	[spmem:s26], [sflag:s7] =	dma.local [hbm:s15], $0x2100  }
0x70: {  	_ =	swait.ge [sflag:s20], $0x2100  }
0x71: {  	[sflag:s20] =	ssyncset.done $0x0  }
0x72: {  	s31 =	simm.s32 $0x0;
	[sflag:s20] =	ssyncadd.s32 $0xFFFFDF00  }
0x73: {  	[tilespmem:s31], [sflag:$0x2] =	stream.linear.gather [hbm4b:s16+s31], $0x1A80, $0x38;
	[tilespmem:$0x18080] =	vst v63  }
0x74: {  	_ =	swait.ge [sflag:s20], $0x1A80  }
0x75: {  	[sflag:s20] =	ssyncset.done $0x0  }
0x76: {  	[sflag:s20] =	ssyncadd.s32 $0xFFFFE580  }
0x77: {  	[tilespmem:s21], [sflag:$0x2] =	stream.linear.gather [hbm4b:s17+s31], $0x1A80, $0x38;
	[tilespmem:$0x18080] =	vst v63  }
0x78: {  	_ =	swait.ge [sflag:s20], $0x1A80  }
0x79: {  	[sflag:s20] =	ssyncset.done $0x0  }
0x7a: {  	[sflag:s20] =	ssyncadd.s32 $0xFFFFE580  }
0x7b: {  	s30 =	simm.s32 $0x1C00;
	[bflag:$0x0] =	sbarrier.arrive $0xFFFF  }
0x7c: {  	[tilespmem:s23], [sflag:$0x1] =	stream.indirect.gather [hbm4b:s4+s22], $0x80, s30, s22, $0xb8;
	[tilespmem:$0x18080] =	vst v63  }
0x7d: {  	_ =	swait.ge [sflag:s24], $0x4000  }
0x7e: {  	[sflag:s24] =	ssyncset.done $0x0  }
0x7f: {  	s31 =	simm.s32 $0x0;
	[sflag:s24] =	ssyncadd.s32 $0xFFFFC000  }
0x80: {  	[spmem:s1] =	stream.indirect.scatter.add.f32 [tilespmem:s23], [sflag:$0x2], $0x80, s31, s22, $0xb8;
	[tilespmem:$0x18080] =	vst v63  }
0x81: {  	_ =	swait.ge [sflag:s20], $0x4000  }
0x82: {  	s29 =	simm.s32 $0x400;
	s28 =	simm.s32 $0x80;
	[sflag:s20] =	ssyncset.done $0x0  }
.LBB2_6:
0x83: {  	s0 =	sadd.s32 $0x1C00, s28  }
0x84: {  	[sflag:s20] =	ssyncadd.s32 $0xFFFFC000;
	s30 =	smov.u32 s29;
	s31 =	sadd.s32 $0x200, s29  }
0x85: {  	[tilespmem:s23], [sflag:$0x1] =	stream.indirect.gather [hbm4b:s4+s22], $0x80, s0, s22, $0xb8;
	[tilespmem:$0x18080] =	vst v63  }
0x86: {  	p0 =	sne.s32 s29, $0x6800;
	_ =	swait.ge [sflag:s24], $0x4000  }
.Ltmp2:
0x87: {  	[sflag:s24] =	ssyncset.done $0x0;
	(pc) =	sbr.rel @p0 .LBB2_6-.Ltmp2, $4  }
0x88: {  	[sflag:s24] =	ssyncadd.s32 $0xFFFFC000  }
0x89: {  	[spmem:s1] =	stream.indirect.scatter.add.f32 [tilespmem:s23], [sflag:$0x2], $0x80, s28, s22, $0xb8;
	[tilespmem:$0x18080] =	vst v63  }
0x8a: {  	_ =	swait.ge [sflag:s20], $0x4000  }
0x8b: {  	s29 =	smov.u32 s31;
	s28 =	sshra.s32 s30, $0x2;
	[sflag:s20] =	ssyncset.done $0x0  }
0x8c: {  	s0 =	sadd.s32 $0x1C00, s28;
	[sflag:s20] =	ssyncadd.s32 $0xFFFFC000  }
0x8d: {  	[tilespmem:s23], [sflag:$0x1] =	stream.indirect.gather [hbm4b:s4+s22], $0x80, s0, s22, $0xb8;
	[tilespmem:$0x18080] =	vst v63  }
0x8e: {  	_ =	swait.ge [sflag:s24], $0x4000  }
0x8f: {  	[sflag:s24] =	ssyncset.done $0x0  }
0x90: {  	[sflag:s24] =	ssyncadd.s32 $0xFFFFC000  }
0x91: {  	[spmem:s1] =	stream.indirect.scatter.add.f32 [tilespmem:s23], [sflag:$0x2], $0x80, s28, s22, $0xb8;
	[tilespmem:$0x18080] =	vst v63  }
0x92: {  	_ =	swait.ge [sflag:s20], $0x4000  }
0x93: {  	[sflag:s20] =	ssyncset.done $0x0  }
0x94: {  	s25 =	sadd.s32 $0x1, s25;
	[sflag:s20] =	ssyncadd.s32 $0xFFFFC000  }
0x95: {  	p0 =	sne.s32 s25, s19;
	[bflag:$0x0] =	sbarrier.arrive $0xFFFF  }
0x96: {  	[hbm:s18], [sflag:s7] =	dma.local [spmem:s26], $0x2100  }
.Ltmp3:
0x97: {  	_ =	swait.ge [sflag:s20], $0x2100;
	(pc) =	sbr.rel @p0 .LBB2_1-.Ltmp3, $3  }
0x98: {  	[sflag:s20] =	ssyncset.done $0x0  }
0x99: {  	[sflag:s20] =	ssyncadd.s32 $0xFFFFDF00  }
0x9a: {  	[bflag:$0x0] =	sbarrier.arrive $0xFFFF;
	_ =	sdelay $0x1  }
0x9b: {  	_ =	sfence.sel $0x180000  }
0x9c: {  	[bflag:$0x0] =	sbarrier.arrive $0xFFFF  }
0x9d: {  	_ =	strace $0x9000004D  }
0x9e: {  	[bflag:$0x2] =	sbarrier.arrive $0xFFFF  }
0x9f: {  	p0 =	sne.s32 s3, $0x0;
	s0 =	rddreg [dreg:$0x2]  }
0xa0: {  	s0 =	sadd.s32 @!p0 $0x100000, s0  }
0xa1: {  	[sflag:s0] =	ssyncadd.tile.s32 @!p0 $0x1;
	_ =	shalt  }
.Lfunc_end2:
_tile_overlayer_lowered:
.L_overlay_start_2:
0xa2: {  	(tag) =	ssettag $0x2  }
0xa3: {  	s0 =	rddreg [dreg:$0x0];
	s2 =	stileid.u32  }
0xa4: {  	s1 =	rddreg [dreg:$0x1];
	p0 =	sne.s32 s2, $0x0  }
0xa5: {  	s3 =	rddreg [dreg:$0x2];
	[bflag:$0x3] =	sbarrier.arrive $0xFFFF;
	s2 =	simm.s32 @!p0 $0x1C02  }
0xa6: {  	[timem:s3], [sflag:s2] =	dma.local @!p0 [hbm:s0], s1  }
0xa7: {  	s0 =	simm.s32 @!p0 $0x2  }
0xa8: {  	_ =	swait.ge @!p0 [sflag:s0], s1  }
0xa9: {  	s1 =	ssub.s32 @!p0 $0x0, s1;
	[sflag:s0] =	ssyncset.done @!p0 $0x0  }
0xaa: {  	[sflag:s0] =	ssyncadd.s32 @!p0 s1  }
0xab: {  	[bflag:$0x3] =	sbarrier.arrive $0xFFFF  }
0xac: {  	_ =	shalt  }

// kernel: kernel.17.cloned.1.call-start
scs
__scs_entry_jumppad:
0x0: {  	(pc) =	sbr.rel $0x88, $3  }
0x1: {  	(tag) =	ssettag $0x0;
	lr =	simm.s32 $0x1  }
0x2: {  	[smem:$0x3F8E] =	sst lr;
	_ =	strace $0xD0000000  }
0x3: {  	_ = 	snop  }
0x4: {  	_ = 	snop  }
0x5: {  	_ = 	snop  }
0x6: {  	_ = 	snop  }
0x7: {  	_ = 	snop  }
__scs_overlays_trampoline_lowered:
0x8: {  	[smem:$0x3F9D] =	sst s0  }
0x9: {  	[smem:$0x3F9E] =	sst s1  }
0xa: {  	[smem:$0x3F9F] =	sst s2  }
0xb: {  	[smem:$0x3FA0] =	sst s3  }
0xc: {  	[smem:$0x3FA1] =	sst s4  }
0xd: {  	[smem:$0x3FA2] =	sst s5  }
0xe: {  	[smem:$0x3FA3] =	sst s6  }
0xf: {  	[smem:$0x3FA4] =	sst s7  }
0x10: {  	[smem:$0x3FA5] =	sst s8  }
0x11: {  	[smem:$0x3FA6] =	sst s9;
	s0 =	simm.s32 @!p0 $0x0  }
0x12: {  	s1 =	sld [smem:$0x3F8C];
	s0 =	simm.s32 @p0 $0x1  }
0x13: {  	[smem:$0x3FA7] =	sst s0;
	s0 =	simm.s32 @!p1 $0x0  }
0x14: {  	s2 =	sld [smem:$0x3F8B];
	s0 =	simm.s32 @p1 $0x1  }
0x15: {  	[smem:$0x3FA8] =	sst s0;
	s0 =	simm.s32 @!p2 $0x0  }
0x16: {  	s3 =	sld [smem:$0x3FDB];
	s0 =	simm.s32 @p2 $0x1  }
0x17: {  	s4 =	simm.s32 $0x1BF5;
	[smem:$0x3FAA] =	sst s0  }
0x18: {  	s0 =	sld [smem:$0x3F8D];
	_ =	swait.ge [sflag:s4], $0x0  }
0x19: {  	s7 =	sld [smem:$0x3F8E]  }
0x1a: {  	s8 =	sadd.s32 $0xFFFFE003, lr  }
0x1b: {  	s9 =	sadd.s32 $0xFFFFFEF7, lr;
	s5 =	simm.s32 $0xFFFFFFFF;
	p2 =	slt.u32 s8, $0xFFFFF086  }
0x1c: {  	p1 =	slt.u32 s9, $0xF7A;
	s5 =	simm.s32 @!p2 $0x0  }
0x1d: {  	s5 =	simm.s32 @p1 $0x1;
	p0 =	seq.s32 s7, s2  }
0x1e: {  	s7 =	smul.u32 @!p0 $0xF7A, s2;
	p2 =	seq.s32 @!p0 s5, $0x0  }
0x1f: {  	s9 =	smul.u32 $0xF7A, s1;
	s8 =	simm.s32 @!p0 $0x1BF5;
	p2 =	por !p2, p0  }
0x20: {  	[sflag:s8] =	ssyncset.s32 @!p0 $0xFFFFF086;
	s6 =	sadd.s32 @!p0 s3, s7;
	s7 =	simm.s32 @!p0 $0x108  }
0x21: {  	s3 =	sadd.s32 s3, s9;
	s6 =	sadd.s32 @!p0 $0x88, s6;
	s7 =	simm.s32 @p2 $0x1082  }
0x22: {  	[simem:s7], [sflag:s8] =	dma.local @!p0 [hbm:s6], $0xF7A  }
0x23: {  	s9 =	sor.u32 $0xD0000000, s2;
	s6 =	simm.s32 $0x108;
	_ =	swait.ge @!p0 [sflag:s8], $0x0  }
0x24: {  	s3 =	sadd.s32 $0x88, s3;
	s6 =	simm.s32 @!p1 $0x1082;
	[sflag:s4] =	ssyncset.s32 $0xFFFFF086  }
0x25: {  	[simem:s6], [sflag:s4] =	dma.local [hbm:s3], $0xF7A  }
0x26: {  	[smem:$0x3F8E] =	sst s1;
	(tag) =	ssettag s2;
	_ =	strace s9  }
0x27: {  	s1 =	sld [smem:$0x3F9E]  }
0x28: {  	s2 =	sld [smem:$0x3F9F]  }
0x29: {  	s4 =	sld [smem:$0x3FA1]  }
0x2a: {  	p0 =	seq.s32 s5, $0x0;
	s5 =	sld [smem:$0x3FA2]  }
0x2b: {  	s6 =	sld [smem:$0x3FA3]  }
0x2c: {  	s7 =	sld [smem:$0x3FA4]  }
0x2d: {  	s3 =	simm.s32 $0x108;
	s8 =	sld [smem:$0x3FA5]  }
0x2e: {  	s3 =	simm.s32 @!p0 $0x1082;
	s9 =	sld [smem:$0x3FA6]  }
0x2f: {  	lr =	sadd.s32 s0, s3;
	s0 =	sld [smem:$0x3F9D]  }
0x30: {  	s3 =	sld [smem:$0x3FA0]  }
0x31: {  	[smem:$0x3FA9] =	sst s10  }
0x32: {  	s10 =	sld [smem:$0x3FA7];
	_ =	sdelay $0x3  }
0x33: {  	p0 =	seq.s32 s10, $0x1;
	s10 =	sld [smem:$0x3FA9];
	_ =	sdelay $0x3  }
0x34: {  	[smem:$0x3FA9] =	sst s10  }
0x35: {  	s10 =	sld [smem:$0x3FA8];
	_ =	sdelay $0x3  }
0x36: {  	p1 =	seq.s32 s10, $0x1;
	s10 =	sld [smem:$0x3FA9];
	_ =	sdelay $0x3  }
0x37: {  	[smem:$0x3FA9] =	sst s10  }
0x38: {  	s10 =	sld [smem:$0x3FAA]  }
0x39: {  	_ = 	snop;
	(pc) =	sbr.ind lr, $3  }
0x3a: {  	_ = 	snop  }
0x3b: {  	_ = 	snop  }
0x3c: {  	p2 =	seq.s32 s10, $0x1;
	s10 =	sld [smem:$0x3FA9]  }
0x3d: {  	_ =	shalt  }
0x3e: {  	_ =	shalt  }
0x3f: {  	_ =	shalt  }
0x40: {  	_ =	shalt  }
0x41: {  	_ =	shalt  }
0x42: {  	_ =	shalt  }
0x43: {  	_ =	shalt  }
0x44: {  	_ =	shalt  }
0x45: {  	_ =	shalt  }
0x46: {  	_ =	shalt  }
0x47: {  	_ =	shalt  }
0x48: {  	_ =	shalt  }
0x49: {  	_ =	shalt  }
0x4a: {  	_ =	shalt  }
0x4b: {  	_ =	shalt  }
0x4c: {  	_ =	shalt  }
0x4d: {  	_ =	shalt  }
0x4e: {  	_ =	shalt  }
0x4f: {  	_ =	shalt  }
0x50: {  	_ =	shalt  }
0x51: {  	_ =	shalt  }
0x52: {  	_ =	shalt  }
0x53: {  	_ =	shalt  }
0x54: {  	_ =	shalt  }
0x55: {  	_ =	shalt  }
0x56: {  	_ =	shalt  }
0x57: {  	_ =	shalt  }
0x58: {  	_ =	shalt  }
0x59: {  	_ =	shalt  }
0x5a: {  	_ =	shalt  }
0x5b: {  	_ =	shalt  }
0x5c: {  	_ =	shalt  }
0x5d: {  	_ =	shalt  }
0x5e: {  	_ =	shalt  }
0x5f: {  	_ =	shalt  }
0x60: {  	_ =	shalt  }
0x61: {  	_ =	shalt  }
0x62: {  	_ =	shalt  }
0x63: {  	_ =	shalt  }
0x64: {  	_ =	shalt  }
0x65: {  	_ =	shalt  }
0x66: {  	_ =	shalt  }
0x67: {  	_ =	shalt  }
0x68: {  	_ =	shalt  }
0x69: {  	_ =	shalt  }
0x6a: {  	_ =	shalt  }
0x6b: {  	_ =	shalt  }
0x6c: {  	_ =	shalt  }
0x6d: {  	_ =	shalt  }
0x6e: {  	_ =	shalt  }
0x6f: {  	_ =	shalt  }
0x70: {  	_ =	shalt  }
0x71: {  	_ =	shalt  }
0x72: {  	_ =	shalt  }
0x73: {  	_ =	shalt  }
0x74: {  	_ =	shalt  }
0x75: {  	_ =	shalt  }
0x76: {  	_ =	shalt  }
0x77: {  	_ =	shalt  }
0x78: {  	_ =	shalt  }
0x79: {  	_ =	shalt  }
0x7a: {  	_ =	shalt  }
0x7b: {  	_ =	shalt  }
0x7c: {  	_ =	shalt  }
0x7d: {  	_ =	shalt  }
0x7e: {  	_ =	shalt  }
0x7f: {  	_ =	shalt  }
0x80: {  	_ =	shalt  }
0x81: {  	_ =	shalt  }
0x82: {  	_ =	shalt  }
0x83: {  	_ =	shalt  }
0x84: {  	_ =	shalt  }
0x85: {  	_ =	shalt  }
0x86: {  	_ =	shalt  }
0x87: {  	_ =	shalt  }
.Lfunc_end0:
.L_simem_size_0:
called_computation.3_lowered:
.L_overlay_start_0:
0x88: {  	s2 =	sld [smem:$0x3FD9]  }
0x89: {  	s3 =	sld [smem:$0x3FFE];
	_ =	sdelay $0x1  }
0x8a: {  	s1 =	srdreg.scid  }
0x8b: {  	s0 =	sand.u32 $0x1, s1  }
0x8c: {  	s16 =	sshll.u32 s0, $0xA;
	s2 =	sadd.s32 s3, s2  }
0x8d: {  	s2 =	sadd.s32 s2, s16  }
0x8e: {  	[smem:$0x3FB5] =	sst s2  }
0x8f: {  	_ = 	snop  }
0x90: {  	(tm) =	ssettm $0x1  }
0x91: {  	s17 =	sld [smem:$0x3FFB];
	_ =	sdelay $0x3  }
0x92: {  	_ =	strace s17  }
0x93: {  	s2 =	sld [smem:$0x3FFC];
	_ =	sdelay $0x3  }
0x94: {  	_ =	strace s2  }
0x95: {  	s2 =	sld [smem:$0x3FFD];
	_ =	sdelay $0x3  }
0x96: {  	_ =	strace s2  }
0x97: {  	_ =	strace $0x8FFFFFFF  }
0x98: {  	s18 =	sld [smem:$0x3FDB];
	_ =	sdelay $0x1  }
0x99: {  	s19 =	simm.s32 $_scs_section_size  }
0x9a: {  	s4 =	simm.s32 $_size__tile_overlayer_lowered;
	s5 =	simm.s32 $_tile_overlayer_lowered  }
0x9b: {  	s22 =	simm.s32 $0x1BFF;
	s21 =	sshll.u32 s5, $0x1;
	s2 =	sadd.s32 s19, s18  }
0x9c: {  	s6 =	simm.s32 $0x0;
	s20 =	sshll.u32 s4, $0x1;
	s4 =	sadd.s32 s21, s2  }
0x9d: {  	[timem:s6], [sflag:s22] =	dma.local [hbm:s4], s20  }
0x9e: {  	_ =	swait.ge [sflag:s22], s20  }
0x9f: {  	s3 =	ssub.s32 $0x0, s20;
	[sflag:s22] =	ssyncset.done $0x0  }
0xa0: {  	[sflag:s22] =	ssyncadd.s32 s3;
	_ =	sdelay $0x1  }
0xa1: {  	s23 =	simm.s32 $0x1B8B  }
0xa2: {  	_ =	swait.ge [sflag:s23], $0x1  }
0xa3: {  	[sflag:s23] =	ssyncset.done $0x0  }
0xa4: {  	s25 =	simm.s32 $0x1B8E;
	s24 =	sld [smem:$0x3FFE];
	[sflag:s23] =	ssyncadd.s32 $0xFFFFFFFF  }
0xa5: {  	s26 =	simm.s32 $execute0_lowered;
	[smem:$0x3FD2] =	sst s25  }
0xa6: {  	s4 =	sshll.u32 s26, $0x1;
	_ =	strace $0x8000004F;
	[dreg:$0x1] =	wrdreg $0xFFFFFFFF  }
0xa7: {  	s28 =	simm.s32 $_size_execute0_lowered;
	s2 =	sadd.s32 s2, s4;
	[dreg:$0x0] =	wrdreg $0x0  }
0xa8: {  	s4 =	sshll.u32 s28, $0x1;
	[dreg:$0x2] =	wrdreg s2  }
0xa9: {  	[dreg:$0x3] =	wrdreg s4  }
0xaa: {  	[dreg:$0x4] =	wrdreg $0xC0  }
0xab: {  	_ =	task [dreg:s6], $0x5FFFF  }
0xac: {  	[dreg:$0x1] =	wrdreg $0xFFFFFFFF  }
0xad: {  	[dreg:$0x0] =	wrdreg $0x60  }
0xae: {  	[dreg:$0x2] =	wrdreg s24  }
0xaf: {  	[dreg:$0x3] =	wrdreg $0x78000  }
0xb0: {  	[dreg:$0x4] =	wrdreg $0x9  }
0xb1: {  	_ =	task.clear_ibuf [dreg:s6], $0x5FFFF;
	_ =	strace $0x9000004F  }
0xb2: {  	s29 =	simm.s32 $0x9;
	_ =	strace $0x80000051  }
0xb3: {  	_ =	swait.ge [sflag:s29], $0x1  }
0xb4: {  	[sflag:s29] =	ssyncadd.s32 $0xFFFFFFFF  }
0xb5: {  	_ =	strace $0x90000051  }
0xb6: {  	_ =	sfence  }
0xb7: {  	s30 =	sld [smem:$0x0];
	_ =	sdelay $0x2  }
0xb8: {  	s31 =	sshll.u32 s1, $0xD;
	s1 =	sshrl.u32 s1, $0x2  }
0xb9: {  	s3 =	sand.u32 $0x4000, s31;
	s1 =	sadd.s32 s1, s30  }
0xba: {  	s0 =	sor.u32 s3, s0;
	s1 =	sshll.u32 s1, $0x11  }
0xbb: {  	s0 =	sor.u32 s1, s0  }
0xbc: {  	s0 =	sadd.s32 $0x8F2B, s0  }
0xbd: {  	[sflag:s0] =	ssyncadd.remote.s32 $0x1  }
0xbe: {  	_ =	sfence.sel $0xFFFF  }
0xbf: {  	[dreg:$0x0] =	wrdreg $0xFFFFFFFF;
	(pc) =	sbr.abs _section_cstart, $3  }
0xc0: {  	[dreg:$0x1] =	wrdreg $0xFFFFFFFF  }
0xc1: {  	_ =	task.clear_ibuf [dreg:s6], $0x2FFFF;
	_ =	strace $0x9FFFFFFF  }
0xc2: {  	(tm) =	ssettm $0x7FFFFFFF  }
0xc3: {  	_ =	shalt  }
tec
execute0_lowered:
.L_overlay_start_1:
0x0: {  	(tag) =	ssettag $0x1  }
0x1: {  	s5 =	rddreg [dreg:$0x0]  }
0x2: {  	s1 =	rddreg [dreg:$0x1];
	s2 =	simm.s32 $0x0  }
0x3: {  	s6 =	srdreg.scid;
	s3 =	stileid.u32;
	s23 =	simm.s32 $0x3800  }
0x4: {  	[smem:$0x7FF] =	sst s2;
	s15 =	sadd.s32 $0x45E00, s5;
	s4 =	sadd.s32 $0xD6BE00, s5  }
0x5: {  	s16 =	sadd.s32 $0x1E600, s5;
	s6 =	sand.u32 $0x1, s6;
	s9 =	smul.u32 $0x210, s3  }
0x6: {  	s17 =	sadd.s32 $0x9600, s5;
	s18 =	sadd.s32 $0x10BE00, s5;
	s10 =	smul.u32 $0x42000, s3  }
0x7: {  	s30 =	sshll.u32 s3, $0x6;
	s7 =	ssub.s32 $0x2, s6;
	s8 =	smul.u32 $0x6300, s6  }
0x8: {  	_ =	strace $0x80000050;
	s26 =	smul.u32 $0x30, s6;
	s24 =	sshrl.u32 s7, $0x1  }
0x9: {  	s29 =	smul.u32 $0x3, s6;
	s28 =	sshrl.u32 s10, $0x2;
	s19 =	ssub.s32 s7, s24  }
0xa: {  	s25 =	sadd.s32 s9, s8;
	s5 =	sadd.s32 s28, s1;
	s7 =	sor.u32 s3, s26  }
0xb: {  	s12 =	sadd.s32 $0x1, s29;
	s10 =	sshll.u32 s29, $0x4;
	s24 =	simm.s32 $0x1  }
0xc: {  	s14 =	sshll.u32 s25, $0x4;
	s11 =	smul.u32 $0x380, s7;
	s7 =	sor.u32 $0x1C02, s30  }
0xd: {  	s13 =	smul.u32 $0x2100, s12;
	s12 =	sshll.u32 s12, $0x4;
	s10 =	sor.u32 s3, s10  }
0xe: {  	s19 =	smax.u32 s19, $0x1;
	s25 =	simm.s32 $0x0;
	s6 =	sadd.s32 s15, s14  }
0xf: {  	s12 =	sor.u32 s3, s12;
	s22 =	smul.u32 $0x380, s10;
	s10 =	sadd.s32 s18, s14  }
0x10: {  	s31 =	sadd.s32 $0x42000, s14;
	s13 =	sadd.s32 s9, s13;
	s20 =	smul.u32 $0x380, s12  }
0x11: {  	s8 =	sadd.s32 s16, s11;
	s9 =	sadd.s32 s17, s11;
	s21 =	sshll.u32 s13, $0x4  }
0x12: {  	s22 =	sadd.s32 $0x7000, s22;
	s11 =	sadd.s32 s15, s21;
	s12 =	sadd.s32 s16, s20  }
0x13: {  	s13 =	sadd.s32 s17, s20;
	s14 =	sadd.s32 s18, s21;
	s15 =	sadd.s32 s15, s31  }
0x14: {  	s16 =	sadd.s32 s16, s22;
	s17 =	sadd.s32 s17, s22;
	s18 =	sadd.s32 s18, s31  }
0x15: {  	s20 =	simm.s32 $0x2;
	s21 =	simm.s32 $0x1C00;
	s22 =	simm.s32 $0x80  }
.LBB2_1:
0x16: {  	s26 =	sshrl.u32 s5, $0x3  }
0x17: {  	[spmem:s26], [sflag:s7] =	dma.local [hbm:s6], $0x2100  }
0x18: {  	_ =	swait.ge [sflag:s20], $0x2100  }
0x19: {  	[sflag:s20] =	ssyncset.done $0x0  }
0x1a: {  	[sflag:s20] =	ssyncadd.s32 $0xFFFFDF00  }
0x1b: {  	[tilespmem:s2], [sflag:$0x2] =	stream.linear.gather [hbm4b:s8+s2], $0x1A80, $0x38;
	[tilespmem:$0x18080] =	vst v63  }
0x1c: {  	_ =	swait.ge [sflag:s20], $0x1A80  }
0x1d: {  	[sflag:s20] =	ssyncset.done $0x0  }
0x1e: {  	[sflag:s20] =	ssyncadd.s32 $0xFFFFE580  }
0x1f: {  	[tilespmem:s21], [sflag:$0x2] =	stream.linear.gather [hbm4b:s9+s2], $0x1A80, $0x38;
	[tilespmem:$0x18080] =	vst v63  }
0x20: {  	_ =	swait.ge [sflag:s20], $0x1A80  }
0x21: {  	[sflag:s20] =	ssyncset.done $0x0  }
0x22: {  	[sflag:s20] =	ssyncadd.s32 $0xFFFFE580  }
0x23: {  	s28 =	simm.s32 $0x1C00;
	[bflag:$0x0] =	sbarrier.arrive $0xFFFF  }
0x24: {  	[tilespmem:s23], [sflag:$0x1] =	stream.indirect.gather [hbm4b:s4+s22], $0x80, s28, s22, $0xb8;
	[tilespmem:$0x18080] =	vst v63  }
0x25: {  	_ =	swait.ge [sflag:s24], $0x4000  }
0x26: {  	[sflag:s24] =	ssyncset.done $0x0  }
0x27: {  	s28 =	simm.s32 $0x0;
	[sflag:s24] =	ssyncadd.s32 $0xFFFFC000  }
0x28: {  	[spmem:s1] =	stream.indirect.scatter.add.f32 [tilespmem:s23], [sflag:$0x2], $0x80, s28, s22, $0xb8;
	[tilespmem:$0x18080] =	vst v63  }
0x29: {  	_ =	swait.ge [sflag:s20], $0x4000  }
0x2a: {  	s29 =	simm.s32 $0x400;
	s28 =	simm.s32 $0x80;
	[sflag:s20] =	ssyncset.done $0x0  }
.LBB2_2:
0x2b: {  	s30 =	sadd.s32 $0x1C00, s28  }
0x2c: {  	[sflag:s20] =	ssyncadd.s32 $0xFFFFC000;
	s31 =	smov.u32 s29;
	s0 =	sadd.s32 $0x200, s29  }
0x2d: {  	[tilespmem:s23], [sflag:$0x1] =	stream.indirect.gather [hbm4b:s4+s22], $0x80, s30, s22, $0xb8;
	[tilespmem:$0x18080] =	vst v63  }
0x2e: {  	p0 =	sne.s32 s29, $0x6800;
	_ =	swait.ge [sflag:s24], $0x4000  }
.Ltmp0:
0x2f: {  	[sflag:s24] =	ssyncset.done $0x0;
	(pc) =	sbr.rel @p0 .LBB2_2-.Ltmp0, $4  }
0x30: {  	[sflag:s24] =	ssyncadd.s32 $0xFFFFC000  }
0x31: {  	[spmem:s1] =	stream.indirect.scatter.add.f32 [tilespmem:s23], [sflag:$0x2], $0x80, s28, s22, $0xb8;
	[tilespmem:$0x18080] =	vst v63  }
0x32: {  	_ =	swait.ge [sflag:s20], $0x4000  }
0x33: {  	s29 =	smov.u32 s0;
	s28 =	sshra.s32 s31, $0x2;
	[sflag:s20] =	ssyncset.done $0x0  }
0x34: {  	s0 =	sadd.s32 $0x1C00, s28;
	[sflag:s20] =	ssyncadd.s32 $0xFFFFC000  }
0x35: {  	[tilespmem:s23], [sflag:$0x1] =	stream.indirect.gather [hbm4b:s4+s22], $0x80, s0, s22, $0xb8;
	[tilespmem:$0x18080] =	vst v63  }
0x36: {  	_ =	swait.ge [sflag:s24], $0x4000  }
0x37: {  	[sflag:s24] =	ssyncset.done $0x0  }
0x38: {  	[sflag:s24] =	ssyncadd.s32 $0xFFFFC000  }
0x39: {  	[spmem:s1] =	stream.indirect.scatter.add.f32 [tilespmem:s23], [sflag:$0x2], $0x80, s28, s22, $0xb8;
	[tilespmem:$0x18080] =	vst v63  }
0x3a: {  	_ =	swait.ge [sflag:s20], $0x4000  }
0x3b: {  	[sflag:s20] =	ssyncset.done $0x0  }
0x3c: {  	[sflag:s20] =	ssyncadd.s32 $0xFFFFC000  }
0x3d: {  	[bflag:$0x0] =	sbarrier.arrive $0xFFFF  }
0x3e: {  	[hbm:s10], [sflag:s7] =	dma.local [spmem:s26], $0x2100  }
0x3f: {  	_ =	swait.ge [sflag:s20], $0x2100  }
0x40: {  	[sflag:s20] =	ssyncset.done $0x0  }
0x41: {  	[sflag:s20] =	ssyncadd.s32 $0xFFFFDF00  }
0x42: {  	[bflag:$0x0] =	sbarrier.arrive $0xFFFF  }
0x43: {  	[spmem:s26], [sflag:s7] =	dma.local [hbm:s11], $0x2100  }
0x44: {  	_ =	swait.ge [sflag:s20], $0x2100  }
0x45: {  	[sflag:s20] =	ssyncset.done $0x0  }
0x46: {  	s31 =	simm.s32 $0x0;
	[sflag:s20] =	ssyncadd.s32 $0xFFFFDF00  }
0x47: {  	[tilespmem:s31], [sflag:$0x2] =	stream.linear.gather [hbm4b:s12+s31], $0x1A80, $0x38;
	[tilespmem:$0x18080] =	vst v63  }
0x48: {  	_ =	swait.ge [sflag:s20], $0x1A80  }
0x49: {  	[sflag:s20] =	ssyncset.done $0x0  }
0x4a: {  	[sflag:s20] =	ssyncadd.s32 $0xFFFFE580  }
0x4b: {  	[tilespmem:s21], [sflag:$0x2] =	stream.linear.gather [hbm4b:s13+s31], $0x1A80, $0x38;
	[tilespmem:$0x18080] =	vst v63  }
0x4c: {  	_ =	swait.ge [sflag:s20], $0x1A80  }
0x4d: {  	[sflag:s20] =	ssyncset.done $0x0  }
0x4e: {  	[sflag:s20] =	ssyncadd.s32 $0xFFFFE580  }
0x4f: {  	s30 =	simm.s32 $0x1C00;
	[bflag:$0x0] =	sbarrier.arrive $0xFFFF  }
0x50: {  	[tilespmem:s23], [sflag:$0x1] =	stream.indirect.gather [hbm4b:s4+s22], $0x80, s30, s22, $0xb8;
	[tilespmem:$0x18080] =	vst v63  }
0x51: {  	_ =	swait.ge [sflag:s24], $0x4000  }
0x52: {  	[sflag:s24] =	ssyncset.done $0x0  }
0x53: {  	s31 =	simm.s32 $0x0;
	[sflag:s24] =	ssyncadd.s32 $0xFFFFC000  }
0x54: {  	[spmem:s1] =	stream.indirect.scatter.add.f32 [tilespmem:s23], [sflag:$0x2], $0x80, s31, s22, $0xb8;
	[tilespmem:$0x18080] =	vst v63  }
0x55: {  	_ =	swait.ge [sflag:s20], $0x4000  }
0x56: {  	s29 =	simm.s32 $0x400;
	s28 =	simm.s32 $0x80;
	[sflag:s20] =	ssyncset.done $0x0  }
.LBB2_4:
0x57: {  	s0 =	sadd.s32 $0x1C00, s28  }
0x58: {  	[sflag:s20] =	ssyncadd.s32 $0xFFFFC000;
	s30 =	smov.u32 s29;
	s31 =	sadd.s32 $0x200, s29  }
0x59: {  	[tilespmem:s23], [sflag:$0x1] =	stream.indirect.gather [hbm4b:s4+s22], $0x80, s0, s22, $0xb8;
	[tilespmem:$0x18080] =	vst v63  }
0x5a: {  	p0 =	sne.s32 s29, $0x6800;
	_ =	swait.ge [sflag:s24], $0x4000  }
.Ltmp1:
0x5b: {  	[sflag:s24] =	ssyncset.done $0x0;
	(pc) =	sbr.rel @p0 .LBB2_4-.Ltmp1, $4  }
0x5c: {  	[sflag:s24] =	ssyncadd.s32 $0xFFFFC000  }
0x5d: {  	[spmem:s1] =	stream.indirect.scatter.add.f32 [tilespmem:s23], [sflag:$0x2], $0x80, s28, s22, $0xb8;
	[tilespmem:$0x18080] =	vst v63  }
0x5e: {  	_ =	swait.ge [sflag:s20], $0x4000  }
0x5f: {  	s29 =	smov.u32 s31;
	s28 =	sshra.s32 s30, $0x2;
	[sflag:s20] =	ssyncset.done $0x0  }
0x60: {  	s0 =	sadd.s32 $0x1C00, s28;
	[sflag:s20] =	ssyncadd.s32 $0xFFFFC000  }
0x61: {  	[tilespmem:s23], [sflag:$0x1] =	stream.indirect.gather [hbm4b:s4+s22], $0x80, s0, s22, $0xb8;
	[tilespmem:$0x18080] =	vst v63  }
0x62: {  	_ =	swait.ge [sflag:s24], $0x4000  }
0x63: {  	[sflag:s24] =	ssyncset.done $0x0  }
0x64: {  	[sflag:s24] =	ssyncadd.s32 $0xFFFFC000  }
0x65: {  	[spmem:s1] =	stream.indirect.scatter.add.f32 [tilespmem:s23], [sflag:$0x2], $0x80, s28, s22, $0xb8;
	[tilespmem:$0x18080] =	vst v63  }
0x66: {  	_ =	swait.ge [sflag:s20], $0x4000  }
0x67: {  	[sflag:s20] =	ssyncset.done $0x0  }
0x68: {  	[sflag:s20] =	ssyncadd.s32 $0xFFFFC000  }
0x69: {  	[bflag:$0x0] =	sbarrier.arrive $0xFFFF  }
0x6a: {  	[hbm:s14], [sflag:s7] =	dma.local [spmem:s26], $0x2100  }
0x6b: {  	_ =	swait.ge [sflag:s20], $0x2100  }
0x6c: {  	[sflag:s20] =	ssyncset.done $0x0  }
0x6d: {  	[sflag:s20] =	ssyncadd.s32 $0xFFFFDF00  }
0x6e: {  	[bflag:$0x0] =	sbarrier.arrive $0xFFFF  }
0x6f: {  	[spmem:s26], [sflag:s7] =	dma.local [hbm:s15], $0x2100  }
0x70: {  	_ =	swait.ge [sflag:s20], $0x2100  }
0x71: {  	[sflag:s20] =	ssyncset.done $0x0  }
0x72: {  	s31 =	simm.s32 $0x0;
	[sflag:s20] =	ssyncadd.s32 $0xFFFFDF00  }
0x73: {  	[tilespmem:s31], [sflag:$0x2] =	stream.linear.gather [hbm4b:s16+s31], $0x1A80, $0x38;
	[tilespmem:$0x18080] =	vst v63  }
0x74: {  	_ =	swait.ge [sflag:s20], $0x1A80  }
0x75: {  	[sflag:s20] =	ssyncset.done $0x0  }
0x76: {  	[sflag:s20] =	ssyncadd.s32 $0xFFFFE580  }
0x77: {  	[tilespmem:s21], [sflag:$0x2] =	stream.linear.gather [hbm4b:s17+s31], $0x1A80, $0x38;
	[tilespmem:$0x18080] =	vst v63  }
0x78: {  	_ =	swait.ge [sflag:s20], $0x1A80  }
0x79: {  	[sflag:s20] =	ssyncset.done $0x0  }
0x7a: {  	[sflag:s20] =	ssyncadd.s32 $0xFFFFE580  }
0x7b: {  	s30 =	simm.s32 $0x1C00;
	[bflag:$0x0] =	sbarrier.arrive $0xFFFF  }
0x7c: {  	[tilespmem:s23], [sflag:$0x1] =	stream.indirect.gather [hbm4b:s4+s22], $0x80, s30, s22, $0xb8;
	[tilespmem:$0x18080] =	vst v63  }
0x7d: {  	_ =	swait.ge [sflag:s24], $0x4000  }
0x7e: {  	[sflag:s24] =	ssyncset.done $0x0  }
0x7f: {  	s31 =	simm.s32 $0x0;
	[sflag:s24] =	ssyncadd.s32 $0xFFFFC000  }
0x80: {  	[spmem:s1] =	stream.indirect.scatter.add.f32 [tilespmem:s23], [sflag:$0x2], $0x80, s31, s22, $0xb8;
	[tilespmem:$0x18080] =	vst v63  }
0x81: {  	_ =	swait.ge [sflag:s20], $0x4000  }
0x82: {  	s29 =	simm.s32 $0x400;
	s28 =	simm.s32 $0x80;
	[sflag:s20] =	ssyncset.done $0x0  }
.LBB2_6:
0x83: {  	s0 =	sadd.s32 $0x1C00, s28  }
0x84: {  	[sflag:s20] =	ssyncadd.s32 $0xFFFFC000;
	s30 =	smov.u32 s29;
	s31 =	sadd.s32 $0x200, s29  }
0x85: {  	[tilespmem:s23], [sflag:$0x1] =	stream.indirect.gather [hbm4b:s4+s22], $0x80, s0, s22, $0xb8;
	[tilespmem:$0x18080] =	vst v63  }
0x86: {  	p0 =	sne.s32 s29, $0x6800;
	_ =	swait.ge [sflag:s24], $0x4000  }
.Ltmp2:
0x87: {  	[sflag:s24] =	ssyncset.done $0x0;
	(pc) =	sbr.rel @p0 .LBB2_6-.Ltmp2, $4  }
0x88: {  	[sflag:s24] =	ssyncadd.s32 $0xFFFFC000  }
0x89: {  	[spmem:s1] =	stream.indirect.scatter.add.f32 [tilespmem:s23], [sflag:$0x2], $0x80, s28, s22, $0xb8;
	[tilespmem:$0x18080] =	vst v63  }
0x8a: {  	_ =	swait.ge [sflag:s20], $0x4000  }
0x8b: {  	s29 =	smov.u32 s31;
	s28 =	sshra.s32 s30, $0x2;
	[sflag:s20] =	ssyncset.done $0x0  }
0x8c: {  	s0 =	sadd.s32 $0x1C00, s28;
	[sflag:s20] =	ssyncadd.s32 $0xFFFFC000  }
0x8d: {  	[tilespmem:s23], [sflag:$0x1] =	stream.indirect.gather [hbm4b:s4+s22], $0x80, s0, s22, $0xb8;
	[tilespmem:$0x18080] =	vst v63  }
0x8e: {  	_ =	swait.ge [sflag:s24], $0x4000  }
0x8f: {  	[sflag:s24] =	ssyncset.done $0x0  }
0x90: {  	[sflag:s24] =	ssyncadd.s32 $0xFFFFC000  }
0x91: {  	[spmem:s1] =	stream.indirect.scatter.add.f32 [tilespmem:s23], [sflag:$0x2], $0x80, s28, s22, $0xb8;
	[tilespmem:$0x18080] =	vst v63  }
0x92: {  	_ =	swait.ge [sflag:s20], $0x4000  }
0x93: {  	[sflag:s20] =	ssyncset.done $0x0  }
0x94: {  	s25 =	sadd.s32 $0x1, s25;
	[sflag:s20] =	ssyncadd.s32 $0xFFFFC000  }
0x95: {  	p0 =	sne.s32 s25, s19;
	[bflag:$0x0] =	sbarrier.arrive $0xFFFF  }
0x96: {  	[hbm:s18], [sflag:s7] =	dma.local [spmem:s26], $0x2100  }
.Ltmp3:
0x97: {  	_ =	swait.ge [sflag:s20], $0x2100;
	(pc) =	sbr.rel @p0 .LBB2_1-.Ltmp3, $3  }
0x98: {  	[sflag:s20] =	ssyncset.done $0x0  }
0x99: {  	[sflag:s20] =	ssyncadd.s32 $0xFFFFDF00  }
0x9a: {  	[bflag:$0x0] =	sbarrier.arrive $0xFFFF;
	_ =	sdelay $0x1  }
0x9b: {  	_ =	sfence.sel $0x180000  }
0x9c: {  	[bflag:$0x0] =	sbarrier.arrive $0xFFFF  }
0x9d: {  	_ =	strace $0x90000050  }
0x9e: {  	[bflag:$0x2] =	sbarrier.arrive $0xFFFF  }
0x9f: {  	p0 =	sne.s32 s3, $0x0;
	s0 =	rddreg [dreg:$0x2]  }
0xa0: {  	s0 =	sadd.s32 @!p0 $0x100000, s0  }
0xa1: {  	[sflag:s0] =	ssyncadd.tile.s32 @!p0 $0x1;
	_ =	shalt  }
.Lfunc_end2:
_tile_overlayer_lowered:
.L_overlay_start_2:
0xa2: {  	(tag) =	ssettag $0x2  }
0xa3: {  	s0 =	rddreg [dreg:$0x0];
	s2 =	stileid.u32  }
0xa4: {  	s1 =	rddreg [dreg:$0x1];
	p0 =	sne.s32 s2, $0x0  }
0xa5: {  	s3 =	rddreg [dreg:$0x2];
	[bflag:$0x3] =	sbarrier.arrive $0xFFFF;
	s2 =	simm.s32 @!p0 $0x1C02  }
0xa6: {  	[timem:s3], [sflag:s2] =	dma.local @!p0 [hbm:s0], s1  }
0xa7: {  	s0 =	simm.s32 @!p0 $0x2  }
0xa8: {  	_ =	swait.ge @!p0 [sflag:s0], s1  }
0xa9: {  	s1 =	ssub.s32 @!p0 $0x0, s1;
	[sflag:s0] =	ssyncset.done @!p0 $0x0  }
0xaa: {  	[sflag:s0] =	ssyncadd.s32 @!p0 s1  }
0xab: {  	[bflag:$0x3] =	sbarrier.arrive $0xFFFF  }
0xac: {  	_ =	shalt  }

// kernel: kernel.20.cloned.1.call-start
scs
__scs_entry_jumppad:
0x0: {  	(pc) =	sbr.rel $0x88, $3  }
0x1: {  	(tag) =	ssettag $0x0;
	lr =	simm.s32 $0x1  }
0x2: {  	[smem:$0x3F8E] =	sst lr;
	_ =	strace $0xD0000000  }
0x3: {  	_ = 	snop  }
0x4: {  	_ = 	snop  }
0x5: {  	_ = 	snop  }
0x6: {  	_ = 	snop  }
0x7: {  	_ = 	snop  }
__scs_overlays_trampoline_lowered:
0x8: {  	[smem:$0x3F9D] =	sst s0  }
0x9: {  	[smem:$0x3F9E] =	sst s1  }
0xa: {  	[smem:$0x3F9F] =	sst s2  }
0xb: {  	[smem:$0x3FA0] =	sst s3  }
0xc: {  	[smem:$0x3FA1] =	sst s4  }
0xd: {  	[smem:$0x3FA2] =	sst s5  }
0xe: {  	[smem:$0x3FA3] =	sst s6  }
0xf: {  	[smem:$0x3FA4] =	sst s7  }
0x10: {  	[smem:$0x3FA5] =	sst s8  }
0x11: {  	[smem:$0x3FA6] =	sst s9;
	s0 =	simm.s32 @!p0 $0x0  }
0x12: {  	s1 =	sld [smem:$0x3F8C];
	s0 =	simm.s32 @p0 $0x1  }
0x13: {  	[smem:$0x3FA7] =	sst s0;
	s0 =	simm.s32 @!p1 $0x0  }
0x14: {  	s2 =	sld [smem:$0x3F8B];
	s0 =	simm.s32 @p1 $0x1  }
0x15: {  	[smem:$0x3FA8] =	sst s0;
	s0 =	simm.s32 @!p2 $0x0  }
0x16: {  	s3 =	sld [smem:$0x3FDB];
	s0 =	simm.s32 @p2 $0x1  }
0x17: {  	s4 =	simm.s32 $0x1BF5;
	[smem:$0x3FAA] =	sst s0  }
0x18: {  	s0 =	sld [smem:$0x3F8D];
	_ =	swait.ge [sflag:s4], $0x0  }
0x19: {  	s7 =	sld [smem:$0x3F8E]  }
0x1a: {  	s8 =	sadd.s32 $0xFFFFE003, lr  }
0x1b: {  	s9 =	sadd.s32 $0xFFFFFEF7, lr;
	s5 =	simm.s32 $0xFFFFFFFF;
	p2 =	slt.u32 s8, $0xFFFFF086  }
0x1c: {  	p1 =	slt.u32 s9, $0xF7A;
	s5 =	simm.s32 @!p2 $0x0  }
0x1d: {  	s5 =	simm.s32 @p1 $0x1;
	p0 =	seq.s32 s7, s2  }
0x1e: {  	s7 =	smul.u32 @!p0 $0xF7A, s2;
	p2 =	seq.s32 @!p0 s5, $0x0  }
0x1f: {  	s9 =	smul.u32 $0xF7A, s1;
	s8 =	simm.s32 @!p0 $0x1BF5;
	p2 =	por !p2, p0  }
0x20: {  	[sflag:s8] =	ssyncset.s32 @!p0 $0xFFFFF086;
	s6 =	sadd.s32 @!p0 s3, s7;
	s7 =	simm.s32 @!p0 $0x108  }
0x21: {  	s3 =	sadd.s32 s3, s9;
	s6 =	sadd.s32 @!p0 $0x88, s6;
	s7 =	simm.s32 @p2 $0x1082  }
0x22: {  	[simem:s7], [sflag:s8] =	dma.local @!p0 [hbm:s6], $0xF7A  }
0x23: {  	s9 =	sor.u32 $0xD0000000, s2;
	s6 =	simm.s32 $0x108;
	_ =	swait.ge @!p0 [sflag:s8], $0x0  }
0x24: {  	s3 =	sadd.s32 $0x88, s3;
	s6 =	simm.s32 @!p1 $0x1082;
	[sflag:s4] =	ssyncset.s32 $0xFFFFF086  }
0x25: {  	[simem:s6], [sflag:s4] =	dma.local [hbm:s3], $0xF7A  }
0x26: {  	[smem:$0x3F8E] =	sst s1;
	(tag) =	ssettag s2;
	_ =	strace s9  }
0x27: {  	s1 =	sld [smem:$0x3F9E]  }
0x28: {  	s2 =	sld [smem:$0x3F9F]  }
0x29: {  	s4 =	sld [smem:$0x3FA1]  }
0x2a: {  	p0 =	seq.s32 s5, $0x0;
	s5 =	sld [smem:$0x3FA2]  }
0x2b: {  	s6 =	sld [smem:$0x3FA3]  }
0x2c: {  	s7 =	sld [smem:$0x3FA4]  }
0x2d: {  	s3 =	simm.s32 $0x108;
	s8 =	sld [smem:$0x3FA5]  }
0x2e: {  	s3 =	simm.s32 @!p0 $0x1082;
	s9 =	sld [smem:$0x3FA6]  }
0x2f: {  	lr =	sadd.s32 s0, s3;
	s0 =	sld [smem:$0x3F9D]  }
0x30: {  	s3 =	sld [smem:$0x3FA0]  }
0x31: {  	[smem:$0x3FA9] =	sst s10  }
0x32: {  	s10 =	sld [smem:$0x3FA7];
	_ =	sdelay $0x3  }
0x33: {  	p0 =	seq.s32 s10, $0x1;
	s10 =	sld [smem:$0x3FA9];
	_ =	sdelay $0x3  }
0x34: {  	[smem:$0x3FA9] =	sst s10  }
0x35: {  	s10 =	sld [smem:$0x3FA8];
	_ =	sdelay $0x3  }
0x36: {  	p1 =	seq.s32 s10, $0x1;
	s10 =	sld [smem:$0x3FA9];
	_ =	sdelay $0x3  }
0x37: {  	[smem:$0x3FA9] =	sst s10  }
0x38: {  	s10 =	sld [smem:$0x3FAA]  }
0x39: {  	_ = 	snop;
	(pc) =	sbr.ind lr, $3  }
0x3a: {  	_ = 	snop  }
0x3b: {  	_ = 	snop  }
0x3c: {  	p2 =	seq.s32 s10, $0x1;
	s10 =	sld [smem:$0x3FA9]  }
0x3d: {  	_ =	shalt  }
0x3e: {  	_ =	shalt  }
0x3f: {  	_ =	shalt  }
0x40: {  	_ =	shalt  }
0x41: {  	_ =	shalt  }
0x42: {  	_ =	shalt  }
0x43: {  	_ =	shalt  }
0x44: {  	_ =	shalt  }
0x45: {  	_ =	shalt  }
0x46: {  	_ =	shalt  }
0x47: {  	_ =	shalt  }
0x48: {  	_ =	shalt  }
0x49: {  	_ =	shalt  }
0x4a: {  	_ =	shalt  }
0x4b: {  	_ =	shalt  }
0x4c: {  	_ =	shalt  }
0x4d: {  	_ =	shalt  }
0x4e: {  	_ =	shalt  }
0x4f: {  	_ =	shalt  }
0x50: {  	_ =	shalt  }
0x51: {  	_ =	shalt  }
0x52: {  	_ =	shalt  }
0x53: {  	_ =	shalt  }
0x54: {  	_ =	shalt  }
0x55: {  	_ =	shalt  }
0x56: {  	_ =	shalt  }
0x57: {  	_ =	shalt  }
0x58: {  	_ =	shalt  }
0x59: {  	_ =	shalt  }
0x5a: {  	_ =	shalt  }
0x5b: {  	_ =	shalt  }
0x5c: {  	_ =	shalt  }
0x5d: {  	_ =	shalt  }
0x5e: {  	_ =	shalt  }
0x5f: {  	_ =	shalt  }
0x60: {  	_ =	shalt  }
0x61: {  	_ =	shalt  }
0x62: {  	_ =	shalt  }
0x63: {  	_ =	shalt  }
0x64: {  	_ =	shalt  }
0x65: {  	_ =	shalt  }
0x66: {  	_ =	shalt  }
0x67: {  	_ =	shalt  }
0x68: {  	_ =	shalt  }
0x69: {  	_ =	shalt  }
0x6a: {  	_ =	shalt  }
0x6b: {  	_ =	shalt  }
0x6c: {  	_ =	shalt  }
0x6d: {  	_ =	shalt  }
0x6e: {  	_ =	shalt  }
0x6f: {  	_ =	shalt  }
0x70: {  	_ =	shalt  }
0x71: {  	_ =	shalt  }
0x72: {  	_ =	shalt  }
0x73: {  	_ =	shalt  }
0x74: {  	_ =	shalt  }
0x75: {  	_ =	shalt  }
0x76: {  	_ =	shalt  }
0x77: {  	_ =	shalt  }
0x78: {  	_ =	shalt  }
0x79: {  	_ =	shalt  }
0x7a: {  	_ =	shalt  }
0x7b: {  	_ =	shalt  }
0x7c: {  	_ =	shalt  }
0x7d: {  	_ =	shalt  }
0x7e: {  	_ =	shalt  }
0x7f: {  	_ =	shalt  }
0x80: {  	_ =	shalt  }
0x81: {  	_ =	shalt  }
0x82: {  	_ =	shalt  }
0x83: {  	_ =	shalt  }
0x84: {  	_ =	shalt  }
0x85: {  	_ =	shalt  }
0x86: {  	_ =	shalt  }
0x87: {  	_ =	shalt  }
.Lfunc_end0:
.L_simem_size_0:
called_computation.4_lowered:
.L_overlay_start_0:
0x88: {  	s2 =	sld [smem:$0x3FD9]  }
0x89: {  	s3 =	sld [smem:$0x3FFE];
	_ =	sdelay $0x1  }
0x8a: {  	s1 =	srdreg.scid  }
0x8b: {  	s0 =	sand.u32 $0x1, s1  }
0x8c: {  	s16 =	sshll.u32 s0, $0xA;
	s2 =	sadd.s32 s3, s2  }
0x8d: {  	s2 =	sadd.s32 s2, s16  }
0x8e: {  	[smem:$0x3FB5] =	sst s2  }
0x8f: {  	_ = 	snop  }
0x90: {  	(tm) =	ssettm $0x1  }
0x91: {  	s17 =	sld [smem:$0x3FFB];
	_ =	sdelay $0x3  }
0x92: {  	_ =	strace s17  }
0x93: {  	s2 =	sld [smem:$0x3FFC];
	_ =	sdelay $0x3  }
0x94: {  	_ =	strace s2  }
0x95: {  	s2 =	sld [smem:$0x3FFD];
	_ =	sdelay $0x3  }
0x96: {  	_ =	strace s2  }
0x97: {  	_ =	strace $0x8FFFFFFF  }
0x98: {  	s18 =	sld [smem:$0x3FDB];
	_ =	sdelay $0x1  }
0x99: {  	s19 =	simm.s32 $_scs_section_size  }
0x9a: {  	s4 =	simm.s32 $_size__tile_overlayer_lowered;
	s5 =	simm.s32 $_tile_overlayer_lowered  }
0x9b: {  	s22 =	simm.s32 $0x1BFF;
	s21 =	sshll.u32 s5, $0x1;
	s2 =	sadd.s32 s19, s18  }
0x9c: {  	s6 =	simm.s32 $0x0;
	s20 =	sshll.u32 s4, $0x1;
	s4 =	sadd.s32 s21, s2  }
0x9d: {  	[timem:s6], [sflag:s22] =	dma.local [hbm:s4], s20  }
0x9e: {  	_ =	swait.ge [sflag:s22], s20  }
0x9f: {  	s3 =	ssub.s32 $0x0, s20;
	[sflag:s22] =	ssyncset.done $0x0  }
0xa0: {  	[sflag:s22] =	ssyncadd.s32 s3;
	_ =	sdelay $0x1  }
0xa1: {  	s23 =	simm.s32 $0x1B8B  }
0xa2: {  	_ =	swait.ge [sflag:s23], $0x1  }
0xa3: {  	[sflag:s23] =	ssyncset.done $0x0  }
0xa4: {  	s25 =	simm.s32 $0x1B8E;
	s24 =	sld [smem:$0x3FFE];
	[sflag:s23] =	ssyncadd.s32 $0xFFFFFFFF  }
0xa5: {  	s26 =	simm.s32 $execute0_lowered;
	[smem:$0x3FD2] =	sst s25  }
0xa6: {  	s4 =	sshll.u32 s26, $0x1;
	_ =	strace $0x80000052;
	[dreg:$0x1] =	wrdreg $0xFFFFFFFF  }
0xa7: {  	s28 =	simm.s32 $_size_execute0_lowered;
	s2 =	sadd.s32 s2, s4;
	[dreg:$0x0] =	wrdreg $0x0  }
0xa8: {  	s4 =	sshll.u32 s28, $0x1;
	[dreg:$0x2] =	wrdreg s2  }
0xa9: {  	[dreg:$0x3] =	wrdreg s4  }
0xaa: {  	[dreg:$0x4] =	wrdreg $0xC0  }
0xab: {  	_ =	task [dreg:s6], $0x5FFFF  }
0xac: {  	[dreg:$0x1] =	wrdreg $0xFFFFFFFF  }
0xad: {  	[dreg:$0x0] =	wrdreg $0x60  }
0xae: {  	[dreg:$0x2] =	wrdreg s24  }
0xaf: {  	[dreg:$0x3] =	wrdreg $0x78000  }
0xb0: {  	[dreg:$0x4] =	wrdreg $0x9  }
0xb1: {  	_ =	task.clear_ibuf [dreg:s6], $0x5FFFF;
	_ =	strace $0x90000052  }
0xb2: {  	s29 =	simm.s32 $0x9;
	_ =	strace $0x80000054  }
0xb3: {  	_ =	swait.ge [sflag:s29], $0x1  }
0xb4: {  	[sflag:s29] =	ssyncadd.s32 $0xFFFFFFFF  }
0xb5: {  	_ =	strace $0x90000054  }
0xb6: {  	_ =	sfence  }
0xb7: {  	s30 =	sld [smem:$0x0];
	_ =	sdelay $0x2  }
0xb8: {  	s31 =	sshll.u32 s1, $0xD;
	s1 =	sshrl.u32 s1, $0x2  }
0xb9: {  	s3 =	sand.u32 $0x4000, s31;
	s1 =	sadd.s32 s1, s30  }
0xba: {  	s0 =	sor.u32 s3, s0;
	s1 =	sshll.u32 s1, $0x11  }
0xbb: {  	s0 =	sor.u32 s1, s0  }
0xbc: {  	s0 =	sadd.s32 $0x8F2B, s0  }
0xbd: {  	[sflag:s0] =	ssyncadd.remote.s32 $0x1  }
0xbe: {  	_ =	sfence.sel $0xFFFF  }
0xbf: {  	[dreg:$0x0] =	wrdreg $0xFFFFFFFF;
	(pc) =	sbr.abs _section_cstart, $3  }
0xc0: {  	[dreg:$0x1] =	wrdreg $0xFFFFFFFF  }
0xc1: {  	_ =	task.clear_ibuf [dreg:s6], $0x2FFFF;
	_ =	strace $0x9FFFFFFF  }
0xc2: {  	(tm) =	ssettm $0x7FFFFFFF  }
0xc3: {  	_ =	shalt  }
tec
execute0_lowered:
.L_overlay_start_1:
0x0: {  	(tag) =	ssettag $0x1  }
0x1: {  	s5 =	rddreg [dreg:$0x0]  }
0x2: {  	s1 =	rddreg [dreg:$0x1];
	s2 =	simm.s32 $0x0  }
0x3: {  	s6 =	srdreg.scid;
	s23 =	simm.s32 $0x3800;
	[smem:$0x7FF] =	sst s2  }
0x4: {  	s3 =	stileid.u32;
	s15 =	sadd.s32 $0xBDFE00, s5;
	s4 =	sadd.s32 $0xCA5E00, s5  }
0x5: {  	s16 =	sadd.s32 $0x1E600, s5;
	s6 =	sand.u32 $0x1, s6;
	s9 =	smul.u32 $0x210, s3  }
0x6: {  	s17 =	sadd.s32 $0x9600, s5;
	s18 =	sadd.s32 $0x10BE00, s5;
	s10 =	smul.u32 $0x42000, s3  }
0x7: {  	s30 =	sshll.u32 s3, $0x6;
	s7 =	ssub.s32 $0x2, s6;
	s8 =	smul.u32 $0x6300, s6  }
0x8: {  	_ =	strace $0x80000053;
	s26 =	smul.u32 $0x30, s6;
	s24 =	sshrl.u32 s7, $0x1  }
0x9: {  	s29 =	smul.u32 $0x3, s6;
	s28 =	sshrl.u32 s10, $0x2;
	s19 =	ssub.s32 s7, s24  }
0xa: {  	s25 =	sadd.s32 s9, s8;
	s5 =	sadd.s32 s28, s1;
	s7 =	sor.u32 s3, s26  }
0xb: {  	s12 =	sadd.s32 $0x1, s29;
	s10 =	sshll.u32 s29, $0x4;
	s24 =	simm.s32 $0x1  }
0xc: {  	s14 =	sshll.u32 s25, $0x4;
	s11 =	smul.u32 $0x380, s7;
	s7 =	sor.u32 $0x1C02, s30  }
0xd: {  	s13 =	smul.u32 $0x2100, s12;
	s12 =	sshll.u32 s12, $0x4;
	s10 =	sor.u32 s3, s10  }
0xe: {  	s19 =	smax.u32 s19, $0x1;
	s25 =	simm.s32 $0x0;
	s6 =	sadd.s32 s15, s14  }
0xf: {  	s12 =	sor.u32 s3, s12;
	s22 =	smul.u32 $0x380, s10;
	s10 =	sadd.s32 s18, s14  }
0x10: {  	s31 =	sadd.s32 $0x42000, s14;
	s13 =	sadd.s32 s9, s13;
	s20 =	smul.u32 $0x380, s12  }
0x11: {  	s8 =	sadd.s32 s16, s11;
	s9 =	sadd.s32 s17, s11;
	s21 =	sshll.u32 s13, $0x4  }
0x12: {  	s22 =	sadd.s32 $0x7000, s22;
	s11 =	sadd.s32 s15, s21;
	s12 =	sadd.s32 s16, s20  }
0x13: {  	s13 =	sadd.s32 s17, s20;
	s14 =	sadd.s32 s18, s21;
	s15 =	sadd.s32 s15, s31  }
0x14: {  	s16 =	sadd.s32 s16, s22;
	s17 =	sadd.s32 s17, s22;
	s18 =	sadd.s32 s18, s31  }
0x15: {  	s20 =	simm.s32 $0x2;
	s21 =	simm.s32 $0x1C00;
	s22 =	simm.s32 $0x80  }
.LBB2_1:
0x16: {  	s26 =	sshrl.u32 s5, $0x3  }
0x17: {  	[spmem:s26], [sflag:s7] =	dma.local [hbm:s6], $0x2100  }
0x18: {  	_ =	swait.ge [sflag:s20], $0x2100  }
0x19: {  	[sflag:s20] =	ssyncset.done $0x0  }
0x1a: {  	[sflag:s20] =	ssyncadd.s32 $0xFFFFDF00  }
0x1b: {  	[tilespmem:s2], [sflag:$0x2] =	stream.linear.gather [hbm4b:s8+s2], $0x1A80, $0x38;
	[tilespmem:$0x18080] =	vst v63  }
0x1c: {  	_ =	swait.ge [sflag:s20], $0x1A80  }
0x1d: {  	[sflag:s20] =	ssyncset.done $0x0  }
0x1e: {  	[sflag:s20] =	ssyncadd.s32 $0xFFFFE580  }
0x1f: {  	[tilespmem:s21], [sflag:$0x2] =	stream.linear.gather [hbm4b:s9+s2], $0x1A80, $0x38;
	[tilespmem:$0x18080] =	vst v63  }
0x20: {  	_ =	swait.ge [sflag:s20], $0x1A80  }
0x21: {  	[sflag:s20] =	ssyncset.done $0x0  }
0x22: {  	[sflag:s20] =	ssyncadd.s32 $0xFFFFE580  }
0x23: {  	s28 =	simm.s32 $0x1C00;
	[bflag:$0x0] =	sbarrier.arrive $0xFFFF  }
0x24: {  	[tilespmem:s23], [sflag:$0x1] =	stream.indirect.gather [hbm4b:s4+s22], $0x80, s28, s22, $0xb8;
	[tilespmem:$0x18080] =	vst v63  }
0x25: {  	_ =	swait.ge [sflag:s24], $0x4000  }
0x26: {  	[sflag:s24] =	ssyncset.done $0x0  }
0x27: {  	s28 =	simm.s32 $0x0;
	[sflag:s24] =	ssyncadd.s32 $0xFFFFC000  }
0x28: {  	[spmem:s1] =	stream.indirect.scatter.add.f32 [tilespmem:s23], [sflag:$0x2], $0x80, s28, s22, $0xb8;
	[tilespmem:$0x18080] =	vst v63  }
0x29: {  	_ =	swait.ge [sflag:s20], $0x4000  }
0x2a: {  	s29 =	simm.s32 $0x400;
	s28 =	simm.s32 $0x80;
	[sflag:s20] =	ssyncset.done $0x0  }
.LBB2_2:
0x2b: {  	s30 =	sadd.s32 $0x1C00, s28  }
0x2c: {  	[sflag:s20] =	ssyncadd.s32 $0xFFFFC000;
	s31 =	smov.u32 s29;
	s0 =	sadd.s32 $0x200, s29  }
0x2d: {  	[tilespmem:s23], [sflag:$0x1] =	stream.indirect.gather [hbm4b:s4+s22], $0x80, s30, s22, $0xb8;
	[tilespmem:$0x18080] =	vst v63  }
0x2e: {  	p0 =	sne.s32 s29, $0x6800;
	_ =	swait.ge [sflag:s24], $0x4000  }
.Ltmp0:
0x2f: {  	[sflag:s24] =	ssyncset.done $0x0;
	(pc) =	sbr.rel @p0 .LBB2_2-.Ltmp0, $4  }
0x30: {  	[sflag:s24] =	ssyncadd.s32 $0xFFFFC000  }
0x31: {  	[spmem:s1] =	stream.indirect.scatter.add.f32 [tilespmem:s23], [sflag:$0x2], $0x80, s28, s22, $0xb8;
	[tilespmem:$0x18080] =	vst v63  }
0x32: {  	_ =	swait.ge [sflag:s20], $0x4000  }
0x33: {  	s29 =	smov.u32 s0;
	s28 =	sshra.s32 s31, $0x2;
	[sflag:s20] =	ssyncset.done $0x0  }
0x34: {  	s0 =	sadd.s32 $0x1C00, s28;
	[sflag:s20] =	ssyncadd.s32 $0xFFFFC000  }
0x35: {  	[tilespmem:s23], [sflag:$0x1] =	stream.indirect.gather [hbm4b:s4+s22], $0x80, s0, s22, $0xb8;
	[tilespmem:$0x18080] =	vst v63  }
0x36: {  	_ =	swait.ge [sflag:s24], $0x4000  }
0x37: {  	[sflag:s24] =	ssyncset.done $0x0  }
0x38: {  	[sflag:s24] =	ssyncadd.s32 $0xFFFFC000  }
0x39: {  	[spmem:s1] =	stream.indirect.scatter.add.f32 [tilespmem:s23], [sflag:$0x2], $0x80, s28, s22, $0xb8;
	[tilespmem:$0x18080] =	vst v63  }
0x3a: {  	_ =	swait.ge [sflag:s20], $0x4000  }
0x3b: {  	[sflag:s20] =	ssyncset.done $0x0  }
0x3c: {  	[sflag:s20] =	ssyncadd.s32 $0xFFFFC000  }
0x3d: {  	[bflag:$0x0] =	sbarrier.arrive $0xFFFF  }
0x3e: {  	[hbm:s10], [sflag:s7] =	dma.local [spmem:s26], $0x2100  }
0x3f: {  	_ =	swait.ge [sflag:s20], $0x2100  }
0x40: {  	[sflag:s20] =	ssyncset.done $0x0  }
0x41: {  	[sflag:s20] =	ssyncadd.s32 $0xFFFFDF00  }
0x42: {  	[bflag:$0x0] =	sbarrier.arrive $0xFFFF  }
0x43: {  	[spmem:s26], [sflag:s7] =	dma.local [hbm:s11], $0x2100  }
0x44: {  	_ =	swait.ge [sflag:s20], $0x2100  }
0x45: {  	[sflag:s20] =	ssyncset.done $0x0  }
0x46: {  	s31 =	simm.s32 $0x0;
	[sflag:s20] =	ssyncadd.s32 $0xFFFFDF00  }
0x47: {  	[tilespmem:s31], [sflag:$0x2] =	stream.linear.gather [hbm4b:s12+s31], $0x1A80, $0x38;
	[tilespmem:$0x18080] =	vst v63  }
0x48: {  	_ =	swait.ge [sflag:s20], $0x1A80  }
0x49: {  	[sflag:s20] =	ssyncset.done $0x0  }
0x4a: {  	[sflag:s20] =	ssyncadd.s32 $0xFFFFE580  }
0x4b: {  	[tilespmem:s21], [sflag:$0x2] =	stream.linear.gather [hbm4b:s13+s31], $0x1A80, $0x38;
	[tilespmem:$0x18080] =	vst v63  }
0x4c: {  	_ =	swait.ge [sflag:s20], $0x1A80  }
0x4d: {  	[sflag:s20] =	ssyncset.done $0x0  }
0x4e: {  	[sflag:s20] =	ssyncadd.s32 $0xFFFFE580  }
0x4f: {  	s30 =	simm.s32 $0x1C00;
	[bflag:$0x0] =	sbarrier.arrive $0xFFFF  }
0x50: {  	[tilespmem:s23], [sflag:$0x1] =	stream.indirect.gather [hbm4b:s4+s22], $0x80, s30, s22, $0xb8;
	[tilespmem:$0x18080] =	vst v63  }
0x51: {  	_ =	swait.ge [sflag:s24], $0x4000  }
0x52: {  	[sflag:s24] =	ssyncset.done $0x0  }
0x53: {  	s31 =	simm.s32 $0x0;
	[sflag:s24] =	ssyncadd.s32 $0xFFFFC000  }
0x54: {  	[spmem:s1] =	stream.indirect.scatter.add.f32 [tilespmem:s23], [sflag:$0x2], $0x80, s31, s22, $0xb8;
	[tilespmem:$0x18080] =	vst v63  }
0x55: {  	_ =	swait.ge [sflag:s20], $0x4000  }
0x56: {  	s29 =	simm.s32 $0x400;
	s28 =	simm.s32 $0x80;
	[sflag:s20] =	ssyncset.done $0x0  }
.LBB2_4:
0x57: {  	s0 =	sadd.s32 $0x1C00, s28  }
0x58: {  	[sflag:s20] =	ssyncadd.s32 $0xFFFFC000;
	s30 =	smov.u32 s29;
	s31 =	sadd.s32 $0x200, s29  }
0x59: {  	[tilespmem:s23], [sflag:$0x1] =	stream.indirect.gather [hbm4b:s4+s22], $0x80, s0, s22, $0xb8;
	[tilespmem:$0x18080] =	vst v63  }
0x5a: {  	p0 =	sne.s32 s29, $0x6800;
	_ =	swait.ge [sflag:s24], $0x4000  }
.Ltmp1:
0x5b: {  	[sflag:s24] =	ssyncset.done $0x0;
	(pc) =	sbr.rel @p0 .LBB2_4-.Ltmp1, $4  }
0x5c: {  	[sflag:s24] =	ssyncadd.s32 $0xFFFFC000  }
0x5d: {  	[spmem:s1] =	stream.indirect.scatter.add.f32 [tilespmem:s23], [sflag:$0x2], $0x80, s28, s22, $0xb8;
	[tilespmem:$0x18080] =	vst v63  }
0x5e: {  	_ =	swait.ge [sflag:s20], $0x4000  }
0x5f: {  	s29 =	smov.u32 s31;
	s28 =	sshra.s32 s30, $0x2;
	[sflag:s20] =	ssyncset.done $0x0  }
0x60: {  	s0 =	sadd.s32 $0x1C00, s28;
	[sflag:s20] =	ssyncadd.s32 $0xFFFFC000  }
0x61: {  	[tilespmem:s23], [sflag:$0x1] =	stream.indirect.gather [hbm4b:s4+s22], $0x80, s0, s22, $0xb8;
	[tilespmem:$0x18080] =	vst v63  }
0x62: {  	_ =	swait.ge [sflag:s24], $0x4000  }
0x63: {  	[sflag:s24] =	ssyncset.done $0x0  }
0x64: {  	[sflag:s24] =	ssyncadd.s32 $0xFFFFC000  }
0x65: {  	[spmem:s1] =	stream.indirect.scatter.add.f32 [tilespmem:s23], [sflag:$0x2], $0x80, s28, s22, $0xb8;
	[tilespmem:$0x18080] =	vst v63  }
0x66: {  	_ =	swait.ge [sflag:s20], $0x4000  }
0x67: {  	[sflag:s20] =	ssyncset.done $0x0  }
0x68: {  	[sflag:s20] =	ssyncadd.s32 $0xFFFFC000  }
0x69: {  	[bflag:$0x0] =	sbarrier.arrive $0xFFFF  }
0x6a: {  	[hbm:s14], [sflag:s7] =	dma.local [spmem:s26], $0x2100  }
0x6b: {  	_ =	swait.ge [sflag:s20], $0x2100  }
0x6c: {  	[sflag:s20] =	ssyncset.done $0x0  }
0x6d: {  	[sflag:s20] =	ssyncadd.s32 $0xFFFFDF00  }
0x6e: {  	[bflag:$0x0] =	sbarrier.arrive $0xFFFF  }
0x6f: {  	[spmem:s26], [sflag:s7] =	dma.local [hbm:s15], $0x2100  }
0x70: {  	_ =	swait.ge [sflag:s20], $0x2100  }
0x71: {  	[sflag:s20] =	ssyncset.done $0x0  }
0x72: {  	s31 =	simm.s32 $0x0;
	[sflag:s20] =	ssyncadd.s32 $0xFFFFDF00  }
0x73: {  	[tilespmem:s31], [sflag:$0x2] =	stream.linear.gather [hbm4b:s16+s31], $0x1A80, $0x38;
	[tilespmem:$0x18080] =	vst v63  }
0x74: {  	_ =	swait.ge [sflag:s20], $0x1A80  }
0x75: {  	[sflag:s20] =	ssyncset.done $0x0  }
0x76: {  	[sflag:s20] =	ssyncadd.s32 $0xFFFFE580  }
0x77: {  	[tilespmem:s21], [sflag:$0x2] =	stream.linear.gather [hbm4b:s17+s31], $0x1A80, $0x38;
	[tilespmem:$0x18080] =	vst v63  }
0x78: {  	_ =	swait.ge [sflag:s20], $0x1A80  }
0x79: {  	[sflag:s20] =	ssyncset.done $0x0  }
0x7a: {  	[sflag:s20] =	ssyncadd.s32 $0xFFFFE580  }
0x7b: {  	s30 =	simm.s32 $0x1C00;
	[bflag:$0x0] =	sbarrier.arrive $0xFFFF  }
0x7c: {  	[tilespmem:s23], [sflag:$0x1] =	stream.indirect.gather [hbm4b:s4+s22], $0x80, s30, s22, $0xb8;
	[tilespmem:$0x18080] =	vst v63  }
0x7d: {  	_ =	swait.ge [sflag:s24], $0x4000  }
0x7e: {  	[sflag:s24] =	ssyncset.done $0x0  }
0x7f: {  	s31 =	simm.s32 $0x0;
	[sflag:s24] =	ssyncadd.s32 $0xFFFFC000  }
0x80: {  	[spmem:s1] =	stream.indirect.scatter.add.f32 [tilespmem:s23], [sflag:$0x2], $0x80, s31, s22, $0xb8;
	[tilespmem:$0x18080] =	vst v63  }
0x81: {  	_ =	swait.ge [sflag:s20], $0x4000  }
0x82: {  	s29 =	simm.s32 $0x400;
	s28 =	simm.s32 $0x80;
	[sflag:s20] =	ssyncset.done $0x0  }
.LBB2_6:
0x83: {  	s0 =	sadd.s32 $0x1C00, s28  }
0x84: {  	[sflag:s20] =	ssyncadd.s32 $0xFFFFC000;
	s30 =	smov.u32 s29;
	s31 =	sadd.s32 $0x200, s29  }
0x85: {  	[tilespmem:s23], [sflag:$0x1] =	stream.indirect.gather [hbm4b:s4+s22], $0x80, s0, s22, $0xb8;
	[tilespmem:$0x18080] =	vst v63  }
0x86: {  	p0 =	sne.s32 s29, $0x6800;
	_ =	swait.ge [sflag:s24], $0x4000  }
.Ltmp2:
0x87: {  	[sflag:s24] =	ssyncset.done $0x0;
	(pc) =	sbr.rel @p0 .LBB2_6-.Ltmp2, $4  }
0x88: {  	[sflag:s24] =	ssyncadd.s32 $0xFFFFC000  }
0x89: {  	[spmem:s1] =	stream.indirect.scatter.add.f32 [tilespmem:s23], [sflag:$0x2], $0x80, s28, s22, $0xb8;
	[tilespmem:$0x18080] =	vst v63  }
0x8a: {  	_ =	swait.ge [sflag:s20], $0x4000  }
0x8b: {  	s29 =	smov.u32 s31;
	s28 =	sshra.s32 s30, $0x2;
	[sflag:s20] =	ssyncset.done $0x0  }
0x8c: {  	s0 =	sadd.s32 $0x1C00, s28;
	[sflag:s20] =	ssyncadd.s32 $0xFFFFC000  }
0x8d: {  	[tilespmem:s23], [sflag:$0x1] =	stream.indirect.gather [hbm4b:s4+s22], $0x80, s0, s22, $0xb8;
	[tilespmem:$0x18080] =	vst v63  }
0x8e: {  	_ =	swait.ge [sflag:s24], $0x4000  }
0x8f: {  	[sflag:s24] =	ssyncset.done $0x0  }
0x90: {  	[sflag:s24] =	ssyncadd.s32 $0xFFFFC000  }
0x91: {  	[spmem:s1] =	stream.indirect.scatter.add.f32 [tilespmem:s23], [sflag:$0x2], $0x80, s28, s22, $0xb8;
	[tilespmem:$0x18080] =	vst v63  }
0x92: {  	_ =	swait.ge [sflag:s20], $0x4000  }
0x93: {  	[sflag:s20] =	ssyncset.done $0x0  }
0x94: {  	s25 =	sadd.s32 $0x1, s25;
	[sflag:s20] =	ssyncadd.s32 $0xFFFFC000  }
0x95: {  	p0 =	sne.s32 s25, s19;
	[bflag:$0x0] =	sbarrier.arrive $0xFFFF  }
0x96: {  	[hbm:s18], [sflag:s7] =	dma.local [spmem:s26], $0x2100  }
.Ltmp3:
0x97: {  	_ =	swait.ge [sflag:s20], $0x2100;
	(pc) =	sbr.rel @p0 .LBB2_1-.Ltmp3, $3  }
0x98: {  	[sflag:s20] =	ssyncset.done $0x0  }
0x99: {  	[sflag:s20] =	ssyncadd.s32 $0xFFFFDF00  }
0x9a: {  	[bflag:$0x0] =	sbarrier.arrive $0xFFFF;
	_ =	sdelay $0x1  }
0x9b: {  	_ =	sfence.sel $0x180000  }
0x9c: {  	[bflag:$0x0] =	sbarrier.arrive $0xFFFF  }
0x9d: {  	_ =	strace $0x90000053  }
0x9e: {  	[bflag:$0x2] =	sbarrier.arrive $0xFFFF  }
0x9f: {  	p0 =	sne.s32 s3, $0x0;
	s0 =	rddreg [dreg:$0x2]  }
0xa0: {  	s0 =	sadd.s32 @!p0 $0x100000, s0  }
0xa1: {  	[sflag:s0] =	ssyncadd.tile.s32 @!p0 $0x1;
	_ =	shalt  }
.Lfunc_end2:
_tile_overlayer_lowered:
.L_overlay_start_2:
0xa2: {  	(tag) =	ssettag $0x2  }
0xa3: {  	s0 =	rddreg [dreg:$0x0];
	s2 =	stileid.u32  }
0xa4: {  	s1 =	rddreg [dreg:$0x1];
	p0 =	sne.s32 s2, $0x0  }
0xa5: {  	s3 =	rddreg [dreg:$0x2];
	[bflag:$0x3] =	sbarrier.arrive $0xFFFF;
	s2 =	simm.s32 @!p0 $0x1C02  }
0xa6: {  	[timem:s3], [sflag:s2] =	dma.local @!p0 [hbm:s0], s1  }
0xa7: {  	s0 =	simm.s32 @!p0 $0x2  }
0xa8: {  	_ =	swait.ge @!p0 [sflag:s0], s1  }
0xa9: {  	s1 =	ssub.s32 @!p0 $0x0, s1;
	[sflag:s0] =	ssyncset.done @!p0 $0x0  }
0xaa: {  	[sflag:s0] =	ssyncadd.s32 @!p0 s1  }
0xab: {  	[bflag:$0x3] =	sbarrier.arrive $0xFFFF  }
0xac: {  	_ =	shalt  }

// kernel: kernel.23.cloned.1.call-start
scs
__scs_entry_jumppad:
0x0: {  	(pc) =	sbr.rel $0x88, $3  }
0x1: {  	(tag) =	ssettag $0x0;
	lr =	simm.s32 $0x1  }
0x2: {  	[smem:$0x3F8E] =	sst lr;
	_ =	strace $0xD0000000  }
0x3: {  	_ = 	snop  }
0x4: {  	_ = 	snop  }
0x5: {  	_ = 	snop  }
0x6: {  	_ = 	snop  }
0x7: {  	_ = 	snop  }
__scs_overlays_trampoline_lowered:
0x8: {  	[smem:$0x3F9D] =	sst s0  }
0x9: {  	[smem:$0x3F9E] =	sst s1  }
0xa: {  	[smem:$0x3F9F] =	sst s2  }
0xb: {  	[smem:$0x3FA0] =	sst s3  }
0xc: {  	[smem:$0x3FA1] =	sst s4  }
0xd: {  	[smem:$0x3FA2] =	sst s5  }
0xe: {  	[smem:$0x3FA3] =	sst s6  }
0xf: {  	[smem:$0x3FA4] =	sst s7  }
0x10: {  	[smem:$0x3FA5] =	sst s8  }
0x11: {  	[smem:$0x3FA6] =	sst s9;
	s0 =	simm.s32 @!p0 $0x0  }
0x12: {  	s1 =	sld [smem:$0x3F8C];
	s0 =	simm.s32 @p0 $0x1  }
0x13: {  	[smem:$0x3FA7] =	sst s0;
	s0 =	simm.s32 @!p1 $0x0  }
0x14: {  	s2 =	sld [smem:$0x3F8B];
	s0 =	simm.s32 @p1 $0x1  }
0x15: {  	[smem:$0x3FA8] =	sst s0;
	s0 =	simm.s32 @!p2 $0x0  }
0x16: {  	s3 =	sld [smem:$0x3FDB];
	s0 =	simm.s32 @p2 $0x1  }
0x17: {  	s4 =	simm.s32 $0x1BF5;
	[smem:$0x3FAA] =	sst s0  }
0x18: {  	s0 =	sld [smem:$0x3F8D];
	_ =	swait.ge [sflag:s4], $0x0  }
0x19: {  	s7 =	sld [smem:$0x3F8E]  }
0x1a: {  	s8 =	sadd.s32 $0xFFFFE003, lr  }
0x1b: {  	s9 =	sadd.s32 $0xFFFFFEF7, lr;
	s5 =	simm.s32 $0xFFFFFFFF;
	p2 =	slt.u32 s8, $0xFFFFF086  }
0x1c: {  	p1 =	slt.u32 s9, $0xF7A;
	s5 =	simm.s32 @!p2 $0x0  }
0x1d: {  	s5 =	simm.s32 @p1 $0x1;
	p0 =	seq.s32 s7, s2  }
0x1e: {  	s7 =	smul.u32 @!p0 $0xF7A, s2;
	p2 =	seq.s32 @!p0 s5, $0x0  }
0x1f: {  	s9 =	smul.u32 $0xF7A, s1;
	s8 =	simm.s32 @!p0 $0x1BF5;
	p2 =	por !p2, p0  }
0x20: {  	[sflag:s8] =	ssyncset.s32 @!p0 $0xFFFFF086;
	s6 =	sadd.s32 @!p0 s3, s7;
	s7 =	simm.s32 @!p0 $0x108  }
0x21: {  	s3 =	sadd.s32 s3, s9;
	s6 =	sadd.s32 @!p0 $0x88, s6;
	s7 =	simm.s32 @p2 $0x1082  }
0x22: {  	[simem:s7], [sflag:s8] =	dma.local @!p0 [hbm:s6], $0xF7A  }
0x23: {  	s9 =	sor.u32 $0xD0000000, s2;
	s6 =	simm.s32 $0x108;
	_ =	swait.ge @!p0 [sflag:s8], $0x0  }
0x24: {  	s3 =	sadd.s32 $0x88, s3;
	s6 =	simm.s32 @!p1 $0x1082;
	[sflag:s4] =	ssyncset.s32 $0xFFFFF086  }
0x25: {  	[simem:s6], [sflag:s4] =	dma.local [hbm:s3], $0xF7A  }
0x26: {  	[smem:$0x3F8E] =	sst s1;
	(tag) =	ssettag s2;
	_ =	strace s9  }
0x27: {  	s1 =	sld [smem:$0x3F9E]  }
0x28: {  	s2 =	sld [smem:$0x3F9F]  }
0x29: {  	s4 =	sld [smem:$0x3FA1]  }
0x2a: {  	p0 =	seq.s32 s5, $0x0;
	s5 =	sld [smem:$0x3FA2]  }
0x2b: {  	s6 =	sld [smem:$0x3FA3]  }
0x2c: {  	s7 =	sld [smem:$0x3FA4]  }
0x2d: {  	s3 =	simm.s32 $0x108;
	s8 =	sld [smem:$0x3FA5]  }
0x2e: {  	s3 =	simm.s32 @!p0 $0x1082;
	s9 =	sld [smem:$0x3FA6]  }
0x2f: {  	lr =	sadd.s32 s0, s3;
	s0 =	sld [smem:$0x3F9D]  }
0x30: {  	s3 =	sld [smem:$0x3FA0]  }
0x31: {  	[smem:$0x3FA9] =	sst s10  }
0x32: {  	s10 =	sld [smem:$0x3FA7];
	_ =	sdelay $0x3  }
0x33: {  	p0 =	seq.s32 s10, $0x1;
	s10 =	sld [smem:$0x3FA9];
	_ =	sdelay $0x3  }
0x34: {  	[smem:$0x3FA9] =	sst s10  }
0x35: {  	s10 =	sld [smem:$0x3FA8];
	_ =	sdelay $0x3  }
0x36: {  	p1 =	seq.s32 s10, $0x1;
	s10 =	sld [smem:$0x3FA9];
	_ =	sdelay $0x3  }
0x37: {  	[smem:$0x3FA9] =	sst s10  }
0x38: {  	s10 =	sld [smem:$0x3FAA]  }
0x39: {  	_ = 	snop;
	(pc) =	sbr.ind lr, $3  }
0x3a: {  	_ = 	snop  }
0x3b: {  	_ = 	snop  }
0x3c: {  	p2 =	seq.s32 s10, $0x1;
	s10 =	sld [smem:$0x3FA9]  }
0x3d: {  	_ =	shalt  }
0x3e: {  	_ =	shalt  }
0x3f: {  	_ =	shalt  }
0x40: {  	_ =	shalt  }
0x41: {  	_ =	shalt  }
0x42: {  	_ =	shalt  }
0x43: {  	_ =	shalt  }
0x44: {  	_ =	shalt  }
0x45: {  	_ =	shalt  }
0x46: {  	_ =	shalt  }
0x47: {  	_ =	shalt  }
0x48: {  	_ =	shalt  }
0x49: {  	_ =	shalt  }
0x4a: {  	_ =	shalt  }
0x4b: {  	_ =	shalt  }
0x4c: {  	_ =	shalt  }
0x4d: {  	_ =	shalt  }
0x4e: {  	_ =	shalt  }
0x4f: {  	_ =	shalt  }
0x50: {  	_ =	shalt  }
0x51: {  	_ =	shalt  }
0x52: {  	_ =	shalt  }
0x53: {  	_ =	shalt  }
0x54: {  	_ =	shalt  }
0x55: {  	_ =	shalt  }
0x56: {  	_ =	shalt  }
0x57: {  	_ =	shalt  }
0x58: {  	_ =	shalt  }
0x59: {  	_ =	shalt  }
0x5a: {  	_ =	shalt  }
0x5b: {  	_ =	shalt  }
0x5c: {  	_ =	shalt  }
0x5d: {  	_ =	shalt  }
0x5e: {  	_ =	shalt  }
0x5f: {  	_ =	shalt  }
0x60: {  	_ =	shalt  }
0x61: {  	_ =	shalt  }
0x62: {  	_ =	shalt  }
0x63: {  	_ =	shalt  }
0x64: {  	_ =	shalt  }
0x65: {  	_ =	shalt  }
0x66: {  	_ =	shalt  }
0x67: {  	_ =	shalt  }
0x68: {  	_ =	shalt  }
0x69: {  	_ =	shalt  }
0x6a: {  	_ =	shalt  }
0x6b: {  	_ =	shalt  }
0x6c: {  	_ =	shalt  }
0x6d: {  	_ =	shalt  }
0x6e: {  	_ =	shalt  }
0x6f: {  	_ =	shalt  }
0x70: {  	_ =	shalt  }
0x71: {  	_ =	shalt  }
0x72: {  	_ =	shalt  }
0x73: {  	_ =	shalt  }
0x74: {  	_ =	shalt  }
0x75: {  	_ =	shalt  }
0x76: {  	_ =	shalt  }
0x77: {  	_ =	shalt  }
0x78: {  	_ =	shalt  }
0x79: {  	_ =	shalt  }
0x7a: {  	_ =	shalt  }
0x7b: {  	_ =	shalt  }
0x7c: {  	_ =	shalt  }
0x7d: {  	_ =	shalt  }
0x7e: {  	_ =	shalt  }
0x7f: {  	_ =	shalt  }
0x80: {  	_ =	shalt  }
0x81: {  	_ =	shalt  }
0x82: {  	_ =	shalt  }
0x83: {  	_ =	shalt  }
0x84: {  	_ =	shalt  }
0x85: {  	_ =	shalt  }
0x86: {  	_ =	shalt  }
0x87: {  	_ =	shalt  }
.Lfunc_end0:
.L_simem_size_0:
called_computation.5_lowered:
.L_overlay_start_0:
0x88: {  	s2 =	sld [smem:$0x3FD9]  }
0x89: {  	s3 =	sld [smem:$0x3FFE];
	_ =	sdelay $0x1  }
0x8a: {  	s1 =	srdreg.scid  }
0x8b: {  	s0 =	sand.u32 $0x1, s1  }
0x8c: {  	s16 =	sshll.u32 s0, $0xA;
	s2 =	sadd.s32 s3, s2  }
0x8d: {  	s2 =	sadd.s32 s2, s16  }
0x8e: {  	[smem:$0x3FB5] =	sst s2  }
0x8f: {  	_ = 	snop  }
0x90: {  	(tm) =	ssettm $0x1  }
0x91: {  	s17 =	sld [smem:$0x3FFB];
	_ =	sdelay $0x3  }
0x92: {  	_ =	strace s17  }
0x93: {  	s2 =	sld [smem:$0x3FFC];
	_ =	sdelay $0x3  }
0x94: {  	_ =	strace s2  }
0x95: {  	s2 =	sld [smem:$0x3FFD];
	_ =	sdelay $0x3  }
0x96: {  	_ =	strace s2  }
0x97: {  	_ =	strace $0x8FFFFFFF  }
0x98: {  	s18 =	sld [smem:$0x3FDB];
	_ =	sdelay $0x1  }
0x99: {  	s19 =	simm.s32 $_scs_section_size  }
0x9a: {  	s4 =	simm.s32 $_size__tile_overlayer_lowered;
	s5 =	simm.s32 $_tile_overlayer_lowered  }
0x9b: {  	s22 =	simm.s32 $0x1BFF;
	s21 =	sshll.u32 s5, $0x1;
	s2 =	sadd.s32 s19, s18  }
0x9c: {  	s6 =	simm.s32 $0x0;
	s20 =	sshll.u32 s4, $0x1;
	s4 =	sadd.s32 s21, s2  }
0x9d: {  	[timem:s6], [sflag:s22] =	dma.local [hbm:s4], s20  }
0x9e: {  	_ =	swait.ge [sflag:s22], s20  }
0x9f: {  	s3 =	ssub.s32 $0x0, s20;
	[sflag:s22] =	ssyncset.done $0x0  }
0xa0: {  	[sflag:s22] =	ssyncadd.s32 s3;
	_ =	sdelay $0x1  }
0xa1: {  	s23 =	simm.s32 $0x1B8B  }
0xa2: {  	_ =	swait.ge [sflag:s23], $0x1  }
0xa3: {  	[sflag:s23] =	ssyncset.done $0x0  }
0xa4: {  	s25 =	simm.s32 $0x1B8E;
	s24 =	sld [smem:$0x3FFE];
	[sflag:s23] =	ssyncadd.s32 $0xFFFFFFFF  }
0xa5: {  	s26 =	simm.s32 $execute0_lowered;
	[smem:$0x3FD2] =	sst s25  }
0xa6: {  	s4 =	sshll.u32 s26, $0x1;
	_ =	strace $0x80000055;
	[dreg:$0x1] =	wrdreg $0xFFFFFFFF  }
0xa7: {  	s28 =	simm.s32 $_size_execute0_lowered;
	s2 =	sadd.s32 s2, s4;
	[dreg:$0x0] =	wrdreg $0x0  }
0xa8: {  	s4 =	sshll.u32 s28, $0x1;
	[dreg:$0x2] =	wrdreg s2  }
0xa9: {  	[dreg:$0x3] =	wrdreg s4  }
0xaa: {  	[dreg:$0x4] =	wrdreg $0xC0  }
0xab: {  	_ =	task [dreg:s6], $0x5FFFF  }
0xac: {  	[dreg:$0x1] =	wrdreg $0xFFFFFFFF  }
0xad: {  	[dreg:$0x0] =	wrdreg $0x60  }
0xae: {  	[dreg:$0x2] =	wrdreg s24  }
0xaf: {  	[dreg:$0x3] =	wrdreg $0x78000  }
0xb0: {  	[dreg:$0x4] =	wrdreg $0x9  }
0xb1: {  	_ =	task.clear_ibuf [dreg:s6], $0x5FFFF;
	_ =	strace $0x90000055  }
0xb2: {  	s29 =	simm.s32 $0x9;
	_ =	strace $0x80000057  }
0xb3: {  	_ =	swait.ge [sflag:s29], $0x1  }
0xb4: {  	[sflag:s29] =	ssyncadd.s32 $0xFFFFFFFF  }
0xb5: {  	_ =	strace $0x90000057  }
0xb6: {  	_ =	sfence  }
0xb7: {  	s30 =	sld [smem:$0x0];
	_ =	sdelay $0x2  }
0xb8: {  	s31 =	sshll.u32 s1, $0xD;
	s1 =	sshrl.u32 s1, $0x2  }
0xb9: {  	s3 =	sand.u32 $0x4000, s31;
	s1 =	sadd.s32 s1, s30  }
0xba: {  	s0 =	sor.u32 s3, s0;
	s1 =	sshll.u32 s1, $0x11  }
0xbb: {  	s0 =	sor.u32 s1, s0  }
0xbc: {  	s0 =	sadd.s32 $0x8F2B, s0  }
0xbd: {  	[sflag:s0] =	ssyncadd.remote.s32 $0x1  }
0xbe: {  	_ =	sfence.sel $0xFFFF  }
0xbf: {  	[dreg:$0x0] =	wrdreg $0xFFFFFFFF;
	(pc) =	sbr.abs _section_cstart, $3  }
0xc0: {  	[dreg:$0x1] =	wrdreg $0xFFFFFFFF  }
0xc1: {  	_ =	task.clear_ibuf [dreg:s6], $0x2FFFF;
	_ =	strace $0x9FFFFFFF  }
0xc2: {  	(tm) =	ssettm $0x7FFFFFFF  }
0xc3: {  	_ =	shalt  }
tec
execute0_lowered:
.L_overlay_start_1:
0x0: {  	(tag) =	ssettag $0x1  }
0x1: {  	s5 =	rddreg [dreg:$0x0]  }
0x2: {  	s1 =	rddreg [dreg:$0x1];
	s2 =	simm.s32 $0x0  }
0x3: {  	s6 =	srdreg.scid;
	s3 =	stileid.u32;
	s23 =	simm.s32 $0x3800  }
0x4: {  	[smem:$0x7FF] =	sst s2;
	s15 =	sadd.s32 $0x3D600, s5;
	s4 =	sadd.s32 $0xD6BE00, s5  }
0x5: {  	s16 =	sadd.s32 $0x1E600, s5;
	s6 =	sand.u32 $0x1, s6;
	s9 =	smul.u32 $0x210, s3  }
0x6: {  	s17 =	sadd.s32 $0x9600, s5;
	s18 =	sadd.s32 $0x103600, s5;
	s10 =	smul.u32 $0x42000, s3  }
0x7: {  	s30 =	sshll.u32 s3, $0x6;
	s7 =	ssub.s32 $0x2, s6;
	s8 =	smul.u32 $0x6300, s6  }
0x8: {  	_ =	strace $0x80000056;
	s26 =	smul.u32 $0x30, s6;
	s24 =	sshrl.u32 s7, $0x1  }
0x9: {  	s29 =	smul.u32 $0x3, s6;
	s28 =	sshrl.u32 s10, $0x2;
	s19 =	ssub.s32 s7, s24  }
0xa: {  	s25 =	sadd.s32 s9, s8;
	s5 =	sadd.s32 s28, s1;
	s7 =	sor.u32 s3, s26  }
0xb: {  	s12 =	sadd.s32 $0x1, s29;
	s10 =	sshll.u32 s29, $0x4;
	s24 =	simm.s32 $0x1  }
0xc: {  	s14 =	sshll.u32 s25, $0x4;
	s11 =	smul.u32 $0x380, s7;
	s7 =	sor.u32 $0x1C02, s30  }
0xd: {  	s13 =	smul.u32 $0x2100, s12;
	s12 =	sshll.u32 s12, $0x4;
	s10 =	sor.u32 s3, s10  }
0xe: {  	s19 =	smax.u32 s19, $0x1;
	s25 =	simm.s32 $0x0;
	s6 =	sadd.s32 s15, s14  }
0xf: {  	s12 =	sor.u32 s3, s12;
	s22 =	smul.u32 $0x380, s10;
	s10 =	sadd.s32 s18, s14  }
0x10: {  	s31 =	sadd.s32 $0x42000, s14;
	s13 =	sadd.s32 s9, s13;
	s20 =	smul.u32 $0x380, s12  }
0x11: {  	s8 =	sadd.s32 s16, s11;
	s9 =	sadd.s32 s17, s11;
	s21 =	sshll.u32 s13, $0x4  }
0x12: {  	s22 =	sadd.s32 $0x7000, s22;
	s11 =	sadd.s32 s15, s21;
	s12 =	sadd.s32 s16, s20  }
0x13: {  	s13 =	sadd.s32 s17, s20;
	s14 =	sadd.s32 s18, s21;
	s15 =	sadd.s32 s15, s31  }
0x14: {  	s16 =	sadd.s32 s16, s22;
	s17 =	sadd.s32 s17, s22;
	s18 =	sadd.s32 s18, s31  }
0x15: {  	s20 =	simm.s32 $0x2;
	s21 =	simm.s32 $0x1C00;
	s22 =	simm.s32 $0x80  }
.LBB2_1:
0x16: {  	s26 =	sshrl.u32 s5, $0x3  }
0x17: {  	[spmem:s26], [sflag:s7] =	dma.local [hbm:s6], $0x2100  }
0x18: {  	_ =	swait.ge [sflag:s20], $0x2100  }
0x19: {  	[sflag:s20] =	ssyncset.done $0x0  }
0x1a: {  	[sflag:s20] =	ssyncadd.s32 $0xFFFFDF00  }
0x1b: {  	[tilespmem:s2], [sflag:$0x2] =	stream.linear.gather [hbm4b:s8+s2], $0x1A80, $0x38;
	[tilespmem:$0x18080] =	vst v63  }
0x1c: {  	_ =	swait.ge [sflag:s20], $0x1A80  }
0x1d: {  	[sflag:s20] =	ssyncset.done $0x0  }
0x1e: {  	[sflag:s20] =	ssyncadd.s32 $0xFFFFE580  }
0x1f: {  	[tilespmem:s21], [sflag:$0x2] =	stream.linear.gather [hbm4b:s9+s2], $0x1A80, $0x38;
	[tilespmem:$0x18080] =	vst v63  }
0x20: {  	_ =	swait.ge [sflag:s20], $0x1A80  }
0x21: {  	[sflag:s20] =	ssyncset.done $0x0  }
0x22: {  	[sflag:s20] =	ssyncadd.s32 $0xFFFFE580  }
0x23: {  	s28 =	simm.s32 $0x1C00;
	[bflag:$0x0] =	sbarrier.arrive $0xFFFF  }
0x24: {  	[tilespmem:s23], [sflag:$0x1] =	stream.indirect.gather [hbm4b:s4+s22], $0x80, s28, s22, $0xb8;
	[tilespmem:$0x18080] =	vst v63  }
0x25: {  	_ =	swait.ge [sflag:s24], $0x4000  }
0x26: {  	[sflag:s24] =	ssyncset.done $0x0  }
0x27: {  	s28 =	simm.s32 $0x0;
	[sflag:s24] =	ssyncadd.s32 $0xFFFFC000  }
0x28: {  	[spmem:s1] =	stream.indirect.scatter.add.f32 [tilespmem:s23], [sflag:$0x2], $0x80, s28, s22, $0xb8;
	[tilespmem:$0x18080] =	vst v63  }
0x29: {  	_ =	swait.ge [sflag:s20], $0x4000  }
0x2a: {  	s29 =	simm.s32 $0x400;
	s28 =	simm.s32 $0x80;
	[sflag:s20] =	ssyncset.done $0x0  }
.LBB2_2:
0x2b: {  	s30 =	sadd.s32 $0x1C00, s28  }
0x2c: {  	[sflag:s20] =	ssyncadd.s32 $0xFFFFC000;
	s31 =	smov.u32 s29;
	s0 =	sadd.s32 $0x200, s29  }
0x2d: {  	[tilespmem:s23], [sflag:$0x1] =	stream.indirect.gather [hbm4b:s4+s22], $0x80, s30, s22, $0xb8;
	[tilespmem:$0x18080] =	vst v63  }
0x2e: {  	p0 =	sne.s32 s29, $0x6800;
	_ =	swait.ge [sflag:s24], $0x4000  }
.Ltmp0:
0x2f: {  	[sflag:s24] =	ssyncset.done $0x0;
	(pc) =	sbr.rel @p0 .LBB2_2-.Ltmp0, $4  }
0x30: {  	[sflag:s24] =	ssyncadd.s32 $0xFFFFC000  }
0x31: {  	[spmem:s1] =	stream.indirect.scatter.add.f32 [tilespmem:s23], [sflag:$0x2], $0x80, s28, s22, $0xb8;
	[tilespmem:$0x18080] =	vst v63  }
0x32: {  	_ =	swait.ge [sflag:s20], $0x4000  }
0x33: {  	s29 =	smov.u32 s0;
	s28 =	sshra.s32 s31, $0x2;
	[sflag:s20] =	ssyncset.done $0x0  }
0x34: {  	s0 =	sadd.s32 $0x1C00, s28;
	[sflag:s20] =	ssyncadd.s32 $0xFFFFC000  }
0x35: {  	[tilespmem:s23], [sflag:$0x1] =	stream.indirect.gather [hbm4b:s4+s22], $0x80, s0, s22, $0xb8;
	[tilespmem:$0x18080] =	vst v63  }
0x36: {  	_ =	swait.ge [sflag:s24], $0x4000  }
0x37: {  	[sflag:s24] =	ssyncset.done $0x0  }
0x38: {  	[sflag:s24] =	ssyncadd.s32 $0xFFFFC000  }
0x39: {  	[spmem:s1] =	stream.indirect.scatter.add.f32 [tilespmem:s23], [sflag:$0x2], $0x80, s28, s22, $0xb8;
	[tilespmem:$0x18080] =	vst v63  }
0x3a: {  	_ =	swait.ge [sflag:s20], $0x4000  }
0x3b: {  	[sflag:s20] =	ssyncset.done $0x0  }
0x3c: {  	[sflag:s20] =	ssyncadd.s32 $0xFFFFC000  }
0x3d: {  	[bflag:$0x0] =	sbarrier.arrive $0xFFFF  }
0x3e: {  	[hbm:s10], [sflag:s7] =	dma.local [spmem:s26], $0x2100  }
0x3f: {  	_ =	swait.ge [sflag:s20], $0x2100  }
0x40: {  	[sflag:s20] =	ssyncset.done $0x0  }
0x41: {  	[sflag:s20] =	ssyncadd.s32 $0xFFFFDF00  }
0x42: {  	[bflag:$0x0] =	sbarrier.arrive $0xFFFF  }
0x43: {  	[spmem:s26], [sflag:s7] =	dma.local [hbm:s11], $0x2100  }
0x44: {  	_ =	swait.ge [sflag:s20], $0x2100  }
0x45: {  	[sflag:s20] =	ssyncset.done $0x0  }
0x46: {  	s31 =	simm.s32 $0x0;
	[sflag:s20] =	ssyncadd.s32 $0xFFFFDF00  }
0x47: {  	[tilespmem:s31], [sflag:$0x2] =	stream.linear.gather [hbm4b:s12+s31], $0x1A80, $0x38;
	[tilespmem:$0x18080] =	vst v63  }
0x48: {  	_ =	swait.ge [sflag:s20], $0x1A80  }
0x49: {  	[sflag:s20] =	ssyncset.done $0x0  }
0x4a: {  	[sflag:s20] =	ssyncadd.s32 $0xFFFFE580  }
0x4b: {  	[tilespmem:s21], [sflag:$0x2] =	stream.linear.gather [hbm4b:s13+s31], $0x1A80, $0x38;
	[tilespmem:$0x18080] =	vst v63  }
0x4c: {  	_ =	swait.ge [sflag:s20], $0x1A80  }
0x4d: {  	[sflag:s20] =	ssyncset.done $0x0  }
0x4e: {  	[sflag:s20] =	ssyncadd.s32 $0xFFFFE580  }
0x4f: {  	s30 =	simm.s32 $0x1C00;
	[bflag:$0x0] =	sbarrier.arrive $0xFFFF  }
0x50: {  	[tilespmem:s23], [sflag:$0x1] =	stream.indirect.gather [hbm4b:s4+s22], $0x80, s30, s22, $0xb8;
	[tilespmem:$0x18080] =	vst v63  }
0x51: {  	_ =	swait.ge [sflag:s24], $0x4000  }
0x52: {  	[sflag:s24] =	ssyncset.done $0x0  }
0x53: {  	s31 =	simm.s32 $0x0;
	[sflag:s24] =	ssyncadd.s32 $0xFFFFC000  }
0x54: {  	[spmem:s1] =	stream.indirect.scatter.add.f32 [tilespmem:s23], [sflag:$0x2], $0x80, s31, s22, $0xb8;
	[tilespmem:$0x18080] =	vst v63  }
0x55: {  	_ =	swait.ge [sflag:s20], $0x4000  }
0x56: {  	s29 =	simm.s32 $0x400;
	s28 =	simm.s32 $0x80;
	[sflag:s20] =	ssyncset.done $0x0  }
.LBB2_4:
0x57: {  	s0 =	sadd.s32 $0x1C00, s28  }
0x58: {  	[sflag:s20] =	ssyncadd.s32 $0xFFFFC000;
	s30 =	smov.u32 s29;
	s31 =	sadd.s32 $0x200, s29  }
0x59: {  	[tilespmem:s23], [sflag:$0x1] =	stream.indirect.gather [hbm4b:s4+s22], $0x80, s0, s22, $0xb8;
	[tilespmem:$0x18080] =	vst v63  }
0x5a: {  	p0 =	sne.s32 s29, $0x6800;
	_ =	swait.ge [sflag:s24], $0x4000  }
.Ltmp1:
0x5b: {  	[sflag:s24] =	ssyncset.done $0x0;
	(pc) =	sbr.rel @p0 .LBB2_4-.Ltmp1, $4  }
0x5c: {  	[sflag:s24] =	ssyncadd.s32 $0xFFFFC000  }
0x5d: {  	[spmem:s1] =	stream.indirect.scatter.add.f32 [tilespmem:s23], [sflag:$0x2], $0x80, s28, s22, $0xb8;
	[tilespmem:$0x18080] =	vst v63  }
0x5e: {  	_ =	swait.ge [sflag:s20], $0x4000  }
0x5f: {  	s29 =	smov.u32 s31;
	s28 =	sshra.s32 s30, $0x2;
	[sflag:s20] =	ssyncset.done $0x0  }
0x60: {  	s0 =	sadd.s32 $0x1C00, s28;
	[sflag:s20] =	ssyncadd.s32 $0xFFFFC000  }
0x61: {  	[tilespmem:s23], [sflag:$0x1] =	stream.indirect.gather [hbm4b:s4+s22], $0x80, s0, s22, $0xb8;
	[tilespmem:$0x18080] =	vst v63  }
0x62: {  	_ =	swait.ge [sflag:s24], $0x4000  }
0x63: {  	[sflag:s24] =	ssyncset.done $0x0  }
0x64: {  	[sflag:s24] =	ssyncadd.s32 $0xFFFFC000  }
0x65: {  	[spmem:s1] =	stream.indirect.scatter.add.f32 [tilespmem:s23], [sflag:$0x2], $0x80, s28, s22, $0xb8;
	[tilespmem:$0x18080] =	vst v63  }
0x66: {  	_ =	swait.ge [sflag:s20], $0x4000  }
0x67: {  	[sflag:s20] =	ssyncset.done $0x0  }
0x68: {  	[sflag:s20] =	ssyncadd.s32 $0xFFFFC000  }
0x69: {  	[bflag:$0x0] =	sbarrier.arrive $0xFFFF  }
0x6a: {  	[hbm:s14], [sflag:s7] =	dma.local [spmem:s26], $0x2100  }
0x6b: {  	_ =	swait.ge [sflag:s20], $0x2100  }
0x6c: {  	[sflag:s20] =	ssyncset.done $0x0  }
0x6d: {  	[sflag:s20] =	ssyncadd.s32 $0xFFFFDF00  }
0x6e: {  	[bflag:$0x0] =	sbarrier.arrive $0xFFFF  }
0x6f: {  	[spmem:s26], [sflag:s7] =	dma.local [hbm:s15], $0x2100  }
0x70: {  	_ =	swait.ge [sflag:s20], $0x2100  }
0x71: {  	[sflag:s20] =	ssyncset.done $0x0  }
0x72: {  	s31 =	simm.s32 $0x0;
	[sflag:s20] =	ssyncadd.s32 $0xFFFFDF00  }
0x73: {  	[tilespmem:s31], [sflag:$0x2] =	stream.linear.gather [hbm4b:s16+s31], $0x1A80, $0x38;
	[tilespmem:$0x18080] =	vst v63  }
0x74: {  	_ =	swait.ge [sflag:s20], $0x1A80  }
0x75: {  	[sflag:s20] =	ssyncset.done $0x0  }
0x76: {  	[sflag:s20] =	ssyncadd.s32 $0xFFFFE580  }
0x77: {  	[tilespmem:s21], [sflag:$0x2] =	stream.linear.gather [hbm4b:s17+s31], $0x1A80, $0x38;
	[tilespmem:$0x18080] =	vst v63  }
0x78: {  	_ =	swait.ge [sflag:s20], $0x1A80  }
0x79: {  	[sflag:s20] =	ssyncset.done $0x0  }
0x7a: {  	[sflag:s20] =	ssyncadd.s32 $0xFFFFE580  }
0x7b: {  	s30 =	simm.s32 $0x1C00;
	[bflag:$0x0] =	sbarrier.arrive $0xFFFF  }
0x7c: {  	[tilespmem:s23], [sflag:$0x1] =	stream.indirect.gather [hbm4b:s4+s22], $0x80, s30, s22, $0xb8;
	[tilespmem:$0x18080] =	vst v63  }
0x7d: {  	_ =	swait.ge [sflag:s24], $0x4000  }
0x7e: {  	[sflag:s24] =	ssyncset.done $0x0  }
0x7f: {  	s31 =	simm.s32 $0x0;
	[sflag:s24] =	ssyncadd.s32 $0xFFFFC000  }
0x80: {  	[spmem:s1] =	stream.indirect.scatter.add.f32 [tilespmem:s23], [sflag:$0x2], $0x80, s31, s22, $0xb8;
	[tilespmem:$0x18080] =	vst v63  }
0x81: {  	_ =	swait.ge [sflag:s20], $0x4000  }
0x82: {  	s29 =	simm.s32 $0x400;
	s28 =	simm.s32 $0x80;
	[sflag:s20] =	ssyncset.done $0x0  }
.LBB2_6:
0x83: {  	s0 =	sadd.s32 $0x1C00, s28  }
0x84: {  	[sflag:s20] =	ssyncadd.s32 $0xFFFFC000;
	s30 =	smov.u32 s29;
	s31 =	sadd.s32 $0x200, s29  }
0x85: {  	[tilespmem:s23], [sflag:$0x1] =	stream.indirect.gather [hbm4b:s4+s22], $0x80, s0, s22, $0xb8;
	[tilespmem:$0x18080] =	vst v63  }
0x86: {  	p0 =	sne.s32 s29, $0x6800;
	_ =	swait.ge [sflag:s24], $0x4000  }
.Ltmp2:
0x87: {  	[sflag:s24] =	ssyncset.done $0x0;
	(pc) =	sbr.rel @p0 .LBB2_6-.Ltmp2, $4  }
0x88: {  	[sflag:s24] =	ssyncadd.s32 $0xFFFFC000  }
0x89: {  	[spmem:s1] =	stream.indirect.scatter.add.f32 [tilespmem:s23], [sflag:$0x2], $0x80, s28, s22, $0xb8;
	[tilespmem:$0x18080] =	vst v63  }
0x8a: {  	_ =	swait.ge [sflag:s20], $0x4000  }
0x8b: {  	s29 =	smov.u32 s31;
	s28 =	sshra.s32 s30, $0x2;
	[sflag:s20] =	ssyncset.done $0x0  }
0x8c: {  	s0 =	sadd.s32 $0x1C00, s28;
	[sflag:s20] =	ssyncadd.s32 $0xFFFFC000  }
0x8d: {  	[tilespmem:s23], [sflag:$0x1] =	stream.indirect.gather [hbm4b:s4+s22], $0x80, s0, s22, $0xb8;
	[tilespmem:$0x18080] =	vst v63  }
0x8e: {  	_ =	swait.ge [sflag:s24], $0x4000  }
0x8f: {  	[sflag:s24] =	ssyncset.done $0x0  }
0x90: {  	[sflag:s24] =	ssyncadd.s32 $0xFFFFC000  }
0x91: {  	[spmem:s1] =	stream.indirect.scatter.add.f32 [tilespmem:s23], [sflag:$0x2], $0x80, s28, s22, $0xb8;
	[tilespmem:$0x18080] =	vst v63  }
0x92: {  	_ =	swait.ge [sflag:s20], $0x4000  }
0x93: {  	[sflag:s20] =	ssyncset.done $0x0  }
0x94: {  	s25 =	sadd.s32 $0x1, s25;
	[sflag:s20] =	ssyncadd.s32 $0xFFFFC000  }
0x95: {  	p0 =	sne.s32 s25, s19;
	[bflag:$0x0] =	sbarrier.arrive $0xFFFF  }
0x96: {  	[hbm:s18], [sflag:s7] =	dma.local [spmem:s26], $0x2100  }
.Ltmp3:
0x97: {  	_ =	swait.ge [sflag:s20], $0x2100;
	(pc) =	sbr.rel @p0 .LBB2_1-.Ltmp3, $3  }
0x98: {  	[sflag:s20] =	ssyncset.done $0x0  }
0x99: {  	[sflag:s20] =	ssyncadd.s32 $0xFFFFDF00  }
0x9a: {  	[bflag:$0x0] =	sbarrier.arrive $0xFFFF;
	_ =	sdelay $0x1  }
0x9b: {  	_ =	sfence.sel $0x180000  }
0x9c: {  	[bflag:$0x0] =	sbarrier.arrive $0xFFFF  }
0x9d: {  	_ =	strace $0x90000056  }
0x9e: {  	[bflag:$0x2] =	sbarrier.arrive $0xFFFF  }
0x9f: {  	p0 =	sne.s32 s3, $0x0;
	s0 =	rddreg [dreg:$0x2]  }
0xa0: {  	s0 =	sadd.s32 @!p0 $0x100000, s0  }
0xa1: {  	[sflag:s0] =	ssyncadd.tile.s32 @!p0 $0x1;
	_ =	shalt  }
.Lfunc_end2:
_tile_overlayer_lowered:
.L_overlay_start_2:
0xa2: {  	(tag) =	ssettag $0x2  }
0xa3: {  	s0 =	rddreg [dreg:$0x0];
	s2 =	stileid.u32  }
0xa4: {  	s1 =	rddreg [dreg:$0x1];
	p0 =	sne.s32 s2, $0x0  }
0xa5: {  	s3 =	rddreg [dreg:$0x2];
	[bflag:$0x3] =	sbarrier.arrive $0xFFFF;
	s2 =	simm.s32 @!p0 $0x1C02  }
0xa6: {  	[timem:s3], [sflag:s2] =	dma.local @!p0 [hbm:s0], s1  }
0xa7: {  	s0 =	simm.s32 @!p0 $0x2  }
0xa8: {  	_ =	swait.ge @!p0 [sflag:s0], s1  }
0xa9: {  	s1 =	ssub.s32 @!p0 $0x0, s1;
	[sflag:s0] =	ssyncset.done @!p0 $0x0  }
0xaa: {  	[sflag:s0] =	ssyncadd.s32 @!p0 s1  }
0xab: {  	[bflag:$0x3] =	sbarrier.arrive $0xFFFF  }
0xac: {  	_ =	shalt  }

</sc_bundles>
